<compile_context>
chip_gen: v7x
topology: tpu7x:2x2x1
jax: 0.10.2.dev20260603
libtpu: 0.0.44.dev20260713+nightly
codegen_flags: <defaults>
</compile_context>

<pallas_src>
import jax
import jax.numpy as jnp
from jax import lax
from jax.experimental import pallas as pl
from jax.experimental.pallas import tpu as pltpu
from jax.experimental.pallas import tpu_sc as plsc

NC = 2
NS = 16
NW = NC * NS
L = 16
K = 128


def _sc_mesh():
    return plsc.VectorSubcoreMesh(core_axis_name="c", subcore_axis_name="s",
                                  num_cores=NC, num_subcores=NS)


def _build_sc_agg(NP, D, CPT):
    out_type = jax.ShapeDtypeStruct((NC, NP, D), jnp.float32)
    CG = 16
    G = CPT // CG
    scratch = [
        pltpu.VMEM((CG, K), jnp.int32),
        pltpu.VMEM((CG, K), jnp.int32),
        pltpu.VMEM((CG, K), jnp.int32),
        pltpu.VMEM((CG, K), jnp.int32),
        pltpu.VMEM((K, D), jnp.float32),
        pltpu.VMEM((K, D), jnp.float32),
        pltpu.VMEM_SHARED((NP, D), jnp.float32),
        pltpu.SemaphoreType.DMA,
        pltpu.SemaphoreType.DMA,
        pltpu.SemaphoreType.DMA,
        pltpu.SemaphoreType.DMA,
        pltpu.SemaphoreType.DMA,
    ]

    def body(h_hbm, srcm_hbm, dstm_hbm, agg_out,
             sv0, dv0, sv1, dv1, rows_a, rows_b, agg_sh,
             sem_i, sem_a, sem_b, sem_sa, sem_sb):
        cid = lax.axis_index("c")
        sid = lax.axis_index("s")
        wid = cid * NS + sid
        rpt = NP // NS
        base = sid * rpt
        ibufs = [(sv0, dv0), (sv1, dv1)]

        def stage_idx(g, sv, dv):
            off = wid * CPT + g * CG
            cs = pltpu.async_copy(srcm_hbm.at[pl.ds(off, CG)], sv, sem_i)
            cd = pltpu.async_copy(dstm_hbm.at[pl.ds(off, CG)], dv, sem_i)
            return cs, cd

        cp_s, cp_d = stage_idx(0, sv0, dv0)

        zero16 = jnp.zeros((L,), jnp.float32)

        def zrow(r, _):
            for i in range(D // L):
                rows_a[r, pl.ds(i * L, L)] = zero16
            return 0

        lax.fori_loop(0, K, zrow, 0)
        for t in range(rpt // K):
            pltpu.sync_copy(rows_a, agg_sh.at[pl.ds(base + t * K, K)])

        cp_s.wait()
        cp_d.wait()
        plsc.subcore_barrier()

        def gather(sv, j, buf, sem):
            return pltpu.async_copy(h_hbm.at[sv.at[j]], buf, sem)

        def wait_gather(sv, j, buf, sem):
            pltpu.make_async_copy(h_hbm.at[sv.at[j]], buf, sem).wait()

        def scatter(dv, j, buf):
            pltpu.sync_copy(buf, agg_sh.at[dv.at[j]], add=True)

        gather(sv0, 0, rows_a, sem_a)
        for g in range(G):
            sv, dv = ibufs[g % 2]
            nsv, ndv = ibufs[(g + 1) % 2]
            if g + 1 < G:
                stage_idx(g + 1, nsv, ndv)

            def pair(p, _, sv=sv, dv=dv):
                j0 = 2 * p
                wait_gather(sv, j0, rows_a, sem_a)
                gather(sv, j0 + 1, rows_b, sem_b)
                scatter(dv, j0, rows_a)
                gather(sv, j0 + 2, rows_a, sem_a)
                wait_gather(sv, j0 + 1, rows_b, sem_b)
                scatter(dv, j0 + 1, rows_b)
                return 0

            lax.fori_loop(0, CG // 2 - 1, pair, 0)
            j0 = CG - 2
            wait_gather(sv, j0, rows_a, sem_a)
            gather(sv, j0 + 1, rows_b, sem_b)
            scatter(dv, j0, rows_a)
            if g + 1 < G:
                off = wid * CPT + (g + 1) * CG
                pltpu.make_async_copy(
                    srcm_hbm.at[pl.ds(off, CG)], nsv, sem_i).wait()
                pltpu.make_async_copy(
                    dstm_hbm.at[pl.ds(off, CG)], ndv, sem_i).wait()
                gather(nsv, 0, rows_a, sem_a)
            wait_gather(sv, j0 + 1, rows_b, sem_b)
            scatter(dv, j0 + 1, rows_b)

        plsc.subcore_barrier()
        pltpu.sync_copy(agg_sh.at[pl.ds(base, rpt)],
                        agg_out.at[cid, pl.ds(base, rpt)])

    return pl.kernel(body, out_type=out_type, mesh=_sc_mesh(),
                     scratch_types=scratch)


def _build_sc_deg(NP, EPT16):
    out_type = jax.ShapeDtypeStruct((NW, NP), jnp.float32)
    GG = 128
    scratch = [
        pltpu.VMEM((GG, L), jnp.int32),
        pltpu.VMEM((NP,), jnp.float32),
        pltpu.SemaphoreType.DMA,
    ]

    def body(dst16_hbm, deg_out, dst_v, deg_v, sem):
        cid = lax.axis_index("c")
        sid = lax.axis_index("s")
        wid = cid * NS + sid

        zero16 = jnp.zeros((L,), jnp.float32)

        def zdeg(r, _):
            deg_v[pl.ds(r * L, L)] = zero16
            return 0

        lax.fori_loop(0, NP // L, zdeg, 0)

        def step(q, _):
            for u in range(4):
                d16 = dst_v[4 * q + u, pl.ds(0, L)]
                cnt, last = plsc.scan_count(d16)
                plsc.addupdate_scatter(deg_v, [d16], cnt.astype(jnp.float32),
                                       mask=last)
            return 0

        for g in range(EPT16 // GG):
            pltpu.async_copy(
                dst16_hbm.at[pl.ds(wid * EPT16 + g * GG, GG)], dst_v, sem
            ).wait()
            lax.fori_loop(0, GG // 4, step, 0)

        pltpu.sync_copy(deg_v, deg_out.at[wid])

    return pl.kernel(
        body, out_type=out_type, mesh=_sc_mesh(), scratch_types=scratch,
        compiler_params=pltpu.CompilerParams(needs_layout_passes=False))


def _build_tc_layer(N, NP, D, relu):
    RB = 1024
    grid = (pl.cdiv(N, RB),)

    def body(x_ref, aggp_ref, degp_ref, ws_ref, wn_ref, b_ref, o_ref):
        agg = aggp_ref[0] + aggp_ref[1]
        deg = jnp.sum(jnp.transpose(degp_ref[...]), axis=1, keepdims=True)
        inv = 1.0 / jnp.maximum(deg, 1.0)
        mean = agg * inv
        out = (jnp.dot(x_ref[...], ws_ref[...], preferred_element_type=jnp.float32)
               + jnp.dot(mean, wn_ref[...], preferred_element_type=jnp.float32)
               + b_ref[...])
        if relu:
            out = jnp.maximum(out, 0.0)
        o_ref[...] = out

    return pl.pallas_call(
        body,
        grid=grid,
        in_specs=[
            pl.BlockSpec((RB, D), lambda i: (i, 0)),
            pl.BlockSpec((NC, RB, D), lambda i: (0, i, 0)),
            pl.BlockSpec((NW, RB), lambda i: (0, i)),
            pl.BlockSpec((D, D), lambda i: (0, 0)),
            pl.BlockSpec((D, D), lambda i: (0, 0)),
            pl.BlockSpec((1, D), lambda i: (0, 0)),
        ],
        out_specs=pl.BlockSpec((RB, D), lambda i: (i, 0)),
        out_shape=jax.ShapeDtypeStruct((N, D), jnp.float32),
    )


def kernel(in_feat, edge_index, W_self1, W_neigh1, b1, W_self2, W_neigh2, b2):
    N, D = in_feat.shape
    E = edge_index.shape[1]
    NP = ((N + 1 + NS * K - 1) // (NS * K)) * (NS * K)
    CPT = (E + NW * K - 1) // (NW * K)
    CPT = ((CPT + 7) // 8) * 8
    EP = NW * CPT * K
    pad_e = EP - E

    src = edge_index[0].astype(jnp.int32)
    dst = edge_index[1].astype(jnp.int32)
    pad_ar = jnp.arange(pad_e, dtype=jnp.int32)
    src = jnp.concatenate([src, pad_ar % N])
    dst = jnp.concatenate([dst, N + pad_ar % (NP - N)])
    srcm = src.reshape(NW * CPT, K)
    dstm = dst.reshape(NW * CPT, K)
    dst16 = dst.reshape(EP // L, L)

    sc_agg = _build_sc_agg(NP, D, CPT)
    sc_deg = _build_sc_deg(NP, EP // L // NW)
    tc1 = _build_tc_layer(N, NP, D, relu=True)
    tc2 = _build_tc_layer(N, NP, D, relu=False)

    aggp1 = sc_agg(in_feat, srcm, dstm)
    degp = sc_deg(dst16)
    h1 = tc1(in_feat, aggp1, degp, W_self1.T, W_neigh1.T, b1.reshape(1, D))
    aggp2 = sc_agg(h1, srcm, dstm)
    return tc2(h1, aggp2, degp, W_self2.T, W_neigh2.T, b2.reshape(1, D))

# --- scband reference (transcript-rebuilt; emitter-appended) ---
"""Pipeline reference for scband-graph-sage-128849019131 (READ-ONLY COPY).

The authoritative reference and input builder live on the scoring server;
editing this copy changes nothing except your own understanding.
"""

import jax, jax.numpy as jnp
import numpy as np

N_NODES = 10000
N_EDGES = 320000
D_IN = 128
D_H = 128


def setup_inputs(seed: int = 0) -> dict:
    key = jax.random.key(seed)
    k1, k2, k3, k4, k5, k6, k7, k8 = jax.random.split(key, 8)
    x = jax.random.normal(k1, (N_NODES, D_IN), dtype=jnp.float32)
    edge_index = jax.random.randint(k2, (2, N_EDGES), 0, N_NODES, dtype=jnp.int64)
    s1 = 1.0 / np.sqrt(D_IN)
    s2 = 1.0 / np.sqrt(D_H)
    W_self1 = jax.random.uniform(k3, (D_H, D_IN), jnp.float32, -s1, s1)
    W_neigh1 = jax.random.uniform(k4, (D_H, D_IN), jnp.float32, -s1, s1)
    b1 = jax.random.uniform(k5, (D_H,), jnp.float32, -s1, s1)
    W_self2 = jax.random.uniform(k6, (D_H, D_H), jnp.float32, -s2, s2)
    W_neigh2 = jax.random.uniform(k7, (D_H, D_H), jnp.float32, -s2, s2)
    b2 = jax.random.uniform(k8, (D_H,), jnp.float32, -s2, s2)
    return {"in_feat": x, "edge_index": edge_index, "W_self1": W_self1,
            "W_neigh1": W_neigh1, "b1": b1, "W_self2": W_self2,
            "W_neigh2": W_neigh2, "b2": b2}


def _sage_conv(h, src, dst, n_nodes, W_self, W_neigh, b):
    # mean aggregation of neighbor (src) features onto dst nodes
    msg = h[src]  # gather: [E, d]
    agg = jax.ops.segment_sum(msg, dst, num_segments=n_nodes)
    deg = jax.ops.segment_sum(jnp.ones((src.shape[0],), jnp.float32), dst,
                              num_segments=n_nodes)
    mean = agg / jnp.clip(deg, 1.0, None)[:, None]
    return h @ W_self.T + mean @ W_neigh.T + b


def reference(in_feat, edge_index, W_self1, W_neigh1, b1, W_self2, W_neigh2, b2):
    src = edge_index[0]
    dst = edge_index[1]
    n = in_feat.shape[0]
    h = _sage_conv(in_feat, src, dst, n, W_self1, W_neigh1, b1)
    h = jax.nn.relu(h)
    h = _sage_conv(h, src, dst, n, W_self2, W_neigh2, b2)
    return h

if __name__ == "__main__":
    import jax
    _d = setup_inputs()
    print(jax.jit(kernel)(*tuple(_d.values())))

</pallas_src>

<mosaic_0001>
#map = affine_map<(d0, d1) -> (0, 0)>
module attributes {stable_mosaic.version = 14 : i64} {
  func.func @body(%arg0: i32, %arg1: i32, %arg2: memref<20480x16xi32, #tpu.memory_space<hbm>>, %arg3: memref<32x10240xf32, #tpu.memory_space<hbm>>, %arg4: memref<128x16xi32, #tpu.memory_space<vmem>>, %arg5: memref<10240xf32, #tpu.memory_space<vmem>>, %arg6: memref<!tpu.dma_semaphore, #tpu.memory_space<semaphore_mem>>) attributes {dimension_semantics = [#tpu.dimension_semantics<core_parallel>, #tpu.dimension_semantics<subcore_parallel>], iteration_bounds = array<i64: 2, 16>, scalar_prefetch = 0 : i64, scratch_operands = 3 : i64, tpu.core_type = #tpu.core_type<sc_vector_subcore>, window_params = [{transform_indices = #map}, {transform_indices = #map}]} {
    %mul3A = arith.constant 16 : i32
    %mul3A_0 = arith.muli %arg0, %mul3A : i32
    %add3A = arith.addi %mul3A_0, %arg1 : i32
    %broadcast_in_dim3A = arith.constant 0.000000e+00 : f32
    %broadcast_in_dim3A_1 = vector.broadcast %broadcast_in_dim3A : f32 to vector<16xf32>
    %scan3A = arith.constant 0 : i32
    %scan3A_2 = arith.constant 0 : i32
    %scan3A_3 = arith.constant 640 : i32
    %scan3A_4 = arith.addi %scan3A_2, %scan3A_3 : i32
    %scan3A_5 = arith.constant 1 : i32
    %scan3A_6 = scf.for %scan3A_101 = %scan3A_2 to %scan3A_4 step %scan3A_5 iter_args(%scan3A_102 = %scan3A) -> (i32)  : i32 {
      %mul3A_103 = arith.constant 16 : i32
      %mul3A_104 = arith.muli %scan3A_101, %mul3A_103 : i32
      %swap3A = arith.index_cast %mul3A_104 : i32 to index
      %swap3A_105 = tpu.vector_load %arg5[%swap3A] {strides = array<i32>} : memref<10240xf32, #tpu.memory_space<vmem>>, vector<16xf32>,
      tpu.vector_store %arg5[%swap3A], %broadcast_in_dim3A_1 {strides = array<i32>} : memref<10240xf32, #tpu.memory_space<vmem>>, vector<16xf32>,
      %scan3A_106 = arith.constant 0 : i32
      scf.yield %scan3A_106 : i32
    }
    %scan3A_7 = arith.constant 640 : i32
    %mul3A_8 = arith.constant 640 : i32
    %mul3A_9 = arith.muli %add3A, %mul3A_8 : i32
    %add3A_10 = arith.constant 0 : i32
    %add3A_11 = arith.addi %mul3A_9, %add3A_10 : i32
    %dma_start3A = arith.constant 0 : i32
    %dma_start3A_12 = tpu.memref_slice %arg2[%add3A_11, %dma_start3A] : memref<20480x16xi32, #tpu.memory_space<hbm>> -> memref<128x16xi32, #tpu.memory_space<hbm>>
    %dma_start3A_13 = arith.constant 0 : i32
    %dma_start3A_14 = tpu.memref_slice %arg2[%add3A_11, %dma_start3A_13] : memref<20480x16xi32, #tpu.memory_space<hbm>> -> memref<128x16xi32, #tpu.memory_space<hbm>>
    tpu.enqueue_dma source(%dma_start3A_14 : memref<128x16xi32, #tpu.memory_space<hbm>>) target(%arg4 : memref<128x16xi32, #tpu.memory_space<vmem>>) target_semaphore(%arg6 : memref<!tpu.dma_semaphore, #tpu.memory_space<semaphore_mem>>)
    %dma_wait3A = arith.constant 0 : i32
    %dma_wait3A_15 = tpu.memref_slice %arg2[%add3A_11, %dma_wait3A] : memref<20480x16xi32, #tpu.memory_space<hbm>> -> memref<128x16xi32, #tpu.memory_space<hbm>>
    %dma_wait3A_16 = arith.constant 0 : i32
    %dma_wait3A_17 = tpu.memref_slice %arg2[%add3A_11, %dma_wait3A_16] : memref<20480x16xi32, #tpu.memory_space<hbm>> -> memref<128x16xi32, #tpu.memory_space<hbm>>
    tpu.wait_dma2 semaphore(%arg6 : memref<!tpu.dma_semaphore, #tpu.memory_space<semaphore_mem>>) src(%dma_wait3A_17 : memref<128x16xi32, #tpu.memory_space<hbm>>) dst(%arg4 : memref<128x16xi32, #tpu.memory_space<vmem>>)
    %scan3A_18 = arith.constant 0 : i32
    %scan3A_19 = arith.constant 0 : i32
    %scan3A_20 = arith.constant 32 : i32
    %scan3A_21 = arith.addi %scan3A_19, %scan3A_20 : i32
    %scan3A_22 = arith.constant 1 : i32
    %scan3A_23 = scf.for %scan3A_101 = %scan3A_19 to %scan3A_21 step %scan3A_22 iter_args(%scan3A_102 = %scan3A_18) -> (i32)  : i32 {
      %mul3A_103 = arith.constant 4 : i32
      %mul3A_104 = arith.muli %mul3A_103, %scan3A_101 : i32
      %add3A_105 = arith.constant 0 : i32
      %add3A_106 = arith.addi %mul3A_104, %add3A_105 : i32
      %get3A = arith.index_cast %add3A_106 : i32 to index
      %get3A_107 = arith.constant 0 : index
      %get3A_108 = tpu.vector_load %arg4[%get3A, %get3A_107] {strides = array<i32>} : memref<128x16xi32, #tpu.memory_space<vmem>>, vector<16xi32>,
      %broadcast_in_dim3A_109 = arith.constant true
      %broadcast_in_dim3A_110 = vector.broadcast %broadcast_in_dim3A_109 : i1 to vector<16xi1>
      %unique3A, %unique3A_111 = tpu.scan_count mask(%broadcast_in_dim3A_110 : vector<16xi1>) value(%get3A_108 : vector<16xi32>) : vector<16xi1>, vector<16xi32>
      %convert_element_type3A = arith.sitofp %unique3A_111 : vector<16xi32> to vector<16xf32>
      tpu.vector_store_idx %arg5[%get3A_108], %convert_element_type3A masked %unique3A {add = true} : memref<10240xf32, #tpu.memory_space<vmem>>[vector<16xi32>], vector<16xf32>, vector<16xi1>
      %mul3A_112 = arith.constant 4 : i32
      %mul3A_113 = arith.muli %mul3A_112, %scan3A_101 : i32
      %add3A_114 = arith.constant 1 : i32
      %add3A_115 = arith.addi %mul3A_113, %add3A_114 : i32
      %get3A_116 = arith.index_cast %add3A_115 : i32 to index
      %get3A_117 = arith.constant 0 : index
      %get3A_118 = tpu.vector_load %arg4[%get3A_116, %get3A_117] {strides = array<i32>} : memref<128x16xi32, #tpu.memory_space<vmem>>, vector<16xi32>,
      %broadcast_in_dim3A_119 = arith.constant true
      %broadcast_in_dim3A_120 = vector.broadcast %broadcast_in_dim3A_119 : i1 to vector<16xi1>
      %unique3A_121, %unique3A_122 = tpu.scan_count mask(%broadcast_in_dim3A_120 : vector<16xi1>) value(%get3A_118 : vector<16xi32>) : vector<16xi1>, vector<16xi32>
      %convert_element_type3A_123 = arith.sitofp %unique3A_122 : vector<16xi32> to vector<16xf32>
      tpu.vector_store_idx %arg5[%get3A_118], %convert_element_type3A_123 masked %unique3A_121 {add = true} : memref<10240xf32, #tpu.memory_space<vmem>>[vector<16xi32>], vector<16xf32>, vector<16xi1>
      %mul3A_124 = arith.constant 4 : i32
      %mul3A_125 = arith.muli %mul3A_124, %scan3A_101 : i32
      %add3A_126 = arith.constant 2 : i32
      %add3A_127 = arith.addi %mul3A_125, %add3A_126 : i32
      %get3A_128 = arith.index_cast %add3A_127 : i32 to index
      %get3A_129 = arith.constant 0 : index
      %get3A_130 = tpu.vector_load %arg4[%get3A_128, %get3A_129] {strides = array<i32>} : memref<128x16xi32, #tpu.memory_space<vmem>>, vector<16xi32>,
      %broadcast_in_dim3A_131 = arith.constant true
      %broadcast_in_dim3A_132 = vector.broadcast %broadcast_in_dim3A_131 : i1 to vector<16xi1>
      %unique3A_133, %unique3A_134 = tpu.scan_count mask(%broadcast_in_dim3A_132 : vector<16xi1>) value(%get3A_130 : vector<16xi32>) : vector<16xi1>, vector<16xi32>
      %convert_element_type3A_135 = arith.sitofp %unique3A_134 : vector<16xi32> to vector<16xf32>
      tpu.vector_store_idx %arg5[%get3A_130], %convert_element_type3A_135 masked %unique3A_133 {add = true} : memref<10240xf32, #tpu.memory_space<vmem>>[vector<16xi32>], vector<16xf32>, vector<16xi1>
      %mul3A_136 = arith.constant 4 : i32
      %mul3A_137 = arith.muli %mul3A_136, %scan3A_101 : i32
      %add3A_138 = arith.constant 3 : i32
      %add3A_139 = arith.addi %mul3A_137, %add3A_138 : i32
      %get3A_140 = arith.index_cast %add3A_139 : i32 to index
      %get3A_141 = arith.constant 0 : index
      %get3A_142 = tpu.vector_load %arg4[%get3A_140, %get3A_141] {strides = array<i32>} : memref<128x16xi32, #tpu.memory_space<vmem>>, vector<16xi32>,
      %broadcast_in_dim3A_143 = arith.constant true
      %broadcast_in_dim3A_144 = vector.broadcast %broadcast_in_dim3A_143 : i1 to vector<16xi1>
      %unique3A_145, %unique3A_146 = tpu.scan_count mask(%broadcast_in_dim3A_144 : vector<16xi1>) value(%get3A_142 : vector<16xi32>) : vector<16xi1>, vector<16xi32>
      %convert_element_type3A_147 = arith.sitofp %unique3A_146 : vector<16xi32> to vector<16xf32>
      tpu.vector_store_idx %arg5[%get3A_142], %convert_element_type3A_147 masked %unique3A_145 {add = true} : memref<10240xf32, #tpu.memory_space<vmem>>[vector<16xi32>], vector<16xf32>, vector<16xi1>
      %scan3A_148 = arith.constant 0 : i32
      scf.yield %scan3A_148 : i32
    }
    %scan3A_24 = arith.constant 32 : i32
    %mul3A_25 = arith.constant 640 : i32
    %mul3A_26 = arith.muli %add3A, %mul3A_25 : i32
    %add3A_27 = arith.constant 128 : i32
    %add3A_28 = arith.addi %mul3A_26, %add3A_27 : i32
    %dma_start3A_29 = arith.constant 0 : i32
    %dma_start3A_30 = tpu.memref_slice %arg2[%add3A_28, %dma_start3A_29] : memref<20480x16xi32, #tpu.memory_space<hbm>> -> memref<128x16xi32, #tpu.memory_space<hbm>>
    %dma_start3A_31 = arith.constant 0 : i32
    %dma_start3A_32 = tpu.memref_slice %arg2[%add3A_28, %dma_start3A_31] : memref<20480x16xi32, #tpu.memory_space<hbm>> -> memref<128x16xi32, #tpu.memory_space<hbm>>
    tpu.enqueue_dma source(%dma_start3A_32 : memref<128x16xi32, #tpu.memory_space<hbm>>) target(%arg4 : memref<128x16xi32, #tpu.memory_space<vmem>>) target_semaphore(%arg6 : memref<!tpu.dma_semaphore, #tpu.memory_space<semaphore_mem>>)
    %dma_wait3A_33 = arith.constant 0 : i32
    %dma_wait3A_34 = tpu.memref_slice %arg2[%add3A_28, %dma_wait3A_33] : memref<20480x16xi32, #tpu.memory_space<hbm>> -> memref<128x16xi32, #tpu.memory_space<hbm>>
    %dma_wait3A_35 = arith.constant 0 : i32
    %dma_wait3A_36 = tpu.memref_slice %arg2[%add3A_28, %dma_wait3A_35] : memref<20480x16xi32, #tpu.memory_space<hbm>> -> memref<128x16xi32, #tpu.memory_space<hbm>>
    tpu.wait_dma2 semaphore(%arg6 : memref<!tpu.dma_semaphore, #tpu.memory_space<semaphore_mem>>) src(%dma_wait3A_36 : memref<128x16xi32, #tpu.memory_space<hbm>>) dst(%arg4 : memref<128x16xi32, #tpu.memory_space<vmem>>)
    %scan3A_37 = arith.constant 0 : i32
    %scan3A_38 = arith.constant 0 : i32
    %scan3A_39 = arith.constant 32 : i32
    %scan3A_40 = arith.addi %scan3A_38, %scan3A_39 : i32
    %scan3A_41 = arith.constant 1 : i32
    %scan3A_42 = scf.for %scan3A_101 = %scan3A_38 to %scan3A_40 step %scan3A_41 iter_args(%scan3A_102 = %scan3A_37) -> (i32)  : i32 {
      %mul3A_103 = arith.constant 4 : i32
      %mul3A_104 = arith.muli %mul3A_103, %scan3A_101 : i32
      %add3A_105 = arith.constant 0 : i32
      %add3A_106 = arith.addi %mul3A_104, %add3A_105 : i32
      %get3A = arith.index_cast %add3A_106 : i32 to index
      %get3A_107 = arith.constant 0 : index
      %get3A_108 = tpu.vector_load %arg4[%get3A, %get3A_107] {strides = array<i32>} : memref<128x16xi32, #tpu.memory_space<vmem>>, vector<16xi32>,
      %broadcast_in_dim3A_109 = arith.constant true
      %broadcast_in_dim3A_110 = vector.broadcast %broadcast_in_dim3A_109 : i1 to vector<16xi1>
      %unique3A, %unique3A_111 = tpu.scan_count mask(%broadcast_in_dim3A_110 : vector<16xi1>) value(%get3A_108 : vector<16xi32>) : vector<16xi1>, vector<16xi32>
      %convert_element_type3A = arith.sitofp %unique3A_111 : vector<16xi32> to vector<16xf32>
      tpu.vector_store_idx %arg5[%get3A_108], %convert_element_type3A masked %unique3A {add = true} : memref<10240xf32, #tpu.memory_space<vmem>>[vector<16xi32>], vector<16xf32>, vector<16xi1>
      %mul3A_112 = arith.constant 4 : i32
      %mul3A_113 = arith.muli %mul3A_112, %scan3A_101 : i32
      %add3A_114 = arith.constant 1 : i32
      %add3A_115 = arith.addi %mul3A_113, %add3A_114 : i32
      %get3A_116 = arith.index_cast %add3A_115 : i32 to index
      %get3A_117 = arith.constant 0 : index
      %get3A_118 = tpu.vector_load %arg4[%get3A_116, %get3A_117] {strides = array<i32>} : memref<128x16xi32, #tpu.memory_space<vmem>>, vector<16xi32>,
      %broadcast_in_dim3A_119 = arith.constant true
      %broadcast_in_dim3A_120 = vector.broadcast %broadcast_in_dim3A_119 : i1 to vector<16xi1>
      %unique3A_121, %unique3A_122 = tpu.scan_count mask(%broadcast_in_dim3A_120 : vector<16xi1>) value(%get3A_118 : vector<16xi32>) : vector<16xi1>, vector<16xi32>
      %convert_element_type3A_123 = arith.sitofp %unique3A_122 : vector<16xi32> to vector<16xf32>
      tpu.vector_store_idx %arg5[%get3A_118], %convert_element_type3A_123 masked %unique3A_121 {add = true} : memref<10240xf32, #tpu.memory_space<vmem>>[vector<16xi32>], vector<16xf32>, vector<16xi1>
      %mul3A_124 = arith.constant 4 : i32
      %mul3A_125 = arith.muli %mul3A_124, %scan3A_101 : i32
      %add3A_126 = arith.constant 2 : i32
      %add3A_127 = arith.addi %mul3A_125, %add3A_126 : i32
      %get3A_128 = arith.index_cast %add3A_127 : i32 to index
      %get3A_129 = arith.constant 0 : index
      %get3A_130 = tpu.vector_load %arg4[%get3A_128, %get3A_129] {strides = array<i32>} : memref<128x16xi32, #tpu.memory_space<vmem>>, vector<16xi32>,
      %broadcast_in_dim3A_131 = arith.constant true
      %broadcast_in_dim3A_132 = vector.broadcast %broadcast_in_dim3A_131 : i1 to vector<16xi1>
      %unique3A_133, %unique3A_134 = tpu.scan_count mask(%broadcast_in_dim3A_132 : vector<16xi1>) value(%get3A_130 : vector<16xi32>) : vector<16xi1>, vector<16xi32>
      %convert_element_type3A_135 = arith.sitofp %unique3A_134 : vector<16xi32> to vector<16xf32>
      tpu.vector_store_idx %arg5[%get3A_130], %convert_element_type3A_135 masked %unique3A_133 {add = true} : memref<10240xf32, #tpu.memory_space<vmem>>[vector<16xi32>], vector<16xf32>, vector<16xi1>
      %mul3A_136 = arith.constant 4 : i32
      %mul3A_137 = arith.muli %mul3A_136, %scan3A_101 : i32
      %add3A_138 = arith.constant 3 : i32
      %add3A_139 = arith.addi %mul3A_137, %add3A_138 : i32
      %get3A_140 = arith.index_cast %add3A_139 : i32 to index
      %get3A_141 = arith.constant 0 : index
      %get3A_142 = tpu.vector_load %arg4[%get3A_140, %get3A_141] {strides = array<i32>} : memref<128x16xi32, #tpu.memory_space<vmem>>, vector<16xi32>,
      %broadcast_in_dim3A_143 = arith.constant true
      %broadcast_in_dim3A_144 = vector.broadcast %broadcast_in_dim3A_143 : i1 to vector<16xi1>
      %unique3A_145, %unique3A_146 = tpu.scan_count mask(%broadcast_in_dim3A_144 : vector<16xi1>) value(%get3A_142 : vector<16xi32>) : vector<16xi1>, vector<16xi32>
      %convert_element_type3A_147 = arith.sitofp %unique3A_146 : vector<16xi32> to vector<16xf32>
      tpu.vector_store_idx %arg5[%get3A_142], %convert_element_type3A_147 masked %unique3A_145 {add = true} : memref<10240xf32, #tpu.memory_space<vmem>>[vector<16xi32>], vector<16xf32>, vector<16xi1>
      %scan3A_148 = arith.constant 0 : i32
      scf.yield %scan3A_148 : i32
    }
    %scan3A_43 = arith.constant 32 : i32
    %mul3A_44 = arith.constant 640 : i32
    %mul3A_45 = arith.muli %add3A, %mul3A_44 : i32
    %add3A_46 = arith.constant 256 : i32
    %add3A_47 = arith.addi %mul3A_45, %add3A_46 : i32
    %dma_start3A_48 = arith.constant 0 : i32
    %dma_start3A_49 = tpu.memref_slice %arg2[%add3A_47, %dma_start3A_48] : memref<20480x16xi32, #tpu.memory_space<hbm>> -> memref<128x16xi32, #tpu.memory_space<hbm>>
    %dma_start3A_50 = arith.constant 0 : i32
    %dma_start3A_51 = tpu.memref_slice %arg2[%add3A_47, %dma_start3A_50] : memref<20480x16xi32, #tpu.memory_space<hbm>> -> memref<128x16xi32, #tpu.memory_space<hbm>>
    tpu.enqueue_dma source(%dma_start3A_51 : memref<128x16xi32, #tpu.memory_space<hbm>>) target(%arg4 : memref<128x16xi32, #tpu.memory_space<vmem>>) target_semaphore(%arg6 : memref<!tpu.dma_semaphore, #tpu.memory_space<semaphore_mem>>)
    %dma_wait3A_52 = arith.constant 0 : i32
    %dma_wait3A_53 = tpu.memref_slice %arg2[%add3A_47, %dma_wait3A_52] : memref<20480x16xi32, #tpu.memory_space<hbm>> -> memref<128x16xi32, #tpu.memory_space<hbm>>
    %dma_wait3A_54 = arith.constant 0 : i32
    %dma_wait3A_55 = tpu.memref_slice %arg2[%add3A_47, %dma_wait3A_54] : memref<20480x16xi32, #tpu.memory_space<hbm>> -> memref<128x16xi32, #tpu.memory_space<hbm>>
    tpu.wait_dma2 semaphore(%arg6 : memref<!tpu.dma_semaphore, #tpu.memory_space<semaphore_mem>>) src(%dma_wait3A_55 : memref<128x16xi32, #tpu.memory_space<hbm>>) dst(%arg4 : memref<128x16xi32, #tpu.memory_space<vmem>>)
    %scan3A_56 = arith.constant 0 : i32
    %scan3A_57 = arith.constant 0 : i32
    %scan3A_58 = arith.constant 32 : i32
    %scan3A_59 = arith.addi %scan3A_57, %scan3A_58 : i32
    %scan3A_60 = arith.constant 1 : i32
    %scan3A_61 = scf.for %scan3A_101 = %scan3A_57 to %scan3A_59 step %scan3A_60 iter_args(%scan3A_102 = %scan3A_56) -> (i32)  : i32 {
      %mul3A_103 = arith.constant 4 : i32
      %mul3A_104 = arith.muli %mul3A_103, %scan3A_101 : i32
      %add3A_105 = arith.constant 0 : i32
      %add3A_106 = arith.addi %mul3A_104, %add3A_105 : i32
      %get3A = arith.index_cast %add3A_106 : i32 to index
      %get3A_107 = arith.constant 0 : index
      %get3A_108 = tpu.vector_load %arg4[%get3A, %get3A_107] {strides = array<i32>} : memref<128x16xi32, #tpu.memory_space<vmem>>, vector<16xi32>,
      %broadcast_in_dim3A_109 = arith.constant true
      %broadcast_in_dim3A_110 = vector.broadcast %broadcast_in_dim3A_109 : i1 to vector<16xi1>
      %unique3A, %unique3A_111 = tpu.scan_count mask(%broadcast_in_dim3A_110 : vector<16xi1>) value(%get3A_108 : vector<16xi32>) : vector<16xi1>, vector<16xi32>
      %convert_element_type3A = arith.sitofp %unique3A_111 : vector<16xi32> to vector<16xf32>
      tpu.vector_store_idx %arg5[%get3A_108], %convert_element_type3A masked %unique3A {add = true} : memref<10240xf32, #tpu.memory_space<vmem>>[vector<16xi32>], vector<16xf32>, vector<16xi1>
      %mul3A_112 = arith.constant 4 : i32
      %mul3A_113 = arith.muli %mul3A_112, %scan3A_101 : i32
      %add3A_114 = arith.constant 1 : i32
      %add3A_115 = arith.addi %mul3A_113, %add3A_114 : i32
      %get3A_116 = arith.index_cast %add3A_115 : i32 to index
      %get3A_117 = arith.constant 0 : index
      %get3A_118 = tpu.vector_load %arg4[%get3A_116, %get3A_117] {strides = array<i32>} : memref<128x16xi32, #tpu.memory_space<vmem>>, vector<16xi32>,
      %broadcast_in_dim3A_119 = arith.constant true
      %broadcast_in_dim3A_120 = vector.broadcast %broadcast_in_dim3A_119 : i1 to vector<16xi1>
      %unique3A_121, %unique3A_122 = tpu.scan_count mask(%broadcast_in_dim3A_120 : vector<16xi1>) value(%get3A_118 : vector<16xi32>) : vector<16xi1>, vector<16xi32>
      %convert_element_type3A_123 = arith.sitofp %unique3A_122 : vector<16xi32> to vector<16xf32>
      tpu.vector_store_idx %arg5[%get3A_118], %convert_element_type3A_123 masked %unique3A_121 {add = true} : memref<10240xf32, #tpu.memory_space<vmem>>[vector<16xi32>], vector<16xf32>, vector<16xi1>
      %mul3A_124 = arith.constant 4 : i32
      %mul3A_125 = arith.muli %mul3A_124, %scan3A_101 : i32
      %add3A_126 = arith.constant 2 : i32
      %add3A_127 = arith.addi %mul3A_125, %add3A_126 : i32
      %get3A_128 = arith.index_cast %add3A_127 : i32 to index
      %get3A_129 = arith.constant 0 : index
      %get3A_130 = tpu.vector_load %arg4[%get3A_128, %get3A_129] {strides = array<i32>} : memref<128x16xi32, #tpu.memory_space<vmem>>, vector<16xi32>,
      %broadcast_in_dim3A_131 = arith.constant true
      %broadcast_in_dim3A_132 = vector.broadcast %broadcast_in_dim3A_131 : i1 to vector<16xi1>
      %unique3A_133, %unique3A_134 = tpu.scan_count mask(%broadcast_in_dim3A_132 : vector<16xi1>) value(%get3A_130 : vector<16xi32>) : vector<16xi1>, vector<16xi32>
      %convert_element_type3A_135 = arith.sitofp %unique3A_134 : vector<16xi32> to vector<16xf32>
      tpu.vector_store_idx %arg5[%get3A_130], %convert_element_type3A_135 masked %unique3A_133 {add = true} : memref<10240xf32, #tpu.memory_space<vmem>>[vector<16xi32>], vector<16xf32>, vector<16xi1>
      %mul3A_136 = arith.constant 4 : i32
      %mul3A_137 = arith.muli %mul3A_136, %scan3A_101 : i32
      %add3A_138 = arith.constant 3 : i32
      %add3A_139 = arith.addi %mul3A_137, %add3A_138 : i32
      %get3A_140 = arith.index_cast %add3A_139 : i32 to index
      %get3A_141 = arith.constant 0 : index
      %get3A_142 = tpu.vector_load %arg4[%get3A_140, %get3A_141] {strides = array<i32>} : memref<128x16xi32, #tpu.memory_space<vmem>>, vector<16xi32>,
      %broadcast_in_dim3A_143 = arith.constant true
      %broadcast_in_dim3A_144 = vector.broadcast %broadcast_in_dim3A_143 : i1 to vector<16xi1>
      %unique3A_145, %unique3A_146 = tpu.scan_count mask(%broadcast_in_dim3A_144 : vector<16xi1>) value(%get3A_142 : vector<16xi32>) : vector<16xi1>, vector<16xi32>
      %convert_element_type3A_147 = arith.sitofp %unique3A_146 : vector<16xi32> to vector<16xf32>
      tpu.vector_store_idx %arg5[%get3A_142], %convert_element_type3A_147 masked %unique3A_145 {add = true} : memref<10240xf32, #tpu.memory_space<vmem>>[vector<16xi32>], vector<16xf32>, vector<16xi1>
      %scan3A_148 = arith.constant 0 : i32
      scf.yield %scan3A_148 : i32
    }
    %scan3A_62 = arith.constant 32 : i32
    %mul3A_63 = arith.constant 640 : i32
    %mul3A_64 = arith.muli %add3A, %mul3A_63 : i32
    %add3A_65 = arith.constant 384 : i32
    %add3A_66 = arith.addi %mul3A_64, %add3A_65 : i32
    %dma_start3A_67 = arith.constant 0 : i32
    %dma_start3A_68 = tpu.memref_slice %arg2[%add3A_66, %dma_start3A_67] : memref<20480x16xi32, #tpu.memory_space<hbm>> -> memref<128x16xi32, #tpu.memory_space<hbm>>
    %dma_start3A_69 = arith.constant 0 : i32
    %dma_start3A_70 = tpu.memref_slice %arg2[%add3A_66, %dma_start3A_69] : memref<20480x16xi32, #tpu.memory_space<hbm>> -> memref<128x16xi32, #tpu.memory_space<hbm>>
    tpu.enqueue_dma source(%dma_start3A_70 : memref<128x16xi32, #tpu.memory_space<hbm>>) target(%arg4 : memref<128x16xi32, #tpu.memory_space<vmem>>) target_semaphore(%arg6 : memref<!tpu.dma_semaphore, #tpu.memory_space<semaphore_mem>>)
    %dma_wait3A_71 = arith.constant 0 : i32
    %dma_wait3A_72 = tpu.memref_slice %arg2[%add3A_66, %dma_wait3A_71] : memref<20480x16xi32, #tpu.memory_space<hbm>> -> memref<128x16xi32, #tpu.memory_space<hbm>>
    %dma_wait3A_73 = arith.constant 0 : i32
    %dma_wait3A_74 = tpu.memref_slice %arg2[%add3A_66, %dma_wait3A_73] : memref<20480x16xi32, #tpu.memory_space<hbm>> -> memref<128x16xi32, #tpu.memory_space<hbm>>
    tpu.wait_dma2 semaphore(%arg6 : memref<!tpu.dma_semaphore, #tpu.memory_space<semaphore_mem>>) src(%dma_wait3A_74 : memref<128x16xi32, #tpu.memory_space<hbm>>) dst(%arg4 : memref<128x16xi32, #tpu.memory_space<vmem>>)
    %scan3A_75 = arith.constant 0 : i32
    %scan3A_76 = arith.constant 0 : i32
    %scan3A_77 = arith.constant 32 : i32
    %scan3A_78 = arith.addi %scan3A_76, %scan3A_77 : i32
    %scan3A_79 = arith.constant 1 : i32
    %scan3A_80 = scf.for %scan3A_101 = %scan3A_76 to %scan3A_78 step %scan3A_79 iter_args(%scan3A_102 = %scan3A_75) -> (i32)  : i32 {
      %mul3A_103 = arith.constant 4 : i32
      %mul3A_104 = arith.muli %mul3A_103, %scan3A_101 : i32
      %add3A_105 = arith.constant 0 : i32
      %add3A_106 = arith.addi %mul3A_104, %add3A_105 : i32
      %get3A = arith.index_cast %add3A_106 : i32 to index
      %get3A_107 = arith.constant 0 : index
      %get3A_108 = tpu.vector_load %arg4[%get3A, %get3A_107] {strides = array<i32>} : memref<128x16xi32, #tpu.memory_space<vmem>>, vector<16xi32>,
      %broadcast_in_dim3A_109 = arith.constant true
      %broadcast_in_dim3A_110 = vector.broadcast %broadcast_in_dim3A_109 : i1 to vector<16xi1>
      %unique3A, %unique3A_111 = tpu.scan_count mask(%broadcast_in_dim3A_110 : vector<16xi1>) value(%get3A_108 : vector<16xi32>) : vector<16xi1>, vector<16xi32>
      %convert_element_type3A = arith.sitofp %unique3A_111 : vector<16xi32> to vector<16xf32>
      tpu.vector_store_idx %arg5[%get3A_108], %convert_element_type3A masked %unique3A {add = true} : memref<10240xf32, #tpu.memory_space<vmem>>[vector<16xi32>], vector<16xf32>, vector<16xi1>
      %mul3A_112 = arith.constant 4 : i32
      %mul3A_113 = arith.muli %mul3A_112, %scan3A_101 : i32
      %add3A_114 = arith.constant 1 : i32
      %add3A_115 = arith.addi %mul3A_113, %add3A_114 : i32
      %get3A_116 = arith.index_cast %add3A_115 : i32 to index
      %get3A_117 = arith.constant 0 : index
      %get3A_118 = tpu.vector_load %arg4[%get3A_116, %get3A_117] {strides = array<i32>} : memref<128x16xi32, #tpu.memory_space<vmem>>, vector<16xi32>,
      %broadcast_in_dim3A_119 = arith.constant true
      %broadcast_in_dim3A_120 = vector.broadcast %broadcast_in_dim3A_119 : i1 to vector<16xi1>
      %unique3A_121, %unique3A_122 = tpu.scan_count mask(%broadcast_in_dim3A_120 : vector<16xi1>) value(%get3A_118 : vector<16xi32>) : vector<16xi1>, vector<16xi32>
      %convert_element_type3A_123 = arith.sitofp %unique3A_122 : vector<16xi32> to vector<16xf32>
      tpu.vector_store_idx %arg5[%get3A_118], %convert_element_type3A_123 masked %unique3A_121 {add = true} : memref<10240xf32, #tpu.memory_space<vmem>>[vector<16xi32>], vector<16xf32>, vector<16xi1>
      %mul3A_124 = arith.constant 4 : i32
      %mul3A_125 = arith.muli %mul3A_124, %scan3A_101 : i32
      %add3A_126 = arith.constant 2 : i32
      %add3A_127 = arith.addi %mul3A_125, %add3A_126 : i32
      %get3A_128 = arith.index_cast %add3A_127 : i32 to index
      %get3A_129 = arith.constant 0 : index
      %get3A_130 = tpu.vector_load %arg4[%get3A_128, %get3A_129] {strides = array<i32>} : memref<128x16xi32, #tpu.memory_space<vmem>>, vector<16xi32>,
      %broadcast_in_dim3A_131 = arith.constant true
      %broadcast_in_dim3A_132 = vector.broadcast %broadcast_in_dim3A_131 : i1 to vector<16xi1>
      %unique3A_133, %unique3A_134 = tpu.scan_count mask(%broadcast_in_dim3A_132 : vector<16xi1>) value(%get3A_130 : vector<16xi32>) : vector<16xi1>, vector<16xi32>
      %convert_element_type3A_135 = arith.sitofp %unique3A_134 : vector<16xi32> to vector<16xf32>
      tpu.vector_store_idx %arg5[%get3A_130], %convert_element_type3A_135 masked %unique3A_133 {add = true} : memref<10240xf32, #tpu.memory_space<vmem>>[vector<16xi32>], vector<16xf32>, vector<16xi1>
      %mul3A_136 = arith.constant 4 : i32
      %mul3A_137 = arith.muli %mul3A_136, %scan3A_101 : i32
      %add3A_138 = arith.constant 3 : i32
      %add3A_139 = arith.addi %mul3A_137, %add3A_138 : i32
      %get3A_140 = arith.index_cast %add3A_139 : i32 to index
      %get3A_141 = arith.constant 0 : index
      %get3A_142 = tpu.vector_load %arg4[%get3A_140, %get3A_141] {strides = array<i32>} : memref<128x16xi32, #tpu.memory_space<vmem>>, vector<16xi32>,
      %broadcast_in_dim3A_143 = arith.constant true
      %broadcast_in_dim3A_144 = vector.broadcast %broadcast_in_dim3A_143 : i1 to vector<16xi1>
      %unique3A_145, %unique3A_146 = tpu.scan_count mask(%broadcast_in_dim3A_144 : vector<16xi1>) value(%get3A_142 : vector<16xi32>) : vector<16xi1>, vector<16xi32>
      %convert_element_type3A_147 = arith.sitofp %unique3A_146 : vector<16xi32> to vector<16xf32>
      tpu.vector_store_idx %arg5[%get3A_142], %convert_element_type3A_147 masked %unique3A_145 {add = true} : memref<10240xf32, #tpu.memory_space<vmem>>[vector<16xi32>], vector<16xf32>, vector<16xi1>
      %scan3A_148 = arith.constant 0 : i32
      scf.yield %scan3A_148 : i32
    }
    %scan3A_81 = arith.constant 32 : i32
    %mul3A_82 = arith.constant 640 : i32
    %mul3A_83 = arith.muli %add3A, %mul3A_82 : i32
    %add3A_84 = arith.constant 512 : i32
    %add3A_85 = arith.addi %mul3A_83, %add3A_84 : i32
    %dma_start3A_86 = arith.constant 0 : i32
    %dma_start3A_87 = tpu.memref_slice %arg2[%add3A_85, %dma_start3A_86] : memref<20480x16xi32, #tpu.memory_space<hbm>> -> memref<128x16xi32, #tpu.memory_space<hbm>>
    %dma_start3A_88 = arith.constant 0 : i32
    %dma_start3A_89 = tpu.memref_slice %arg2[%add3A_85, %dma_start3A_88] : memref<20480x16xi32, #tpu.memory_space<hbm>> -> memref<128x16xi32, #tpu.memory_space<hbm>>
    tpu.enqueue_dma source(%dma_start3A_89 : memref<128x16xi32, #tpu.memory_space<hbm>>) target(%arg4 : memref<128x16xi32, #tpu.memory_space<vmem>>) target_semaphore(%arg6 : memref<!tpu.dma_semaphore, #tpu.memory_space<semaphore_mem>>)
    %dma_wait3A_90 = arith.constant 0 : i32
    %dma_wait3A_91 = tpu.memref_slice %arg2[%add3A_85, %dma_wait3A_90] : memref<20480x16xi32, #tpu.memory_space<hbm>> -> memref<128x16xi32, #tpu.memory_space<hbm>>
    %dma_wait3A_92 = arith.constant 0 : i32
    %dma_wait3A_93 = tpu.memref_slice %arg2[%add3A_85, %dma_wait3A_92] : memref<20480x16xi32, #tpu.memory_space<hbm>> -> memref<128x16xi32, #tpu.memory_space<hbm>>
    tpu.wait_dma2 semaphore(%arg6 : memref<!tpu.dma_semaphore, #tpu.memory_space<semaphore_mem>>) src(%dma_wait3A_93 : memref<128x16xi32, #tpu.memory_space<hbm>>) dst(%arg4 : memref<128x16xi32, #tpu.memory_space<vmem>>)
    %scan3A_94 = arith.constant 0 : i32
    %scan3A_95 = arith.constant 0 : i32
    %scan3A_96 = arith.constant 32 : i32
    %scan3A_97 = arith.addi %scan3A_95, %scan3A_96 : i32
    %scan3A_98 = arith.constant 1 : i32
    %scan3A_99 = scf.for %scan3A_101 = %scan3A_95 to %scan3A_97 step %scan3A_98 iter_args(%scan3A_102 = %scan3A_94) -> (i32)  : i32 {
      %mul3A_103 = arith.constant 4 : i32
      %mul3A_104 = arith.muli %mul3A_103, %scan3A_101 : i32
      %add3A_105 = arith.constant 0 : i32
      %add3A_106 = arith.addi %mul3A_104, %add3A_105 : i32
      %get3A = arith.index_cast %add3A_106 : i32 to index
      %get3A_107 = arith.constant 0 : index
      %get3A_108 = tpu.vector_load %arg4[%get3A, %get3A_107] {strides = array<i32>} : memref<128x16xi32, #tpu.memory_space<vmem>>, vector<16xi32>,
      %broadcast_in_dim3A_109 = arith.constant true
      %broadcast_in_dim3A_110 = vector.broadcast %broadcast_in_dim3A_109 : i1 to vector<16xi1>
      %unique3A, %unique3A_111 = tpu.scan_count mask(%broadcast_in_dim3A_110 : vector<16xi1>) value(%get3A_108 : vector<16xi32>) : vector<16xi1>, vector<16xi32>
      %convert_element_type3A = arith.sitofp %unique3A_111 : vector<16xi32> to vector<16xf32>
      tpu.vector_store_idx %arg5[%get3A_108], %convert_element_type3A masked %unique3A {add = true} : memref<10240xf32, #tpu.memory_space<vmem>>[vector<16xi32>], vector<16xf32>, vector<16xi1>
      %mul3A_112 = arith.constant 4 : i32
      %mul3A_113 = arith.muli %mul3A_112, %scan3A_101 : i32
      %add3A_114 = arith.constant 1 : i32
      %add3A_115 = arith.addi %mul3A_113, %add3A_114 : i32
      %get3A_116 = arith.index_cast %add3A_115 : i32 to index
      %get3A_117 = arith.constant 0 : index
      %get3A_118 = tpu.vector_load %arg4[%get3A_116, %get3A_117] {strides = array<i32>} : memref<128x16xi32, #tpu.memory_space<vmem>>, vector<16xi32>,
      %broadcast_in_dim3A_119 = arith.constant true
      %broadcast_in_dim3A_120 = vector.broadcast %broadcast_in_dim3A_119 : i1 to vector<16xi1>
      %unique3A_121, %unique3A_122 = tpu.scan_count mask(%broadcast_in_dim3A_120 : vector<16xi1>) value(%get3A_118 : vector<16xi32>) : vector<16xi1>, vector<16xi32>
      %convert_element_type3A_123 = arith.sitofp %unique3A_122 : vector<16xi32> to vector<16xf32>
      tpu.vector_store_idx %arg5[%get3A_118], %convert_element_type3A_123 masked %unique3A_121 {add = true} : memref<10240xf32, #tpu.memory_space<vmem>>[vector<16xi32>], vector<16xf32>, vector<16xi1>
      %mul3A_124 = arith.constant 4 : i32
      %mul3A_125 = arith.muli %mul3A_124, %scan3A_101 : i32
      %add3A_126 = arith.constant 2 : i32
      %add3A_127 = arith.addi %mul3A_125, %add3A_126 : i32
      %get3A_128 = arith.index_cast %add3A_127 : i32 to index
      %get3A_129 = arith.constant 0 : index
      %get3A_130 = tpu.vector_load %arg4[%get3A_128, %get3A_129] {strides = array<i32>} : memref<128x16xi32, #tpu.memory_space<vmem>>, vector<16xi32>,
      %broadcast_in_dim3A_131 = arith.constant true
      %broadcast_in_dim3A_132 = vector.broadcast %broadcast_in_dim3A_131 : i1 to vector<16xi1>
      %unique3A_133, %unique3A_134 = tpu.scan_count mask(%broadcast_in_dim3A_132 : vector<16xi1>) value(%get3A_130 : vector<16xi32>) : vector<16xi1>, vector<16xi32>
      %convert_element_type3A_135 = arith.sitofp %unique3A_134 : vector<16xi32> to vector<16xf32>
      tpu.vector_store_idx %arg5[%get3A_130], %convert_element_type3A_135 masked %unique3A_133 {add = true} : memref<10240xf32, #tpu.memory_space<vmem>>[vector<16xi32>], vector<16xf32>, vector<16xi1>
      %mul3A_136 = arith.constant 4 : i32
      %mul3A_137 = arith.muli %mul3A_136, %scan3A_101 : i32
      %add3A_138 = arith.constant 3 : i32
      %add3A_139 = arith.addi %mul3A_137, %add3A_138 : i32
      %get3A_140 = arith.index_cast %add3A_139 : i32 to index
      %get3A_141 = arith.constant 0 : index
      %get3A_142 = tpu.vector_load %arg4[%get3A_140, %get3A_141] {strides = array<i32>} : memref<128x16xi32, #tpu.memory_space<vmem>>, vector<16xi32>,
      %broadcast_in_dim3A_143 = arith.constant true
      %broadcast_in_dim3A_144 = vector.broadcast %broadcast_in_dim3A_143 : i1 to vector<16xi1>
      %unique3A_145, %unique3A_146 = tpu.scan_count mask(%broadcast_in_dim3A_144 : vector<16xi1>) value(%get3A_142 : vector<16xi32>) : vector<16xi1>, vector<16xi32>
      %convert_element_type3A_147 = arith.sitofp %unique3A_146 : vector<16xi32> to vector<16xf32>
      tpu.vector_store_idx %arg5[%get3A_142], %convert_element_type3A_147 masked %unique3A_145 {add = true} : memref<10240xf32, #tpu.memory_space<vmem>>[vector<16xi32>], vector<16xf32>, vector<16xi1>
      %scan3A_148 = arith.constant 0 : i32
      scf.yield %scan3A_148 : i32
    }
    %scan3A_100 = arith.constant 32 : i32
    "tpu.region"() ({
      %run_scoped3A = tpu.sem_alloc : memref<!tpu.dma_semaphore, #tpu.memory_space<semaphore_mem>>
      %dma_start3A_101 = arith.constant 0 : i32
      %dma_start3A_102 = tpu.memref_slice %arg3[%add3A, %dma_start3A_101] : memref<32x10240xf32, #tpu.memory_space<hbm>> -> memref<1x10240xf32, #tpu.memory_space<hbm>>
      %dma_start3A_103 = tpu.memref_squeeze %dma_start3A_102 : memref<1x10240xf32, #tpu.memory_space<hbm>> -> memref<10240xf32, #tpu.memory_space<hbm>>
      %dma_start3A_104 = arith.constant 0 : i32
      %dma_start3A_105 = tpu.memref_slice %arg3[%add3A, %dma_start3A_104] : memref<32x10240xf32, #tpu.memory_space<hbm>> -> memref<1x10240xf32, #tpu.memory_space<hbm>>
      %dma_start3A_106 = tpu.memref_squeeze %dma_start3A_105 : memref<1x10240xf32, #tpu.memory_space<hbm>> -> memref<10240xf32, #tpu.memory_space<hbm>>
      tpu.enqueue_dma source(%arg5 : memref<10240xf32, #tpu.memory_space<vmem>>) target(%dma_start3A_106 : memref<10240xf32, #tpu.memory_space<hbm>>) target_semaphore(%run_scoped3A : memref<!tpu.dma_semaphore, #tpu.memory_space<semaphore_mem>>)
      %dma_wait3A_107 = arith.constant 0 : i32
      %dma_wait3A_108 = tpu.memref_slice %arg3[%add3A, %dma_wait3A_107] : memref<32x10240xf32, #tpu.memory_space<hbm>> -> memref<1x10240xf32, #tpu.memory_space<hbm>>
      %dma_wait3A_109 = tpu.memref_squeeze %dma_wait3A_108 : memref<1x10240xf32, #tpu.memory_space<hbm>> -> memref<10240xf32, #tpu.memory_space<hbm>>
      %dma_wait3A_110 = arith.constant 0 : i32
      %dma_wait3A_111 = tpu.memref_slice %arg3[%add3A, %dma_wait3A_110] : memref<32x10240xf32, #tpu.memory_space<hbm>> -> memref<1x10240xf32, #tpu.memory_space<hbm>>
      %dma_wait3A_112 = tpu.memref_squeeze %dma_wait3A_111 : memref<1x10240xf32, #tpu.memory_space<hbm>> -> memref<10240xf32, #tpu.memory_space<hbm>>
      tpu.wait_dma2 semaphore(%run_scoped3A : memref<!tpu.dma_semaphore, #tpu.memory_space<semaphore_mem>>) src(%arg5 : memref<10240xf32, #tpu.memory_space<vmem>>) dst(%dma_wait3A_112 : memref<10240xf32, #tpu.memory_space<hbm>>)
      tpu.yield
    }) : () -> ()
    return
  }
}

#map = affine_map<(d0, d1) -> (0, 0)>
#map1 = affine_map<(d0, d1) -> (0, 0, 0)>
module attributes {stable_mosaic.version = 14 : i64} {
  func.func @body(%arg0: i32, %arg1: i32, %arg2: memref<10000x128xf32, #tpu.memory_space<hbm>>, %arg3: memref<2560x128xi32, #tpu.memory_space<hbm>>, %arg4: memref<2560x128xi32, #tpu.memory_space<hbm>>, %arg5: memref<2x10240x128xf32, #tpu.memory_space<hbm>>, %arg6: memref<16x128xi32, #tpu.memory_space<vmem>>, %arg7: memref<16x128xi32, #tpu.memory_space<vmem>>, %arg8: memref<16x128xi32, #tpu.memory_space<vmem>>, %arg9: memref<16x128xi32, #tpu.memory_space<vmem>>, %arg10: memref<128x128xf32, #tpu.memory_space<vmem>>, %arg11: memref<128x128xf32, #tpu.memory_space<vmem>>, %arg12: memref<10240x128xf32, #tpu.memory_space<vmem_shared>>, %arg13: memref<!tpu.dma_semaphore, #tpu.memory_space<semaphore_mem>>, %arg14: memref<!tpu.dma_semaphore, #tpu.memory_space<semaphore_mem>>, %arg15: memref<!tpu.dma_semaphore, #tpu.memory_space<semaphore_mem>>, %arg16: memref<!tpu.dma_semaphore, #tpu.memory_space<semaphore_mem>>, %arg17: memref<!tpu.dma_semaphore, #tpu.memory_space<semaphore_mem>>) attributes {dimension_semantics = [#tpu.dimension_semantics<core_parallel>, #tpu.dimension_semantics<subcore_parallel>], iteration_bounds = array<i64: 2, 16>, scalar_prefetch = 0 : i64, scratch_operands = 12 : i64, tpu.core_type = #tpu.core_type<sc_vector_subcore>, window_params = [{transform_indices = #map}, {transform_indices = #map}, {transform_indices = #map}, {transform_indices = #map1}]} {
    %mul3A = arith.constant 16 : i32
    %mul3A_0 = arith.muli %arg0, %mul3A : i32
    %add3A = arith.addi %mul3A_0, %arg1 : i32
    %mul3A_1 = arith.constant 640 : i32
    %mul3A_2 = arith.muli %arg1, %mul3A_1 : i32
    %mul3A_3 = arith.constant 80 : i32
    %mul3A_4 = arith.muli %add3A, %mul3A_3 : i32
    %add3A_5 = arith.constant 0 : i32
    %add3A_6 = arith.addi %mul3A_4, %add3A_5 : i32
    %dma_start3A = arith.constant 0 : i32
    %dma_start3A_7 = tpu.memref_slice %arg3[%add3A_6, %dma_start3A] : memref<2560x128xi32, #tpu.memory_space<hbm>> -> memref<16x128xi32, #tpu.memory_space<hbm>>
    %dma_start3A_8 = arith.constant 0 : i32
    %dma_start3A_9 = tpu.memref_slice %arg3[%add3A_6, %dma_start3A_8] : memref<2560x128xi32, #tpu.memory_space<hbm>> -> memref<16x128xi32, #tpu.memory_space<hbm>>
    tpu.enqueue_dma source(%dma_start3A_9 : memref<16x128xi32, #tpu.memory_space<hbm>>) target(%arg6 : memref<16x128xi32, #tpu.memory_space<vmem>>) target_semaphore(%arg13 : memref<!tpu.dma_semaphore, #tpu.memory_space<semaphore_mem>>)
    %dma_start3A_10 = arith.constant 0 : i32
    %dma_start3A_11 = tpu.memref_slice %arg4[%add3A_6, %dma_start3A_10] : memref<2560x128xi32, #tpu.memory_space<hbm>> -> memref<16x128xi32, #tpu.memory_space<hbm>>
    %dma_start3A_12 = arith.constant 0 : i32
    %dma_start3A_13 = tpu.memref_slice %arg4[%add3A_6, %dma_start3A_12] : memref<2560x128xi32, #tpu.memory_space<hbm>> -> memref<16x128xi32, #tpu.memory_space<hbm>>
    tpu.enqueue_dma source(%dma_start3A_13 : memref<16x128xi32, #tpu.memory_space<hbm>>) target(%arg7 : memref<16x128xi32, #tpu.memory_space<vmem>>) target_semaphore(%arg13 : memref<!tpu.dma_semaphore, #tpu.memory_space<semaphore_mem>>)
    %broadcast_in_dim3A = arith.constant 0.000000e+00 : f32
    %broadcast_in_dim3A_14 = vector.broadcast %broadcast_in_dim3A : f32 to vector<16xf32>
    %scan3A = arith.constant 0 : i32
    %scan3A_15 = arith.constant 0 : i32
    %scan3A_16 = arith.constant 128 : i32
    %scan3A_17 = arith.addi %scan3A_15, %scan3A_16 : i32
    %scan3A_18 = arith.constant 1 : i32
    %scan3A_19 = scf.for %scan3A_319 = %scan3A_15 to %scan3A_17 step %scan3A_18 iter_args(%scan3A_320 = %scan3A) -> (i32)  : i32 {
      %swap3A = arith.index_cast %scan3A_319 : i32 to index
      %swap3A_321 = arith.constant 0 : index
      %swap3A_322 = tpu.vector_load %arg10[%swap3A, %swap3A_321] {strides = array<i32>} : memref<128x128xf32, #tpu.memory_space<vmem>>, vector<1x16xf32>,
      %swap3A_323 = vector.shape_cast %swap3A_322 : vector<1x16xf32> to vector<16xf32>
      %swap3A_324 = vector.shape_cast %broadcast_in_dim3A_14 : vector<16xf32> to vector<1x16xf32>
      tpu.vector_store %arg10[%swap3A, %swap3A_321], %swap3A_324 {strides = array<i32>} : memref<128x128xf32, #tpu.memory_space<vmem>>, vector<1x16xf32>,
      %swap3A_325 = arith.index_cast %scan3A_319 : i32 to index
      %swap3A_326 = arith.constant 16 : index
      %swap3A_327 = tpu.vector_load %arg10[%swap3A_325, %swap3A_326] {strides = array<i32>} : memref<128x128xf32, #tpu.memory_space<vmem>>, vector<1x16xf32>,
      %swap3A_328 = vector.shape_cast %swap3A_327 : vector<1x16xf32> to vector<16xf32>
      %swap3A_329 = vector.shape_cast %broadcast_in_dim3A_14 : vector<16xf32> to vector<1x16xf32>
      tpu.vector_store %arg10[%swap3A_325, %swap3A_326], %swap3A_329 {strides = array<i32>} : memref<128x128xf32, #tpu.memory_space<vmem>>, vector<1x16xf32>,
      %swap3A_330 = arith.index_cast %scan3A_319 : i32 to index
      %swap3A_331 = arith.constant 32 : index
      %swap3A_332 = tpu.vector_load %arg10[%swap3A_330, %swap3A_331] {strides = array<i32>} : memref<128x128xf32, #tpu.memory_space<vmem>>, vector<1x16xf32>,
      %swap3A_333 = vector.shape_cast %swap3A_332 : vector<1x16xf32> to vector<16xf32>
      %swap3A_334 = vector.shape_cast %broadcast_in_dim3A_14 : vector<16xf32> to vector<1x16xf32>
      tpu.vector_store %arg10[%swap3A_330, %swap3A_331], %swap3A_334 {strides = array<i32>} : memref<128x128xf32, #tpu.memory_space<vmem>>, vector<1x16xf32>,
      %swap3A_335 = arith.index_cast %scan3A_319 : i32 to index
      %swap3A_336 = arith.constant 48 : index
      %swap3A_337 = tpu.vector_load %arg10[%swap3A_335, %swap3A_336] {strides = array<i32>} : memref<128x128xf32, #tpu.memory_space<vmem>>, vector<1x16xf32>,
      %swap3A_338 = vector.shape_cast %swap3A_337 : vector<1x16xf32> to vector<16xf32>
      %swap3A_339 = vector.shape_cast %broadcast_in_dim3A_14 : vector<16xf32> to vector<1x16xf32>
      tpu.vector_store %arg10[%swap3A_335, %swap3A_336], %swap3A_339 {strides = array<i32>} : memref<128x128xf32, #tpu.memory_space<vmem>>, vector<1x16xf32>,
      %swap3A_340 = arith.index_cast %scan3A_319 : i32 to index
      %swap3A_341 = arith.constant 64 : index
      %swap3A_342 = tpu.vector_load %arg10[%swap3A_340, %swap3A_341] {strides = array<i32>} : memref<128x128xf32, #tpu.memory_space<vmem>>, vector<1x16xf32>,
      %swap3A_343 = vector.shape_cast %swap3A_342 : vector<1x16xf32> to vector<16xf32>
      %swap3A_344 = vector.shape_cast %broadcast_in_dim3A_14 : vector<16xf32> to vector<1x16xf32>
      tpu.vector_store %arg10[%swap3A_340, %swap3A_341], %swap3A_344 {strides = array<i32>} : memref<128x128xf32, #tpu.memory_space<vmem>>, vector<1x16xf32>,
      %swap3A_345 = arith.index_cast %scan3A_319 : i32 to index
      %swap3A_346 = arith.constant 80 : index
      %swap3A_347 = tpu.vector_load %arg10[%swap3A_345, %swap3A_346] {strides = array<i32>} : memref<128x128xf32, #tpu.memory_space<vmem>>, vector<1x16xf32>,
      %swap3A_348 = vector.shape_cast %swap3A_347 : vector<1x16xf32> to vector<16xf32>
      %swap3A_349 = vector.shape_cast %broadcast_in_dim3A_14 : vector<16xf32> to vector<1x16xf32>
      tpu.vector_store %arg10[%swap3A_345, %swap3A_346], %swap3A_349 {strides = array<i32>} : memref<128x128xf32, #tpu.memory_space<vmem>>, vector<1x16xf32>,
      %swap3A_350 = arith.index_cast %scan3A_319 : i32 to index
      %swap3A_351 = arith.constant 96 : index
      %swap3A_352 = tpu.vector_load %arg10[%swap3A_350, %swap3A_351] {strides = array<i32>} : memref<128x128xf32, #tpu.memory_space<vmem>>, vector<1x16xf32>,
      %swap3A_353 = vector.shape_cast %swap3A_352 : vector<1x16xf32> to vector<16xf32>
      %swap3A_354 = vector.shape_cast %broadcast_in_dim3A_14 : vector<16xf32> to vector<1x16xf32>
      tpu.vector_store %arg10[%swap3A_350, %swap3A_351], %swap3A_354 {strides = array<i32>} : memref<128x128xf32, #tpu.memory_space<vmem>>, vector<1x16xf32>,
      %swap3A_355 = arith.index_cast %scan3A_319 : i32 to index
      %swap3A_356 = arith.constant 112 : index
      %swap3A_357 = tpu.vector_load %arg10[%swap3A_355, %swap3A_356] {strides = array<i32>} : memref<128x128xf32, #tpu.memory_space<vmem>>, vector<1x16xf32>,
      %swap3A_358 = vector.shape_cast %swap3A_357 : vector<1x16xf32> to vector<16xf32>
      %swap3A_359 = vector.shape_cast %broadcast_in_dim3A_14 : vector<16xf32> to vector<1x16xf32>
      tpu.vector_store %arg10[%swap3A_355, %swap3A_356], %swap3A_359 {strides = array<i32>} : memref<128x128xf32, #tpu.memory_space<vmem>>, vector<1x16xf32>,
      %scan3A_360 = arith.constant 0 : i32
      scf.yield %scan3A_360 : i32
    }
    %scan3A_20 = arith.constant 128 : i32
    %add3A_21 = arith.constant 0 : i32
    %add3A_22 = arith.addi %mul3A_2, %add3A_21 : i32
    "tpu.region"() ({
      %run_scoped3A_319 = tpu.sem_alloc : memref<!tpu.dma_semaphore, #tpu.memory_space<semaphore_mem>>
      %dma_start3A_320 = arith.constant 0 : i32
      %dma_start3A_321 = tpu.memref_slice %arg12[%add3A_22, %dma_start3A_320] : memref<10240x128xf32, #tpu.memory_space<vmem_shared>> -> memref<128x128xf32, #tpu.memory_space<vmem_shared>>
      %dma_start3A_322 = arith.constant 0 : i32
      %dma_start3A_323 = tpu.memref_slice %arg12[%add3A_22, %dma_start3A_322] : memref<10240x128xf32, #tpu.memory_space<vmem_shared>> -> memref<128x128xf32, #tpu.memory_space<vmem_shared>>
      tpu.enqueue_dma source(%arg10 : memref<128x128xf32, #tpu.memory_space<vmem>>) target(%dma_start3A_323 : memref<128x128xf32, #tpu.memory_space<vmem_shared>>) target_semaphore(%run_scoped3A_319 : memref<!tpu.dma_semaphore, #tpu.memory_space<semaphore_mem>>)
      %dma_wait3A_324 = arith.constant 0 : i32
      %dma_wait3A_325 = tpu.memref_slice %arg12[%add3A_22, %dma_wait3A_324] : memref<10240x128xf32, #tpu.memory_space<vmem_shared>> -> memref<128x128xf32, #tpu.memory_space<vmem_shared>>
      %dma_wait3A_326 = arith.constant 0 : i32
      %dma_wait3A_327 = tpu.memref_slice %arg12[%add3A_22, %dma_wait3A_326] : memref<10240x128xf32, #tpu.memory_space<vmem_shared>> -> memref<128x128xf32, #tpu.memory_space<vmem_shared>>
      tpu.wait_dma2 semaphore(%run_scoped3A_319 : memref<!tpu.dma_semaphore, #tpu.memory_space<semaphore_mem>>) src(%arg10 : memref<128x128xf32, #tpu.memory_space<vmem>>) dst(%dma_wait3A_327 : memref<128x128xf32, #tpu.memory_space<vmem_shared>>)
      tpu.yield
    }) : () -> ()
    %add3A_23 = arith.constant 128 : i32
    %add3A_24 = arith.addi %mul3A_2, %add3A_23 : i32
    "tpu.region"() ({
      %run_scoped3A_319 = tpu.sem_alloc : memref<!tpu.dma_semaphore, #tpu.memory_space<semaphore_mem>>
      %dma_start3A_320 = arith.constant 0 : i32
      %dma_start3A_321 = tpu.memref_slice %arg12[%add3A_24, %dma_start3A_320] : memref<10240x128xf32, #tpu.memory_space<vmem_shared>> -> memref<128x128xf32, #tpu.memory_space<vmem_shared>>
      %dma_start3A_322 = arith.constant 0 : i32
      %dma_start3A_323 = tpu.memref_slice %arg12[%add3A_24, %dma_start3A_322] : memref<10240x128xf32, #tpu.memory_space<vmem_shared>> -> memref<128x128xf32, #tpu.memory_space<vmem_shared>>
      tpu.enqueue_dma source(%arg10 : memref<128x128xf32, #tpu.memory_space<vmem>>) target(%dma_start3A_323 : memref<128x128xf32, #tpu.memory_space<vmem_shared>>) target_semaphore(%run_scoped3A_319 : memref<!tpu.dma_semaphore, #tpu.memory_space<semaphore_mem>>)
      %dma_wait3A_324 = arith.constant 0 : i32
      %dma_wait3A_325 = tpu.memref_slice %arg12[%add3A_24, %dma_wait3A_324] : memref<10240x128xf32, #tpu.memory_space<vmem_shared>> -> memref<128x128xf32, #tpu.memory_space<vmem_shared>>
      %dma_wait3A_326 = arith.constant 0 : i32
      %dma_wait3A_327 = tpu.memref_slice %arg12[%add3A_24, %dma_wait3A_326] : memref<10240x128xf32, #tpu.memory_space<vmem_shared>> -> memref<128x128xf32, #tpu.memory_space<vmem_shared>>
      tpu.wait_dma2 semaphore(%run_scoped3A_319 : memref<!tpu.dma_semaphore, #tpu.memory_space<semaphore_mem>>) src(%arg10 : memref<128x128xf32, #tpu.memory_space<vmem>>) dst(%dma_wait3A_327 : memref<128x128xf32, #tpu.memory_space<vmem_shared>>)
      tpu.yield
    }) : () -> ()
    %add3A_25 = arith.constant 256 : i32
    %add3A_26 = arith.addi %mul3A_2, %add3A_25 : i32
    "tpu.region"() ({
      %run_scoped3A_319 = tpu.sem_alloc : memref<!tpu.dma_semaphore, #tpu.memory_space<semaphore_mem>>
      %dma_start3A_320 = arith.constant 0 : i32
      %dma_start3A_321 = tpu.memref_slice %arg12[%add3A_26, %dma_start3A_320] : memref<10240x128xf32, #tpu.memory_space<vmem_shared>> -> memref<128x128xf32, #tpu.memory_space<vmem_shared>>
      %dma_start3A_322 = arith.constant 0 : i32
      %dma_start3A_323 = tpu.memref_slice %arg12[%add3A_26, %dma_start3A_322] : memref<10240x128xf32, #tpu.memory_space<vmem_shared>> -> memref<128x128xf32, #tpu.memory_space<vmem_shared>>
      tpu.enqueue_dma source(%arg10 : memref<128x128xf32, #tpu.memory_space<vmem>>) target(%dma_start3A_323 : memref<128x128xf32, #tpu.memory_space<vmem_shared>>) target_semaphore(%run_scoped3A_319 : memref<!tpu.dma_semaphore, #tpu.memory_space<semaphore_mem>>)
      %dma_wait3A_324 = arith.constant 0 : i32
      %dma_wait3A_325 = tpu.memref_slice %arg12[%add3A_26, %dma_wait3A_324] : memref<10240x128xf32, #tpu.memory_space<vmem_shared>> -> memref<128x128xf32, #tpu.memory_space<vmem_shared>>
      %dma_wait3A_326 = arith.constant 0 : i32
      %dma_wait3A_327 = tpu.memref_slice %arg12[%add3A_26, %dma_wait3A_326] : memref<10240x128xf32, #tpu.memory_space<vmem_shared>> -> memref<128x128xf32, #tpu.memory_space<vmem_shared>>
      tpu.wait_dma2 semaphore(%run_scoped3A_319 : memref<!tpu.dma_semaphore, #tpu.memory_space<semaphore_mem>>) src(%arg10 : memref<128x128xf32, #tpu.memory_space<vmem>>) dst(%dma_wait3A_327 : memref<128x128xf32, #tpu.memory_space<vmem_shared>>)
      tpu.yield
    }) : () -> ()
    %add3A_27 = arith.constant 384 : i32
    %add3A_28 = arith.addi %mul3A_2, %add3A_27 : i32
    "tpu.region"() ({
      %run_scoped3A_319 = tpu.sem_alloc : memref<!tpu.dma_semaphore, #tpu.memory_space<semaphore_mem>>
      %dma_start3A_320 = arith.constant 0 : i32
      %dma_start3A_321 = tpu.memref_slice %arg12[%add3A_28, %dma_start3A_320] : memref<10240x128xf32, #tpu.memory_space<vmem_shared>> -> memref<128x128xf32, #tpu.memory_space<vmem_shared>>
      %dma_start3A_322 = arith.constant 0 : i32
      %dma_start3A_323 = tpu.memref_slice %arg12[%add3A_28, %dma_start3A_322] : memref<10240x128xf32, #tpu.memory_space<vmem_shared>> -> memref<128x128xf32, #tpu.memory_space<vmem_shared>>
      tpu.enqueue_dma source(%arg10 : memref<128x128xf32, #tpu.memory_space<vmem>>) target(%dma_start3A_323 : memref<128x128xf32, #tpu.memory_space<vmem_shared>>) target_semaphore(%run_scoped3A_319 : memref<!tpu.dma_semaphore, #tpu.memory_space<semaphore_mem>>)
      %dma_wait3A_324 = arith.constant 0 : i32
      %dma_wait3A_325 = tpu.memref_slice %arg12[%add3A_28, %dma_wait3A_324] : memref<10240x128xf32, #tpu.memory_space<vmem_shared>> -> memref<128x128xf32, #tpu.memory_space<vmem_shared>>
      %dma_wait3A_326 = arith.constant 0 : i32
      %dma_wait3A_327 = tpu.memref_slice %arg12[%add3A_28, %dma_wait3A_326] : memref<10240x128xf32, #tpu.memory_space<vmem_shared>> -> memref<128x128xf32, #tpu.memory_space<vmem_shared>>
      tpu.wait_dma2 semaphore(%run_scoped3A_319 : memref<!tpu.dma_semaphore, #tpu.memory_space<semaphore_mem>>) src(%arg10 : memref<128x128xf32, #tpu.memory_space<vmem>>) dst(%dma_wait3A_327 : memref<128x128xf32, #tpu.memory_space<vmem_shared>>)
      tpu.yield
    }) : () -> ()
    %add3A_29 = arith.constant 512 : i32
    %add3A_30 = arith.addi %mul3A_2, %add3A_29 : i32
    "tpu.region"() ({
      %run_scoped3A_319 = tpu.sem_alloc : memref<!tpu.dma_semaphore, #tpu.memory_space<semaphore_mem>>
      %dma_start3A_320 = arith.constant 0 : i32
      %dma_start3A_321 = tpu.memref_slice %arg12[%add3A_30, %dma_start3A_320] : memref<10240x128xf32, #tpu.memory_space<vmem_shared>> -> memref<128x128xf32, #tpu.memory_space<vmem_shared>>
      %dma_start3A_322 = arith.constant 0 : i32
      %dma_start3A_323 = tpu.memref_slice %arg12[%add3A_30, %dma_start3A_322] : memref<10240x128xf32, #tpu.memory_space<vmem_shared>> -> memref<128x128xf32, #tpu.memory_space<vmem_shared>>
      tpu.enqueue_dma source(%arg10 : memref<128x128xf32, #tpu.memory_space<vmem>>) target(%dma_start3A_323 : memref<128x128xf32, #tpu.memory_space<vmem_shared>>) target_semaphore(%run_scoped3A_319 : memref<!tpu.dma_semaphore, #tpu.memory_space<semaphore_mem>>)
      %dma_wait3A_324 = arith.constant 0 : i32
      %dma_wait3A_325 = tpu.memref_slice %arg12[%add3A_30, %dma_wait3A_324] : memref<10240x128xf32, #tpu.memory_space<vmem_shared>> -> memref<128x128xf32, #tpu.memory_space<vmem_shared>>
      %dma_wait3A_326 = arith.constant 0 : i32
      %dma_wait3A_327 = tpu.memref_slice %arg12[%add3A_30, %dma_wait3A_326] : memref<10240x128xf32, #tpu.memory_space<vmem_shared>> -> memref<128x128xf32, #tpu.memory_space<vmem_shared>>
      tpu.wait_dma2 semaphore(%run_scoped3A_319 : memref<!tpu.dma_semaphore, #tpu.memory_space<semaphore_mem>>) src(%arg10 : memref<128x128xf32, #tpu.memory_space<vmem>>) dst(%dma_wait3A_327 : memref<128x128xf32, #tpu.memory_space<vmem_shared>>)
      tpu.yield
    }) : () -> ()
    %dma_wait3A = arith.constant 0 : i32
    %dma_wait3A_31 = tpu.memref_slice %arg3[%add3A_6, %dma_wait3A] : memref<2560x128xi32, #tpu.memory_space<hbm>> -> memref<16x128xi32, #tpu.memory_space<hbm>>
    %dma_wait3A_32 = arith.constant 0 : i32
    %dma_wait3A_33 = tpu.memref_slice %arg3[%add3A_6, %dma_wait3A_32] : memref<2560x128xi32, #tpu.memory_space<hbm>> -> memref<16x128xi32, #tpu.memory_space<hbm>>
    tpu.wait_dma2 semaphore(%arg13 : memref<!tpu.dma_semaphore, #tpu.memory_space<semaphore_mem>>) src(%dma_wait3A_33 : memref<16x128xi32, #tpu.memory_space<hbm>>) dst(%arg6 : memref<16x128xi32, #tpu.memory_space<vmem>>)
    %dma_wait3A_34 = arith.constant 0 : i32
    %dma_wait3A_35 = tpu.memref_slice %arg4[%add3A_6, %dma_wait3A_34] : memref<2560x128xi32, #tpu.memory_space<hbm>> -> memref<16x128xi32, #tpu.memory_space<hbm>>
    %dma_wait3A_36 = arith.constant 0 : i32
    %dma_wait3A_37 = tpu.memref_slice %arg4[%add3A_6, %dma_wait3A_36] : memref<2560x128xi32, #tpu.memory_space<hbm>> -> memref<16x128xi32, #tpu.memory_space<hbm>>
    tpu.wait_dma2 semaphore(%arg13 : memref<!tpu.dma_semaphore, #tpu.memory_space<semaphore_mem>>) src(%dma_wait3A_37 : memref<16x128xi32, #tpu.memory_space<hbm>>) dst(%arg7 : memref<16x128xi32, #tpu.memory_space<vmem>>)
    %barrier3A = arith.constant 0 : index
    tpu.barrier barrier_id(%barrier3A)
    %dma_start3A_38 = arith.constant 0 : i32
    %dma_start3A_39 = arith.constant 0 : i32
    %dma_start3A_40 = tpu.memref_slice %arg6[%dma_start3A_38, %dma_start3A_39] : memref<16x128xi32, #tpu.memory_space<vmem>> -> memref<1x128xi32, #tpu.memory_space<vmem>>
    %dma_start3A_41 = tpu.memref_squeeze %dma_start3A_40 : memref<1x128xi32, #tpu.memory_space<vmem>> -> memref<128xi32, #tpu.memory_space<vmem>>
    %dma_start3A_42 = arith.constant 0 : i32
    %dma_start3A_43 = arith.constant 0 : i32
    %dma_start3A_44 = tpu.memref_slice %arg2[%dma_start3A_42, %dma_start3A_43] : memref<10000x128xf32, #tpu.memory_space<hbm>> -> memref<10000x128xf32, #tpu.memory_space<hbm>>
    tpu.enqueue_indirect_dma source(%dma_start3A_44 : memref<10000x128xf32, #tpu.memory_space<hbm>>) target(%arg10 : memref<128x128xf32, #tpu.memory_space<vmem>>) offsets(%dma_start3A_41 : memref<128xi32, #tpu.memory_space<vmem>>) semaphore(%arg14 : memref<!tpu.dma_semaphore, #tpu.memory_space<semaphore_mem>>)
    %mul3A_45 = arith.constant 80 : i32
    %mul3A_46 = arith.muli %add3A, %mul3A_45 : i32
    %add3A_47 = arith.constant 16 : i32
    %add3A_48 = arith.addi %mul3A_46, %add3A_47 : i32
    %dma_start3A_49 = arith.constant 0 : i32
    %dma_start3A_50 = tpu.memref_slice %arg3[%add3A_48, %dma_start3A_49] : memref<2560x128xi32, #tpu.memory_space<hbm>> -> memref<16x128xi32, #tpu.memory_space<hbm>>
    %dma_start3A_51 = arith.constant 0 : i32
    %dma_start3A_52 = tpu.memref_slice %arg3[%add3A_48, %dma_start3A_51] : memref<2560x128xi32, #tpu.memory_space<hbm>> -> memref<16x128xi32, #tpu.memory_space<hbm>>
    tpu.enqueue_dma source(%dma_start3A_52 : memref<16x128xi32, #tpu.memory_space<hbm>>) target(%arg8 : memref<16x128xi32, #tpu.memory_space<vmem>>) target_semaphore(%arg13 : memref<!tpu.dma_semaphore, #tpu.memory_space<semaphore_mem>>)
    %dma_start3A_53 = arith.constant 0 : i32
    %dma_start3A_54 = tpu.memref_slice %arg4[%add3A_48, %dma_start3A_53] : memref<2560x128xi32, #tpu.memory_space<hbm>> -> memref<16x128xi32, #tpu.memory_space<hbm>>
    %dma_start3A_55 = arith.constant 0 : i32
    %dma_start3A_56 = tpu.memref_slice %arg4[%add3A_48, %dma_start3A_55] : memref<2560x128xi32, #tpu.memory_space<hbm>> -> memref<16x128xi32, #tpu.memory_space<hbm>>
    tpu.enqueue_dma source(%dma_start3A_56 : memref<16x128xi32, #tpu.memory_space<hbm>>) target(%arg9 : memref<16x128xi32, #tpu.memory_space<vmem>>) target_semaphore(%arg13 : memref<!tpu.dma_semaphore, #tpu.memory_space<semaphore_mem>>)
    %scan3A_57 = arith.constant 0 : i32
    %scan3A_58 = arith.constant 0 : i32
    %scan3A_59 = arith.constant 7 : i32
    %scan3A_60 = arith.addi %scan3A_58, %scan3A_59 : i32
    %scan3A_61 = arith.constant 1 : i32
    %scan3A_62 = scf.for %scan3A_319 = %scan3A_58 to %scan3A_60 step %scan3A_61 iter_args(%scan3A_320 = %scan3A_57) -> (i32)  : i32 {
      %mul3A_321 = arith.constant 2 : i32
      %mul3A_322 = arith.muli %mul3A_321, %scan3A_319 : i32
      %dma_wait3A_323 = arith.constant 0 : i32
      %dma_wait3A_324 = tpu.memref_slice %arg6[%mul3A_322, %dma_wait3A_323] : memref<16x128xi32, #tpu.memory_space<vmem>> -> memref<1x128xi32, #tpu.memory_space<vmem>>
      %dma_wait3A_325 = tpu.memref_squeeze %dma_wait3A_324 : memref<1x128xi32, #tpu.memory_space<vmem>> -> memref<128xi32, #tpu.memory_space<vmem>>
      %dma_wait3A_326 = arith.constant 0 : i32
      %dma_wait3A_327 = arith.constant 0 : i32
      %dma_wait3A_328 = tpu.memref_slice %arg2[%dma_wait3A_326, %dma_wait3A_327] : memref<10000x128xf32, #tpu.memory_space<hbm>> -> memref<10000x128xf32, #tpu.memory_space<hbm>>
      tpu.wait_indirect_dma semaphore(%arg14 : memref<!tpu.dma_semaphore, #tpu.memory_space<semaphore_mem>>) src(%dma_wait3A_328 : memref<10000x128xf32, #tpu.memory_space<hbm>>) dst(%arg10 : memref<128x128xf32, #tpu.memory_space<vmem>>)
      %add3A_329 = arith.constant 1 : i32
      %add3A_330 = arith.addi %mul3A_322, %add3A_329 : i32
      %dma_start3A_331 = arith.constant 0 : i32
      %dma_start3A_332 = tpu.memref_slice %arg6[%add3A_330, %dma_start3A_331] : memref<16x128xi32, #tpu.memory_space<vmem>> -> memref<1x128xi32, #tpu.memory_space<vmem>>
      %dma_start3A_333 = tpu.memref_squeeze %dma_start3A_332 : memref<1x128xi32, #tpu.memory_space<vmem>> -> memref<128xi32, #tpu.memory_space<vmem>>
      %dma_start3A_334 = arith.constant 0 : i32
      %dma_start3A_335 = arith.constant 0 : i32
      %dma_start3A_336 = tpu.memref_slice %arg2[%dma_start3A_334, %dma_start3A_335] : memref<10000x128xf32, #tpu.memory_space<hbm>> -> memref<10000x128xf32, #tpu.memory_space<hbm>>
      tpu.enqueue_indirect_dma source(%dma_start3A_336 : memref<10000x128xf32, #tpu.memory_space<hbm>>) target(%arg11 : memref<128x128xf32, #tpu.memory_space<vmem>>) offsets(%dma_start3A_333 : memref<128xi32, #tpu.memory_space<vmem>>) semaphore(%arg15 : memref<!tpu.dma_semaphore, #tpu.memory_space<semaphore_mem>>)
      "tpu.region"() ({
        %run_scoped3A_356 = tpu.sem_alloc : memref<!tpu.dma_semaphore, #tpu.memory_space<semaphore_mem>>
        %dma_start3A_357 = arith.constant 0 : i32
        %dma_start3A_358 = tpu.memref_slice %arg7[%mul3A_322, %dma_start3A_357] : memref<16x128xi32, #tpu.memory_space<vmem>> -> memref<1x128xi32, #tpu.memory_space<vmem>>
        %dma_start3A_359 = tpu.memref_squeeze %dma_start3A_358 : memref<1x128xi32, #tpu.memory_space<vmem>> -> memref<128xi32, #tpu.memory_space<vmem>>
        %dma_start3A_360 = arith.constant 0 : i32
        %dma_start3A_361 = arith.constant 0 : i32
        %dma_start3A_362 = tpu.memref_slice %arg12[%dma_start3A_360, %dma_start3A_361] : memref<10240x128xf32, #tpu.memory_space<vmem_shared>> -> memref<10240x128xf32, #tpu.memory_space<vmem_shared>>
        tpu.enqueue_indirect_dma source(%arg10 : memref<128x128xf32, #tpu.memory_space<vmem>>) target(%dma_start3A_362 : memref<10240x128xf32, #tpu.memory_space<vmem_shared>>) offsets(%dma_start3A_359 : memref<128xi32, #tpu.memory_space<vmem>>) semaphore(%run_scoped3A_356 : memref<!tpu.dma_semaphore, #tpu.memory_space<semaphore_mem>>) {add = true}
        %dma_wait3A_363 = arith.constant 0 : i32
        %dma_wait3A_364 = tpu.memref_slice %arg7[%mul3A_322, %dma_wait3A_363] : memref<16x128xi32, #tpu.memory_space<vmem>> -> memref<1x128xi32, #tpu.memory_space<vmem>>
        %dma_wait3A_365 = tpu.memref_squeeze %dma_wait3A_364 : memref<1x128xi32, #tpu.memory_space<vmem>> -> memref<128xi32, #tpu.memory_space<vmem>>
        %dma_wait3A_366 = arith.constant 0 : i32
        %dma_wait3A_367 = arith.constant 0 : i32
        %dma_wait3A_368 = tpu.memref_slice %arg12[%dma_wait3A_366, %dma_wait3A_367] : memref<10240x128xf32, #tpu.memory_space<vmem_shared>> -> memref<10240x128xf32, #tpu.memory_space<vmem_shared>>
        tpu.wait_indirect_dma semaphore(%run_scoped3A_356 : memref<!tpu.dma_semaphore, #tpu.memory_space<semaphore_mem>>) src(%arg10 : memref<128x128xf32, #tpu.memory_space<vmem>>) dst(%dma_wait3A_368 : memref<10240x128xf32, #tpu.memory_space<vmem_shared>>)
        tpu.yield
      }) : () -> ()
      %add3A_337 = arith.constant 2 : i32
      %add3A_338 = arith.addi %mul3A_322, %add3A_337 : i32
      %dma_start3A_339 = arith.constant 0 : i32
      %dma_start3A_340 = tpu.memref_slice %arg6[%add3A_338, %dma_start3A_339] : memref<16x128xi32, #tpu.memory_space<vmem>> -> memref<1x128xi32, #tpu.memory_space<vmem>>
      %dma_start3A_341 = tpu.memref_squeeze %dma_start3A_340 : memref<1x128xi32, #tpu.memory_space<vmem>> -> memref<128xi32, #tpu.memory_space<vmem>>
      %dma_start3A_342 = arith.constant 0 : i32
      %dma_start3A_343 = arith.constant 0 : i32
      %dma_start3A_344 = tpu.memref_slice %arg2[%dma_start3A_342, %dma_start3A_343] : memref<10000x128xf32, #tpu.memory_space<hbm>> -> memref<10000x128xf32, #tpu.memory_space<hbm>>
      tpu.enqueue_indirect_dma source(%dma_start3A_344 : memref<10000x128xf32, #tpu.memory_space<hbm>>) target(%arg10 : memref<128x128xf32, #tpu.memory_space<vmem>>) offsets(%dma_start3A_341 : memref<128xi32, #tpu.memory_space<vmem>>) semaphore(%arg14 : memref<!tpu.dma_semaphore, #tpu.memory_space<semaphore_mem>>)
      %add3A_345 = arith.constant 1 : i32
      %add3A_346 = arith.addi %mul3A_322, %add3A_345 : i32
      %dma_wait3A_347 = arith.constant 0 : i32
      %dma_wait3A_348 = tpu.memref_slice %arg6[%add3A_346, %dma_wait3A_347] : memref<16x128xi32, #tpu.memory_space<vmem>> -> memref<1x128xi32, #tpu.memory_space<vmem>>
      %dma_wait3A_349 = tpu.memref_squeeze %dma_wait3A_348 : memref<1x128xi32, #tpu.memory_space<vmem>> -> memref<128xi32, #tpu.memory_space<vmem>>
      %dma_wait3A_350 = arith.constant 0 : i32
      %dma_wait3A_351 = arith.constant 0 : i32
      %dma_wait3A_352 = tpu.memref_slice %arg2[%dma_wait3A_350, %dma_wait3A_351] : memref<10000x128xf32, #tpu.memory_space<hbm>> -> memref<10000x128xf32, #tpu.memory_space<hbm>>
      tpu.wait_indirect_dma semaphore(%arg15 : memref<!tpu.dma_semaphore, #tpu.memory_space<semaphore_mem>>) src(%dma_wait3A_352 : memref<10000x128xf32, #tpu.memory_space<hbm>>) dst(%arg11 : memref<128x128xf32, #tpu.memory_space<vmem>>)
      %add3A_353 = arith.constant 1 : i32
      %add3A_354 = arith.addi %mul3A_322, %add3A_353 : i32
      "tpu.region"() ({
        %run_scoped3A_356 = tpu.sem_alloc : memref<!tpu.dma_semaphore, #tpu.memory_space<semaphore_mem>>
        %dma_start3A_357 = arith.constant 0 : i32
        %dma_start3A_358 = tpu.memref_slice %arg7[%add3A_354, %dma_start3A_357] : memref<16x128xi32, #tpu.memory_space<vmem>> -> memref<1x128xi32, #tpu.memory_space<vmem>>
        %dma_start3A_359 = tpu.memref_squeeze %dma_start3A_358 : memref<1x128xi32, #tpu.memory_space<vmem>> -> memref<128xi32, #tpu.memory_space<vmem>>
        %dma_start3A_360 = arith.constant 0 : i32
        %dma_start3A_361 = arith.constant 0 : i32
        %dma_start3A_362 = tpu.memref_slice %arg12[%dma_start3A_360, %dma_start3A_361] : memref<10240x128xf32, #tpu.memory_space<vmem_shared>> -> memref<10240x128xf32, #tpu.memory_space<vmem_shared>>
        tpu.enqueue_indirect_dma source(%arg11 : memref<128x128xf32, #tpu.memory_space<vmem>>) target(%dma_start3A_362 : memref<10240x128xf32, #tpu.memory_space<vmem_shared>>) offsets(%dma_start3A_359 : memref<128xi32, #tpu.memory_space<vmem>>) semaphore(%run_scoped3A_356 : memref<!tpu.dma_semaphore, #tpu.memory_space<semaphore_mem>>) {add = true}
        %dma_wait3A_363 = arith.constant 0 : i32
        %dma_wait3A_364 = tpu.memref_slice %arg7[%add3A_354, %dma_wait3A_363] : memref<16x128xi32, #tpu.memory_space<vmem>> -> memref<1x128xi32, #tpu.memory_space<vmem>>
        %dma_wait3A_365 = tpu.memref_squeeze %dma_wait3A_364 : memref<1x128xi32, #tpu.memory_space<vmem>> -> memref<128xi32, #tpu.memory_space<vmem>>
        %dma_wait3A_366 = arith.constant 0 : i32
        %dma_wait3A_367 = arith.constant 0 : i32
        %dma_wait3A_368 = tpu.memref_slice %arg12[%dma_wait3A_366, %dma_wait3A_367] : memref<10240x128xf32, #tpu.memory_space<vmem_shared>> -> memref<10240x128xf32, #tpu.memory_space<vmem_shared>>
        tpu.wait_indirect_dma semaphore(%run_scoped3A_356 : memref<!tpu.dma_semaphore, #tpu.memory_space<semaphore_mem>>) src(%arg11 : memref<128x128xf32, #tpu.memory_space<vmem>>) dst(%dma_wait3A_368 : memref<10240x128xf32, #tpu.memory_space<vmem_shared>>)
        tpu.yield
      }) : () -> ()
      %scan3A_355 = arith.constant 0 : i32
      scf.yield %scan3A_355 : i32
    }
    %scan3A_63 = arith.constant 7 : i32
    %dma_wait3A_64 = arith.constant 14 : i32
    %dma_wait3A_65 = arith.constant 0 : i32
    %dma_wait3A_66 = tpu.memref_slice %arg6[%dma_wait3A_64, %dma_wait3A_65] : memref<16x128xi32, #tpu.memory_space<vmem>> -> memref<1x128xi32, #tpu.memory_space<vmem>>
    %dma_wait3A_67 = tpu.memref_squeeze %dma_wait3A_66 : memref<1x128xi32, #tpu.memory_space<vmem>> -> memref<128xi32, #tpu.memory_space<vmem>>
    %dma_wait3A_68 = arith.constant 0 : i32
    %dma_wait3A_69 = arith.constant 0 : i32
    %dma_wait3A_70 = tpu.memref_slice %arg2[%dma_wait3A_68, %dma_wait3A_69] : memref<10000x128xf32, #tpu.memory_space<hbm>> -> memref<10000x128xf32, #tpu.memory_space<hbm>>
    tpu.wait_indirect_dma semaphore(%arg14 : memref<!tpu.dma_semaphore, #tpu.memory_space<semaphore_mem>>) src(%dma_wait3A_70 : memref<10000x128xf32, #tpu.memory_space<hbm>>) dst(%arg10 : memref<128x128xf32, #tpu.memory_space<vmem>>)
    %dma_start3A_71 = arith.constant 15 : i32
    %dma_start3A_72 = arith.constant 0 : i32
    %dma_start3A_73 = tpu.memref_slice %arg6[%dma_start3A_71, %dma_start3A_72] : memref<16x128xi32, #tpu.memory_space<vmem>> -> memref<1x128xi32, #tpu.memory_space<vmem>>
    %dma_start3A_74 = tpu.memref_squeeze %dma_start3A_73 : memref<1x128xi32, #tpu.memory_space<vmem>> -> memref<128xi32, #tpu.memory_space<vmem>>
    %dma_start3A_75 = arith.constant 0 : i32
    %dma_start3A_76 = arith.constant 0 : i32
    %dma_start3A_77 = tpu.memref_slice %arg2[%dma_start3A_75, %dma_start3A_76] : memref<10000x128xf32, #tpu.memory_space<hbm>> -> memref<10000x128xf32, #tpu.memory_space<hbm>>
    tpu.enqueue_indirect_dma source(%dma_start3A_77 : memref<10000x128xf32, #tpu.memory_space<hbm>>) target(%arg11 : memref<128x128xf32, #tpu.memory_space<vmem>>) offsets(%dma_start3A_74 : memref<128xi32, #tpu.memory_space<vmem>>) semaphore(%arg15 : memref<!tpu.dma_semaphore, #tpu.memory_space<semaphore_mem>>)
    %run_scoped3A = arith.constant 14 : i32
    "tpu.region"() ({
      %run_scoped3A_319 = tpu.sem_alloc : memref<!tpu.dma_semaphore, #tpu.memory_space<semaphore_mem>>
      %dma_start3A_320 = arith.constant 0 : i32
      %dma_start3A_321 = tpu.memref_slice %arg7[%run_scoped3A, %dma_start3A_320] : memref<16x128xi32, #tpu.memory_space<vmem>> -> memref<1x128xi32, #tpu.memory_space<vmem>>
      %dma_start3A_322 = tpu.memref_squeeze %dma_start3A_321 : memref<1x128xi32, #tpu.memory_space<vmem>> -> memref<128xi32, #tpu.memory_space<vmem>>
      %dma_start3A_323 = arith.constant 0 : i32
      %dma_start3A_324 = arith.constant 0 : i32
      %dma_start3A_325 = tpu.memref_slice %arg12[%dma_start3A_323, %dma_start3A_324] : memref<10240x128xf32, #tpu.memory_space<vmem_shared>> -> memref<10240x128xf32, #tpu.memory_space<vmem_shared>>
      tpu.enqueue_indirect_dma source(%arg10 : memref<128x128xf32, #tpu.memory_space<vmem>>) target(%dma_start3A_325 : memref<10240x128xf32, #tpu.memory_space<vmem_shared>>) offsets(%dma_start3A_322 : memref<128xi32, #tpu.memory_space<vmem>>) semaphore(%run_scoped3A_319 : memref<!tpu.dma_semaphore, #tpu.memory_space<semaphore_mem>>) {add = true}
      %dma_wait3A_326 = arith.constant 0 : i32
      %dma_wait3A_327 = tpu.memref_slice %arg7[%run_scoped3A, %dma_wait3A_326] : memref<16x128xi32, #tpu.memory_space<vmem>> -> memref<1x128xi32, #tpu.memory_space<vmem>>
      %dma_wait3A_328 = tpu.memref_squeeze %dma_wait3A_327 : memref<1x128xi32, #tpu.memory_space<vmem>> -> memref<128xi32, #tpu.memory_space<vmem>>
      %dma_wait3A_329 = arith.constant 0 : i32
      %dma_wait3A_330 = arith.constant 0 : i32
      %dma_wait3A_331 = tpu.memref_slice %arg12[%dma_wait3A_329, %dma_wait3A_330] : memref<10240x128xf32, #tpu.memory_space<vmem_shared>> -> memref<10240x128xf32, #tpu.memory_space<vmem_shared>>
      tpu.wait_indirect_dma semaphore(%run_scoped3A_319 : memref<!tpu.dma_semaphore, #tpu.memory_space<semaphore_mem>>) src(%arg10 : memref<128x128xf32, #tpu.memory_space<vmem>>) dst(%dma_wait3A_331 : memref<10240x128xf32, #tpu.memory_space<vmem_shared>>)
      tpu.yield
    }) : () -> ()
    %mul3A_78 = arith.constant 80 : i32
    %mul3A_79 = arith.muli %add3A, %mul3A_78 : i32
    %add3A_80 = arith.constant 16 : i32
    %add3A_81 = arith.addi %mul3A_79, %add3A_80 : i32
    %dma_wait3A_82 = arith.constant 0 : i32
    %dma_wait3A_83 = tpu.memref_slice %arg3[%add3A_81, %dma_wait3A_82] : memref<2560x128xi32, #tpu.memory_space<hbm>> -> memref<16x128xi32, #tpu.memory_space<hbm>>
    %dma_wait3A_84 = arith.constant 0 : i32
    %dma_wait3A_85 = tpu.memref_slice %arg3[%add3A_81, %dma_wait3A_84] : memref<2560x128xi32, #tpu.memory_space<hbm>> -> memref<16x128xi32, #tpu.memory_space<hbm>>
    tpu.wait_dma2 semaphore(%arg13 : memref<!tpu.dma_semaphore, #tpu.memory_space<semaphore_mem>>) src(%dma_wait3A_85 : memref<16x128xi32, #tpu.memory_space<hbm>>) dst(%arg8 : memref<16x128xi32, #tpu.memory_space<vmem>>)
    %dma_wait3A_86 = arith.constant 0 : i32
    %dma_wait3A_87 = tpu.memref_slice %arg4[%add3A_81, %dma_wait3A_86] : memref<2560x128xi32, #tpu.memory_space<hbm>> -> memref<16x128xi32, #tpu.memory_space<hbm>>
    %dma_wait3A_88 = arith.constant 0 : i32
    %dma_wait3A_89 = tpu.memref_slice %arg4[%add3A_81, %dma_wait3A_88] : memref<2560x128xi32, #tpu.memory_space<hbm>> -> memref<16x128xi32, #tpu.memory_space<hbm>>
    tpu.wait_dma2 semaphore(%arg13 : memref<!tpu.dma_semaphore, #tpu.memory_space<semaphore_mem>>) src(%dma_wait3A_89 : memref<16x128xi32, #tpu.memory_space<hbm>>) dst(%arg9 : memref<16x128xi32, #tpu.memory_space<vmem>>)
    %dma_start3A_90 = arith.constant 0 : i32
    %dma_start3A_91 = arith.constant 0 : i32
    %dma_start3A_92 = tpu.memref_slice %arg8[%dma_start3A_90, %dma_start3A_91] : memref<16x128xi32, #tpu.memory_space<vmem>> -> memref<1x128xi32, #tpu.memory_space<vmem>>
    %dma_start3A_93 = tpu.memref_squeeze %dma_start3A_92 : memref<1x128xi32, #tpu.memory_space<vmem>> -> memref<128xi32, #tpu.memory_space<vmem>>
    %dma_start3A_94 = arith.constant 0 : i32
    %dma_start3A_95 = arith.constant 0 : i32
    %dma_start3A_96 = tpu.memref_slice %arg2[%dma_start3A_94, %dma_start3A_95] : memref<10000x128xf32, #tpu.memory_space<hbm>> -> memref<10000x128xf32, #tpu.memory_space<hbm>>
    tpu.enqueue_indirect_dma source(%dma_start3A_96 : memref<10000x128xf32, #tpu.memory_space<hbm>>) target(%arg10 : memref<128x128xf32, #tpu.memory_space<vmem>>) offsets(%dma_start3A_93 : memref<128xi32, #tpu.memory_space<vmem>>) semaphore(%arg14 : memref<!tpu.dma_semaphore, #tpu.memory_space<semaphore_mem>>)
    %dma_wait3A_97 = arith.constant 15 : i32
    %dma_wait3A_98 = arith.constant 0 : i32
    %dma_wait3A_99 = tpu.memref_slice %arg6[%dma_wait3A_97, %dma_wait3A_98] : memref<16x128xi32, #tpu.memory_space<vmem>> -> memref<1x128xi32, #tpu.memory_space<vmem>>
    %dma_wait3A_100 = tpu.memref_squeeze %dma_wait3A_99 : memref<1x128xi32, #tpu.memory_space<vmem>> -> memref<128xi32, #tpu.memory_space<vmem>>
    %dma_wait3A_101 = arith.constant 0 : i32
    %dma_wait3A_102 = arith.constant 0 : i32
    %dma_wait3A_103 = tpu.memref_slice %arg2[%dma_wait3A_101, %dma_wait3A_102] : memref<10000x128xf32, #tpu.memory_space<hbm>> -> memref<10000x128xf32, #tpu.memory_space<hbm>>
    tpu.wait_indirect_dma semaphore(%arg15 : memref<!tpu.dma_semaphore, #tpu.memory_space<semaphore_mem>>) src(%dma_wait3A_103 : memref<10000x128xf32, #tpu.memory_space<hbm>>) dst(%arg11 : memref<128x128xf32, #tpu.memory_space<vmem>>)
    %run_scoped3A_104 = arith.constant 15 : i32
    "tpu.region"() ({
      %run_scoped3A_319 = tpu.sem_alloc : memref<!tpu.dma_semaphore, #tpu.memory_space<semaphore_mem>>
      %dma_start3A_320 = arith.constant 0 : i32
      %dma_start3A_321 = tpu.memref_slice %arg7[%run_scoped3A_104, %dma_start3A_320] : memref<16x128xi32, #tpu.memory_space<vmem>> -> memref<1x128xi32, #tpu.memory_space<vmem>>
      %dma_start3A_322 = tpu.memref_squeeze %dma_start3A_321 : memref<1x128xi32, #tpu.memory_space<vmem>> -> memref<128xi32, #tpu.memory_space<vmem>>
      %dma_start3A_323 = arith.constant 0 : i32
      %dma_start3A_324 = arith.constant 0 : i32
      %dma_start3A_325 = tpu.memref_slice %arg12[%dma_start3A_323, %dma_start3A_324] : memref<10240x128xf32, #tpu.memory_space<vmem_shared>> -> memref<10240x128xf32, #tpu.memory_space<vmem_shared>>
      tpu.enqueue_indirect_dma source(%arg11 : memref<128x128xf32, #tpu.memory_space<vmem>>) target(%dma_start3A_325 : memref<10240x128xf32, #tpu.memory_space<vmem_shared>>) offsets(%dma_start3A_322 : memref<128xi32, #tpu.memory_space<vmem>>) semaphore(%run_scoped3A_319 : memref<!tpu.dma_semaphore, #tpu.memory_space<semaphore_mem>>) {add = true}
      %dma_wait3A_326 = arith.constant 0 : i32
      %dma_wait3A_327 = tpu.memref_slice %arg7[%run_scoped3A_104, %dma_wait3A_326] : memref<16x128xi32, #tpu.memory_space<vmem>> -> memref<1x128xi32, #tpu.memory_space<vmem>>
      %dma_wait3A_328 = tpu.memref_squeeze %dma_wait3A_327 : memref<1x128xi32, #tpu.memory_space<vmem>> -> memref<128xi32, #tpu.memory_space<vmem>>
      %dma_wait3A_329 = arith.constant 0 : i32
      %dma_wait3A_330 = arith.constant 0 : i32
      %dma_wait3A_331 = tpu.memref_slice %arg12[%dma_wait3A_329, %dma_wait3A_330] : memref<10240x128xf32, #tpu.memory_space<vmem_shared>> -> memref<10240x128xf32, #tpu.memory_space<vmem_shared>>
      tpu.wait_indirect_dma semaphore(%run_scoped3A_319 : memref<!tpu.dma_semaphore, #tpu.memory_space<semaphore_mem>>) src(%arg11 : memref<128x128xf32, #tpu.memory_space<vmem>>) dst(%dma_wait3A_331 : memref<10240x128xf32, #tpu.memory_space<vmem_shared>>)
      tpu.yield
    }) : () -> ()
    %mul3A_105 = arith.constant 80 : i32
    %mul3A_106 = arith.muli %add3A, %mul3A_105 : i32
    %add3A_107 = arith.constant 32 : i32
    %add3A_108 = arith.addi %mul3A_106, %add3A_107 : i32
    %dma_start3A_109 = arith.constant 0 : i32
    %dma_start3A_110 = tpu.memref_slice %arg3[%add3A_108, %dma_start3A_109] : memref<2560x128xi32, #tpu.memory_space<hbm>> -> memref<16x128xi32, #tpu.memory_space<hbm>>
    %dma_start3A_111 = arith.constant 0 : i32
    %dma_start3A_112 = tpu.memref_slice %arg3[%add3A_108, %dma_start3A_111] : memref<2560x128xi32, #tpu.memory_space<hbm>> -> memref<16x128xi32, #tpu.memory_space<hbm>>
    tpu.enqueue_dma source(%dma_start3A_112 : memref<16x128xi32, #tpu.memory_space<hbm>>) target(%arg6 : memref<16x128xi32, #tpu.memory_space<vmem>>) target_semaphore(%arg13 : memref<!tpu.dma_semaphore, #tpu.memory_space<semaphore_mem>>)
    %dma_start3A_113 = arith.constant 0 : i32
    %dma_start3A_114 = tpu.memref_slice %arg4[%add3A_108, %dma_start3A_113] : memref<2560x128xi32, #tpu.memory_space<hbm>> -> memref<16x128xi32, #tpu.memory_space<hbm>>
    %dma_start3A_115 = arith.constant 0 : i32
    %dma_start3A_116 = tpu.memref_slice %arg4[%add3A_108, %dma_start3A_115] : memref<2560x128xi32, #tpu.memory_space<hbm>> -> memref<16x128xi32, #tpu.memory_space<hbm>>
    tpu.enqueue_dma source(%dma_start3A_116 : memref<16x128xi32, #tpu.memory_space<hbm>>) target(%arg7 : memref<16x128xi32, #tpu.memory_space<vmem>>) target_semaphore(%arg13 : memref<!tpu.dma_semaphore, #tpu.memory_space<semaphore_mem>>)
    %scan3A_117 = arith.constant 0 : i32
    %scan3A_118 = arith.constant 0 : i32
    %scan3A_119 = arith.constant 7 : i32
    %scan3A_120 = arith.addi %scan3A_118, %scan3A_119 : i32
    %scan3A_121 = arith.constant 1 : i32
    %scan3A_122 = scf.for %scan3A_319 = %scan3A_118 to %scan3A_120 step %scan3A_121 iter_args(%scan3A_320 = %scan3A_117) -> (i32)  : i32 {
      %mul3A_321 = arith.constant 2 : i32
      %mul3A_322 = arith.muli %mul3A_321, %scan3A_319 : i32
      %dma_wait3A_323 = arith.constant 0 : i32
      %dma_wait3A_324 = tpu.memref_slice %arg8[%mul3A_322, %dma_wait3A_323] : memref<16x128xi32, #tpu.memory_space<vmem>> -> memref<1x128xi32, #tpu.memory_space<vmem>>
      %dma_wait3A_325 = tpu.memref_squeeze %dma_wait3A_324 : memref<1x128xi32, #tpu.memory_space<vmem>> -> memref<128xi32, #tpu.memory_space<vmem>>
      %dma_wait3A_326 = arith.constant 0 : i32
      %dma_wait3A_327 = arith.constant 0 : i32
      %dma_wait3A_328 = tpu.memref_slice %arg2[%dma_wait3A_326, %dma_wait3A_327] : memref<10000x128xf32, #tpu.memory_space<hbm>> -> memref<10000x128xf32, #tpu.memory_space<hbm>>
      tpu.wait_indirect_dma semaphore(%arg14 : memref<!tpu.dma_semaphore, #tpu.memory_space<semaphore_mem>>) src(%dma_wait3A_328 : memref<10000x128xf32, #tpu.memory_space<hbm>>) dst(%arg10 : memref<128x128xf32, #tpu.memory_space<vmem>>)
      %add3A_329 = arith.constant 1 : i32
      %add3A_330 = arith.addi %mul3A_322, %add3A_329 : i32
      %dma_start3A_331 = arith.constant 0 : i32
      %dma_start3A_332 = tpu.memref_slice %arg8[%add3A_330, %dma_start3A_331] : memref<16x128xi32, #tpu.memory_space<vmem>> -> memref<1x128xi32, #tpu.memory_space<vmem>>
      %dma_start3A_333 = tpu.memref_squeeze %dma_start3A_332 : memref<1x128xi32, #tpu.memory_space<vmem>> -> memref<128xi32, #tpu.memory_space<vmem>>
      %dma_start3A_334 = arith.constant 0 : i32
      %dma_start3A_335 = arith.constant 0 : i32
      %dma_start3A_336 = tpu.memref_slice %arg2[%dma_start3A_334, %dma_start3A_335] : memref<10000x128xf32, #tpu.memory_space<hbm>> -> memref<10000x128xf32, #tpu.memory_space<hbm>>
      tpu.enqueue_indirect_dma source(%dma_start3A_336 : memref<10000x128xf32, #tpu.memory_space<hbm>>) target(%arg11 : memref<128x128xf32, #tpu.memory_space<vmem>>) offsets(%dma_start3A_333 : memref<128xi32, #tpu.memory_space<vmem>>) semaphore(%arg15 : memref<!tpu.dma_semaphore, #tpu.memory_space<semaphore_mem>>)
      "tpu.region"() ({
        %run_scoped3A_356 = tpu.sem_alloc : memref<!tpu.dma_semaphore, #tpu.memory_space<semaphore_mem>>
        %dma_start3A_357 = arith.constant 0 : i32
        %dma_start3A_358 = tpu.memref_slice %arg9[%mul3A_322, %dma_start3A_357] : memref<16x128xi32, #tpu.memory_space<vmem>> -> memref<1x128xi32, #tpu.memory_space<vmem>>
        %dma_start3A_359 = tpu.memref_squeeze %dma_start3A_358 : memref<1x128xi32, #tpu.memory_space<vmem>> -> memref<128xi32, #tpu.memory_space<vmem>>
        %dma_start3A_360 = arith.constant 0 : i32
        %dma_start3A_361 = arith.constant 0 : i32
        %dma_start3A_362 = tpu.memref_slice %arg12[%dma_start3A_360, %dma_start3A_361] : memref<10240x128xf32, #tpu.memory_space<vmem_shared>> -> memref<10240x128xf32, #tpu.memory_space<vmem_shared>>
        tpu.enqueue_indirect_dma source(%arg10 : memref<128x128xf32, #tpu.memory_space<vmem>>) target(%dma_start3A_362 : memref<10240x128xf32, #tpu.memory_space<vmem_shared>>) offsets(%dma_start3A_359 : memref<128xi32, #tpu.memory_space<vmem>>) semaphore(%run_scoped3A_356 : memref<!tpu.dma_semaphore, #tpu.memory_space<semaphore_mem>>) {add = true}
        %dma_wait3A_363 = arith.constant 0 : i32
        %dma_wait3A_364 = tpu.memref_slice %arg9[%mul3A_322, %dma_wait3A_363] : memref<16x128xi32, #tpu.memory_space<vmem>> -> memref<1x128xi32, #tpu.memory_space<vmem>>
        %dma_wait3A_365 = tpu.memref_squeeze %dma_wait3A_364 : memref<1x128xi32, #tpu.memory_space<vmem>> -> memref<128xi32, #tpu.memory_space<vmem>>
        %dma_wait3A_366 = arith.constant 0 : i32
        %dma_wait3A_367 = arith.constant 0 : i32
        %dma_wait3A_368 = tpu.memref_slice %arg12[%dma_wait3A_366, %dma_wait3A_367] : memref<10240x128xf32, #tpu.memory_space<vmem_shared>> -> memref<10240x128xf32, #tpu.memory_space<vmem_shared>>
        tpu.wait_indirect_dma semaphore(%run_scoped3A_356 : memref<!tpu.dma_semaphore, #tpu.memory_space<semaphore_mem>>) src(%arg10 : memref<128x128xf32, #tpu.memory_space<vmem>>) dst(%dma_wait3A_368 : memref<10240x128xf32, #tpu.memory_space<vmem_shared>>)
        tpu.yield
      }) : () -> ()
      %add3A_337 = arith.constant 2 : i32
      %add3A_338 = arith.addi %mul3A_322, %add3A_337 : i32
      %dma_start3A_339 = arith.constant 0 : i32
      %dma_start3A_340 = tpu.memref_slice %arg8[%add3A_338, %dma_start3A_339] : memref<16x128xi32, #tpu.memory_space<vmem>> -> memref<1x128xi32, #tpu.memory_space<vmem>>
      %dma_start3A_341 = tpu.memref_squeeze %dma_start3A_340 : memref<1x128xi32, #tpu.memory_space<vmem>> -> memref<128xi32, #tpu.memory_space<vmem>>
      %dma_start3A_342 = arith.constant 0 : i32
      %dma_start3A_343 = arith.constant 0 : i32
      %dma_start3A_344 = tpu.memref_slice %arg2[%dma_start3A_342, %dma_start3A_343] : memref<10000x128xf32, #tpu.memory_space<hbm>> -> memref<10000x128xf32, #tpu.memory_space<hbm>>
      tpu.enqueue_indirect_dma source(%dma_start3A_344 : memref<10000x128xf32, #tpu.memory_space<hbm>>) target(%arg10 : memref<128x128xf32, #tpu.memory_space<vmem>>) offsets(%dma_start3A_341 : memref<128xi32, #tpu.memory_space<vmem>>) semaphore(%arg14 : memref<!tpu.dma_semaphore, #tpu.memory_space<semaphore_mem>>)
      %add3A_345 = arith.constant 1 : i32
      %add3A_346 = arith.addi %mul3A_322, %add3A_345 : i32
      %dma_wait3A_347 = arith.constant 0 : i32
      %dma_wait3A_348 = tpu.memref_slice %arg8[%add3A_346, %dma_wait3A_347] : memref<16x128xi32, #tpu.memory_space<vmem>> -> memref<1x128xi32, #tpu.memory_space<vmem>>
      %dma_wait3A_349 = tpu.memref_squeeze %dma_wait3A_348 : memref<1x128xi32, #tpu.memory_space<vmem>> -> memref<128xi32, #tpu.memory_space<vmem>>
      %dma_wait3A_350 = arith.constant 0 : i32
      %dma_wait3A_351 = arith.constant 0 : i32
      %dma_wait3A_352 = tpu.memref_slice %arg2[%dma_wait3A_350, %dma_wait3A_351] : memref<10000x128xf32, #tpu.memory_space<hbm>> -> memref<10000x128xf32, #tpu.memory_space<hbm>>
      tpu.wait_indirect_dma semaphore(%arg15 : memref<!tpu.dma_semaphore, #tpu.memory_space<semaphore_mem>>) src(%dma_wait3A_352 : memref<10000x128xf32, #tpu.memory_space<hbm>>) dst(%arg11 : memref<128x128xf32, #tpu.memory_space<vmem>>)
      %add3A_353 = arith.constant 1 : i32
      %add3A_354 = arith.addi %mul3A_322, %add3A_353 : i32
      "tpu.region"() ({
        %run_scoped3A_356 = tpu.sem_alloc : memref<!tpu.dma_semaphore, #tpu.memory_space<semaphore_mem>>
        %dma_start3A_357 = arith.constant 0 : i32
        %dma_start3A_358 = tpu.memref_slice %arg9[%add3A_354, %dma_start3A_357] : memref<16x128xi32, #tpu.memory_space<vmem>> -> memref<1x128xi32, #tpu.memory_space<vmem>>
        %dma_start3A_359 = tpu.memref_squeeze %dma_start3A_358 : memref<1x128xi32, #tpu.memory_space<vmem>> -> memref<128xi32, #tpu.memory_space<vmem>>
        %dma_start3A_360 = arith.constant 0 : i32
        %dma_start3A_361 = arith.constant 0 : i32
        %dma_start3A_362 = tpu.memref_slice %arg12[%dma_start3A_360, %dma_start3A_361] : memref<10240x128xf32, #tpu.memory_space<vmem_shared>> -> memref<10240x128xf32, #tpu.memory_space<vmem_shared>>
        tpu.enqueue_indirect_dma source(%arg11 : memref<128x128xf32, #tpu.memory_space<vmem>>) target(%dma_start3A_362 : memref<10240x128xf32, #tpu.memory_space<vmem_shared>>) offsets(%dma_start3A_359 : memref<128xi32, #tpu.memory_space<vmem>>) semaphore(%run_scoped3A_356 : memref<!tpu.dma_semaphore, #tpu.memory_space<semaphore_mem>>) {add = true}
        %dma_wait3A_363 = arith.constant 0 : i32
        %dma_wait3A_364 = tpu.memref_slice %arg9[%add3A_354, %dma_wait3A_363] : memref<16x128xi32, #tpu.memory_space<vmem>> -> memref<1x128xi32, #tpu.memory_space<vmem>>
        %dma_wait3A_365 = tpu.memref_squeeze %dma_wait3A_364 : memref<1x128xi32, #tpu.memory_space<vmem>> -> memref<128xi32, #tpu.memory_space<vmem>>
        %dma_wait3A_366 = arith.constant 0 : i32
        %dma_wait3A_367 = arith.constant 0 : i32
        %dma_wait3A_368 = tpu.memref_slice %arg12[%dma_wait3A_366, %dma_wait3A_367] : memref<10240x128xf32, #tpu.memory_space<vmem_shared>> -> memref<10240x128xf32, #tpu.memory_space<vmem_shared>>
        tpu.wait_indirect_dma semaphore(%run_scoped3A_356 : memref<!tpu.dma_semaphore, #tpu.memory_space<semaphore_mem>>) src(%arg11 : memref<128x128xf32, #tpu.memory_space<vmem>>) dst(%dma_wait3A_368 : memref<10240x128xf32, #tpu.memory_space<vmem_shared>>)
        tpu.yield
      }) : () -> ()
      %scan3A_355 = arith.constant 0 : i32
      scf.yield %scan3A_355 : i32
    }
    %scan3A_123 = arith.constant 7 : i32
    %dma_wait3A_124 = arith.constant 14 : i32
    %dma_wait3A_125 = arith.constant 0 : i32
    %dma_wait3A_126 = tpu.memref_slice %arg8[%dma_wait3A_124, %dma_wait3A_125] : memref<16x128xi32, #tpu.memory_space<vmem>> -> memref<1x128xi32, #tpu.memory_space<vmem>>
    %dma_wait3A_127 = tpu.memref_squeeze %dma_wait3A_126 : memref<1x128xi32, #tpu.memory_space<vmem>> -> memref<128xi32, #tpu.memory_space<vmem>>
    %dma_wait3A_128 = arith.constant 0 : i32
    %dma_wait3A_129 = arith.constant 0 : i32
    %dma_wait3A_130 = tpu.memref_slice %arg2[%dma_wait3A_128, %dma_wait3A_129] : memref<10000x128xf32, #tpu.memory_space<hbm>> -> memref<10000x128xf32, #tpu.memory_space<hbm>>
    tpu.wait_indirect_dma semaphore(%arg14 : memref<!tpu.dma_semaphore, #tpu.memory_space<semaphore_mem>>) src(%dma_wait3A_130 : memref<10000x128xf32, #tpu.memory_space<hbm>>) dst(%arg10 : memref<128x128xf32, #tpu.memory_space<vmem>>)
    %dma_start3A_131 = arith.constant 15 : i32
    %dma_start3A_132 = arith.constant 0 : i32
    %dma_start3A_133 = tpu.memref_slice %arg8[%dma_start3A_131, %dma_start3A_132] : memref<16x128xi32, #tpu.memory_space<vmem>> -> memref<1x128xi32, #tpu.memory_space<vmem>>
    %dma_start3A_134 = tpu.memref_squeeze %dma_start3A_133 : memref<1x128xi32, #tpu.memory_space<vmem>> -> memref<128xi32, #tpu.memory_space<vmem>>
    %dma_start3A_135 = arith.constant 0 : i32
    %dma_start3A_136 = arith.constant 0 : i32
    %dma_start3A_137 = tpu.memref_slice %arg2[%dma_start3A_135, %dma_start3A_136] : memref<10000x128xf32, #tpu.memory_space<hbm>> -> memref<10000x128xf32, #tpu.memory_space<hbm>>
    tpu.enqueue_indirect_dma source(%dma_start3A_137 : memref<10000x128xf32, #tpu.memory_space<hbm>>) target(%arg11 : memref<128x128xf32, #tpu.memory_space<vmem>>) offsets(%dma_start3A_134 : memref<128xi32, #tpu.memory_space<vmem>>) semaphore(%arg15 : memref<!tpu.dma_semaphore, #tpu.memory_space<semaphore_mem>>)
    %run_scoped3A_138 = arith.constant 14 : i32
    "tpu.region"() ({
      %run_scoped3A_319 = tpu.sem_alloc : memref<!tpu.dma_semaphore, #tpu.memory_space<semaphore_mem>>
      %dma_start3A_320 = arith.constant 0 : i32
      %dma_start3A_321 = tpu.memref_slice %arg9[%run_scoped3A_138, %dma_start3A_320] : memref<16x128xi32, #tpu.memory_space<vmem>> -> memref<1x128xi32, #tpu.memory_space<vmem>>
      %dma_start3A_322 = tpu.memref_squeeze %dma_start3A_321 : memref<1x128xi32, #tpu.memory_space<vmem>> -> memref<128xi32, #tpu.memory_space<vmem>>
      %dma_start3A_323 = arith.constant 0 : i32
      %dma_start3A_324 = arith.constant 0 : i32
      %dma_start3A_325 = tpu.memref_slice %arg12[%dma_start3A_323, %dma_start3A_324] : memref<10240x128xf32, #tpu.memory_space<vmem_shared>> -> memref<10240x128xf32, #tpu.memory_space<vmem_shared>>
      tpu.enqueue_indirect_dma source(%arg10 : memref<128x128xf32, #tpu.memory_space<vmem>>) target(%dma_start3A_325 : memref<10240x128xf32, #tpu.memory_space<vmem_shared>>) offsets(%dma_start3A_322 : memref<128xi32, #tpu.memory_space<vmem>>) semaphore(%run_scoped3A_319 : memref<!tpu.dma_semaphore, #tpu.memory_space<semaphore_mem>>) {add = true}
      %dma_wait3A_326 = arith.constant 0 : i32
      %dma_wait3A_327 = tpu.memref_slice %arg9[%run_scoped3A_138, %dma_wait3A_326] : memref<16x128xi32, #tpu.memory_space<vmem>> -> memref<1x128xi32, #tpu.memory_space<vmem>>
      %dma_wait3A_328 = tpu.memref_squeeze %dma_wait3A_327 : memref<1x128xi32, #tpu.memory_space<vmem>> -> memref<128xi32, #tpu.memory_space<vmem>>
      %dma_wait3A_329 = arith.constant 0 : i32
      %dma_wait3A_330 = arith.constant 0 : i32
      %dma_wait3A_331 = tpu.memref_slice %arg12[%dma_wait3A_329, %dma_wait3A_330] : memref<10240x128xf32, #tpu.memory_space<vmem_shared>> -> memref<10240x128xf32, #tpu.memory_space<vmem_shared>>
      tpu.wait_indirect_dma semaphore(%run_scoped3A_319 : memref<!tpu.dma_semaphore, #tpu.memory_space<semaphore_mem>>) src(%arg10 : memref<128x128xf32, #tpu.memory_space<vmem>>) dst(%dma_wait3A_331 : memref<10240x128xf32, #tpu.memory_space<vmem_shared>>)
      tpu.yield
    }) : () -> ()
    %mul3A_139 = arith.constant 80 : i32
    %mul3A_140 = arith.muli %add3A, %mul3A_139 : i32
    %add3A_141 = arith.constant 32 : i32
    %add3A_142 = arith.addi %mul3A_140, %add3A_141 : i32
    %dma_wait3A_143 = arith.constant 0 : i32
    %dma_wait3A_144 = tpu.memref_slice %arg3[%add3A_142, %dma_wait3A_143] : memref<2560x128xi32, #tpu.memory_space<hbm>> -> memref<16x128xi32, #tpu.memory_space<hbm>>
    %dma_wait3A_145 = arith.constant 0 : i32
    %dma_wait3A_146 = tpu.memref_slice %arg3[%add3A_142, %dma_wait3A_145] : memref<2560x128xi32, #tpu.memory_space<hbm>> -> memref<16x128xi32, #tpu.memory_space<hbm>>
    tpu.wait_dma2 semaphore(%arg13 : memref<!tpu.dma_semaphore, #tpu.memory_space<semaphore_mem>>) src(%dma_wait3A_146 : memref<16x128xi32, #tpu.memory_space<hbm>>) dst(%arg6 : memref<16x128xi32, #tpu.memory_space<vmem>>)
    %dma_wait3A_147 = arith.constant 0 : i32
    %dma_wait3A_148 = tpu.memref_slice %arg4[%add3A_142, %dma_wait3A_147] : memref<2560x128xi32, #tpu.memory_space<hbm>> -> memref<16x128xi32, #tpu.memory_space<hbm>>
    %dma_wait3A_149 = arith.constant 0 : i32
    %dma_wait3A_150 = tpu.memref_slice %arg4[%add3A_142, %dma_wait3A_149] : memref<2560x128xi32, #tpu.memory_space<hbm>> -> memref<16x128xi32, #tpu.memory_space<hbm>>
    tpu.wait_dma2 semaphore(%arg13 : memref<!tpu.dma_semaphore, #tpu.memory_space<semaphore_mem>>) src(%dma_wait3A_150 : memref<16x128xi32, #tpu.memory_space<hbm>>) dst(%arg7 : memref<16x128xi32, #tpu.memory_space<vmem>>)
    %dma_start3A_151 = arith.constant 0 : i32
    %dma_start3A_152 = arith.constant 0 : i32
    %dma_start3A_153 = tpu.memref_slice %arg6[%dma_start3A_151, %dma_start3A_152] : memref<16x128xi32, #tpu.memory_space<vmem>> -> memref<1x128xi32, #tpu.memory_space<vmem>>
    %dma_start3A_154 = tpu.memref_squeeze %dma_start3A_153 : memref<1x128xi32, #tpu.memory_space<vmem>> -> memref<128xi32, #tpu.memory_space<vmem>>
    %dma_start3A_155 = arith.constant 0 : i32
    %dma_start3A_156 = arith.constant 0 : i32
    %dma_start3A_157 = tpu.memref_slice %arg2[%dma_start3A_155, %dma_start3A_156] : memref<10000x128xf32, #tpu.memory_space<hbm>> -> memref<10000x128xf32, #tpu.memory_space<hbm>>
    tpu.enqueue_indirect_dma source(%dma_start3A_157 : memref<10000x128xf32, #tpu.memory_space<hbm>>) target(%arg10 : memref<128x128xf32, #tpu.memory_space<vmem>>) offsets(%dma_start3A_154 : memref<128xi32, #tpu.memory_space<vmem>>) semaphore(%arg14 : memref<!tpu.dma_semaphore, #tpu.memory_space<semaphore_mem>>)
    %dma_wait3A_158 = arith.constant 15 : i32
    %dma_wait3A_159 = arith.constant 0 : i32
    %dma_wait3A_160 = tpu.memref_slice %arg8[%dma_wait3A_158, %dma_wait3A_159] : memref<16x128xi32, #tpu.memory_space<vmem>> -> memref<1x128xi32, #tpu.memory_space<vmem>>
    %dma_wait3A_161 = tpu.memref_squeeze %dma_wait3A_160 : memref<1x128xi32, #tpu.memory_space<vmem>> -> memref<128xi32, #tpu.memory_space<vmem>>
    %dma_wait3A_162 = arith.constant 0 : i32
    %dma_wait3A_163 = arith.constant 0 : i32
    %dma_wait3A_164 = tpu.memref_slice %arg2[%dma_wait3A_162, %dma_wait3A_163] : memref<10000x128xf32, #tpu.memory_space<hbm>> -> memref<10000x128xf32, #tpu.memory_space<hbm>>
    tpu.wait_indirect_dma semaphore(%arg15 : memref<!tpu.dma_semaphore, #tpu.memory_space<semaphore_mem>>) src(%dma_wait3A_164 : memref<10000x128xf32, #tpu.memory_space<hbm>>) dst(%arg11 : memref<128x128xf32, #tpu.memory_space<vmem>>)
    %run_scoped3A_165 = arith.constant 15 : i32
    "tpu.region"() ({
      %run_scoped3A_319 = tpu.sem_alloc : memref<!tpu.dma_semaphore, #tpu.memory_space<semaphore_mem>>
      %dma_start3A_320 = arith.constant 0 : i32
      %dma_start3A_321 = tpu.memref_slice %arg9[%run_scoped3A_165, %dma_start3A_320] : memref<16x128xi32, #tpu.memory_space<vmem>> -> memref<1x128xi32, #tpu.memory_space<vmem>>
      %dma_start3A_322 = tpu.memref_squeeze %dma_start3A_321 : memref<1x128xi32, #tpu.memory_space<vmem>> -> memref<128xi32, #tpu.memory_space<vmem>>
      %dma_start3A_323 = arith.constant 0 : i32
      %dma_start3A_324 = arith.constant 0 : i32
      %dma_start3A_325 = tpu.memref_slice %arg12[%dma_start3A_323, %dma_start3A_324] : memref<10240x128xf32, #tpu.memory_space<vmem_shared>> -> memref<10240x128xf32, #tpu.memory_space<vmem_shared>>
      tpu.enqueue_indirect_dma source(%arg11 : memref<128x128xf32, #tpu.memory_space<vmem>>) target(%dma_start3A_325 : memref<10240x128xf32, #tpu.memory_space<vmem_shared>>) offsets(%dma_start3A_322 : memref<128xi32, #tpu.memory_space<vmem>>) semaphore(%run_scoped3A_319 : memref<!tpu.dma_semaphore, #tpu.memory_space<semaphore_mem>>) {add = true}
      %dma_wait3A_326 = arith.constant 0 : i32
      %dma_wait3A_327 = tpu.memref_slice %arg9[%run_scoped3A_165, %dma_wait3A_326] : memref<16x128xi32, #tpu.memory_space<vmem>> -> memref<1x128xi32, #tpu.memory_space<vmem>>
      %dma_wait3A_328 = tpu.memref_squeeze %dma_wait3A_327 : memref<1x128xi32, #tpu.memory_space<vmem>> -> memref<128xi32, #tpu.memory_space<vmem>>
      %dma_wait3A_329 = arith.constant 0 : i32
      %dma_wait3A_330 = arith.constant 0 : i32
      %dma_wait3A_331 = tpu.memref_slice %arg12[%dma_wait3A_329, %dma_wait3A_330] : memref<10240x128xf32, #tpu.memory_space<vmem_shared>> -> memref<10240x128xf32, #tpu.memory_space<vmem_shared>>
      tpu.wait_indirect_dma semaphore(%run_scoped3A_319 : memref<!tpu.dma_semaphore, #tpu.memory_space<semaphore_mem>>) src(%arg11 : memref<128x128xf32, #tpu.memory_space<vmem>>) dst(%dma_wait3A_331 : memref<10240x128xf32, #tpu.memory_space<vmem_shared>>)
      tpu.yield
    }) : () -> ()
    %mul3A_166 = arith.constant 80 : i32
    %mul3A_167 = arith.muli %add3A, %mul3A_166 : i32
    %add3A_168 = arith.constant 48 : i32
    %add3A_169 = arith.addi %mul3A_167, %add3A_168 : i32
    %dma_start3A_170 = arith.constant 0 : i32
    %dma_start3A_171 = tpu.memref_slice %arg3[%add3A_169, %dma_start3A_170] : memref<2560x128xi32, #tpu.memory_space<hbm>> -> memref<16x128xi32, #tpu.memory_space<hbm>>
    %dma_start3A_172 = arith.constant 0 : i32
    %dma_start3A_173 = tpu.memref_slice %arg3[%add3A_169, %dma_start3A_172] : memref<2560x128xi32, #tpu.memory_space<hbm>> -> memref<16x128xi32, #tpu.memory_space<hbm>>
    tpu.enqueue_dma source(%dma_start3A_173 : memref<16x128xi32, #tpu.memory_space<hbm>>) target(%arg8 : memref<16x128xi32, #tpu.memory_space<vmem>>) target_semaphore(%arg13 : memref<!tpu.dma_semaphore, #tpu.memory_space<semaphore_mem>>)
    %dma_start3A_174 = arith.constant 0 : i32
    %dma_start3A_175 = tpu.memref_slice %arg4[%add3A_169, %dma_start3A_174] : memref<2560x128xi32, #tpu.memory_space<hbm>> -> memref<16x128xi32, #tpu.memory_space<hbm>>
    %dma_start3A_176 = arith.constant 0 : i32
    %dma_start3A_177 = tpu.memref_slice %arg4[%add3A_169, %dma_start3A_176] : memref<2560x128xi32, #tpu.memory_space<hbm>> -> memref<16x128xi32, #tpu.memory_space<hbm>>
    tpu.enqueue_dma source(%dma_start3A_177 : memref<16x128xi32, #tpu.memory_space<hbm>>) target(%arg9 : memref<16x128xi32, #tpu.memory_space<vmem>>) target_semaphore(%arg13 : memref<!tpu.dma_semaphore, #tpu.memory_space<semaphore_mem>>)
    %scan3A_178 = arith.constant 0 : i32
    %scan3A_179 = arith.constant 0 : i32
    %scan3A_180 = arith.constant 7 : i32
    %scan3A_181 = arith.addi %scan3A_179, %scan3A_180 : i32
    %scan3A_182 = arith.constant 1 : i32
    %scan3A_183 = scf.for %scan3A_319 = %scan3A_179 to %scan3A_181 step %scan3A_182 iter_args(%scan3A_320 = %scan3A_178) -> (i32)  : i32 {
      %mul3A_321 = arith.constant 2 : i32
      %mul3A_322 = arith.muli %mul3A_321, %scan3A_319 : i32
      %dma_wait3A_323 = arith.constant 0 : i32
      %dma_wait3A_324 = tpu.memref_slice %arg6[%mul3A_322, %dma_wait3A_323] : memref<16x128xi32, #tpu.memory_space<vmem>> -> memref<1x128xi32, #tpu.memory_space<vmem>>
      %dma_wait3A_325 = tpu.memref_squeeze %dma_wait3A_324 : memref<1x128xi32, #tpu.memory_space<vmem>> -> memref<128xi32, #tpu.memory_space<vmem>>
      %dma_wait3A_326 = arith.constant 0 : i32
      %dma_wait3A_327 = arith.constant 0 : i32
      %dma_wait3A_328 = tpu.memref_slice %arg2[%dma_wait3A_326, %dma_wait3A_327] : memref<10000x128xf32, #tpu.memory_space<hbm>> -> memref<10000x128xf32, #tpu.memory_space<hbm>>
      tpu.wait_indirect_dma semaphore(%arg14 : memref<!tpu.dma_semaphore, #tpu.memory_space<semaphore_mem>>) src(%dma_wait3A_328 : memref<10000x128xf32, #tpu.memory_space<hbm>>) dst(%arg10 : memref<128x128xf32, #tpu.memory_space<vmem>>)
      %add3A_329 = arith.constant 1 : i32
      %add3A_330 = arith.addi %mul3A_322, %add3A_329 : i32
      %dma_start3A_331 = arith.constant 0 : i32
      %dma_start3A_332 = tpu.memref_slice %arg6[%add3A_330, %dma_start3A_331] : memref<16x128xi32, #tpu.memory_space<vmem>> -> memref<1x128xi32, #tpu.memory_space<vmem>>
      %dma_start3A_333 = tpu.memref_squeeze %dma_start3A_332 : memref<1x128xi32, #tpu.memory_space<vmem>> -> memref<128xi32, #tpu.memory_space<vmem>>
      %dma_start3A_334 = arith.constant 0 : i32
      %dma_start3A_335 = arith.constant 0 : i32
      %dma_start3A_336 = tpu.memref_slice %arg2[%dma_start3A_334, %dma_start3A_335] : memref<10000x128xf32, #tpu.memory_space<hbm>> -> memref<10000x128xf32, #tpu.memory_space<hbm>>
      tpu.enqueue_indirect_dma source(%dma_start3A_336 : memref<10000x128xf32, #tpu.memory_space<hbm>>) target(%arg11 : memref<128x128xf32, #tpu.memory_space<vmem>>) offsets(%dma_start3A_333 : memref<128xi32, #tpu.memory_space<vmem>>) semaphore(%arg15 : memref<!tpu.dma_semaphore, #tpu.memory_space<semaphore_mem>>)
      "tpu.region"() ({
        %run_scoped3A_356 = tpu.sem_alloc : memref<!tpu.dma_semaphore, #tpu.memory_space<semaphore_mem>>
        %dma_start3A_357 = arith.constant 0 : i32
        %dma_start3A_358 = tpu.memref_slice %arg7[%mul3A_322, %dma_start3A_357] : memref<16x128xi32, #tpu.memory_space<vmem>> -> memref<1x128xi32, #tpu.memory_space<vmem>>
        %dma_start3A_359 = tpu.memref_squeeze %dma_start3A_358 : memref<1x128xi32, #tpu.memory_space<vmem>> -> memref<128xi32, #tpu.memory_space<vmem>>
        %dma_start3A_360 = arith.constant 0 : i32
        %dma_start3A_361 = arith.constant 0 : i32
        %dma_start3A_362 = tpu.memref_slice %arg12[%dma_start3A_360, %dma_start3A_361] : memref<10240x128xf32, #tpu.memory_space<vmem_shared>> -> memref<10240x128xf32, #tpu.memory_space<vmem_shared>>
        tpu.enqueue_indirect_dma source(%arg10 : memref<128x128xf32, #tpu.memory_space<vmem>>) target(%dma_start3A_362 : memref<10240x128xf32, #tpu.memory_space<vmem_shared>>) offsets(%dma_start3A_359 : memref<128xi32, #tpu.memory_space<vmem>>) semaphore(%run_scoped3A_356 : memref<!tpu.dma_semaphore, #tpu.memory_space<semaphore_mem>>) {add = true}
        %dma_wait3A_363 = arith.constant 0 : i32
        %dma_wait3A_364 = tpu.memref_slice %arg7[%mul3A_322, %dma_wait3A_363] : memref<16x128xi32, #tpu.memory_space<vmem>> -> memref<1x128xi32, #tpu.memory_space<vmem>>
        %dma_wait3A_365 = tpu.memref_squeeze %dma_wait3A_364 : memref<1x128xi32, #tpu.memory_space<vmem>> -> memref<128xi32, #tpu.memory_space<vmem>>
        %dma_wait3A_366 = arith.constant 0 : i32
        %dma_wait3A_367 = arith.constant 0 : i32
        %dma_wait3A_368 = tpu.memref_slice %arg12[%dma_wait3A_366, %dma_wait3A_367] : memref<10240x128xf32, #tpu.memory_space<vmem_shared>> -> memref<10240x128xf32, #tpu.memory_space<vmem_shared>>
        tpu.wait_indirect_dma semaphore(%run_scoped3A_356 : memref<!tpu.dma_semaphore, #tpu.memory_space<semaphore_mem>>) src(%arg10 : memref<128x128xf32, #tpu.memory_space<vmem>>) dst(%dma_wait3A_368 : memref<10240x128xf32, #tpu.memory_space<vmem_shared>>)
        tpu.yield
      }) : () -> ()
      %add3A_337 = arith.constant 2 : i32
      %add3A_338 = arith.addi %mul3A_322, %add3A_337 : i32
      %dma_start3A_339 = arith.constant 0 : i32
      %dma_start3A_340 = tpu.memref_slice %arg6[%add3A_338, %dma_start3A_339] : memref<16x128xi32, #tpu.memory_space<vmem>> -> memref<1x128xi32, #tpu.memory_space<vmem>>
      %dma_start3A_341 = tpu.memref_squeeze %dma_start3A_340 : memref<1x128xi32, #tpu.memory_space<vmem>> -> memref<128xi32, #tpu.memory_space<vmem>>
      %dma_start3A_342 = arith.constant 0 : i32
      %dma_start3A_343 = arith.constant 0 : i32
      %dma_start3A_344 = tpu.memref_slice %arg2[%dma_start3A_342, %dma_start3A_343] : memref<10000x128xf32, #tpu.memory_space<hbm>> -> memref<10000x128xf32, #tpu.memory_space<hbm>>
      tpu.enqueue_indirect_dma source(%dma_start3A_344 : memref<10000x128xf32, #tpu.memory_space<hbm>>) target(%arg10 : memref<128x128xf32, #tpu.memory_space<vmem>>) offsets(%dma_start3A_341 : memref<128xi32, #tpu.memory_space<vmem>>) semaphore(%arg14 : memref<!tpu.dma_semaphore, #tpu.memory_space<semaphore_mem>>)
      %add3A_345 = arith.constant 1 : i32
      %add3A_346 = arith.addi %mul3A_322, %add3A_345 : i32
      %dma_wait3A_347 = arith.constant 0 : i32
      %dma_wait3A_348 = tpu.memref_slice %arg6[%add3A_346, %dma_wait3A_347] : memref<16x128xi32, #tpu.memory_space<vmem>> -> memref<1x128xi32, #tpu.memory_space<vmem>>
      %dma_wait3A_349 = tpu.memref_squeeze %dma_wait3A_348 : memref<1x128xi32, #tpu.memory_space<vmem>> -> memref<128xi32, #tpu.memory_space<vmem>>
      %dma_wait3A_350 = arith.constant 0 : i32
      %dma_wait3A_351 = arith.constant 0 : i32
      %dma_wait3A_352 = tpu.memref_slice %arg2[%dma_wait3A_350, %dma_wait3A_351] : memref<10000x128xf32, #tpu.memory_space<hbm>> -> memref<10000x128xf32, #tpu.memory_space<hbm>>
      tpu.wait_indirect_dma semaphore(%arg15 : memref<!tpu.dma_semaphore, #tpu.memory_space<semaphore_mem>>) src(%dma_wait3A_352 : memref<10000x128xf32, #tpu.memory_space<hbm>>) dst(%arg11 : memref<128x128xf32, #tpu.memory_space<vmem>>)
      %add3A_353 = arith.constant 1 : i32
      %add3A_354 = arith.addi %mul3A_322, %add3A_353 : i32
      "tpu.region"() ({
        %run_scoped3A_356 = tpu.sem_alloc : memref<!tpu.dma_semaphore, #tpu.memory_space<semaphore_mem>>
        %dma_start3A_357 = arith.constant 0 : i32
        %dma_start3A_358 = tpu.memref_slice %arg7[%add3A_354, %dma_start3A_357] : memref<16x128xi32, #tpu.memory_space<vmem>> -> memref<1x128xi32, #tpu.memory_space<vmem>>
        %dma_start3A_359 = tpu.memref_squeeze %dma_start3A_358 : memref<1x128xi32, #tpu.memory_space<vmem>> -> memref<128xi32, #tpu.memory_space<vmem>>
        %dma_start3A_360 = arith.constant 0 : i32
        %dma_start3A_361 = arith.constant 0 : i32
        %dma_start3A_362 = tpu.memref_slice %arg12[%dma_start3A_360, %dma_start3A_361] : memref<10240x128xf32, #tpu.memory_space<vmem_shared>> -> memref<10240x128xf32, #tpu.memory_space<vmem_shared>>
        tpu.enqueue_indirect_dma source(%arg11 : memref<128x128xf32, #tpu.memory_space<vmem>>) target(%dma_start3A_362 : memref<10240x128xf32, #tpu.memory_space<vmem_shared>>) offsets(%dma_start3A_359 : memref<128xi32, #tpu.memory_space<vmem>>) semaphore(%run_scoped3A_356 : memref<!tpu.dma_semaphore, #tpu.memory_space<semaphore_mem>>) {add = true}
        %dma_wait3A_363 = arith.constant 0 : i32
        %dma_wait3A_364 = tpu.memref_slice %arg7[%add3A_354, %dma_wait3A_363] : memref<16x128xi32, #tpu.memory_space<vmem>> -> memref<1x128xi32, #tpu.memory_space<vmem>>
        %dma_wait3A_365 = tpu.memref_squeeze %dma_wait3A_364 : memref<1x128xi32, #tpu.memory_space<vmem>> -> memref<128xi32, #tpu.memory_space<vmem>>
        %dma_wait3A_366 = arith.constant 0 : i32
        %dma_wait3A_367 = arith.constant 0 : i32
        %dma_wait3A_368 = tpu.memref_slice %arg12[%dma_wait3A_366, %dma_wait3A_367] : memref<10240x128xf32, #tpu.memory_space<vmem_shared>> -> memref<10240x128xf32, #tpu.memory_space<vmem_shared>>
        tpu.wait_indirect_dma semaphore(%run_scoped3A_356 : memref<!tpu.dma_semaphore, #tpu.memory_space<semaphore_mem>>) src(%arg11 : memref<128x128xf32, #tpu.memory_space<vmem>>) dst(%dma_wait3A_368 : memref<10240x128xf32, #tpu.memory_space<vmem_shared>>)
        tpu.yield
      }) : () -> ()
      %scan3A_355 = arith.constant 0 : i32
      scf.yield %scan3A_355 : i32
    }
    %scan3A_184 = arith.constant 7 : i32
    %dma_wait3A_185 = arith.constant 14 : i32
    %dma_wait3A_186 = arith.constant 0 : i32
    %dma_wait3A_187 = tpu.memref_slice %arg6[%dma_wait3A_185, %dma_wait3A_186] : memref<16x128xi32, #tpu.memory_space<vmem>> -> memref<1x128xi32, #tpu.memory_space<vmem>>
    %dma_wait3A_188 = tpu.memref_squeeze %dma_wait3A_187 : memref<1x128xi32, #tpu.memory_space<vmem>> -> memref<128xi32, #tpu.memory_space<vmem>>
    %dma_wait3A_189 = arith.constant 0 : i32
    %dma_wait3A_190 = arith.constant 0 : i32
    %dma_wait3A_191 = tpu.memref_slice %arg2[%dma_wait3A_189, %dma_wait3A_190] : memref<10000x128xf32, #tpu.memory_space<hbm>> -> memref<10000x128xf32, #tpu.memory_space<hbm>>
    tpu.wait_indirect_dma semaphore(%arg14 : memref<!tpu.dma_semaphore, #tpu.memory_space<semaphore_mem>>) src(%dma_wait3A_191 : memref<10000x128xf32, #tpu.memory_space<hbm>>) dst(%arg10 : memref<128x128xf32, #tpu.memory_space<vmem>>)
    %dma_start3A_192 = arith.constant 15 : i32
    %dma_start3A_193 = arith.constant 0 : i32
    %dma_start3A_194 = tpu.memref_slice %arg6[%dma_start3A_192, %dma_start3A_193] : memref<16x128xi32, #tpu.memory_space<vmem>> -> memref<1x128xi32, #tpu.memory_space<vmem>>
    %dma_start3A_195 = tpu.memref_squeeze %dma_start3A_194 : memref<1x128xi32, #tpu.memory_space<vmem>> -> memref<128xi32, #tpu.memory_space<vmem>>
    %dma_start3A_196 = arith.constant 0 : i32
    %dma_start3A_197 = arith.constant 0 : i32
    %dma_start3A_198 = tpu.memref_slice %arg2[%dma_start3A_196, %dma_start3A_197] : memref<10000x128xf32, #tpu.memory_space<hbm>> -> memref<10000x128xf32, #tpu.memory_space<hbm>>
    tpu.enqueue_indirect_dma source(%dma_start3A_198 : memref<10000x128xf32, #tpu.memory_space<hbm>>) target(%arg11 : memref<128x128xf32, #tpu.memory_space<vmem>>) offsets(%dma_start3A_195 : memref<128xi32, #tpu.memory_space<vmem>>) semaphore(%arg15 : memref<!tpu.dma_semaphore, #tpu.memory_space<semaphore_mem>>)
    %run_scoped3A_199 = arith.constant 14 : i32
    "tpu.region"() ({
      %run_scoped3A_319 = tpu.sem_alloc : memref<!tpu.dma_semaphore, #tpu.memory_space<semaphore_mem>>
      %dma_start3A_320 = arith.constant 0 : i32
      %dma_start3A_321 = tpu.memref_slice %arg7[%run_scoped3A_199, %dma_start3A_320] : memref<16x128xi32, #tpu.memory_space<vmem>> -> memref<1x128xi32, #tpu.memory_space<vmem>>
      %dma_start3A_322 = tpu.memref_squeeze %dma_start3A_321 : memref<1x128xi32, #tpu.memory_space<vmem>> -> memref<128xi32, #tpu.memory_space<vmem>>
      %dma_start3A_323 = arith.constant 0 : i32
      %dma_start3A_324 = arith.constant 0 : i32
      %dma_start3A_325 = tpu.memref_slice %arg12[%dma_start3A_323, %dma_start3A_324] : memref<10240x128xf32, #tpu.memory_space<vmem_shared>> -> memref<10240x128xf32, #tpu.memory_space<vmem_shared>>
      tpu.enqueue_indirect_dma source(%arg10 : memref<128x128xf32, #tpu.memory_space<vmem>>) target(%dma_start3A_325 : memref<10240x128xf32, #tpu.memory_space<vmem_shared>>) offsets(%dma_start3A_322 : memref<128xi32, #tpu.memory_space<vmem>>) semaphore(%run_scoped3A_319 : memref<!tpu.dma_semaphore, #tpu.memory_space<semaphore_mem>>) {add = true}
      %dma_wait3A_326 = arith.constant 0 : i32
      %dma_wait3A_327 = tpu.memref_slice %arg7[%run_scoped3A_199, %dma_wait3A_326] : memref<16x128xi32, #tpu.memory_space<vmem>> -> memref<1x128xi32, #tpu.memory_space<vmem>>
      %dma_wait3A_328 = tpu.memref_squeeze %dma_wait3A_327 : memref<1x128xi32, #tpu.memory_space<vmem>> -> memref<128xi32, #tpu.memory_space<vmem>>
      %dma_wait3A_329 = arith.constant 0 : i32
      %dma_wait3A_330 = arith.constant 0 : i32
      %dma_wait3A_331 = tpu.memref_slice %arg12[%dma_wait3A_329, %dma_wait3A_330] : memref<10240x128xf32, #tpu.memory_space<vmem_shared>> -> memref<10240x128xf32, #tpu.memory_space<vmem_shared>>
      tpu.wait_indirect_dma semaphore(%run_scoped3A_319 : memref<!tpu.dma_semaphore, #tpu.memory_space<semaphore_mem>>) src(%arg10 : memref<128x128xf32, #tpu.memory_space<vmem>>) dst(%dma_wait3A_331 : memref<10240x128xf32, #tpu.memory_space<vmem_shared>>)
      tpu.yield
    }) : () -> ()
    %mul3A_200 = arith.constant 80 : i32
    %mul3A_201 = arith.muli %add3A, %mul3A_200 : i32
    %add3A_202 = arith.constant 48 : i32
    %add3A_203 = arith.addi %mul3A_201, %add3A_202 : i32
    %dma_wait3A_204 = arith.constant 0 : i32
    %dma_wait3A_205 = tpu.memref_slice %arg3[%add3A_203, %dma_wait3A_204] : memref<2560x128xi32, #tpu.memory_space<hbm>> -> memref<16x128xi32, #tpu.memory_space<hbm>>
    %dma_wait3A_206 = arith.constant 0 : i32
    %dma_wait3A_207 = tpu.memref_slice %arg3[%add3A_203, %dma_wait3A_206] : memref<2560x128xi32, #tpu.memory_space<hbm>> -> memref<16x128xi32, #tpu.memory_space<hbm>>
    tpu.wait_dma2 semaphore(%arg13 : memref<!tpu.dma_semaphore, #tpu.memory_space<semaphore_mem>>) src(%dma_wait3A_207 : memref<16x128xi32, #tpu.memory_space<hbm>>) dst(%arg8 : memref<16x128xi32, #tpu.memory_space<vmem>>)
    %dma_wait3A_208 = arith.constant 0 : i32
    %dma_wait3A_209 = tpu.memref_slice %arg4[%add3A_203, %dma_wait3A_208] : memref<2560x128xi32, #tpu.memory_space<hbm>> -> memref<16x128xi32, #tpu.memory_space<hbm>>
    %dma_wait3A_210 = arith.constant 0 : i32
    %dma_wait3A_211 = tpu.memref_slice %arg4[%add3A_203, %dma_wait3A_210] : memref<2560x128xi32, #tpu.memory_space<hbm>> -> memref<16x128xi32, #tpu.memory_space<hbm>>
    tpu.wait_dma2 semaphore(%arg13 : memref<!tpu.dma_semaphore, #tpu.memory_space<semaphore_mem>>) src(%dma_wait3A_211 : memref<16x128xi32, #tpu.memory_space<hbm>>) dst(%arg9 : memref<16x128xi32, #tpu.memory_space<vmem>>)
    %dma_start3A_212 = arith.constant 0 : i32
    %dma_start3A_213 = arith.constant 0 : i32
    %dma_start3A_214 = tpu.memref_slice %arg8[%dma_start3A_212, %dma_start3A_213] : memref<16x128xi32, #tpu.memory_space<vmem>> -> memref<1x128xi32, #tpu.memory_space<vmem>>
    %dma_start3A_215 = tpu.memref_squeeze %dma_start3A_214 : memref<1x128xi32, #tpu.memory_space<vmem>> -> memref<128xi32, #tpu.memory_space<vmem>>
    %dma_start3A_216 = arith.constant 0 : i32
    %dma_start3A_217 = arith.constant 0 : i32
    %dma_start3A_218 = tpu.memref_slice %arg2[%dma_start3A_216, %dma_start3A_217] : memref<10000x128xf32, #tpu.memory_space<hbm>> -> memref<10000x128xf32, #tpu.memory_space<hbm>>
    tpu.enqueue_indirect_dma source(%dma_start3A_218 : memref<10000x128xf32, #tpu.memory_space<hbm>>) target(%arg10 : memref<128x128xf32, #tpu.memory_space<vmem>>) offsets(%dma_start3A_215 : memref<128xi32, #tpu.memory_space<vmem>>) semaphore(%arg14 : memref<!tpu.dma_semaphore, #tpu.memory_space<semaphore_mem>>)
    %dma_wait3A_219 = arith.constant 15 : i32
    %dma_wait3A_220 = arith.constant 0 : i32
    %dma_wait3A_221 = tpu.memref_slice %arg6[%dma_wait3A_219, %dma_wait3A_220] : memref<16x128xi32, #tpu.memory_space<vmem>> -> memref<1x128xi32, #tpu.memory_space<vmem>>
    %dma_wait3A_222 = tpu.memref_squeeze %dma_wait3A_221 : memref<1x128xi32, #tpu.memory_space<vmem>> -> memref<128xi32, #tpu.memory_space<vmem>>
    %dma_wait3A_223 = arith.constant 0 : i32
    %dma_wait3A_224 = arith.constant 0 : i32
    %dma_wait3A_225 = tpu.memref_slice %arg2[%dma_wait3A_223, %dma_wait3A_224] : memref<10000x128xf32, #tpu.memory_space<hbm>> -> memref<10000x128xf32, #tpu.memory_space<hbm>>
    tpu.wait_indirect_dma semaphore(%arg15 : memref<!tpu.dma_semaphore, #tpu.memory_space<semaphore_mem>>) src(%dma_wait3A_225 : memref<10000x128xf32, #tpu.memory_space<hbm>>) dst(%arg11 : memref<128x128xf32, #tpu.memory_space<vmem>>)
    %run_scoped3A_226 = arith.constant 15 : i32
    "tpu.region"() ({
      %run_scoped3A_319 = tpu.sem_alloc : memref<!tpu.dma_semaphore, #tpu.memory_space<semaphore_mem>>
      %dma_start3A_320 = arith.constant 0 : i32
      %dma_start3A_321 = tpu.memref_slice %arg7[%run_scoped3A_226, %dma_start3A_320] : memref<16x128xi32, #tpu.memory_space<vmem>> -> memref<1x128xi32, #tpu.memory_space<vmem>>
      %dma_start3A_322 = tpu.memref_squeeze %dma_start3A_321 : memref<1x128xi32, #tpu.memory_space<vmem>> -> memref<128xi32, #tpu.memory_space<vmem>>
      %dma_start3A_323 = arith.constant 0 : i32
      %dma_start3A_324 = arith.constant 0 : i32
      %dma_start3A_325 = tpu.memref_slice %arg12[%dma_start3A_323, %dma_start3A_324] : memref<10240x128xf32, #tpu.memory_space<vmem_shared>> -> memref<10240x128xf32, #tpu.memory_space<vmem_shared>>
      tpu.enqueue_indirect_dma source(%arg11 : memref<128x128xf32, #tpu.memory_space<vmem>>) target(%dma_start3A_325 : memref<10240x128xf32, #tpu.memory_space<vmem_shared>>) offsets(%dma_start3A_322 : memref<128xi32, #tpu.memory_space<vmem>>) semaphore(%run_scoped3A_319 : memref<!tpu.dma_semaphore, #tpu.memory_space<semaphore_mem>>) {add = true}
      %dma_wait3A_326 = arith.constant 0 : i32
      %dma_wait3A_327 = tpu.memref_slice %arg7[%run_scoped3A_226, %dma_wait3A_326] : memref<16x128xi32, #tpu.memory_space<vmem>> -> memref<1x128xi32, #tpu.memory_space<vmem>>
      %dma_wait3A_328 = tpu.memref_squeeze %dma_wait3A_327 : memref<1x128xi32, #tpu.memory_space<vmem>> -> memref<128xi32, #tpu.memory_space<vmem>>
      %dma_wait3A_329 = arith.constant 0 : i32
      %dma_wait3A_330 = arith.constant 0 : i32
      %dma_wait3A_331 = tpu.memref_slice %arg12[%dma_wait3A_329, %dma_wait3A_330] : memref<10240x128xf32, #tpu.memory_space<vmem_shared>> -> memref<10240x128xf32, #tpu.memory_space<vmem_shared>>
      tpu.wait_indirect_dma semaphore(%run_scoped3A_319 : memref<!tpu.dma_semaphore, #tpu.memory_space<semaphore_mem>>) src(%arg11 : memref<128x128xf32, #tpu.memory_space<vmem>>) dst(%dma_wait3A_331 : memref<10240x128xf32, #tpu.memory_space<vmem_shared>>)
      tpu.yield
    }) : () -> ()
    %mul3A_227 = arith.constant 80 : i32
    %mul3A_228 = arith.muli %add3A, %mul3A_227 : i32
    %add3A_229 = arith.constant 64 : i32
    %add3A_230 = arith.addi %mul3A_228, %add3A_229 : i32
    %dma_start3A_231 = arith.constant 0 : i32
    %dma_start3A_232 = tpu.memref_slice %arg3[%add3A_230, %dma_start3A_231] : memref<2560x128xi32, #tpu.memory_space<hbm>> -> memref<16x128xi32, #tpu.memory_space<hbm>>
    %dma_start3A_233 = arith.constant 0 : i32
    %dma_start3A_234 = tpu.memref_slice %arg3[%add3A_230, %dma_start3A_233] : memref<2560x128xi32, #tpu.memory_space<hbm>> -> memref<16x128xi32, #tpu.memory_space<hbm>>
    tpu.enqueue_dma source(%dma_start3A_234 : memref<16x128xi32, #tpu.memory_space<hbm>>) target(%arg6 : memref<16x128xi32, #tpu.memory_space<vmem>>) target_semaphore(%arg13 : memref<!tpu.dma_semaphore, #tpu.memory_space<semaphore_mem>>)
    %dma_start3A_235 = arith.constant 0 : i32
    %dma_start3A_236 = tpu.memref_slice %arg4[%add3A_230, %dma_start3A_235] : memref<2560x128xi32, #tpu.memory_space<hbm>> -> memref<16x128xi32, #tpu.memory_space<hbm>>
    %dma_start3A_237 = arith.constant 0 : i32
    %dma_start3A_238 = tpu.memref_slice %arg4[%add3A_230, %dma_start3A_237] : memref<2560x128xi32, #tpu.memory_space<hbm>> -> memref<16x128xi32, #tpu.memory_space<hbm>>
    tpu.enqueue_dma source(%dma_start3A_238 : memref<16x128xi32, #tpu.memory_space<hbm>>) target(%arg7 : memref<16x128xi32, #tpu.memory_space<vmem>>) target_semaphore(%arg13 : memref<!tpu.dma_semaphore, #tpu.memory_space<semaphore_mem>>)
    %scan3A_239 = arith.constant 0 : i32
    %scan3A_240 = arith.constant 0 : i32
    %scan3A_241 = arith.constant 7 : i32
    %scan3A_242 = arith.addi %scan3A_240, %scan3A_241 : i32
    %scan3A_243 = arith.constant 1 : i32
    %scan3A_244 = scf.for %scan3A_319 = %scan3A_240 to %scan3A_242 step %scan3A_243 iter_args(%scan3A_320 = %scan3A_239) -> (i32)  : i32 {
      %mul3A_321 = arith.constant 2 : i32
      %mul3A_322 = arith.muli %mul3A_321, %scan3A_319 : i32
      %dma_wait3A_323 = arith.constant 0 : i32
      %dma_wait3A_324 = tpu.memref_slice %arg8[%mul3A_322, %dma_wait3A_323] : memref<16x128xi32, #tpu.memory_space<vmem>> -> memref<1x128xi32, #tpu.memory_space<vmem>>
      %dma_wait3A_325 = tpu.memref_squeeze %dma_wait3A_324 : memref<1x128xi32, #tpu.memory_space<vmem>> -> memref<128xi32, #tpu.memory_space<vmem>>
      %dma_wait3A_326 = arith.constant 0 : i32
      %dma_wait3A_327 = arith.constant 0 : i32
      %dma_wait3A_328 = tpu.memref_slice %arg2[%dma_wait3A_326, %dma_wait3A_327] : memref<10000x128xf32, #tpu.memory_space<hbm>> -> memref<10000x128xf32, #tpu.memory_space<hbm>>
      tpu.wait_indirect_dma semaphore(%arg14 : memref<!tpu.dma_semaphore, #tpu.memory_space<semaphore_mem>>) src(%dma_wait3A_328 : memref<10000x128xf32, #tpu.memory_space<hbm>>) dst(%arg10 : memref<128x128xf32, #tpu.memory_space<vmem>>)
      %add3A_329 = arith.constant 1 : i32
      %add3A_330 = arith.addi %mul3A_322, %add3A_329 : i32
      %dma_start3A_331 = arith.constant 0 : i32
      %dma_start3A_332 = tpu.memref_slice %arg8[%add3A_330, %dma_start3A_331] : memref<16x128xi32, #tpu.memory_space<vmem>> -> memref<1x128xi32, #tpu.memory_space<vmem>>
      %dma_start3A_333 = tpu.memref_squeeze %dma_start3A_332 : memref<1x128xi32, #tpu.memory_space<vmem>> -> memref<128xi32, #tpu.memory_space<vmem>>
      %dma_start3A_334 = arith.constant 0 : i32
      %dma_start3A_335 = arith.constant 0 : i32
      %dma_start3A_336 = tpu.memref_slice %arg2[%dma_start3A_334, %dma_start3A_335] : memref<10000x128xf32, #tpu.memory_space<hbm>> -> memref<10000x128xf32, #tpu.memory_space<hbm>>
      tpu.enqueue_indirect_dma source(%dma_start3A_336 : memref<10000x128xf32, #tpu.memory_space<hbm>>) target(%arg11 : memref<128x128xf32, #tpu.memory_space<vmem>>) offsets(%dma_start3A_333 : memref<128xi32, #tpu.memory_space<vmem>>) semaphore(%arg15 : memref<!tpu.dma_semaphore, #tpu.memory_space<semaphore_mem>>)
      "tpu.region"() ({
        %run_scoped3A_356 = tpu.sem_alloc : memref<!tpu.dma_semaphore, #tpu.memory_space<semaphore_mem>>
        %dma_start3A_357 = arith.constant 0 : i32
        %dma_start3A_358 = tpu.memref_slice %arg9[%mul3A_322, %dma_start3A_357] : memref<16x128xi32, #tpu.memory_space<vmem>> -> memref<1x128xi32, #tpu.memory_space<vmem>>
        %dma_start3A_359 = tpu.memref_squeeze %dma_start3A_358 : memref<1x128xi32, #tpu.memory_space<vmem>> -> memref<128xi32, #tpu.memory_space<vmem>>
        %dma_start3A_360 = arith.constant 0 : i32
        %dma_start3A_361 = arith.constant 0 : i32
        %dma_start3A_362 = tpu.memref_slice %arg12[%dma_start3A_360, %dma_start3A_361] : memref<10240x128xf32, #tpu.memory_space<vmem_shared>> -> memref<10240x128xf32, #tpu.memory_space<vmem_shared>>
        tpu.enqueue_indirect_dma source(%arg10 : memref<128x128xf32, #tpu.memory_space<vmem>>) target(%dma_start3A_362 : memref<10240x128xf32, #tpu.memory_space<vmem_shared>>) offsets(%dma_start3A_359 : memref<128xi32, #tpu.memory_space<vmem>>) semaphore(%run_scoped3A_356 : memref<!tpu.dma_semaphore, #tpu.memory_space<semaphore_mem>>) {add = true}
        %dma_wait3A_363 = arith.constant 0 : i32
        %dma_wait3A_364 = tpu.memref_slice %arg9[%mul3A_322, %dma_wait3A_363] : memref<16x128xi32, #tpu.memory_space<vmem>> -> memref<1x128xi32, #tpu.memory_space<vmem>>
        %dma_wait3A_365 = tpu.memref_squeeze %dma_wait3A_364 : memref<1x128xi32, #tpu.memory_space<vmem>> -> memref<128xi32, #tpu.memory_space<vmem>>
        %dma_wait3A_366 = arith.constant 0 : i32
        %dma_wait3A_367 = arith.constant 0 : i32
        %dma_wait3A_368 = tpu.memref_slice %arg12[%dma_wait3A_366, %dma_wait3A_367] : memref<10240x128xf32, #tpu.memory_space<vmem_shared>> -> memref<10240x128xf32, #tpu.memory_space<vmem_shared>>
        tpu.wait_indirect_dma semaphore(%run_scoped3A_356 : memref<!tpu.dma_semaphore, #tpu.memory_space<semaphore_mem>>) src(%arg10 : memref<128x128xf32, #tpu.memory_space<vmem>>) dst(%dma_wait3A_368 : memref<10240x128xf32, #tpu.memory_space<vmem_shared>>)
        tpu.yield
      }) : () -> ()
      %add3A_337 = arith.constant 2 : i32
      %add3A_338 = arith.addi %mul3A_322, %add3A_337 : i32
      %dma_start3A_339 = arith.constant 0 : i32
      %dma_start3A_340 = tpu.memref_slice %arg8[%add3A_338, %dma_start3A_339] : memref<16x128xi32, #tpu.memory_space<vmem>> -> memref<1x128xi32, #tpu.memory_space<vmem>>
      %dma_start3A_341 = tpu.memref_squeeze %dma_start3A_340 : memref<1x128xi32, #tpu.memory_space<vmem>> -> memref<128xi32, #tpu.memory_space<vmem>>
      %dma_start3A_342 = arith.constant 0 : i32
      %dma_start3A_343 = arith.constant 0 : i32
      %dma_start3A_344 = tpu.memref_slice %arg2[%dma_start3A_342, %dma_start3A_343] : memref<10000x128xf32, #tpu.memory_space<hbm>> -> memref<10000x128xf32, #tpu.memory_space<hbm>>
      tpu.enqueue_indirect_dma source(%dma_start3A_344 : memref<10000x128xf32, #tpu.memory_space<hbm>>) target(%arg10 : memref<128x128xf32, #tpu.memory_space<vmem>>) offsets(%dma_start3A_341 : memref<128xi32, #tpu.memory_space<vmem>>) semaphore(%arg14 : memref<!tpu.dma_semaphore, #tpu.memory_space<semaphore_mem>>)
      %add3A_345 = arith.constant 1 : i32
      %add3A_346 = arith.addi %mul3A_322, %add3A_345 : i32
      %dma_wait3A_347 = arith.constant 0 : i32
      %dma_wait3A_348 = tpu.memref_slice %arg8[%add3A_346, %dma_wait3A_347] : memref<16x128xi32, #tpu.memory_space<vmem>> -> memref<1x128xi32, #tpu.memory_space<vmem>>
      %dma_wait3A_349 = tpu.memref_squeeze %dma_wait3A_348 : memref<1x128xi32, #tpu.memory_space<vmem>> -> memref<128xi32, #tpu.memory_space<vmem>>
      %dma_wait3A_350 = arith.constant 0 : i32
      %dma_wait3A_351 = arith.constant 0 : i32
      %dma_wait3A_352 = tpu.memref_slice %arg2[%dma_wait3A_350, %dma_wait3A_351] : memref<10000x128xf32, #tpu.memory_space<hbm>> -> memref<10000x128xf32, #tpu.memory_space<hbm>>
      tpu.wait_indirect_dma semaphore(%arg15 : memref<!tpu.dma_semaphore, #tpu.memory_space<semaphore_mem>>) src(%dma_wait3A_352 : memref<10000x128xf32, #tpu.memory_space<hbm>>) dst(%arg11 : memref<128x128xf32, #tpu.memory_space<vmem>>)
      %add3A_353 = arith.constant 1 : i32
      %add3A_354 = arith.addi %mul3A_322, %add3A_353 : i32
      "tpu.region"() ({
        %run_scoped3A_356 = tpu.sem_alloc : memref<!tpu.dma_semaphore, #tpu.memory_space<semaphore_mem>>
        %dma_start3A_357 = arith.constant 0 : i32
        %dma_start3A_358 = tpu.memref_slice %arg9[%add3A_354, %dma_start3A_357] : memref<16x128xi32, #tpu.memory_space<vmem>> -> memref<1x128xi32, #tpu.memory_space<vmem>>
        %dma_start3A_359 = tpu.memref_squeeze %dma_start3A_358 : memref<1x128xi32, #tpu.memory_space<vmem>> -> memref<128xi32, #tpu.memory_space<vmem>>
        %dma_start3A_360 = arith.constant 0 : i32
        %dma_start3A_361 = arith.constant 0 : i32
        %dma_start3A_362 = tpu.memref_slice %arg12[%dma_start3A_360, %dma_start3A_361] : memref<10240x128xf32, #tpu.memory_space<vmem_shared>> -> memref<10240x128xf32, #tpu.memory_space<vmem_shared>>
        tpu.enqueue_indirect_dma source(%arg11 : memref<128x128xf32, #tpu.memory_space<vmem>>) target(%dma_start3A_362 : memref<10240x128xf32, #tpu.memory_space<vmem_shared>>) offsets(%dma_start3A_359 : memref<128xi32, #tpu.memory_space<vmem>>) semaphore(%run_scoped3A_356 : memref<!tpu.dma_semaphore, #tpu.memory_space<semaphore_mem>>) {add = true}
        %dma_wait3A_363 = arith.constant 0 : i32
        %dma_wait3A_364 = tpu.memref_slice %arg9[%add3A_354, %dma_wait3A_363] : memref<16x128xi32, #tpu.memory_space<vmem>> -> memref<1x128xi32, #tpu.memory_space<vmem>>
        %dma_wait3A_365 = tpu.memref_squeeze %dma_wait3A_364 : memref<1x128xi32, #tpu.memory_space<vmem>> -> memref<128xi32, #tpu.memory_space<vmem>>
        %dma_wait3A_366 = arith.constant 0 : i32
        %dma_wait3A_367 = arith.constant 0 : i32
        %dma_wait3A_368 = tpu.memref_slice %arg12[%dma_wait3A_366, %dma_wait3A_367] : memref<10240x128xf32, #tpu.memory_space<vmem_shared>> -> memref<10240x128xf32, #tpu.memory_space<vmem_shared>>
        tpu.wait_indirect_dma semaphore(%run_scoped3A_356 : memref<!tpu.dma_semaphore, #tpu.memory_space<semaphore_mem>>) src(%arg11 : memref<128x128xf32, #tpu.memory_space<vmem>>) dst(%dma_wait3A_368 : memref<10240x128xf32, #tpu.memory_space<vmem_shared>>)
        tpu.yield
      }) : () -> ()
      %scan3A_355 = arith.constant 0 : i32
      scf.yield %scan3A_355 : i32
    }
    %scan3A_245 = arith.constant 7 : i32
    %dma_wait3A_246 = arith.constant 14 : i32
    %dma_wait3A_247 = arith.constant 0 : i32
    %dma_wait3A_248 = tpu.memref_slice %arg8[%dma_wait3A_246, %dma_wait3A_247] : memref<16x128xi32, #tpu.memory_space<vmem>> -> memref<1x128xi32, #tpu.memory_space<vmem>>
    %dma_wait3A_249 = tpu.memref_squeeze %dma_wait3A_248 : memref<1x128xi32, #tpu.memory_space<vmem>> -> memref<128xi32, #tpu.memory_space<vmem>>
    %dma_wait3A_250 = arith.constant 0 : i32
    %dma_wait3A_251 = arith.constant 0 : i32
    %dma_wait3A_252 = tpu.memref_slice %arg2[%dma_wait3A_250, %dma_wait3A_251] : memref<10000x128xf32, #tpu.memory_space<hbm>> -> memref<10000x128xf32, #tpu.memory_space<hbm>>
    tpu.wait_indirect_dma semaphore(%arg14 : memref<!tpu.dma_semaphore, #tpu.memory_space<semaphore_mem>>) src(%dma_wait3A_252 : memref<10000x128xf32, #tpu.memory_space<hbm>>) dst(%arg10 : memref<128x128xf32, #tpu.memory_space<vmem>>)
    %dma_start3A_253 = arith.constant 15 : i32
    %dma_start3A_254 = arith.constant 0 : i32
    %dma_start3A_255 = tpu.memref_slice %arg8[%dma_start3A_253, %dma_start3A_254] : memref<16x128xi32, #tpu.memory_space<vmem>> -> memref<1x128xi32, #tpu.memory_space<vmem>>
    %dma_start3A_256 = tpu.memref_squeeze %dma_start3A_255 : memref<1x128xi32, #tpu.memory_space<vmem>> -> memref<128xi32, #tpu.memory_space<vmem>>
    %dma_start3A_257 = arith.constant 0 : i32
    %dma_start3A_258 = arith.constant 0 : i32
    %dma_start3A_259 = tpu.memref_slice %arg2[%dma_start3A_257, %dma_start3A_258] : memref<10000x128xf32, #tpu.memory_space<hbm>> -> memref<10000x128xf32, #tpu.memory_space<hbm>>
    tpu.enqueue_indirect_dma source(%dma_start3A_259 : memref<10000x128xf32, #tpu.memory_space<hbm>>) target(%arg11 : memref<128x128xf32, #tpu.memory_space<vmem>>) offsets(%dma_start3A_256 : memref<128xi32, #tpu.memory_space<vmem>>) semaphore(%arg15 : memref<!tpu.dma_semaphore, #tpu.memory_space<semaphore_mem>>)
    %run_scoped3A_260 = arith.constant 14 : i32
    "tpu.region"() ({
      %run_scoped3A_319 = tpu.sem_alloc : memref<!tpu.dma_semaphore, #tpu.memory_space<semaphore_mem>>
      %dma_start3A_320 = arith.constant 0 : i32
      %dma_start3A_321 = tpu.memref_slice %arg9[%run_scoped3A_260, %dma_start3A_320] : memref<16x128xi32, #tpu.memory_space<vmem>> -> memref<1x128xi32, #tpu.memory_space<vmem>>
      %dma_start3A_322 = tpu.memref_squeeze %dma_start3A_321 : memref<1x128xi32, #tpu.memory_space<vmem>> -> memref<128xi32, #tpu.memory_space<vmem>>
      %dma_start3A_323 = arith.constant 0 : i32
      %dma_start3A_324 = arith.constant 0 : i32
      %dma_start3A_325 = tpu.memref_slice %arg12[%dma_start3A_323, %dma_start3A_324] : memref<10240x128xf32, #tpu.memory_space<vmem_shared>> -> memref<10240x128xf32, #tpu.memory_space<vmem_shared>>
      tpu.enqueue_indirect_dma source(%arg10 : memref<128x128xf32, #tpu.memory_space<vmem>>) target(%dma_start3A_325 : memref<10240x128xf32, #tpu.memory_space<vmem_shared>>) offsets(%dma_start3A_322 : memref<128xi32, #tpu.memory_space<vmem>>) semaphore(%run_scoped3A_319 : memref<!tpu.dma_semaphore, #tpu.memory_space<semaphore_mem>>) {add = true}
      %dma_wait3A_326 = arith.constant 0 : i32
      %dma_wait3A_327 = tpu.memref_slice %arg9[%run_scoped3A_260, %dma_wait3A_326] : memref<16x128xi32, #tpu.memory_space<vmem>> -> memref<1x128xi32, #tpu.memory_space<vmem>>
      %dma_wait3A_328 = tpu.memref_squeeze %dma_wait3A_327 : memref<1x128xi32, #tpu.memory_space<vmem>> -> memref<128xi32, #tpu.memory_space<vmem>>
      %dma_wait3A_329 = arith.constant 0 : i32
      %dma_wait3A_330 = arith.constant 0 : i32
      %dma_wait3A_331 = tpu.memref_slice %arg12[%dma_wait3A_329, %dma_wait3A_330] : memref<10240x128xf32, #tpu.memory_space<vmem_shared>> -> memref<10240x128xf32, #tpu.memory_space<vmem_shared>>
      tpu.wait_indirect_dma semaphore(%run_scoped3A_319 : memref<!tpu.dma_semaphore, #tpu.memory_space<semaphore_mem>>) src(%arg10 : memref<128x128xf32, #tpu.memory_space<vmem>>) dst(%dma_wait3A_331 : memref<10240x128xf32, #tpu.memory_space<vmem_shared>>)
      tpu.yield
    }) : () -> ()
    %mul3A_261 = arith.constant 80 : i32
    %mul3A_262 = arith.muli %add3A, %mul3A_261 : i32
    %add3A_263 = arith.constant 64 : i32
    %add3A_264 = arith.addi %mul3A_262, %add3A_263 : i32
    %dma_wait3A_265 = arith.constant 0 : i32
    %dma_wait3A_266 = tpu.memref_slice %arg3[%add3A_264, %dma_wait3A_265] : memref<2560x128xi32, #tpu.memory_space<hbm>> -> memref<16x128xi32, #tpu.memory_space<hbm>>
    %dma_wait3A_267 = arith.constant 0 : i32
    %dma_wait3A_268 = tpu.memref_slice %arg3[%add3A_264, %dma_wait3A_267] : memref<2560x128xi32, #tpu.memory_space<hbm>> -> memref<16x128xi32, #tpu.memory_space<hbm>>
    tpu.wait_dma2 semaphore(%arg13 : memref<!tpu.dma_semaphore, #tpu.memory_space<semaphore_mem>>) src(%dma_wait3A_268 : memref<16x128xi32, #tpu.memory_space<hbm>>) dst(%arg6 : memref<16x128xi32, #tpu.memory_space<vmem>>)
    %dma_wait3A_269 = arith.constant 0 : i32
    %dma_wait3A_270 = tpu.memref_slice %arg4[%add3A_264, %dma_wait3A_269] : memref<2560x128xi32, #tpu.memory_space<hbm>> -> memref<16x128xi32, #tpu.memory_space<hbm>>
    %dma_wait3A_271 = arith.constant 0 : i32
    %dma_wait3A_272 = tpu.memref_slice %arg4[%add3A_264, %dma_wait3A_271] : memref<2560x128xi32, #tpu.memory_space<hbm>> -> memref<16x128xi32, #tpu.memory_space<hbm>>
    tpu.wait_dma2 semaphore(%arg13 : memref<!tpu.dma_semaphore, #tpu.memory_space<semaphore_mem>>) src(%dma_wait3A_272 : memref<16x128xi32, #tpu.memory_space<hbm>>) dst(%arg7 : memref<16x128xi32, #tpu.memory_space<vmem>>)
    %dma_start3A_273 = arith.constant 0 : i32
    %dma_start3A_274 = arith.constant 0 : i32
    %dma_start3A_275 = tpu.memref_slice %arg6[%dma_start3A_273, %dma_start3A_274] : memref<16x128xi32, #tpu.memory_space<vmem>> -> memref<1x128xi32, #tpu.memory_space<vmem>>
    %dma_start3A_276 = tpu.memref_squeeze %dma_start3A_275 : memref<1x128xi32, #tpu.memory_space<vmem>> -> memref<128xi32, #tpu.memory_space<vmem>>
    %dma_start3A_277 = arith.constant 0 : i32
    %dma_start3A_278 = arith.constant 0 : i32
    %dma_start3A_279 = tpu.memref_slice %arg2[%dma_start3A_277, %dma_start3A_278] : memref<10000x128xf32, #tpu.memory_space<hbm>> -> memref<10000x128xf32, #tpu.memory_space<hbm>>
    tpu.enqueue_indirect_dma source(%dma_start3A_279 : memref<10000x128xf32, #tpu.memory_space<hbm>>) target(%arg10 : memref<128x128xf32, #tpu.memory_space<vmem>>) offsets(%dma_start3A_276 : memref<128xi32, #tpu.memory_space<vmem>>) semaphore(%arg14 : memref<!tpu.dma_semaphore, #tpu.memory_space<semaphore_mem>>)
    %dma_wait3A_280 = arith.constant 15 : i32
    %dma_wait3A_281 = arith.constant 0 : i32
    %dma_wait3A_282 = tpu.memref_slice %arg8[%dma_wait3A_280, %dma_wait3A_281] : memref<16x128xi32, #tpu.memory_space<vmem>> -> memref<1x128xi32, #tpu.memory_space<vmem>>
    %dma_wait3A_283 = tpu.memref_squeeze %dma_wait3A_282 : memref<1x128xi32, #tpu.memory_space<vmem>> -> memref<128xi32, #tpu.memory_space<vmem>>
    %dma_wait3A_284 = arith.constant 0 : i32
    %dma_wait3A_285 = arith.constant 0 : i32
    %dma_wait3A_286 = tpu.memref_slice %arg2[%dma_wait3A_284, %dma_wait3A_285] : memref<10000x128xf32, #tpu.memory_space<hbm>> -> memref<10000x128xf32, #tpu.memory_space<hbm>>
    tpu.wait_indirect_dma semaphore(%arg15 : memref<!tpu.dma_semaphore, #tpu.memory_space<semaphore_mem>>) src(%dma_wait3A_286 : memref<10000x128xf32, #tpu.memory_space<hbm>>) dst(%arg11 : memref<128x128xf32, #tpu.memory_space<vmem>>)
    %run_scoped3A_287 = arith.constant 15 : i32
    "tpu.region"() ({
      %run_scoped3A_319 = tpu.sem_alloc : memref<!tpu.dma_semaphore, #tpu.memory_space<semaphore_mem>>
      %dma_start3A_320 = arith.constant 0 : i32
      %dma_start3A_321 = tpu.memref_slice %arg9[%run_scoped3A_287, %dma_start3A_320] : memref<16x128xi32, #tpu.memory_space<vmem>> -> memref<1x128xi32, #tpu.memory_space<vmem>>
      %dma_start3A_322 = tpu.memref_squeeze %dma_start3A_321 : memref<1x128xi32, #tpu.memory_space<vmem>> -> memref<128xi32, #tpu.memory_space<vmem>>
      %dma_start3A_323 = arith.constant 0 : i32
      %dma_start3A_324 = arith.constant 0 : i32
      %dma_start3A_325 = tpu.memref_slice %arg12[%dma_start3A_323, %dma_start3A_324] : memref<10240x128xf32, #tpu.memory_space<vmem_shared>> -> memref<10240x128xf32, #tpu.memory_space<vmem_shared>>
      tpu.enqueue_indirect_dma source(%arg11 : memref<128x128xf32, #tpu.memory_space<vmem>>) target(%dma_start3A_325 : memref<10240x128xf32, #tpu.memory_space<vmem_shared>>) offsets(%dma_start3A_322 : memref<128xi32, #tpu.memory_space<vmem>>) semaphore(%run_scoped3A_319 : memref<!tpu.dma_semaphore, #tpu.memory_space<semaphore_mem>>) {add = true}
      %dma_wait3A_326 = arith.constant 0 : i32
      %dma_wait3A_327 = tpu.memref_slice %arg9[%run_scoped3A_287, %dma_wait3A_326] : memref<16x128xi32, #tpu.memory_space<vmem>> -> memref<1x128xi32, #tpu.memory_space<vmem>>
      %dma_wait3A_328 = tpu.memref_squeeze %dma_wait3A_327 : memref<1x128xi32, #tpu.memory_space<vmem>> -> memref<128xi32, #tpu.memory_space<vmem>>
      %dma_wait3A_329 = arith.constant 0 : i32
      %dma_wait3A_330 = arith.constant 0 : i32
      %dma_wait3A_331 = tpu.memref_slice %arg12[%dma_wait3A_329, %dma_wait3A_330] : memref<10240x128xf32, #tpu.memory_space<vmem_shared>> -> memref<10240x128xf32, #tpu.memory_space<vmem_shared>>
      tpu.wait_indirect_dma semaphore(%run_scoped3A_319 : memref<!tpu.dma_semaphore, #tpu.memory_space<semaphore_mem>>) src(%arg11 : memref<128x128xf32, #tpu.memory_space<vmem>>) dst(%dma_wait3A_331 : memref<10240x128xf32, #tpu.memory_space<vmem_shared>>)
      tpu.yield
    }) : () -> ()
    %scan3A_288 = arith.constant 0 : i32
    %scan3A_289 = arith.constant 0 : i32
    %scan3A_290 = arith.constant 7 : i32
    %scan3A_291 = arith.addi %scan3A_289, %scan3A_290 : i32
    %scan3A_292 = arith.constant 1 : i32
    %scan3A_293 = scf.for %scan3A_319 = %scan3A_289 to %scan3A_291 step %scan3A_292 iter_args(%scan3A_320 = %scan3A_288) -> (i32)  : i32 {
      %mul3A_321 = arith.constant 2 : i32
      %mul3A_322 = arith.muli %mul3A_321, %scan3A_319 : i32
      %dma_wait3A_323 = arith.constant 0 : i32
      %dma_wait3A_324 = tpu.memref_slice %arg6[%mul3A_322, %dma_wait3A_323] : memref<16x128xi32, #tpu.memory_space<vmem>> -> memref<1x128xi32, #tpu.memory_space<vmem>>
      %dma_wait3A_325 = tpu.memref_squeeze %dma_wait3A_324 : memref<1x128xi32, #tpu.memory_space<vmem>> -> memref<128xi32, #tpu.memory_space<vmem>>
      %dma_wait3A_326 = arith.constant 0 : i32
      %dma_wait3A_327 = arith.constant 0 : i32
      %dma_wait3A_328 = tpu.memref_slice %arg2[%dma_wait3A_326, %dma_wait3A_327] : memref<10000x128xf32, #tpu.memory_space<hbm>> -> memref<10000x128xf32, #tpu.memory_space<hbm>>
      tpu.wait_indirect_dma semaphore(%arg14 : memref<!tpu.dma_semaphore, #tpu.memory_space<semaphore_mem>>) src(%dma_wait3A_328 : memref<10000x128xf32, #tpu.memory_space<hbm>>) dst(%arg10 : memref<128x128xf32, #tpu.memory_space<vmem>>)
      %add3A_329 = arith.constant 1 : i32
      %add3A_330 = arith.addi %mul3A_322, %add3A_329 : i32
      %dma_start3A_331 = arith.constant 0 : i32
      %dma_start3A_332 = tpu.memref_slice %arg6[%add3A_330, %dma_start3A_331] : memref<16x128xi32, #tpu.memory_space<vmem>> -> memref<1x128xi32, #tpu.memory_space<vmem>>
      %dma_start3A_333 = tpu.memref_squeeze %dma_start3A_332 : memref<1x128xi32, #tpu.memory_space<vmem>> -> memref<128xi32, #tpu.memory_space<vmem>>
      %dma_start3A_334 = arith.constant 0 : i32
      %dma_start3A_335 = arith.constant 0 : i32
      %dma_start3A_336 = tpu.memref_slice %arg2[%dma_start3A_334, %dma_start3A_335] : memref<10000x128xf32, #tpu.memory_space<hbm>> -> memref<10000x128xf32, #tpu.memory_space<hbm>>
      tpu.enqueue_indirect_dma source(%dma_start3A_336 : memref<10000x128xf32, #tpu.memory_space<hbm>>) target(%arg11 : memref<128x128xf32, #tpu.memory_space<vmem>>) offsets(%dma_start3A_333 : memref<128xi32, #tpu.memory_space<vmem>>) semaphore(%arg15 : memref<!tpu.dma_semaphore, #tpu.memory_space<semaphore_mem>>)
      "tpu.region"() ({
        %run_scoped3A_356 = tpu.sem_alloc : memref<!tpu.dma_semaphore, #tpu.memory_space<semaphore_mem>>
        %dma_start3A_357 = arith.constant 0 : i32
        %dma_start3A_358 = tpu.memref_slice %arg7[%mul3A_322, %dma_start3A_357] : memref<16x128xi32, #tpu.memory_space<vmem>> -> memref<1x128xi32, #tpu.memory_space<vmem>>
        %dma_start3A_359 = tpu.memref_squeeze %dma_start3A_358 : memref<1x128xi32, #tpu.memory_space<vmem>> -> memref<128xi32, #tpu.memory_space<vmem>>
        %dma_start3A_360 = arith.constant 0 : i32
        %dma_start3A_361 = arith.constant 0 : i32
        %dma_start3A_362 = tpu.memref_slice %arg12[%dma_start3A_360, %dma_start3A_361] : memref<10240x128xf32, #tpu.memory_space<vmem_shared>> -> memref<10240x128xf32, #tpu.memory_space<vmem_shared>>
        tpu.enqueue_indirect_dma source(%arg10 : memref<128x128xf32, #tpu.memory_space<vmem>>) target(%dma_start3A_362 : memref<10240x128xf32, #tpu.memory_space<vmem_shared>>) offsets(%dma_start3A_359 : memref<128xi32, #tpu.memory_space<vmem>>) semaphore(%run_scoped3A_356 : memref<!tpu.dma_semaphore, #tpu.memory_space<semaphore_mem>>) {add = true}
        %dma_wait3A_363 = arith.constant 0 : i32
        %dma_wait3A_364 = tpu.memref_slice %arg7[%mul3A_322, %dma_wait3A_363] : memref<16x128xi32, #tpu.memory_space<vmem>> -> memref<1x128xi32, #tpu.memory_space<vmem>>
        %dma_wait3A_365 = tpu.memref_squeeze %dma_wait3A_364 : memref<1x128xi32, #tpu.memory_space<vmem>> -> memref<128xi32, #tpu.memory_space<vmem>>
        %dma_wait3A_366 = arith.constant 0 : i32
        %dma_wait3A_367 = arith.constant 0 : i32
        %dma_wait3A_368 = tpu.memref_slice %arg12[%dma_wait3A_366, %dma_wait3A_367] : memref<10240x128xf32, #tpu.memory_space<vmem_shared>> -> memref<10240x128xf32, #tpu.memory_space<vmem_shared>>
        tpu.wait_indirect_dma semaphore(%run_scoped3A_356 : memref<!tpu.dma_semaphore, #tpu.memory_space<semaphore_mem>>) src(%arg10 : memref<128x128xf32, #tpu.memory_space<vmem>>) dst(%dma_wait3A_368 : memref<10240x128xf32, #tpu.memory_space<vmem_shared>>)
        tpu.yield
      }) : () -> ()
      %add3A_337 = arith.constant 2 : i32
      %add3A_338 = arith.addi %mul3A_322, %add3A_337 : i32
      %dma_start3A_339 = arith.constant 0 : i32
      %dma_start3A_340 = tpu.memref_slice %arg6[%add3A_338, %dma_start3A_339] : memref<16x128xi32, #tpu.memory_space<vmem>> -> memref<1x128xi32, #tpu.memory_space<vmem>>
      %dma_start3A_341 = tpu.memref_squeeze %dma_start3A_340 : memref<1x128xi32, #tpu.memory_space<vmem>> -> memref<128xi32, #tpu.memory_space<vmem>>
      %dma_start3A_342 = arith.constant 0 : i32
      %dma_start3A_343 = arith.constant 0 : i32
      %dma_start3A_344 = tpu.memref_slice %arg2[%dma_start3A_342, %dma_start3A_343] : memref<10000x128xf32, #tpu.memory_space<hbm>> -> memref<10000x128xf32, #tpu.memory_space<hbm>>
      tpu.enqueue_indirect_dma source(%dma_start3A_344 : memref<10000x128xf32, #tpu.memory_space<hbm>>) target(%arg10 : memref<128x128xf32, #tpu.memory_space<vmem>>) offsets(%dma_start3A_341 : memref<128xi32, #tpu.memory_space<vmem>>) semaphore(%arg14 : memref<!tpu.dma_semaphore, #tpu.memory_space<semaphore_mem>>)
      %add3A_345 = arith.constant 1 : i32
      %add3A_346 = arith.addi %mul3A_322, %add3A_345 : i32
      %dma_wait3A_347 = arith.constant 0 : i32
      %dma_wait3A_348 = tpu.memref_slice %arg6[%add3A_346, %dma_wait3A_347] : memref<16x128xi32, #tpu.memory_space<vmem>> -> memref<1x128xi32, #tpu.memory_space<vmem>>
      %dma_wait3A_349 = tpu.memref_squeeze %dma_wait3A_348 : memref<1x128xi32, #tpu.memory_space<vmem>> -> memref<128xi32, #tpu.memory_space<vmem>>
      %dma_wait3A_350 = arith.constant 0 : i32
      %dma_wait3A_351 = arith.constant 0 : i32
      %dma_wait3A_352 = tpu.memref_slice %arg2[%dma_wait3A_350, %dma_wait3A_351] : memref<10000x128xf32, #tpu.memory_space<hbm>> -> memref<10000x128xf32, #tpu.memory_space<hbm>>
      tpu.wait_indirect_dma semaphore(%arg15 : memref<!tpu.dma_semaphore, #tpu.memory_space<semaphore_mem>>) src(%dma_wait3A_352 : memref<10000x128xf32, #tpu.memory_space<hbm>>) dst(%arg11 : memref<128x128xf32, #tpu.memory_space<vmem>>)
      %add3A_353 = arith.constant 1 : i32
      %add3A_354 = arith.addi %mul3A_322, %add3A_353 : i32
      "tpu.region"() ({
        %run_scoped3A_356 = tpu.sem_alloc : memref<!tpu.dma_semaphore, #tpu.memory_space<semaphore_mem>>
        %dma_start3A_357 = arith.constant 0 : i32
        %dma_start3A_358 = tpu.memref_slice %arg7[%add3A_354, %dma_start3A_357] : memref<16x128xi32, #tpu.memory_space<vmem>> -> memref<1x128xi32, #tpu.memory_space<vmem>>
        %dma_start3A_359 = tpu.memref_squeeze %dma_start3A_358 : memref<1x128xi32, #tpu.memory_space<vmem>> -> memref<128xi32, #tpu.memory_space<vmem>>
        %dma_start3A_360 = arith.constant 0 : i32
        %dma_start3A_361 = arith.constant 0 : i32
        %dma_start3A_362 = tpu.memref_slice %arg12[%dma_start3A_360, %dma_start3A_361] : memref<10240x128xf32, #tpu.memory_space<vmem_shared>> -> memref<10240x128xf32, #tpu.memory_space<vmem_shared>>
        tpu.enqueue_indirect_dma source(%arg11 : memref<128x128xf32, #tpu.memory_space<vmem>>) target(%dma_start3A_362 : memref<10240x128xf32, #tpu.memory_space<vmem_shared>>) offsets(%dma_start3A_359 : memref<128xi32, #tpu.memory_space<vmem>>) semaphore(%run_scoped3A_356 : memref<!tpu.dma_semaphore, #tpu.memory_space<semaphore_mem>>) {add = true}
        %dma_wait3A_363 = arith.constant 0 : i32
        %dma_wait3A_364 = tpu.memref_slice %arg7[%add3A_354, %dma_wait3A_363] : memref<16x128xi32, #tpu.memory_space<vmem>> -> memref<1x128xi32, #tpu.memory_space<vmem>>
        %dma_wait3A_365 = tpu.memref_squeeze %dma_wait3A_364 : memref<1x128xi32, #tpu.memory_space<vmem>> -> memref<128xi32, #tpu.memory_space<vmem>>
        %dma_wait3A_366 = arith.constant 0 : i32
        %dma_wait3A_367 = arith.constant 0 : i32
        %dma_wait3A_368 = tpu.memref_slice %arg12[%dma_wait3A_366, %dma_wait3A_367] : memref<10240x128xf32, #tpu.memory_space<vmem_shared>> -> memref<10240x128xf32, #tpu.memory_space<vmem_shared>>
        tpu.wait_indirect_dma semaphore(%run_scoped3A_356 : memref<!tpu.dma_semaphore, #tpu.memory_space<semaphore_mem>>) src(%arg11 : memref<128x128xf32, #tpu.memory_space<vmem>>) dst(%dma_wait3A_368 : memref<10240x128xf32, #tpu.memory_space<vmem_shared>>)
        tpu.yield
      }) : () -> ()
      %scan3A_355 = arith.constant 0 : i32
      scf.yield %scan3A_355 : i32
    }
    %scan3A_294 = arith.constant 7 : i32
    %dma_wait3A_295 = arith.constant 14 : i32
    %dma_wait3A_296 = arith.constant 0 : i32
    %dma_wait3A_297 = tpu.memref_slice %arg6[%dma_wait3A_295, %dma_wait3A_296] : memref<16x128xi32, #tpu.memory_space<vmem>> -> memref<1x128xi32, #tpu.memory_space<vmem>>
    %dma_wait3A_298 = tpu.memref_squeeze %dma_wait3A_297 : memref<1x128xi32, #tpu.memory_space<vmem>> -> memref<128xi32, #tpu.memory_space<vmem>>
    %dma_wait3A_299 = arith.constant 0 : i32
    %dma_wait3A_300 = arith.constant 0 : i32
    %dma_wait3A_301 = tpu.memref_slice %arg2[%dma_wait3A_299, %dma_wait3A_300] : memref<10000x128xf32, #tpu.memory_space<hbm>> -> memref<10000x128xf32, #tpu.memory_space<hbm>>
    tpu.wait_indirect_dma semaphore(%arg14 : memref<!tpu.dma_semaphore, #tpu.memory_space<semaphore_mem>>) src(%dma_wait3A_301 : memref<10000x128xf32, #tpu.memory_space<hbm>>) dst(%arg10 : memref<128x128xf32, #tpu.memory_space<vmem>>)
    %dma_start3A_302 = arith.constant 15 : i32
    %dma_start3A_303 = arith.constant 0 : i32
    %dma_start3A_304 = tpu.memref_slice %arg6[%dma_start3A_302, %dma_start3A_303] : memref<16x128xi32, #tpu.memory_space<vmem>> -> memref<1x128xi32, #tpu.memory_space<vmem>>
    %dma_start3A_305 = tpu.memref_squeeze %dma_start3A_304 : memref<1x128xi32, #tpu.memory_space<vmem>> -> memref<128xi32, #tpu.memory_space<vmem>>
    %dma_start3A_306 = arith.constant 0 : i32
    %dma_start3A_307 = arith.constant 0 : i32
    %dma_start3A_308 = tpu.memref_slice %arg2[%dma_start3A_306, %dma_start3A_307] : memref<10000x128xf32, #tpu.memory_space<hbm>> -> memref<10000x128xf32, #tpu.memory_space<hbm>>
    tpu.enqueue_indirect_dma source(%dma_start3A_308 : memref<10000x128xf32, #tpu.memory_space<hbm>>) target(%arg11 : memref<128x128xf32, #tpu.memory_space<vmem>>) offsets(%dma_start3A_305 : memref<128xi32, #tpu.memory_space<vmem>>) semaphore(%arg15 : memref<!tpu.dma_semaphore, #tpu.memory_space<semaphore_mem>>)
    %run_scoped3A_309 = arith.constant 14 : i32
    "tpu.region"() ({
      %run_scoped3A_319 = tpu.sem_alloc : memref<!tpu.dma_semaphore, #tpu.memory_space<semaphore_mem>>
      %dma_start3A_320 = arith.constant 0 : i32
      %dma_start3A_321 = tpu.memref_slice %arg7[%run_scoped3A_309, %dma_start3A_320] : memref<16x128xi32, #tpu.memory_space<vmem>> -> memref<1x128xi32, #tpu.memory_space<vmem>>
      %dma_start3A_322 = tpu.memref_squeeze %dma_start3A_321 : memref<1x128xi32, #tpu.memory_space<vmem>> -> memref<128xi32, #tpu.memory_space<vmem>>
      %dma_start3A_323 = arith.constant 0 : i32
      %dma_start3A_324 = arith.constant 0 : i32
      %dma_start3A_325 = tpu.memref_slice %arg12[%dma_start3A_323, %dma_start3A_324] : memref<10240x128xf32, #tpu.memory_space<vmem_shared>> -> memref<10240x128xf32, #tpu.memory_space<vmem_shared>>
      tpu.enqueue_indirect_dma source(%arg10 : memref<128x128xf32, #tpu.memory_space<vmem>>) target(%dma_start3A_325 : memref<10240x128xf32, #tpu.memory_space<vmem_shared>>) offsets(%dma_start3A_322 : memref<128xi32, #tpu.memory_space<vmem>>) semaphore(%run_scoped3A_319 : memref<!tpu.dma_semaphore, #tpu.memory_space<semaphore_mem>>) {add = true}
      %dma_wait3A_326 = arith.constant 0 : i32
      %dma_wait3A_327 = tpu.memref_slice %arg7[%run_scoped3A_309, %dma_wait3A_326] : memref<16x128xi32, #tpu.memory_space<vmem>> -> memref<1x128xi32, #tpu.memory_space<vmem>>
      %dma_wait3A_328 = tpu.memref_squeeze %dma_wait3A_327 : memref<1x128xi32, #tpu.memory_space<vmem>> -> memref<128xi32, #tpu.memory_space<vmem>>
      %dma_wait3A_329 = arith.constant 0 : i32
      %dma_wait3A_330 = arith.constant 0 : i32
      %dma_wait3A_331 = tpu.memref_slice %arg12[%dma_wait3A_329, %dma_wait3A_330] : memref<10240x128xf32, #tpu.memory_space<vmem_shared>> -> memref<10240x128xf32, #tpu.memory_space<vmem_shared>>
      tpu.wait_indirect_dma semaphore(%run_scoped3A_319 : memref<!tpu.dma_semaphore, #tpu.memory_space<semaphore_mem>>) src(%arg10 : memref<128x128xf32, #tpu.memory_space<vmem>>) dst(%dma_wait3A_331 : memref<10240x128xf32, #tpu.memory_space<vmem_shared>>)
      tpu.yield
    }) : () -> ()
    %dma_wait3A_310 = arith.constant 15 : i32
    %dma_wait3A_311 = arith.constant 0 : i32
    %dma_wait3A_312 = tpu.memref_slice %arg6[%dma_wait3A_310, %dma_wait3A_311] : memref<16x128xi32, #tpu.memory_space<vmem>> -> memref<1x128xi32, #tpu.memory_space<vmem>>
    %dma_wait3A_313 = tpu.memref_squeeze %dma_wait3A_312 : memref<1x128xi32, #tpu.memory_space<vmem>> -> memref<128xi32, #tpu.memory_space<vmem>>
    %dma_wait3A_314 = arith.constant 0 : i32
    %dma_wait3A_315 = arith.constant 0 : i32
    %dma_wait3A_316 = tpu.memref_slice %arg2[%dma_wait3A_314, %dma_wait3A_315] : memref<10000x128xf32, #tpu.memory_space<hbm>> -> memref<10000x128xf32, #tpu.memory_space<hbm>>
    tpu.wait_indirect_dma semaphore(%arg15 : memref<!tpu.dma_semaphore, #tpu.memory_space<semaphore_mem>>) src(%dma_wait3A_316 : memref<10000x128xf32, #tpu.memory_space<hbm>>) dst(%arg11 : memref<128x128xf32, #tpu.memory_space<vmem>>)
    %run_scoped3A_317 = arith.constant 15 : i32
    "tpu.region"() ({
      %run_scoped3A_319 = tpu.sem_alloc : memref<!tpu.dma_semaphore, #tpu.memory_space<semaphore_mem>>
      %dma_start3A_320 = arith.constant 0 : i32
      %dma_start3A_321 = tpu.memref_slice %arg7[%run_scoped3A_317, %dma_start3A_320] : memref<16x128xi32, #tpu.memory_space<vmem>> -> memref<1x128xi32, #tpu.memory_space<vmem>>
      %dma_start3A_322 = tpu.memref_squeeze %dma_start3A_321 : memref<1x128xi32, #tpu.memory_space<vmem>> -> memref<128xi32, #tpu.memory_space<vmem>>
      %dma_start3A_323 = arith.constant 0 : i32
      %dma_start3A_324 = arith.constant 0 : i32
      %dma_start3A_325 = tpu.memref_slice %arg12[%dma_start3A_323, %dma_start3A_324] : memref<10240x128xf32, #tpu.memory_space<vmem_shared>> -> memref<10240x128xf32, #tpu.memory_space<vmem_shared>>
      tpu.enqueue_indirect_dma source(%arg11 : memref<128x128xf32, #tpu.memory_space<vmem>>) target(%dma_start3A_325 : memref<10240x128xf32, #tpu.memory_space<vmem_shared>>) offsets(%dma_start3A_322 : memref<128xi32, #tpu.memory_space<vmem>>) semaphore(%run_scoped3A_319 : memref<!tpu.dma_semaphore, #tpu.memory_space<semaphore_mem>>) {add = true}
      %dma_wait3A_326 = arith.constant 0 : i32
      %dma_wait3A_327 = tpu.memref_slice %arg7[%run_scoped3A_317, %dma_wait3A_326] : memref<16x128xi32, #tpu.memory_space<vmem>> -> memref<1x128xi32, #tpu.memory_space<vmem>>
      %dma_wait3A_328 = tpu.memref_squeeze %dma_wait3A_327 : memref<1x128xi32, #tpu.memory_space<vmem>> -> memref<128xi32, #tpu.memory_space<vmem>>
      %dma_wait3A_329 = arith.constant 0 : i32
      %dma_wait3A_330 = arith.constant 0 : i32
      %dma_wait3A_331 = tpu.memref_slice %arg12[%dma_wait3A_329, %dma_wait3A_330] : memref<10240x128xf32, #tpu.memory_space<vmem_shared>> -> memref<10240x128xf32, #tpu.memory_space<vmem_shared>>
      tpu.wait_indirect_dma semaphore(%run_scoped3A_319 : memref<!tpu.dma_semaphore, #tpu.memory_space<semaphore_mem>>) src(%arg11 : memref<128x128xf32, #tpu.memory_space<vmem>>) dst(%dma_wait3A_331 : memref<10240x128xf32, #tpu.memory_space<vmem_shared>>)
      tpu.yield
    }) : () -> ()
    %barrier3A_318 = arith.constant 0 : index
    tpu.barrier barrier_id(%barrier3A_318)
    "tpu.region"() ({
      %run_scoped3A_319 = tpu.sem_alloc : memref<!tpu.dma_semaphore, #tpu.memory_space<semaphore_mem>>
      %dma_start3A_320 = arith.constant 0 : i32
      %dma_start3A_321 = tpu.memref_slice %arg5[%arg0, %mul3A_2, %dma_start3A_320] : memref<2x10240x128xf32, #tpu.memory_space<hbm>> -> memref<1x640x128xf32, #tpu.memory_space<hbm>>
      %dma_start3A_322 = tpu.memref_squeeze %dma_start3A_321 : memref<1x640x128xf32, #tpu.memory_space<hbm>> -> memref<640x128xf32, #tpu.memory_space<hbm>>
      %dma_start3A_323 = arith.constant 0 : i32
      %dma_start3A_324 = tpu.memref_slice %arg12[%mul3A_2, %dma_start3A_323] : memref<10240x128xf32, #tpu.memory_space<vmem_shared>> -> memref<640x128xf32, #tpu.memory_space<vmem_shared>>
      tpu.enqueue_dma source(%dma_start3A_324 : memref<640x128xf32, #tpu.memory_space<vmem_shared>>) target(%dma_start3A_322 : memref<640x128xf32, #tpu.memory_space<hbm>>) target_semaphore(%run_scoped3A_319 : memref<!tpu.dma_semaphore, #tpu.memory_space<semaphore_mem>>)
      %dma_wait3A_325 = arith.constant 0 : i32
      %dma_wait3A_326 = tpu.memref_slice %arg5[%arg0, %mul3A_2, %dma_wait3A_325] : memref<2x10240x128xf32, #tpu.memory_space<hbm>> -> memref<1x640x128xf32, #tpu.memory_space<hbm>>
      %dma_wait3A_327 = tpu.memref_squeeze %dma_wait3A_326 : memref<1x640x128xf32, #tpu.memory_space<hbm>> -> memref<640x128xf32, #tpu.memory_space<hbm>>
      %dma_wait3A_328 = arith.constant 0 : i32
      %dma_wait3A_329 = tpu.memref_slice %arg12[%mul3A_2, %dma_wait3A_328] : memref<10240x128xf32, #tpu.memory_space<vmem_shared>> -> memref<640x128xf32, #tpu.memory_space<vmem_shared>>
      tpu.wait_dma2 semaphore(%run_scoped3A_319 : memref<!tpu.dma_semaphore, #tpu.memory_space<semaphore_mem>>) src(%dma_wait3A_329 : memref<640x128xf32, #tpu.memory_space<vmem_shared>>) dst(%dma_wait3A_327 : memref<640x128xf32, #tpu.memory_space<hbm>>)
      tpu.yield
    }) : () -> ()
    return
  }
}

#map = affine_map<(d0, d1) -> (0, 0)>
#map1 = affine_map<(d0, d1) -> (0, 0, 0)>
module attributes {stable_mosaic.version = 14 : i64} {
  func.func @body(%arg0: i32, %arg1: i32, %arg2: memref<10000x128xf32, #tpu.memory_space<hbm>>, %arg3: memref<2560x128xi32, #tpu.memory_space<hbm>>, %arg4: memref<2560x128xi32, #tpu.memory_space<hbm>>, %arg5: memref<2x10240x128xf32, #tpu.memory_space<hbm>>, %arg6: memref<16x128xi32, #tpu.memory_space<vmem>>, %arg7: memref<16x128xi32, #tpu.memory_space<vmem>>, %arg8: memref<16x128xi32, #tpu.memory_space<vmem>>, %arg9: memref<16x128xi32, #tpu.memory_space<vmem>>, %arg10: memref<128x128xf32, #tpu.memory_space<vmem>>, %arg11: memref<128x128xf32, #tpu.memory_space<vmem>>, %arg12: memref<10240x128xf32, #tpu.memory_space<vmem_shared>>, %arg13: memref<!tpu.dma_semaphore, #tpu.memory_space<semaphore_mem>>, %arg14: memref<!tpu.dma_semaphore, #tpu.memory_space<semaphore_mem>>, %arg15: memref<!tpu.dma_semaphore, #tpu.memory_space<semaphore_mem>>, %arg16: memref<!tpu.dma_semaphore, #tpu.memory_space<semaphore_mem>>, %arg17: memref<!tpu.dma_semaphore, #tpu.memory_space<semaphore_mem>>) attributes {dimension_semantics = [#tpu.dimension_semantics<core_parallel>, #tpu.dimension_semantics<subcore_parallel>], iteration_bounds = array<i64: 2, 16>, scalar_prefetch = 0 : i64, scratch_operands = 12 : i64, tpu.core_type = #tpu.core_type<sc_vector_subcore>, window_params = [{transform_indices = #map}, {transform_indices = #map}, {transform_indices = #map}, {transform_indices = #map1}]} {
    %mul3A = arith.constant 16 : i32
    %mul3A_0 = arith.muli %arg0, %mul3A : i32
    %add3A = arith.addi %mul3A_0, %arg1 : i32
    %mul3A_1 = arith.constant 640 : i32
    %mul3A_2 = arith.muli %arg1, %mul3A_1 : i32
    %mul3A_3 = arith.constant 80 : i32
    %mul3A_4 = arith.muli %add3A, %mul3A_3 : i32
    %add3A_5 = arith.constant 0 : i32
    %add3A_6 = arith.addi %mul3A_4, %add3A_5 : i32
    %dma_start3A = arith.constant 0 : i32
    %dma_start3A_7 = tpu.memref_slice %arg3[%add3A_6, %dma_start3A] : memref<2560x128xi32, #tpu.memory_space<hbm>> -> memref<16x128xi32, #tpu.memory_space<hbm>>
    %dma_start3A_8 = arith.constant 0 : i32
    %dma_start3A_9 = tpu.memref_slice %arg3[%add3A_6, %dma_start3A_8] : memref<2560x128xi32, #tpu.memory_space<hbm>> -> memref<16x128xi32, #tpu.memory_space<hbm>>
    tpu.enqueue_dma source(%dma_start3A_9 : memref<16x128xi32, #tpu.memory_space<hbm>>) target(%arg6 : memref<16x128xi32, #tpu.memory_space<vmem>>) target_semaphore(%arg13 : memref<!tpu.dma_semaphore, #tpu.memory_space<semaphore_mem>>)
    %dma_start3A_10 = arith.constant 0 : i32
    %dma_start3A_11 = tpu.memref_slice %arg4[%add3A_6, %dma_start3A_10] : memref<2560x128xi32, #tpu.memory_space<hbm>> -> memref<16x128xi32, #tpu.memory_space<hbm>>
    %dma_start3A_12 = arith.constant 0 : i32
    %dma_start3A_13 = tpu.memref_slice %arg4[%add3A_6, %dma_start3A_12] : memref<2560x128xi32, #tpu.memory_space<hbm>> -> memref<16x128xi32, #tpu.memory_space<hbm>>
    tpu.enqueue_dma source(%dma_start3A_13 : memref<16x128xi32, #tpu.memory_space<hbm>>) target(%arg7 : memref<16x128xi32, #tpu.memory_space<vmem>>) target_semaphore(%arg13 : memref<!tpu.dma_semaphore, #tpu.memory_space<semaphore_mem>>)
    %broadcast_in_dim3A = arith.constant 0.000000e+00 : f32
    %broadcast_in_dim3A_14 = vector.broadcast %broadcast_in_dim3A : f32 to vector<16xf32>
    %scan3A = arith.constant 0 : i32
    %scan3A_15 = arith.constant 0 : i32
    %scan3A_16 = arith.constant 128 : i32
    %scan3A_17 = arith.addi %scan3A_15, %scan3A_16 : i32
    %scan3A_18 = arith.constant 1 : i32
    %scan3A_19 = scf.for %scan3A_319 = %scan3A_15 to %scan3A_17 step %scan3A_18 iter_args(%scan3A_320 = %scan3A) -> (i32)  : i32 {
      %swap3A = arith.index_cast %scan3A_319 : i32 to index
      %swap3A_321 = arith.constant 0 : index
      %swap3A_322 = tpu.vector_load %arg10[%swap3A, %swap3A_321] {strides = array<i32>} : memref<128x128xf32, #tpu.memory_space<vmem>>, vector<1x16xf32>,
      %swap3A_323 = vector.shape_cast %swap3A_322 : vector<1x16xf32> to vector<16xf32>
      %swap3A_324 = vector.shape_cast %broadcast_in_dim3A_14 : vector<16xf32> to vector<1x16xf32>
      tpu.vector_store %arg10[%swap3A, %swap3A_321], %swap3A_324 {strides = array<i32>} : memref<128x128xf32, #tpu.memory_space<vmem>>, vector<1x16xf32>,
      %swap3A_325 = arith.index_cast %scan3A_319 : i32 to index
      %swap3A_326 = arith.constant 16 : index
      %swap3A_327 = tpu.vector_load %arg10[%swap3A_325, %swap3A_326] {strides = array<i32>} : memref<128x128xf32, #tpu.memory_space<vmem>>, vector<1x16xf32>,
      %swap3A_328 = vector.shape_cast %swap3A_327 : vector<1x16xf32> to vector<16xf32>
      %swap3A_329 = vector.shape_cast %broadcast_in_dim3A_14 : vector<16xf32> to vector<1x16xf32>
      tpu.vector_store %arg10[%swap3A_325, %swap3A_326], %swap3A_329 {strides = array<i32>} : memref<128x128xf32, #tpu.memory_space<vmem>>, vector<1x16xf32>,
      %swap3A_330 = arith.index_cast %scan3A_319 : i32 to index
      %swap3A_331 = arith.constant 32 : index
      %swap3A_332 = tpu.vector_load %arg10[%swap3A_330, %swap3A_331] {strides = array<i32>} : memref<128x128xf32, #tpu.memory_space<vmem>>, vector<1x16xf32>,
      %swap3A_333 = vector.shape_cast %swap3A_332 : vector<1x16xf32> to vector<16xf32>
      %swap3A_334 = vector.shape_cast %broadcast_in_dim3A_14 : vector<16xf32> to vector<1x16xf32>
      tpu.vector_store %arg10[%swap3A_330, %swap3A_331], %swap3A_334 {strides = array<i32>} : memref<128x128xf32, #tpu.memory_space<vmem>>, vector<1x16xf32>,
      %swap3A_335 = arith.index_cast %scan3A_319 : i32 to index
      %swap3A_336 = arith.constant 48 : index
      %swap3A_337 = tpu.vector_load %arg10[%swap3A_335, %swap3A_336] {strides = array<i32>} : memref<128x128xf32, #tpu.memory_space<vmem>>, vector<1x16xf32>,
      %swap3A_338 = vector.shape_cast %swap3A_337 : vector<1x16xf32> to vector<16xf32>
      %swap3A_339 = vector.shape_cast %broadcast_in_dim3A_14 : vector<16xf32> to vector<1x16xf32>
      tpu.vector_store %arg10[%swap3A_335, %swap3A_336], %swap3A_339 {strides = array<i32>} : memref<128x128xf32, #tpu.memory_space<vmem>>, vector<1x16xf32>,
      %swap3A_340 = arith.index_cast %scan3A_319 : i32 to index
      %swap3A_341 = arith.constant 64 : index
      %swap3A_342 = tpu.vector_load %arg10[%swap3A_340, %swap3A_341] {strides = array<i32>} : memref<128x128xf32, #tpu.memory_space<vmem>>, vector<1x16xf32>,
      %swap3A_343 = vector.shape_cast %swap3A_342 : vector<1x16xf32> to vector<16xf32>
      %swap3A_344 = vector.shape_cast %broadcast_in_dim3A_14 : vector<16xf32> to vector<1x16xf32>
      tpu.vector_store %arg10[%swap3A_340, %swap3A_341], %swap3A_344 {strides = array<i32>} : memref<128x128xf32, #tpu.memory_space<vmem>>, vector<1x16xf32>,
      %swap3A_345 = arith.index_cast %scan3A_319 : i32 to index
      %swap3A_346 = arith.constant 80 : index
      %swap3A_347 = tpu.vector_load %arg10[%swap3A_345, %swap3A_346] {strides = array<i32>} : memref<128x128xf32, #tpu.memory_space<vmem>>, vector<1x16xf32>,
      %swap3A_348 = vector.shape_cast %swap3A_347 : vector<1x16xf32> to vector<16xf32>
      %swap3A_349 = vector.shape_cast %broadcast_in_dim3A_14 : vector<16xf32> to vector<1x16xf32>
      tpu.vector_store %arg10[%swap3A_345, %swap3A_346], %swap3A_349 {strides = array<i32>} : memref<128x128xf32, #tpu.memory_space<vmem>>, vector<1x16xf32>,
      %swap3A_350 = arith.index_cast %scan3A_319 : i32 to index
      %swap3A_351 = arith.constant 96 : index
      %swap3A_352 = tpu.vector_load %arg10[%swap3A_350, %swap3A_351] {strides = array<i32>} : memref<128x128xf32, #tpu.memory_space<vmem>>, vector<1x16xf32>,
      %swap3A_353 = vector.shape_cast %swap3A_352 : vector<1x16xf32> to vector<16xf32>
      %swap3A_354 = vector.shape_cast %broadcast_in_dim3A_14 : vector<16xf32> to vector<1x16xf32>
      tpu.vector_store %arg10[%swap3A_350, %swap3A_351], %swap3A_354 {strides = array<i32>} : memref<128x128xf32, #tpu.memory_space<vmem>>, vector<1x16xf32>,
      %swap3A_355 = arith.index_cast %scan3A_319 : i32 to index
      %swap3A_356 = arith.constant 112 : index
      %swap3A_357 = tpu.vector_load %arg10[%swap3A_355, %swap3A_356] {strides = array<i32>} : memref<128x128xf32, #tpu.memory_space<vmem>>, vector<1x16xf32>,
      %swap3A_358 = vector.shape_cast %swap3A_357 : vector<1x16xf32> to vector<16xf32>
      %swap3A_359 = vector.shape_cast %broadcast_in_dim3A_14 : vector<16xf32> to vector<1x16xf32>
      tpu.vector_store %arg10[%swap3A_355, %swap3A_356], %swap3A_359 {strides = array<i32>} : memref<128x128xf32, #tpu.memory_space<vmem>>, vector<1x16xf32>,
      %scan3A_360 = arith.constant 0 : i32
      scf.yield %scan3A_360 : i32
    }
    %scan3A_20 = arith.constant 128 : i32
    %add3A_21 = arith.constant 0 : i32
    %add3A_22 = arith.addi %mul3A_2, %add3A_21 : i32
    "tpu.region"() ({
      %run_scoped3A_319 = tpu.sem_alloc : memref<!tpu.dma_semaphore, #tpu.memory_space<semaphore_mem>>
      %dma_start3A_320 = arith.constant 0 : i32
      %dma_start3A_321 = tpu.memref_slice %arg12[%add3A_22, %dma_start3A_320] : memref<10240x128xf32, #tpu.memory_space<vmem_shared>> -> memref<128x128xf32, #tpu.memory_space<vmem_shared>>
      %dma_start3A_322 = arith.constant 0 : i32
      %dma_start3A_323 = tpu.memref_slice %arg12[%add3A_22, %dma_start3A_322] : memref<10240x128xf32, #tpu.memory_space<vmem_shared>> -> memref<128x128xf32, #tpu.memory_space<vmem_shared>>
      tpu.enqueue_dma source(%arg10 : memref<128x128xf32, #tpu.memory_space<vmem>>) target(%dma_start3A_323 : memref<128x128xf32, #tpu.memory_space<vmem_shared>>) target_semaphore(%run_scoped3A_319 : memref<!tpu.dma_semaphore, #tpu.memory_space<semaphore_mem>>)
      %dma_wait3A_324 = arith.constant 0 : i32
      %dma_wait3A_325 = tpu.memref_slice %arg12[%add3A_22, %dma_wait3A_324] : memref<10240x128xf32, #tpu.memory_space<vmem_shared>> -> memref<128x128xf32, #tpu.memory_space<vmem_shared>>
      %dma_wait3A_326 = arith.constant 0 : i32
      %dma_wait3A_327 = tpu.memref_slice %arg12[%add3A_22, %dma_wait3A_326] : memref<10240x128xf32, #tpu.memory_space<vmem_shared>> -> memref<128x128xf32, #tpu.memory_space<vmem_shared>>
      tpu.wait_dma2 semaphore(%run_scoped3A_319 : memref<!tpu.dma_semaphore, #tpu.memory_space<semaphore_mem>>) src(%arg10 : memref<128x128xf32, #tpu.memory_space<vmem>>) dst(%dma_wait3A_327 : memref<128x128xf32, #tpu.memory_space<vmem_shared>>)
      tpu.yield
    }) : () -> ()
    %add3A_23 = arith.constant 128 : i32
    %add3A_24 = arith.addi %mul3A_2, %add3A_23 : i32
    "tpu.region"() ({
      %run_scoped3A_319 = tpu.sem_alloc : memref<!tpu.dma_semaphore, #tpu.memory_space<semaphore_mem>>
      %dma_start3A_320 = arith.constant 0 : i32
      %dma_start3A_321 = tpu.memref_slice %arg12[%add3A_24, %dma_start3A_320] : memref<10240x128xf32, #tpu.memory_space<vmem_shared>> -> memref<128x128xf32, #tpu.memory_space<vmem_shared>>
      %dma_start3A_322 = arith.constant 0 : i32
      %dma_start3A_323 = tpu.memref_slice %arg12[%add3A_24, %dma_start3A_322] : memref<10240x128xf32, #tpu.memory_space<vmem_shared>> -> memref<128x128xf32, #tpu.memory_space<vmem_shared>>
      tpu.enqueue_dma source(%arg10 : memref<128x128xf32, #tpu.memory_space<vmem>>) target(%dma_start3A_323 : memref<128x128xf32, #tpu.memory_space<vmem_shared>>) target_semaphore(%run_scoped3A_319 : memref<!tpu.dma_semaphore, #tpu.memory_space<semaphore_mem>>)
      %dma_wait3A_324 = arith.constant 0 : i32
      %dma_wait3A_325 = tpu.memref_slice %arg12[%add3A_24, %dma_wait3A_324] : memref<10240x128xf32, #tpu.memory_space<vmem_shared>> -> memref<128x128xf32, #tpu.memory_space<vmem_shared>>
      %dma_wait3A_326 = arith.constant 0 : i32
      %dma_wait3A_327 = tpu.memref_slice %arg12[%add3A_24, %dma_wait3A_326] : memref<10240x128xf32, #tpu.memory_space<vmem_shared>> -> memref<128x128xf32, #tpu.memory_space<vmem_shared>>
      tpu.wait_dma2 semaphore(%run_scoped3A_319 : memref<!tpu.dma_semaphore, #tpu.memory_space<semaphore_mem>>) src(%arg10 : memref<128x128xf32, #tpu.memory_space<vmem>>) dst(%dma_wait3A_327 : memref<128x128xf32, #tpu.memory_space<vmem_shared>>)
      tpu.yield
    }) : () -> ()
    %add3A_25 = arith.constant 256 : i32
    %add3A_26 = arith.addi %mul3A_2, %add3A_25 : i32
    "tpu.region"() ({
      %run_scoped3A_319 = tpu.sem_alloc : memref<!tpu.dma_semaphore, #tpu.memory_space<semaphore_mem>>
      %dma_start3A_320 = arith.constant 0 : i32
      %dma_start3A_321 = tpu.memref_slice %arg12[%add3A_26, %dma_start3A_320] : memref<10240x128xf32, #tpu.memory_space<vmem_shared>> -> memref<128x128xf32, #tpu.memory_space<vmem_shared>>
      %dma_start3A_322 = arith.constant 0 : i32
      %dma_start3A_323 = tpu.memref_slice %arg12[%add3A_26, %dma_start3A_322] : memref<10240x128xf32, #tpu.memory_space<vmem_shared>> -> memref<128x128xf32, #tpu.memory_space<vmem_shared>>
      tpu.enqueue_dma source(%arg10 : memref<128x128xf32, #tpu.memory_space<vmem>>) target(%dma_start3A_323 : memref<128x128xf32, #tpu.memory_space<vmem_shared>>) target_semaphore(%run_scoped3A_319 : memref<!tpu.dma_semaphore, #tpu.memory_space<semaphore_mem>>)
      %dma_wait3A_324 = arith.constant 0 : i32
      %dma_wait3A_325 = tpu.memref_slice %arg12[%add3A_26, %dma_wait3A_324] : memref<10240x128xf32, #tpu.memory_space<vmem_shared>> -> memref<128x128xf32, #tpu.memory_space<vmem_shared>>
      %dma_wait3A_326 = arith.constant 0 : i32
      %dma_wait3A_327 = tpu.memref_slice %arg12[%add3A_26, %dma_wait3A_326] : memref<10240x128xf32, #tpu.memory_space<vmem_shared>> -> memref<128x128xf32, #tpu.memory_space<vmem_shared>>
      tpu.wait_dma2 semaphore(%run_scoped3A_319 : memref<!tpu.dma_semaphore, #tpu.memory_space<semaphore_mem>>) src(%arg10 : memref<128x128xf32, #tpu.memory_space<vmem>>) dst(%dma_wait3A_327 : memref<128x128xf32, #tpu.memory_space<vmem_shared>>)
      tpu.yield
    }) : () -> ()
    %add3A_27 = arith.constant 384 : i32
    %add3A_28 = arith.addi %mul3A_2, %add3A_27 : i32
    "tpu.region"() ({
      %run_scoped3A_319 = tpu.sem_alloc : memref<!tpu.dma_semaphore, #tpu.memory_space<semaphore_mem>>
      %dma_start3A_320 = arith.constant 0 : i32
      %dma_start3A_321 = tpu.memref_slice %arg12[%add3A_28, %dma_start3A_320] : memref<10240x128xf32, #tpu.memory_space<vmem_shared>> -> memref<128x128xf32, #tpu.memory_space<vmem_shared>>
      %dma_start3A_322 = arith.constant 0 : i32
      %dma_start3A_323 = tpu.memref_slice %arg12[%add3A_28, %dma_start3A_322] : memref<10240x128xf32, #tpu.memory_space<vmem_shared>> -> memref<128x128xf32, #tpu.memory_space<vmem_shared>>
      tpu.enqueue_dma source(%arg10 : memref<128x128xf32, #tpu.memory_space<vmem>>) target(%dma_start3A_323 : memref<128x128xf32, #tpu.memory_space<vmem_shared>>) target_semaphore(%run_scoped3A_319 : memref<!tpu.dma_semaphore, #tpu.memory_space<semaphore_mem>>)
      %dma_wait3A_324 = arith.constant 0 : i32
      %dma_wait3A_325 = tpu.memref_slice %arg12[%add3A_28, %dma_wait3A_324] : memref<10240x128xf32, #tpu.memory_space<vmem_shared>> -> memref<128x128xf32, #tpu.memory_space<vmem_shared>>
      %dma_wait3A_326 = arith.constant 0 : i32
      %dma_wait3A_327 = tpu.memref_slice %arg12[%add3A_28, %dma_wait3A_326] : memref<10240x128xf32, #tpu.memory_space<vmem_shared>> -> memref<128x128xf32, #tpu.memory_space<vmem_shared>>
      tpu.wait_dma2 semaphore(%run_scoped3A_319 : memref<!tpu.dma_semaphore, #tpu.memory_space<semaphore_mem>>) src(%arg10 : memref<128x128xf32, #tpu.memory_space<vmem>>) dst(%dma_wait3A_327 : memref<128x128xf32, #tpu.memory_space<vmem_shared>>)
      tpu.yield
    }) : () -> ()
    %add3A_29 = arith.constant 512 : i32
    %add3A_30 = arith.addi %mul3A_2, %add3A_29 : i32
    "tpu.region"() ({
      %run_scoped3A_319 = tpu.sem_alloc : memref<!tpu.dma_semaphore, #tpu.memory_space<semaphore_mem>>
      %dma_start3A_320 = arith.constant 0 : i32
      %dma_start3A_321 = tpu.memref_slice %arg12[%add3A_30, %dma_start3A_320] : memref<10240x128xf32, #tpu.memory_space<vmem_shared>> -> memref<128x128xf32, #tpu.memory_space<vmem_shared>>
      %dma_start3A_322 = arith.constant 0 : i32
      %dma_start3A_323 = tpu.memref_slice %arg12[%add3A_30, %dma_start3A_322] : memref<10240x128xf32, #tpu.memory_space<vmem_shared>> -> memref<128x128xf32, #tpu.memory_space<vmem_shared>>
      tpu.enqueue_dma source(%arg10 : memref<128x128xf32, #tpu.memory_space<vmem>>) target(%dma_start3A_323 : memref<128x128xf32, #tpu.memory_space<vmem_shared>>) target_semaphore(%run_scoped3A_319 : memref<!tpu.dma_semaphore, #tpu.memory_space<semaphore_mem>>)
      %dma_wait3A_324 = arith.constant 0 : i32
      %dma_wait3A_325 = tpu.memref_slice %arg12[%add3A_30, %dma_wait3A_324] : memref<10240x128xf32, #tpu.memory_space<vmem_shared>> -> memref<128x128xf32, #tpu.memory_space<vmem_shared>>
      %dma_wait3A_326 = arith.constant 0 : i32
      %dma_wait3A_327 = tpu.memref_slice %arg12[%add3A_30, %dma_wait3A_326] : memref<10240x128xf32, #tpu.memory_space<vmem_shared>> -> memref<128x128xf32, #tpu.memory_space<vmem_shared>>
      tpu.wait_dma2 semaphore(%run_scoped3A_319 : memref<!tpu.dma_semaphore, #tpu.memory_space<semaphore_mem>>) src(%arg10 : memref<128x128xf32, #tpu.memory_space<vmem>>) dst(%dma_wait3A_327 : memref<128x128xf32, #tpu.memory_space<vmem_shared>>)
      tpu.yield
    }) : () -> ()
    %dma_wait3A = arith.constant 0 : i32
    %dma_wait3A_31 = tpu.memref_slice %arg3[%add3A_6, %dma_wait3A] : memref<2560x128xi32, #tpu.memory_space<hbm>> -> memref<16x128xi32, #tpu.memory_space<hbm>>
    %dma_wait3A_32 = arith.constant 0 : i32
    %dma_wait3A_33 = tpu.memref_slice %arg3[%add3A_6, %dma_wait3A_32] : memref<2560x128xi32, #tpu.memory_space<hbm>> -> memref<16x128xi32, #tpu.memory_space<hbm>>
    tpu.wait_dma2 semaphore(%arg13 : memref<!tpu.dma_semaphore, #tpu.memory_space<semaphore_mem>>) src(%dma_wait3A_33 : memref<16x128xi32, #tpu.memory_space<hbm>>) dst(%arg6 : memref<16x128xi32, #tpu.memory_space<vmem>>)
    %dma_wait3A_34 = arith.constant 0 : i32
    %dma_wait3A_35 = tpu.memref_slice %arg4[%add3A_6, %dma_wait3A_34] : memref<2560x128xi32, #tpu.memory_space<hbm>> -> memref<16x128xi32, #tpu.memory_space<hbm>>
    %dma_wait3A_36 = arith.constant 0 : i32
    %dma_wait3A_37 = tpu.memref_slice %arg4[%add3A_6, %dma_wait3A_36] : memref<2560x128xi32, #tpu.memory_space<hbm>> -> memref<16x128xi32, #tpu.memory_space<hbm>>
    tpu.wait_dma2 semaphore(%arg13 : memref<!tpu.dma_semaphore, #tpu.memory_space<semaphore_mem>>) src(%dma_wait3A_37 : memref<16x128xi32, #tpu.memory_space<hbm>>) dst(%arg7 : memref<16x128xi32, #tpu.memory_space<vmem>>)
    %barrier3A = arith.constant 0 : index
    tpu.barrier barrier_id(%barrier3A)
    %dma_start3A_38 = arith.constant 0 : i32
    %dma_start3A_39 = arith.constant 0 : i32
    %dma_start3A_40 = tpu.memref_slice %arg6[%dma_start3A_38, %dma_start3A_39] : memref<16x128xi32, #tpu.memory_space<vmem>> -> memref<1x128xi32, #tpu.memory_space<vmem>>
    %dma_start3A_41 = tpu.memref_squeeze %dma_start3A_40 : memref<1x128xi32, #tpu.memory_space<vmem>> -> memref<128xi32, #tpu.memory_space<vmem>>
    %dma_start3A_42 = arith.constant 0 : i32
    %dma_start3A_43 = arith.constant 0 : i32
    %dma_start3A_44 = tpu.memref_slice %arg2[%dma_start3A_42, %dma_start3A_43] : memref<10000x128xf32, #tpu.memory_space<hbm>> -> memref<10000x128xf32, #tpu.memory_space<hbm>>
    tpu.enqueue_indirect_dma source(%dma_start3A_44 : memref<10000x128xf32, #tpu.memory_space<hbm>>) target(%arg10 : memref<128x128xf32, #tpu.memory_space<vmem>>) offsets(%dma_start3A_41 : memref<128xi32, #tpu.memory_space<vmem>>) semaphore(%arg14 : memref<!tpu.dma_semaphore, #tpu.memory_space<semaphore_mem>>)
    %mul3A_45 = arith.constant 80 : i32
    %mul3A_46 = arith.muli %add3A, %mul3A_45 : i32
    %add3A_47 = arith.constant 16 : i32
    %add3A_48 = arith.addi %mul3A_46, %add3A_47 : i32
    %dma_start3A_49 = arith.constant 0 : i32
    %dma_start3A_50 = tpu.memref_slice %arg3[%add3A_48, %dma_start3A_49] : memref<2560x128xi32, #tpu.memory_space<hbm>> -> memref<16x128xi32, #tpu.memory_space<hbm>>
    %dma_start3A_51 = arith.constant 0 : i32
    %dma_start3A_52 = tpu.memref_slice %arg3[%add3A_48, %dma_start3A_51] : memref<2560x128xi32, #tpu.memory_space<hbm>> -> memref<16x128xi32, #tpu.memory_space<hbm>>
    tpu.enqueue_dma source(%dma_start3A_52 : memref<16x128xi32, #tpu.memory_space<hbm>>) target(%arg8 : memref<16x128xi32, #tpu.memory_space<vmem>>) target_semaphore(%arg13 : memref<!tpu.dma_semaphore, #tpu.memory_space<semaphore_mem>>)
    %dma_start3A_53 = arith.constant 0 : i32
    %dma_start3A_54 = tpu.memref_slice %arg4[%add3A_48, %dma_start3A_53] : memref<2560x128xi32, #tpu.memory_space<hbm>> -> memref<16x128xi32, #tpu.memory_space<hbm>>
    %dma_start3A_55 = arith.constant 0 : i32
    %dma_start3A_56 = tpu.memref_slice %arg4[%add3A_48, %dma_start3A_55] : memref<2560x128xi32, #tpu.memory_space<hbm>> -> memref<16x128xi32, #tpu.memory_space<hbm>>
    tpu.enqueue_dma source(%dma_start3A_56 : memref<16x128xi32, #tpu.memory_space<hbm>>) target(%arg9 : memref<16x128xi32, #tpu.memory_space<vmem>>) target_semaphore(%arg13 : memref<!tpu.dma_semaphore, #tpu.memory_space<semaphore_mem>>)
    %scan3A_57 = arith.constant 0 : i32
    %scan3A_58 = arith.constant 0 : i32
    %scan3A_59 = arith.constant 7 : i32
    %scan3A_60 = arith.addi %scan3A_58, %scan3A_59 : i32
    %scan3A_61 = arith.constant 1 : i32
    %scan3A_62 = scf.for %scan3A_319 = %scan3A_58 to %scan3A_60 step %scan3A_61 iter_args(%scan3A_320 = %scan3A_57) -> (i32)  : i32 {
      %mul3A_321 = arith.constant 2 : i32
      %mul3A_322 = arith.muli %mul3A_321, %scan3A_319 : i32
      %dma_wait3A_323 = arith.constant 0 : i32
      %dma_wait3A_324 = tpu.memref_slice %arg6[%mul3A_322, %dma_wait3A_323] : memref<16x128xi32, #tpu.memory_space<vmem>> -> memref<1x128xi32, #tpu.memory_space<vmem>>
      %dma_wait3A_325 = tpu.memref_squeeze %dma_wait3A_324 : memref<1x128xi32, #tpu.memory_space<vmem>> -> memref<128xi32, #tpu.memory_space<vmem>>
      %dma_wait3A_326 = arith.constant 0 : i32
      %dma_wait3A_327 = arith.constant 0 : i32
      %dma_wait3A_328 = tpu.memref_slice %arg2[%dma_wait3A_326, %dma_wait3A_327] : memref<10000x128xf32, #tpu.memory_space<hbm>> -> memref<10000x128xf32, #tpu.memory_space<hbm>>
      tpu.wait_indirect_dma semaphore(%arg14 : memref<!tpu.dma_semaphore, #tpu.memory_space<semaphore_mem>>) src(%dma_wait3A_328 : memref<10000x128xf32, #tpu.memory_space<hbm>>) dst(%arg10 : memref<128x128xf32, #tpu.memory_space<vmem>>)
      %add3A_329 = arith.constant 1 : i32
      %add3A_330 = arith.addi %mul3A_322, %add3A_329 : i32
      %dma_start3A_331 = arith.constant 0 : i32
      %dma_start3A_332 = tpu.memref_slice %arg6[%add3A_330, %dma_start3A_331] : memref<16x128xi32, #tpu.memory_space<vmem>> -> memref<1x128xi32, #tpu.memory_space<vmem>>
      %dma_start3A_333 = tpu.memref_squeeze %dma_start3A_332 : memref<1x128xi32, #tpu.memory_space<vmem>> -> memref<128xi32, #tpu.memory_space<vmem>>
      %dma_start3A_334 = arith.constant 0 : i32
      %dma_start3A_335 = arith.constant 0 : i32
      %dma_start3A_336 = tpu.memref_slice %arg2[%dma_start3A_334, %dma_start3A_335] : memref<10000x128xf32, #tpu.memory_space<hbm>> -> memref<10000x128xf32, #tpu.memory_space<hbm>>
      tpu.enqueue_indirect_dma source(%dma_start3A_336 : memref<10000x128xf32, #tpu.memory_space<hbm>>) target(%arg11 : memref<128x128xf32, #tpu.memory_space<vmem>>) offsets(%dma_start3A_333 : memref<128xi32, #tpu.memory_space<vmem>>) semaphore(%arg15 : memref<!tpu.dma_semaphore, #tpu.memory_space<semaphore_mem>>)
      "tpu.region"() ({
        %run_scoped3A_356 = tpu.sem_alloc : memref<!tpu.dma_semaphore, #tpu.memory_space<semaphore_mem>>
        %dma_start3A_357 = arith.constant 0 : i32
        %dma_start3A_358 = tpu.memref_slice %arg7[%mul3A_322, %dma_start3A_357] : memref<16x128xi32, #tpu.memory_space<vmem>> -> memref<1x128xi32, #tpu.memory_space<vmem>>
        %dma_start3A_359 = tpu.memref_squeeze %dma_start3A_358 : memref<1x128xi32, #tpu.memory_space<vmem>> -> memref<128xi32, #tpu.memory_space<vmem>>
        %dma_start3A_360 = arith.constant 0 : i32
        %dma_start3A_361 = arith.constant 0 : i32
        %dma_start3A_362 = tpu.memref_slice %arg12[%dma_start3A_360, %dma_start3A_361] : memref<10240x128xf32, #tpu.memory_space<vmem_shared>> -> memref<10240x128xf32, #tpu.memory_space<vmem_shared>>
        tpu.enqueue_indirect_dma source(%arg10 : memref<128x128xf32, #tpu.memory_space<vmem>>) target(%dma_start3A_362 : memref<10240x128xf32, #tpu.memory_space<vmem_shared>>) offsets(%dma_start3A_359 : memref<128xi32, #tpu.memory_space<vmem>>) semaphore(%run_scoped3A_356 : memref<!tpu.dma_semaphore, #tpu.memory_space<semaphore_mem>>) {add = true}
        %dma_wait3A_363 = arith.constant 0 : i32
        %dma_wait3A_364 = tpu.memref_slice %arg7[%mul3A_322, %dma_wait3A_363] : memref<16x128xi32, #tpu.memory_space<vmem>> -> memref<1x128xi32, #tpu.memory_space<vmem>>
        %dma_wait3A_365 = tpu.memref_squeeze %dma_wait3A_364 : memref<1x128xi32, #tpu.memory_space<vmem>> -> memref<128xi32, #tpu.memory_space<vmem>>
        %dma_wait3A_366 = arith.constant 0 : i32
        %dma_wait3A_367 = arith.constant 0 : i32
        %dma_wait3A_368 = tpu.memref_slice %arg12[%dma_wait3A_366, %dma_wait3A_367] : memref<10240x128xf32, #tpu.memory_space<vmem_shared>> -> memref<10240x128xf32, #tpu.memory_space<vmem_shared>>
        tpu.wait_indirect_dma semaphore(%run_scoped3A_356 : memref<!tpu.dma_semaphore, #tpu.memory_space<semaphore_mem>>) src(%arg10 : memref<128x128xf32, #tpu.memory_space<vmem>>) dst(%dma_wait3A_368 : memref<10240x128xf32, #tpu.memory_space<vmem_shared>>)
        tpu.yield
      }) : () -> ()
      %add3A_337 = arith.constant 2 : i32
      %add3A_338 = arith.addi %mul3A_322, %add3A_337 : i32
      %dma_start3A_339 = arith.constant 0 : i32
      %dma_start3A_340 = tpu.memref_slice %arg6[%add3A_338, %dma_start3A_339] : memref<16x128xi32, #tpu.memory_space<vmem>> -> memref<1x128xi32, #tpu.memory_space<vmem>>
      %dma_start3A_341 = tpu.memref_squeeze %dma_start3A_340 : memref<1x128xi32, #tpu.memory_space<vmem>> -> memref<128xi32, #tpu.memory_space<vmem>>
      %dma_start3A_342 = arith.constant 0 : i32
      %dma_start3A_343 = arith.constant 0 : i32
      %dma_start3A_344 = tpu.memref_slice %arg2[%dma_start3A_342, %dma_start3A_343] : memref<10000x128xf32, #tpu.memory_space<hbm>> -> memref<10000x128xf32, #tpu.memory_space<hbm>>
      tpu.enqueue_indirect_dma source(%dma_start3A_344 : memref<10000x128xf32, #tpu.memory_space<hbm>>) target(%arg10 : memref<128x128xf32, #tpu.memory_space<vmem>>) offsets(%dma_start3A_341 : memref<128xi32, #tpu.memory_space<vmem>>) semaphore(%arg14 : memref<!tpu.dma_semaphore, #tpu.memory_space<semaphore_mem>>)
      %add3A_345 = arith.constant 1 : i32
      %add3A_346 = arith.addi %mul3A_322, %add3A_345 : i32
      %dma_wait3A_347 = arith.constant 0 : i32
      %dma_wait3A_348 = tpu.memref_slice %arg6[%add3A_346, %dma_wait3A_347] : memref<16x128xi32, #tpu.memory_space<vmem>> -> memref<1x128xi32, #tpu.memory_space<vmem>>
      %dma_wait3A_349 = tpu.memref_squeeze %dma_wait3A_348 : memref<1x128xi32, #tpu.memory_space<vmem>> -> memref<128xi32, #tpu.memory_space<vmem>>
      %dma_wait3A_350 = arith.constant 0 : i32
      %dma_wait3A_351 = arith.constant 0 : i32
      %dma_wait3A_352 = tpu.memref_slice %arg2[%dma_wait3A_350, %dma_wait3A_351] : memref<10000x128xf32, #tpu.memory_space<hbm>> -> memref<10000x128xf32, #tpu.memory_space<hbm>>
      tpu.wait_indirect_dma semaphore(%arg15 : memref<!tpu.dma_semaphore, #tpu.memory_space<semaphore_mem>>) src(%dma_wait3A_352 : memref<10000x128xf32, #tpu.memory_space<hbm>>) dst(%arg11 : memref<128x128xf32, #tpu.memory_space<vmem>>)
      %add3A_353 = arith.constant 1 : i32
      %add3A_354 = arith.addi %mul3A_322, %add3A_353 : i32
      "tpu.region"() ({
        %run_scoped3A_356 = tpu.sem_alloc : memref<!tpu.dma_semaphore, #tpu.memory_space<semaphore_mem>>
        %dma_start3A_357 = arith.constant 0 : i32
        %dma_start3A_358 = tpu.memref_slice %arg7[%add3A_354, %dma_start3A_357] : memref<16x128xi32, #tpu.memory_space<vmem>> -> memref<1x128xi32, #tpu.memory_space<vmem>>
        %dma_start3A_359 = tpu.memref_squeeze %dma_start3A_358 : memref<1x128xi32, #tpu.memory_space<vmem>> -> memref<128xi32, #tpu.memory_space<vmem>>
        %dma_start3A_360 = arith.constant 0 : i32
        %dma_start3A_361 = arith.constant 0 : i32
        %dma_start3A_362 = tpu.memref_slice %arg12[%dma_start3A_360, %dma_start3A_361] : memref<10240x128xf32, #tpu.memory_space<vmem_shared>> -> memref<10240x128xf32, #tpu.memory_space<vmem_shared>>
        tpu.enqueue_indirect_dma source(%arg11 : memref<128x128xf32, #tpu.memory_space<vmem>>) target(%dma_start3A_362 : memref<10240x128xf32, #tpu.memory_space<vmem_shared>>) offsets(%dma_start3A_359 : memref<128xi32, #tpu.memory_space<vmem>>) semaphore(%run_scoped3A_356 : memref<!tpu.dma_semaphore, #tpu.memory_space<semaphore_mem>>) {add = true}
        %dma_wait3A_363 = arith.constant 0 : i32
        %dma_wait3A_364 = tpu.memref_slice %arg7[%add3A_354, %dma_wait3A_363] : memref<16x128xi32, #tpu.memory_space<vmem>> -> memref<1x128xi32, #tpu.memory_space<vmem>>
        %dma_wait3A_365 = tpu.memref_squeeze %dma_wait3A_364 : memref<1x128xi32, #tpu.memory_space<vmem>> -> memref<128xi32, #tpu.memory_space<vmem>>
        %dma_wait3A_366 = arith.constant 0 : i32
        %dma_wait3A_367 = arith.constant 0 : i32
        %dma_wait3A_368 = tpu.memref_slice %arg12[%dma_wait3A_366, %dma_wait3A_367] : memref<10240x128xf32, #tpu.memory_space<vmem_shared>> -> memref<10240x128xf32, #tpu.memory_space<vmem_shared>>
        tpu.wait_indirect_dma semaphore(%run_scoped3A_356 : memref<!tpu.dma_semaphore, #tpu.memory_space<semaphore_mem>>) src(%arg11 : memref<128x128xf32, #tpu.memory_space<vmem>>) dst(%dma_wait3A_368 : memref<10240x128xf32, #tpu.memory_space<vmem_shared>>)
        tpu.yield
      }) : () -> ()
      %scan3A_355 = arith.constant 0 : i32
      scf.yield %scan3A_355 : i32
    }
    %scan3A_63 = arith.constant 7 : i32
    %dma_wait3A_64 = arith.constant 14 : i32
    %dma_wait3A_65 = arith.constant 0 : i32
    %dma_wait3A_66 = tpu.memref_slice %arg6[%dma_wait3A_64, %dma_wait3A_65] : memref<16x128xi32, #tpu.memory_space<vmem>> -> memref<1x128xi32, #tpu.memory_space<vmem>>
    %dma_wait3A_67 = tpu.memref_squeeze %dma_wait3A_66 : memref<1x128xi32, #tpu.memory_space<vmem>> -> memref<128xi32, #tpu.memory_space<vmem>>
    %dma_wait3A_68 = arith.constant 0 : i32
    %dma_wait3A_69 = arith.constant 0 : i32
    %dma_wait3A_70 = tpu.memref_slice %arg2[%dma_wait3A_68, %dma_wait3A_69] : memref<10000x128xf32, #tpu.memory_space<hbm>> -> memref<10000x128xf32, #tpu.memory_space<hbm>>
    tpu.wait_indirect_dma semaphore(%arg14 : memref<!tpu.dma_semaphore, #tpu.memory_space<semaphore_mem>>) src(%dma_wait3A_70 : memref<10000x128xf32, #tpu.memory_space<hbm>>) dst(%arg10 : memref<128x128xf32, #tpu.memory_space<vmem>>)
    %dma_start3A_71 = arith.constant 15 : i32
    %dma_start3A_72 = arith.constant 0 : i32
    %dma_start3A_73 = tpu.memref_slice %arg6[%dma_start3A_71, %dma_start3A_72] : memref<16x128xi32, #tpu.memory_space<vmem>> -> memref<1x128xi32, #tpu.memory_space<vmem>>
    %dma_start3A_74 = tpu.memref_squeeze %dma_start3A_73 : memref<1x128xi32, #tpu.memory_space<vmem>> -> memref<128xi32, #tpu.memory_space<vmem>>
    %dma_start3A_75 = arith.constant 0 : i32
    %dma_start3A_76 = arith.constant 0 : i32
    %dma_start3A_77 = tpu.memref_slice %arg2[%dma_start3A_75, %dma_start3A_76] : memref<10000x128xf32, #tpu.memory_space<hbm>> -> memref<10000x128xf32, #tpu.memory_space<hbm>>
    tpu.enqueue_indirect_dma source(%dma_start3A_77 : memref<10000x128xf32, #tpu.memory_space<hbm>>) target(%arg11 : memref<128x128xf32, #tpu.memory_space<vmem>>) offsets(%dma_start3A_74 : memref<128xi32, #tpu.memory_space<vmem>>) semaphore(%arg15 : memref<!tpu.dma_semaphore, #tpu.memory_space<semaphore_mem>>)
    %run_scoped3A = arith.constant 14 : i32
    "tpu.region"() ({
      %run_scoped3A_319 = tpu.sem_alloc : memref<!tpu.dma_semaphore, #tpu.memory_space<semaphore_mem>>
      %dma_start3A_320 = arith.constant 0 : i32
      %dma_start3A_321 = tpu.memref_slice %arg7[%run_scoped3A, %dma_start3A_320] : memref<16x128xi32, #tpu.memory_space<vmem>> -> memref<1x128xi32, #tpu.memory_space<vmem>>
      %dma_start3A_322 = tpu.memref_squeeze %dma_start3A_321 : memref<1x128xi32, #tpu.memory_space<vmem>> -> memref<128xi32, #tpu.memory_space<vmem>>
      %dma_start3A_323 = arith.constant 0 : i32
      %dma_start3A_324 = arith.constant 0 : i32
      %dma_start3A_325 = tpu.memref_slice %arg12[%dma_start3A_323, %dma_start3A_324] : memref<10240x128xf32, #tpu.memory_space<vmem_shared>> -> memref<10240x128xf32, #tpu.memory_space<vmem_shared>>
      tpu.enqueue_indirect_dma source(%arg10 : memref<128x128xf32, #tpu.memory_space<vmem>>) target(%dma_start3A_325 : memref<10240x128xf32, #tpu.memory_space<vmem_shared>>) offsets(%dma_start3A_322 : memref<128xi32, #tpu.memory_space<vmem>>) semaphore(%run_scoped3A_319 : memref<!tpu.dma_semaphore, #tpu.memory_space<semaphore_mem>>) {add = true}
      %dma_wait3A_326 = arith.constant 0 : i32
      %dma_wait3A_327 = tpu.memref_slice %arg7[%run_scoped3A, %dma_wait3A_326] : memref<16x128xi32, #tpu.memory_space<vmem>> -> memref<1x128xi32, #tpu.memory_space<vmem>>
      %dma_wait3A_328 = tpu.memref_squeeze %dma_wait3A_327 : memref<1x128xi32, #tpu.memory_space<vmem>> -> memref<128xi32, #tpu.memory_space<vmem>>
      %dma_wait3A_329 = arith.constant 0 : i32
      %dma_wait3A_330 = arith.constant 0 : i32
      %dma_wait3A_331 = tpu.memref_slice %arg12[%dma_wait3A_329, %dma_wait3A_330] : memref<10240x128xf32, #tpu.memory_space<vmem_shared>> -> memref<10240x128xf32, #tpu.memory_space<vmem_shared>>
      tpu.wait_indirect_dma semaphore(%run_scoped3A_319 : memref<!tpu.dma_semaphore, #tpu.memory_space<semaphore_mem>>) src(%arg10 : memref<128x128xf32, #tpu.memory_space<vmem>>) dst(%dma_wait3A_331 : memref<10240x128xf32, #tpu.memory_space<vmem_shared>>)
      tpu.yield
    }) : () -> ()
    %mul3A_78 = arith.constant 80 : i32
    %mul3A_79 = arith.muli %add3A, %mul3A_78 : i32
    %add3A_80 = arith.constant 16 : i32
    %add3A_81 = arith.addi %mul3A_79, %add3A_80 : i32
    %dma_wait3A_82 = arith.constant 0 : i32
    %dma_wait3A_83 = tpu.memref_slice %arg3[%add3A_81, %dma_wait3A_82] : memref<2560x128xi32, #tpu.memory_space<hbm>> -> memref<16x128xi32, #tpu.memory_space<hbm>>
    %dma_wait3A_84 = arith.constant 0 : i32
    %dma_wait3A_85 = tpu.memref_slice %arg3[%add3A_81, %dma_wait3A_84] : memref<2560x128xi32, #tpu.memory_space<hbm>> -> memref<16x128xi32, #tpu.memory_space<hbm>>
    tpu.wait_dma2 semaphore(%arg13 : memref<!tpu.dma_semaphore, #tpu.memory_space<semaphore_mem>>) src(%dma_wait3A_85 : memref<16x128xi32, #tpu.memory_space<hbm>>) dst(%arg8 : memref<16x128xi32, #tpu.memory_space<vmem>>)
    %dma_wait3A_86 = arith.constant 0 : i32
    %dma_wait3A_87 = tpu.memref_slice %arg4[%add3A_81, %dma_wait3A_86] : memref<2560x128xi32, #tpu.memory_space<hbm>> -> memref<16x128xi32, #tpu.memory_space<hbm>>
    %dma_wait3A_88 = arith.constant 0 : i32
    %dma_wait3A_89 = tpu.memref_slice %arg4[%add3A_81, %dma_wait3A_88] : memref<2560x128xi32, #tpu.memory_space<hbm>> -> memref<16x128xi32, #tpu.memory_space<hbm>>
    tpu.wait_dma2 semaphore(%arg13 : memref<!tpu.dma_semaphore, #tpu.memory_space<semaphore_mem>>) src(%dma_wait3A_89 : memref<16x128xi32, #tpu.memory_space<hbm>>) dst(%arg9 : memref<16x128xi32, #tpu.memory_space<vmem>>)
    %dma_start3A_90 = arith.constant 0 : i32
    %dma_start3A_91 = arith.constant 0 : i32
    %dma_start3A_92 = tpu.memref_slice %arg8[%dma_start3A_90, %dma_start3A_91] : memref<16x128xi32, #tpu.memory_space<vmem>> -> memref<1x128xi32, #tpu.memory_space<vmem>>
    %dma_start3A_93 = tpu.memref_squeeze %dma_start3A_92 : memref<1x128xi32, #tpu.memory_space<vmem>> -> memref<128xi32, #tpu.memory_space<vmem>>
    %dma_start3A_94 = arith.constant 0 : i32
    %dma_start3A_95 = arith.constant 0 : i32
    %dma_start3A_96 = tpu.memref_slice %arg2[%dma_start3A_94, %dma_start3A_95] : memref<10000x128xf32, #tpu.memory_space<hbm>> -> memref<10000x128xf32, #tpu.memory_space<hbm>>
    tpu.enqueue_indirect_dma source(%dma_start3A_96 : memref<10000x128xf32, #tpu.memory_space<hbm>>) target(%arg10 : memref<128x128xf32, #tpu.memory_space<vmem>>) offsets(%dma_start3A_93 : memref<128xi32, #tpu.memory_space<vmem>>) semaphore(%arg14 : memref<!tpu.dma_semaphore, #tpu.memory_space<semaphore_mem>>)
    %dma_wait3A_97 = arith.constant 15 : i32
    %dma_wait3A_98 = arith.constant 0 : i32
    %dma_wait3A_99 = tpu.memref_slice %arg6[%dma_wait3A_97, %dma_wait3A_98] : memref<16x128xi32, #tpu.memory_space<vmem>> -> memref<1x128xi32, #tpu.memory_space<vmem>>
    %dma_wait3A_100 = tpu.memref_squeeze %dma_wait3A_99 : memref<1x128xi32, #tpu.memory_space<vmem>> -> memref<128xi32, #tpu.memory_space<vmem>>
    %dma_wait3A_101 = arith.constant 0 : i32
    %dma_wait3A_102 = arith.constant 0 : i32
    %dma_wait3A_103 = tpu.memref_slice %arg2[%dma_wait3A_101, %dma_wait3A_102] : memref<10000x128xf32, #tpu.memory_space<hbm>> -> memref<10000x128xf32, #tpu.memory_space<hbm>>
    tpu.wait_indirect_dma semaphore(%arg15 : memref<!tpu.dma_semaphore, #tpu.memory_space<semaphore_mem>>) src(%dma_wait3A_103 : memref<10000x128xf32, #tpu.memory_space<hbm>>) dst(%arg11 : memref<128x128xf32, #tpu.memory_space<vmem>>)
    %run_scoped3A_104 = arith.constant 15 : i32
    "tpu.region"() ({
      %run_scoped3A_319 = tpu.sem_alloc : memref<!tpu.dma_semaphore, #tpu.memory_space<semaphore_mem>>
      %dma_start3A_320 = arith.constant 0 : i32
      %dma_start3A_321 = tpu.memref_slice %arg7[%run_scoped3A_104, %dma_start3A_320] : memref<16x128xi32, #tpu.memory_space<vmem>> -> memref<1x128xi32, #tpu.memory_space<vmem>>
      %dma_start3A_322 = tpu.memref_squeeze %dma_start3A_321 : memref<1x128xi32, #tpu.memory_space<vmem>> -> memref<128xi32, #tpu.memory_space<vmem>>
      %dma_start3A_323 = arith.constant 0 : i32
      %dma_start3A_324 = arith.constant 0 : i32
      %dma_start3A_325 = tpu.memref_slice %arg12[%dma_start3A_323, %dma_start3A_324] : memref<10240x128xf32, #tpu.memory_space<vmem_shared>> -> memref<10240x128xf32, #tpu.memory_space<vmem_shared>>
      tpu.enqueue_indirect_dma source(%arg11 : memref<128x128xf32, #tpu.memory_space<vmem>>) target(%dma_start3A_325 : memref<10240x128xf32, #tpu.memory_space<vmem_shared>>) offsets(%dma_start3A_322 : memref<128xi32, #tpu.memory_space<vmem>>) semaphore(%run_scoped3A_319 : memref<!tpu.dma_semaphore, #tpu.memory_space<semaphore_mem>>) {add = true}
      %dma_wait3A_326 = arith.constant 0 : i32
      %dma_wait3A_327 = tpu.memref_slice %arg7[%run_scoped3A_104, %dma_wait3A_326] : memref<16x128xi32, #tpu.memory_space<vmem>> -> memref<1x128xi32, #tpu.memory_space<vmem>>
      %dma_wait3A_328 = tpu.memref_squeeze %dma_wait3A_327 : memref<1x128xi32, #tpu.memory_space<vmem>> -> memref<128xi32, #tpu.memory_space<vmem>>
      %dma_wait3A_329 = arith.constant 0 : i32
      %dma_wait3A_330 = arith.constant 0 : i32
      %dma_wait3A_331 = tpu.memref_slice %arg12[%dma_wait3A_329, %dma_wait3A_330] : memref<10240x128xf32, #tpu.memory_space<vmem_shared>> -> memref<10240x128xf32, #tpu.memory_space<vmem_shared>>
      tpu.wait_indirect_dma semaphore(%run_scoped3A_319 : memref<!tpu.dma_semaphore, #tpu.memory_space<semaphore_mem>>) src(%arg11 : memref<128x128xf32, #tpu.memory_space<vmem>>) dst(%dma_wait3A_331 : memref<10240x128xf32, #tpu.memory_space<vmem_shared>>)
      tpu.yield
    }) : () -> ()
    %mul3A_105 = arith.constant 80 : i32
    %mul3A_106 = arith.muli %add3A, %mul3A_105 : i32
    %add3A_107 = arith.constant 32 : i32
    %add3A_108 = arith.addi %mul3A_106, %add3A_107 : i32
    %dma_start3A_109 = arith.constant 0 : i32
    %dma_start3A_110 = tpu.memref_slice %arg3[%add3A_108, %dma_start3A_109] : memref<2560x128xi32, #tpu.memory_space<hbm>> -> memref<16x128xi32, #tpu.memory_space<hbm>>
    %dma_start3A_111 = arith.constant 0 : i32
    %dma_start3A_112 = tpu.memref_slice %arg3[%add3A_108, %dma_start3A_111] : memref<2560x128xi32, #tpu.memory_space<hbm>> -> memref<16x128xi32, #tpu.memory_space<hbm>>
    tpu.enqueue_dma source(%dma_start3A_112 : memref<16x128xi32, #tpu.memory_space<hbm>>) target(%arg6 : memref<16x128xi32, #tpu.memory_space<vmem>>) target_semaphore(%arg13 : memref<!tpu.dma_semaphore, #tpu.memory_space<semaphore_mem>>)
    %dma_start3A_113 = arith.constant 0 : i32
    %dma_start3A_114 = tpu.memref_slice %arg4[%add3A_108, %dma_start3A_113] : memref<2560x128xi32, #tpu.memory_space<hbm>> -> memref<16x128xi32, #tpu.memory_space<hbm>>
    %dma_start3A_115 = arith.constant 0 : i32
    %dma_start3A_116 = tpu.memref_slice %arg4[%add3A_108, %dma_start3A_115] : memref<2560x128xi32, #tpu.memory_space<hbm>> -> memref<16x128xi32, #tpu.memory_space<hbm>>
    tpu.enqueue_dma source(%dma_start3A_116 : memref<16x128xi32, #tpu.memory_space<hbm>>) target(%arg7 : memref<16x128xi32, #tpu.memory_space<vmem>>) target_semaphore(%arg13 : memref<!tpu.dma_semaphore, #tpu.memory_space<semaphore_mem>>)
    %scan3A_117 = arith.constant 0 : i32
    %scan3A_118 = arith.constant 0 : i32
    %scan3A_119 = arith.constant 7 : i32
    %scan3A_120 = arith.addi %scan3A_118, %scan3A_119 : i32
    %scan3A_121 = arith.constant 1 : i32
    %scan3A_122 = scf.for %scan3A_319 = %scan3A_118 to %scan3A_120 step %scan3A_121 iter_args(%scan3A_320 = %scan3A_117) -> (i32)  : i32 {
      %mul3A_321 = arith.constant 2 : i32
      %mul3A_322 = arith.muli %mul3A_321, %scan3A_319 : i32
      %dma_wait3A_323 = arith.constant 0 : i32
      %dma_wait3A_324 = tpu.memref_slice %arg8[%mul3A_322, %dma_wait3A_323] : memref<16x128xi32, #tpu.memory_space<vmem>> -> memref<1x128xi32, #tpu.memory_space<vmem>>
      %dma_wait3A_325 = tpu.memref_squeeze %dma_wait3A_324 : memref<1x128xi32, #tpu.memory_space<vmem>> -> memref<128xi32, #tpu.memory_space<vmem>>
      %dma_wait3A_326 = arith.constant 0 : i32
      %dma_wait3A_327 = arith.constant 0 : i32
      %dma_wait3A_328 = tpu.memref_slice %arg2[%dma_wait3A_326, %dma_wait3A_327] : memref<10000x128xf32, #tpu.memory_space<hbm>> -> memref<10000x128xf32, #tpu.memory_space<hbm>>
      tpu.wait_indirect_dma semaphore(%arg14 : memref<!tpu.dma_semaphore, #tpu.memory_space<semaphore_mem>>) src(%dma_wait3A_328 : memref<10000x128xf32, #tpu.memory_space<hbm>>) dst(%arg10 : memref<128x128xf32, #tpu.memory_space<vmem>>)
      %add3A_329 = arith.constant 1 : i32
      %add3A_330 = arith.addi %mul3A_322, %add3A_329 : i32
      %dma_start3A_331 = arith.constant 0 : i32
      %dma_start3A_332 = tpu.memref_slice %arg8[%add3A_330, %dma_start3A_331] : memref<16x128xi32, #tpu.memory_space<vmem>> -> memref<1x128xi32, #tpu.memory_space<vmem>>
      %dma_start3A_333 = tpu.memref_squeeze %dma_start3A_332 : memref<1x128xi32, #tpu.memory_space<vmem>> -> memref<128xi32, #tpu.memory_space<vmem>>
      %dma_start3A_334 = arith.constant 0 : i32
      %dma_start3A_335 = arith.constant 0 : i32
      %dma_start3A_336 = tpu.memref_slice %arg2[%dma_start3A_334, %dma_start3A_335] : memref<10000x128xf32, #tpu.memory_space<hbm>> -> memref<10000x128xf32, #tpu.memory_space<hbm>>
      tpu.enqueue_indirect_dma source(%dma_start3A_336 : memref<10000x128xf32, #tpu.memory_space<hbm>>) target(%arg11 : memref<128x128xf32, #tpu.memory_space<vmem>>) offsets(%dma_start3A_333 : memref<128xi32, #tpu.memory_space<vmem>>) semaphore(%arg15 : memref<!tpu.dma_semaphore, #tpu.memory_space<semaphore_mem>>)
      "tpu.region"() ({
        %run_scoped3A_356 = tpu.sem_alloc : memref<!tpu.dma_semaphore, #tpu.memory_space<semaphore_mem>>
        %dma_start3A_357 = arith.constant 0 : i32
        %dma_start3A_358 = tpu.memref_slice %arg9[%mul3A_322, %dma_start3A_357] : memref<16x128xi32, #tpu.memory_space<vmem>> -> memref<1x128xi32, #tpu.memory_space<vmem>>
        %dma_start3A_359 = tpu.memref_squeeze %dma_start3A_358 : memref<1x128xi32, #tpu.memory_space<vmem>> -> memref<128xi32, #tpu.memory_space<vmem>>
        %dma_start3A_360 = arith.constant 0 : i32
        %dma_start3A_361 = arith.constant 0 : i32
        %dma_start3A_362 = tpu.memref_slice %arg12[%dma_start3A_360, %dma_start3A_361] : memref<10240x128xf32, #tpu.memory_space<vmem_shared>> -> memref<10240x128xf32, #tpu.memory_space<vmem_shared>>
        tpu.enqueue_indirect_dma source(%arg10 : memref<128x128xf32, #tpu.memory_space<vmem>>) target(%dma_start3A_362 : memref<10240x128xf32, #tpu.memory_space<vmem_shared>>) offsets(%dma_start3A_359 : memref<128xi32, #tpu.memory_space<vmem>>) semaphore(%run_scoped3A_356 : memref<!tpu.dma_semaphore, #tpu.memory_space<semaphore_mem>>) {add = true}
        %dma_wait3A_363 = arith.constant 0 : i32
        %dma_wait3A_364 = tpu.memref_slice %arg9[%mul3A_322, %dma_wait3A_363] : memref<16x128xi32, #tpu.memory_space<vmem>> -> memref<1x128xi32, #tpu.memory_space<vmem>>
        %dma_wait3A_365 = tpu.memref_squeeze %dma_wait3A_364 : memref<1x128xi32, #tpu.memory_space<vmem>> -> memref<128xi32, #tpu.memory_space<vmem>>
        %dma_wait3A_366 = arith.constant 0 : i32
        %dma_wait3A_367 = arith.constant 0 : i32
        %dma_wait3A_368 = tpu.memref_slice %arg12[%dma_wait3A_366, %dma_wait3A_367] : memref<10240x128xf32, #tpu.memory_space<vmem_shared>> -> memref<10240x128xf32, #tpu.memory_space<vmem_shared>>
        tpu.wait_indirect_dma semaphore(%run_scoped3A_356 : memref<!tpu.dma_semaphore, #tpu.memory_space<semaphore_mem>>) src(%arg10 : memref<128x128xf32, #tpu.memory_space<vmem>>) dst(%dma_wait3A_368 : memref<10240x128xf32, #tpu.memory_space<vmem_shared>>)
        tpu.yield
      }) : () -> ()
      %add3A_337 = arith.constant 2 : i32
      %add3A_338 = arith.addi %mul3A_322, %add3A_337 : i32
      %dma_start3A_339 = arith.constant 0 : i32
      %dma_start3A_340 = tpu.memref_slice %arg8[%add3A_338, %dma_start3A_339] : memref<16x128xi32, #tpu.memory_space<vmem>> -> memref<1x128xi32, #tpu.memory_space<vmem>>
      %dma_start3A_341 = tpu.memref_squeeze %dma_start3A_340 : memref<1x128xi32, #tpu.memory_space<vmem>> -> memref<128xi32, #tpu.memory_space<vmem>>
      %dma_start3A_342 = arith.constant 0 : i32
      %dma_start3A_343 = arith.constant 0 : i32
      %dma_start3A_344 = tpu.memref_slice %arg2[%dma_start3A_342, %dma_start3A_343] : memref<10000x128xf32, #tpu.memory_space<hbm>> -> memref<10000x128xf32, #tpu.memory_space<hbm>>
      tpu.enqueue_indirect_dma source(%dma_start3A_344 : memref<10000x128xf32, #tpu.memory_space<hbm>>) target(%arg10 : memref<128x128xf32, #tpu.memory_space<vmem>>) offsets(%dma_start3A_341 : memref<128xi32, #tpu.memory_space<vmem>>) semaphore(%arg14 : memref<!tpu.dma_semaphore, #tpu.memory_space<semaphore_mem>>)
      %add3A_345 = arith.constant 1 : i32
      %add3A_346 = arith.addi %mul3A_322, %add3A_345 : i32
      %dma_wait3A_347 = arith.constant 0 : i32
      %dma_wait3A_348 = tpu.memref_slice %arg8[%add3A_346, %dma_wait3A_347] : memref<16x128xi32, #tpu.memory_space<vmem>> -> memref<1x128xi32, #tpu.memory_space<vmem>>
      %dma_wait3A_349 = tpu.memref_squeeze %dma_wait3A_348 : memref<1x128xi32, #tpu.memory_space<vmem>> -> memref<128xi32, #tpu.memory_space<vmem>>
      %dma_wait3A_350 = arith.constant 0 : i32
      %dma_wait3A_351 = arith.constant 0 : i32
      %dma_wait3A_352 = tpu.memref_slice %arg2[%dma_wait3A_350, %dma_wait3A_351] : memref<10000x128xf32, #tpu.memory_space<hbm>> -> memref<10000x128xf32, #tpu.memory_space<hbm>>
      tpu.wait_indirect_dma semaphore(%arg15 : memref<!tpu.dma_semaphore, #tpu.memory_space<semaphore_mem>>) src(%dma_wait3A_352 : memref<10000x128xf32, #tpu.memory_space<hbm>>) dst(%arg11 : memref<128x128xf32, #tpu.memory_space<vmem>>)
      %add3A_353 = arith.constant 1 : i32
      %add3A_354 = arith.addi %mul3A_322, %add3A_353 : i32
      "tpu.region"() ({
        %run_scoped3A_356 = tpu.sem_alloc : memref<!tpu.dma_semaphore, #tpu.memory_space<semaphore_mem>>
        %dma_start3A_357 = arith.constant 0 : i32
        %dma_start3A_358 = tpu.memref_slice %arg9[%add3A_354, %dma_start3A_357] : memref<16x128xi32, #tpu.memory_space<vmem>> -> memref<1x128xi32, #tpu.memory_space<vmem>>
        %dma_start3A_359 = tpu.memref_squeeze %dma_start3A_358 : memref<1x128xi32, #tpu.memory_space<vmem>> -> memref<128xi32, #tpu.memory_space<vmem>>
        %dma_start3A_360 = arith.constant 0 : i32
        %dma_start3A_361 = arith.constant 0 : i32
        %dma_start3A_362 = tpu.memref_slice %arg12[%dma_start3A_360, %dma_start3A_361] : memref<10240x128xf32, #tpu.memory_space<vmem_shared>> -> memref<10240x128xf32, #tpu.memory_space<vmem_shared>>
        tpu.enqueue_indirect_dma source(%arg11 : memref<128x128xf32, #tpu.memory_space<vmem>>) target(%dma_start3A_362 : memref<10240x128xf32, #tpu.memory_space<vmem_shared>>) offsets(%dma_start3A_359 : memref<128xi32, #tpu.memory_space<vmem>>) semaphore(%run_scoped3A_356 : memref<!tpu.dma_semaphore, #tpu.memory_space<semaphore_mem>>) {add = true}
        %dma_wait3A_363 = arith.constant 0 : i32
        %dma_wait3A_364 = tpu.memref_slice %arg9[%add3A_354, %dma_wait3A_363] : memref<16x128xi32, #tpu.memory_space<vmem>> -> memref<1x128xi32, #tpu.memory_space<vmem>>
        %dma_wait3A_365 = tpu.memref_squeeze %dma_wait3A_364 : memref<1x128xi32, #tpu.memory_space<vmem>> -> memref<128xi32, #tpu.memory_space<vmem>>
        %dma_wait3A_366 = arith.constant 0 : i32
        %dma_wait3A_367 = arith.constant 0 : i32
        %dma_wait3A_368 = tpu.memref_slice %arg12[%dma_wait3A_366, %dma_wait3A_367] : memref<10240x128xf32, #tpu.memory_space<vmem_shared>> -> memref<10240x128xf32, #tpu.memory_space<vmem_shared>>
        tpu.wait_indirect_dma semaphore(%run_scoped3A_356 : memref<!tpu.dma_semaphore, #tpu.memory_space<semaphore_mem>>) src(%arg11 : memref<128x128xf32, #tpu.memory_space<vmem>>) dst(%dma_wait3A_368 : memref<10240x128xf32, #tpu.memory_space<vmem_shared>>)
        tpu.yield
      }) : () -> ()
      %scan3A_355 = arith.constant 0 : i32
      scf.yield %scan3A_355 : i32
    }
    %scan3A_123 = arith.constant 7 : i32
    %dma_wait3A_124 = arith.constant 14 : i32
    %dma_wait3A_125 = arith.constant 0 : i32
    %dma_wait3A_126 = tpu.memref_slice %arg8[%dma_wait3A_124, %dma_wait3A_125] : memref<16x128xi32, #tpu.memory_space<vmem>> -> memref<1x128xi32, #tpu.memory_space<vmem>>
    %dma_wait3A_127 = tpu.memref_squeeze %dma_wait3A_126 : memref<1x128xi32, #tpu.memory_space<vmem>> -> memref<128xi32, #tpu.memory_space<vmem>>
    %dma_wait3A_128 = arith.constant 0 : i32
    %dma_wait3A_129 = arith.constant 0 : i32
    %dma_wait3A_130 = tpu.memref_slice %arg2[%dma_wait3A_128, %dma_wait3A_129] : memref<10000x128xf32, #tpu.memory_space<hbm>> -> memref<10000x128xf32, #tpu.memory_space<hbm>>
    tpu.wait_indirect_dma semaphore(%arg14 : memref<!tpu.dma_semaphore, #tpu.memory_space<semaphore_mem>>) src(%dma_wait3A_130 : memref<10000x128xf32, #tpu.memory_space<hbm>>) dst(%arg10 : memref<128x128xf32, #tpu.memory_space<vmem>>)
    %dma_start3A_131 = arith.constant 15 : i32
    %dma_start3A_132 = arith.constant 0 : i32
    %dma_start3A_133 = tpu.memref_slice %arg8[%dma_start3A_131, %dma_start3A_132] : memref<16x128xi32, #tpu.memory_space<vmem>> -> memref<1x128xi32, #tpu.memory_space<vmem>>
    %dma_start3A_134 = tpu.memref_squeeze %dma_start3A_133 : memref<1x128xi32, #tpu.memory_space<vmem>> -> memref<128xi32, #tpu.memory_space<vmem>>
    %dma_start3A_135 = arith.constant 0 : i32
    %dma_start3A_136 = arith.constant 0 : i32
    %dma_start3A_137 = tpu.memref_slice %arg2[%dma_start3A_135, %dma_start3A_136] : memref<10000x128xf32, #tpu.memory_space<hbm>> -> memref<10000x128xf32, #tpu.memory_space<hbm>>
    tpu.enqueue_indirect_dma source(%dma_start3A_137 : memref<10000x128xf32, #tpu.memory_space<hbm>>) target(%arg11 : memref<128x128xf32, #tpu.memory_space<vmem>>) offsets(%dma_start3A_134 : memref<128xi32, #tpu.memory_space<vmem>>) semaphore(%arg15 : memref<!tpu.dma_semaphore, #tpu.memory_space<semaphore_mem>>)
    %run_scoped3A_138 = arith.constant 14 : i32
    "tpu.region"() ({
      %run_scoped3A_319 = tpu.sem_alloc : memref<!tpu.dma_semaphore, #tpu.memory_space<semaphore_mem>>
      %dma_start3A_320 = arith.constant 0 : i32
      %dma_start3A_321 = tpu.memref_slice %arg9[%run_scoped3A_138, %dma_start3A_320] : memref<16x128xi32, #tpu.memory_space<vmem>> -> memref<1x128xi32, #tpu.memory_space<vmem>>
      %dma_start3A_322 = tpu.memref_squeeze %dma_start3A_321 : memref<1x128xi32, #tpu.memory_space<vmem>> -> memref<128xi32, #tpu.memory_space<vmem>>
      %dma_start3A_323 = arith.constant 0 : i32
      %dma_start3A_324 = arith.constant 0 : i32
      %dma_start3A_325 = tpu.memref_slice %arg12[%dma_start3A_323, %dma_start3A_324] : memref<10240x128xf32, #tpu.memory_space<vmem_shared>> -> memref<10240x128xf32, #tpu.memory_space<vmem_shared>>
      tpu.enqueue_indirect_dma source(%arg10 : memref<128x128xf32, #tpu.memory_space<vmem>>) target(%dma_start3A_325 : memref<10240x128xf32, #tpu.memory_space<vmem_shared>>) offsets(%dma_start3A_322 : memref<128xi32, #tpu.memory_space<vmem>>) semaphore(%run_scoped3A_319 : memref<!tpu.dma_semaphore, #tpu.memory_space<semaphore_mem>>) {add = true}
      %dma_wait3A_326 = arith.constant 0 : i32
      %dma_wait3A_327 = tpu.memref_slice %arg9[%run_scoped3A_138, %dma_wait3A_326] : memref<16x128xi32, #tpu.memory_space<vmem>> -> memref<1x128xi32, #tpu.memory_space<vmem>>
      %dma_wait3A_328 = tpu.memref_squeeze %dma_wait3A_327 : memref<1x128xi32, #tpu.memory_space<vmem>> -> memref<128xi32, #tpu.memory_space<vmem>>
      %dma_wait3A_329 = arith.constant 0 : i32
      %dma_wait3A_330 = arith.constant 0 : i32
      %dma_wait3A_331 = tpu.memref_slice %arg12[%dma_wait3A_329, %dma_wait3A_330] : memref<10240x128xf32, #tpu.memory_space<vmem_shared>> -> memref<10240x128xf32, #tpu.memory_space<vmem_shared>>
      tpu.wait_indirect_dma semaphore(%run_scoped3A_319 : memref<!tpu.dma_semaphore, #tpu.memory_space<semaphore_mem>>) src(%arg10 : memref<128x128xf32, #tpu.memory_space<vmem>>) dst(%dma_wait3A_331 : memref<10240x128xf32, #tpu.memory_space<vmem_shared>>)
      tpu.yield
    }) : () -> ()
    %mul3A_139 = arith.constant 80 : i32
    %mul3A_140 = arith.muli %add3A, %mul3A_139 : i32
    %add3A_141 = arith.constant 32 : i32
    %add3A_142 = arith.addi %mul3A_140, %add3A_141 : i32
    %dma_wait3A_143 = arith.constant 0 : i32
    %dma_wait3A_144 = tpu.memref_slice %arg3[%add3A_142, %dma_wait3A_143] : memref<2560x128xi32, #tpu.memory_space<hbm>> -> memref<16x128xi32, #tpu.memory_space<hbm>>
    %dma_wait3A_145 = arith.constant 0 : i32
    %dma_wait3A_146 = tpu.memref_slice %arg3[%add3A_142, %dma_wait3A_145] : memref<2560x128xi32, #tpu.memory_space<hbm>> -> memref<16x128xi32, #tpu.memory_space<hbm>>
    tpu.wait_dma2 semaphore(%arg13 : memref<!tpu.dma_semaphore, #tpu.memory_space<semaphore_mem>>) src(%dma_wait3A_146 : memref<16x128xi32, #tpu.memory_space<hbm>>) dst(%arg6 : memref<16x128xi32, #tpu.memory_space<vmem>>)
    %dma_wait3A_147 = arith.constant 0 : i32
    %dma_wait3A_148 = tpu.memref_slice %arg4[%add3A_142, %dma_wait3A_147] : memref<2560x128xi32, #tpu.memory_space<hbm>> -> memref<16x128xi32, #tpu.memory_space<hbm>>
    %dma_wait3A_149 = arith.constant 0 : i32
    %dma_wait3A_150 = tpu.memref_slice %arg4[%add3A_142, %dma_wait3A_149] : memref<2560x128xi32, #tpu.memory_space<hbm>> -> memref<16x128xi32, #tpu.memory_space<hbm>>
    tpu.wait_dma2 semaphore(%arg13 : memref<!tpu.dma_semaphore, #tpu.memory_space<semaphore_mem>>) src(%dma_wait3A_150 : memref<16x128xi32, #tpu.memory_space<hbm>>) dst(%arg7 : memref<16x128xi32, #tpu.memory_space<vmem>>)
    %dma_start3A_151 = arith.constant 0 : i32
    %dma_start3A_152 = arith.constant 0 : i32
    %dma_start3A_153 = tpu.memref_slice %arg6[%dma_start3A_151, %dma_start3A_152] : memref<16x128xi32, #tpu.memory_space<vmem>> -> memref<1x128xi32, #tpu.memory_space<vmem>>
    %dma_start3A_154 = tpu.memref_squeeze %dma_start3A_153 : memref<1x128xi32, #tpu.memory_space<vmem>> -> memref<128xi32, #tpu.memory_space<vmem>>
    %dma_start3A_155 = arith.constant 0 : i32
    %dma_start3A_156 = arith.constant 0 : i32
    %dma_start3A_157 = tpu.memref_slice %arg2[%dma_start3A_155, %dma_start3A_156] : memref<10000x128xf32, #tpu.memory_space<hbm>> -> memref<10000x128xf32, #tpu.memory_space<hbm>>
    tpu.enqueue_indirect_dma source(%dma_start3A_157 : memref<10000x128xf32, #tpu.memory_space<hbm>>) target(%arg10 : memref<128x128xf32, #tpu.memory_space<vmem>>) offsets(%dma_start3A_154 : memref<128xi32, #tpu.memory_space<vmem>>) semaphore(%arg14 : memref<!tpu.dma_semaphore, #tpu.memory_space<semaphore_mem>>)
    %dma_wait3A_158 = arith.constant 15 : i32
    %dma_wait3A_159 = arith.constant 0 : i32
    %dma_wait3A_160 = tpu.memref_slice %arg8[%dma_wait3A_158, %dma_wait3A_159] : memref<16x128xi32, #tpu.memory_space<vmem>> -> memref<1x128xi32, #tpu.memory_space<vmem>>
    %dma_wait3A_161 = tpu.memref_squeeze %dma_wait3A_160 : memref<1x128xi32, #tpu.memory_space<vmem>> -> memref<128xi32, #tpu.memory_space<vmem>>
    %dma_wait3A_162 = arith.constant 0 : i32
    %dma_wait3A_163 = arith.constant 0 : i32
    %dma_wait3A_164 = tpu.memref_slice %arg2[%dma_wait3A_162, %dma_wait3A_163] : memref<10000x128xf32, #tpu.memory_space<hbm>> -> memref<10000x128xf32, #tpu.memory_space<hbm>>
    tpu.wait_indirect_dma semaphore(%arg15 : memref<!tpu.dma_semaphore, #tpu.memory_space<semaphore_mem>>) src(%dma_wait3A_164 : memref<10000x128xf32, #tpu.memory_space<hbm>>) dst(%arg11 : memref<128x128xf32, #tpu.memory_space<vmem>>)
    %run_scoped3A_165 = arith.constant 15 : i32
    "tpu.region"() ({
      %run_scoped3A_319 = tpu.sem_alloc : memref<!tpu.dma_semaphore, #tpu.memory_space<semaphore_mem>>
      %dma_start3A_320 = arith.constant 0 : i32
      %dma_start3A_321 = tpu.memref_slice %arg9[%run_scoped3A_165, %dma_start3A_320] : memref<16x128xi32, #tpu.memory_space<vmem>> -> memref<1x128xi32, #tpu.memory_space<vmem>>
      %dma_start3A_322 = tpu.memref_squeeze %dma_start3A_321 : memref<1x128xi32, #tpu.memory_space<vmem>> -> memref<128xi32, #tpu.memory_space<vmem>>
      %dma_start3A_323 = arith.constant 0 : i32
      %dma_start3A_324 = arith.constant 0 : i32
      %dma_start3A_325 = tpu.memref_slice %arg12[%dma_start3A_323, %dma_start3A_324] : memref<10240x128xf32, #tpu.memory_space<vmem_shared>> -> memref<10240x128xf32, #tpu.memory_space<vmem_shared>>
      tpu.enqueue_indirect_dma source(%arg11 : memref<128x128xf32, #tpu.memory_space<vmem>>) target(%dma_start3A_325 : memref<10240x128xf32, #tpu.memory_space<vmem_shared>>) offsets(%dma_start3A_322 : memref<128xi32, #tpu.memory_space<vmem>>) semaphore(%run_scoped3A_319 : memref<!tpu.dma_semaphore, #tpu.memory_space<semaphore_mem>>) {add = true}
      %dma_wait3A_326 = arith.constant 0 : i32
      %dma_wait3A_327 = tpu.memref_slice %arg9[%run_scoped3A_165, %dma_wait3A_326] : memref<16x128xi32, #tpu.memory_space<vmem>> -> memref<1x128xi32, #tpu.memory_space<vmem>>
      %dma_wait3A_328 = tpu.memref_squeeze %dma_wait3A_327 : memref<1x128xi32, #tpu.memory_space<vmem>> -> memref<128xi32, #tpu.memory_space<vmem>>
      %dma_wait3A_329 = arith.constant 0 : i32
      %dma_wait3A_330 = arith.constant 0 : i32
      %dma_wait3A_331 = tpu.memref_slice %arg12[%dma_wait3A_329, %dma_wait3A_330] : memref<10240x128xf32, #tpu.memory_space<vmem_shared>> -> memref<10240x128xf32, #tpu.memory_space<vmem_shared>>
      tpu.wait_indirect_dma semaphore(%run_scoped3A_319 : memref<!tpu.dma_semaphore, #tpu.memory_space<semaphore_mem>>) src(%arg11 : memref<128x128xf32, #tpu.memory_space<vmem>>) dst(%dma_wait3A_331 : memref<10240x128xf32, #tpu.memory_space<vmem_shared>>)
      tpu.yield
    }) : () -> ()
    %mul3A_166 = arith.constant 80 : i32
    %mul3A_167 = arith.muli %add3A, %mul3A_166 : i32
    %add3A_168 = arith.constant 48 : i32
    %add3A_169 = arith.addi %mul3A_167, %add3A_168 : i32
    %dma_start3A_170 = arith.constant 0 : i32
    %dma_start3A_171 = tpu.memref_slice %arg3[%add3A_169, %dma_start3A_170] : memref<2560x128xi32, #tpu.memory_space<hbm>> -> memref<16x128xi32, #tpu.memory_space<hbm>>
    %dma_start3A_172 = arith.constant 0 : i32
    %dma_start3A_173 = tpu.memref_slice %arg3[%add3A_169, %dma_start3A_172] : memref<2560x128xi32, #tpu.memory_space<hbm>> -> memref<16x128xi32, #tpu.memory_space<hbm>>
    tpu.enqueue_dma source(%dma_start3A_173 : memref<16x128xi32, #tpu.memory_space<hbm>>) target(%arg8 : memref<16x128xi32, #tpu.memory_space<vmem>>) target_semaphore(%arg13 : memref<!tpu.dma_semaphore, #tpu.memory_space<semaphore_mem>>)
    %dma_start3A_174 = arith.constant 0 : i32
    %dma_start3A_175 = tpu.memref_slice %arg4[%add3A_169, %dma_start3A_174] : memref<2560x128xi32, #tpu.memory_space<hbm>> -> memref<16x128xi32, #tpu.memory_space<hbm>>
    %dma_start3A_176 = arith.constant 0 : i32
    %dma_start3A_177 = tpu.memref_slice %arg4[%add3A_169, %dma_start3A_176] : memref<2560x128xi32, #tpu.memory_space<hbm>> -> memref<16x128xi32, #tpu.memory_space<hbm>>
    tpu.enqueue_dma source(%dma_start3A_177 : memref<16x128xi32, #tpu.memory_space<hbm>>) target(%arg9 : memref<16x128xi32, #tpu.memory_space<vmem>>) target_semaphore(%arg13 : memref<!tpu.dma_semaphore, #tpu.memory_space<semaphore_mem>>)
    %scan3A_178 = arith.constant 0 : i32
    %scan3A_179 = arith.constant 0 : i32
    %scan3A_180 = arith.constant 7 : i32
    %scan3A_181 = arith.addi %scan3A_179, %scan3A_180 : i32
    %scan3A_182 = arith.constant 1 : i32
    %scan3A_183 = scf.for %scan3A_319 = %scan3A_179 to %scan3A_181 step %scan3A_182 iter_args(%scan3A_320 = %scan3A_178) -> (i32)  : i32 {
      %mul3A_321 = arith.constant 2 : i32
      %mul3A_322 = arith.muli %mul3A_321, %scan3A_319 : i32
      %dma_wait3A_323 = arith.constant 0 : i32
      %dma_wait3A_324 = tpu.memref_slice %arg6[%mul3A_322, %dma_wait3A_323] : memref<16x128xi32, #tpu.memory_space<vmem>> -> memref<1x128xi32, #tpu.memory_space<vmem>>
      %dma_wait3A_325 = tpu.memref_squeeze %dma_wait3A_324 : memref<1x128xi32, #tpu.memory_space<vmem>> -> memref<128xi32, #tpu.memory_space<vmem>>
      %dma_wait3A_326 = arith.constant 0 : i32
      %dma_wait3A_327 = arith.constant 0 : i32
      %dma_wait3A_328 = tpu.memref_slice %arg2[%dma_wait3A_326, %dma_wait3A_327] : memref<10000x128xf32, #tpu.memory_space<hbm>> -> memref<10000x128xf32, #tpu.memory_space<hbm>>
      tpu.wait_indirect_dma semaphore(%arg14 : memref<!tpu.dma_semaphore, #tpu.memory_space<semaphore_mem>>) src(%dma_wait3A_328 : memref<10000x128xf32, #tpu.memory_space<hbm>>) dst(%arg10 : memref<128x128xf32, #tpu.memory_space<vmem>>)
      %add3A_329 = arith.constant 1 : i32
      %add3A_330 = arith.addi %mul3A_322, %add3A_329 : i32
      %dma_start3A_331 = arith.constant 0 : i32
      %dma_start3A_332 = tpu.memref_slice %arg6[%add3A_330, %dma_start3A_331] : memref<16x128xi32, #tpu.memory_space<vmem>> -> memref<1x128xi32, #tpu.memory_space<vmem>>
      %dma_start3A_333 = tpu.memref_squeeze %dma_start3A_332 : memref<1x128xi32, #tpu.memory_space<vmem>> -> memref<128xi32, #tpu.memory_space<vmem>>
      %dma_start3A_334 = arith.constant 0 : i32
      %dma_start3A_335 = arith.constant 0 : i32
      %dma_start3A_336 = tpu.memref_slice %arg2[%dma_start3A_334, %dma_start3A_335] : memref<10000x128xf32, #tpu.memory_space<hbm>> -> memref<10000x128xf32, #tpu.memory_space<hbm>>
      tpu.enqueue_indirect_dma source(%dma_start3A_336 : memref<10000x128xf32, #tpu.memory_space<hbm>>) target(%arg11 : memref<128x128xf32, #tpu.memory_space<vmem>>) offsets(%dma_start3A_333 : memref<128xi32, #tpu.memory_space<vmem>>) semaphore(%arg15 : memref<!tpu.dma_semaphore, #tpu.memory_space<semaphore_mem>>)
      "tpu.region"() ({
        %run_scoped3A_356 = tpu.sem_alloc : memref<!tpu.dma_semaphore, #tpu.memory_space<semaphore_mem>>
        %dma_start3A_357 = arith.constant 0 : i32
        %dma_start3A_358 = tpu.memref_slice %arg7[%mul3A_322, %dma_start3A_357] : memref<16x128xi32, #tpu.memory_space<vmem>> -> memref<1x128xi32, #tpu.memory_space<vmem>>
        %dma_start3A_359 = tpu.memref_squeeze %dma_start3A_358 : memref<1x128xi32, #tpu.memory_space<vmem>> -> memref<128xi32, #tpu.memory_space<vmem>>
        %dma_start3A_360 = arith.constant 0 : i32
        %dma_start3A_361 = arith.constant 0 : i32
        %dma_start3A_362 = tpu.memref_slice %arg12[%dma_start3A_360, %dma_start3A_361] : memref<10240x128xf32, #tpu.memory_space<vmem_shared>> -> memref<10240x128xf32, #tpu.memory_space<vmem_shared>>
        tpu.enqueue_indirect_dma source(%arg10 : memref<128x128xf32, #tpu.memory_space<vmem>>) target(%dma_start3A_362 : memref<10240x128xf32, #tpu.memory_space<vmem_shared>>) offsets(%dma_start3A_359 : memref<128xi32, #tpu.memory_space<vmem>>) semaphore(%run_scoped3A_356 : memref<!tpu.dma_semaphore, #tpu.memory_space<semaphore_mem>>) {add = true}
        %dma_wait3A_363 = arith.constant 0 : i32
        %dma_wait3A_364 = tpu.memref_slice %arg7[%mul3A_322, %dma_wait3A_363] : memref<16x128xi32, #tpu.memory_space<vmem>> -> memref<1x128xi32, #tpu.memory_space<vmem>>
        %dma_wait3A_365 = tpu.memref_squeeze %dma_wait3A_364 : memref<1x128xi32, #tpu.memory_space<vmem>> -> memref<128xi32, #tpu.memory_space<vmem>>
        %dma_wait3A_366 = arith.constant 0 : i32
        %dma_wait3A_367 = arith.constant 0 : i32
        %dma_wait3A_368 = tpu.memref_slice %arg12[%dma_wait3A_366, %dma_wait3A_367] : memref<10240x128xf32, #tpu.memory_space<vmem_shared>> -> memref<10240x128xf32, #tpu.memory_space<vmem_shared>>
        tpu.wait_indirect_dma semaphore(%run_scoped3A_356 : memref<!tpu.dma_semaphore, #tpu.memory_space<semaphore_mem>>) src(%arg10 : memref<128x128xf32, #tpu.memory_space<vmem>>) dst(%dma_wait3A_368 : memref<10240x128xf32, #tpu.memory_space<vmem_shared>>)
        tpu.yield
      }) : () -> ()
      %add3A_337 = arith.constant 2 : i32
      %add3A_338 = arith.addi %mul3A_322, %add3A_337 : i32
      %dma_start3A_339 = arith.constant 0 : i32
      %dma_start3A_340 = tpu.memref_slice %arg6[%add3A_338, %dma_start3A_339] : memref<16x128xi32, #tpu.memory_space<vmem>> -> memref<1x128xi32, #tpu.memory_space<vmem>>
      %dma_start3A_341 = tpu.memref_squeeze %dma_start3A_340 : memref<1x128xi32, #tpu.memory_space<vmem>> -> memref<128xi32, #tpu.memory_space<vmem>>
      %dma_start3A_342 = arith.constant 0 : i32
      %dma_start3A_343 = arith.constant 0 : i32
      %dma_start3A_344 = tpu.memref_slice %arg2[%dma_start3A_342, %dma_start3A_343] : memref<10000x128xf32, #tpu.memory_space<hbm>> -> memref<10000x128xf32, #tpu.memory_space<hbm>>
      tpu.enqueue_indirect_dma source(%dma_start3A_344 : memref<10000x128xf32, #tpu.memory_space<hbm>>) target(%arg10 : memref<128x128xf32, #tpu.memory_space<vmem>>) offsets(%dma_start3A_341 : memref<128xi32, #tpu.memory_space<vmem>>) semaphore(%arg14 : memref<!tpu.dma_semaphore, #tpu.memory_space<semaphore_mem>>)
      %add3A_345 = arith.constant 1 : i32
      %add3A_346 = arith.addi %mul3A_322, %add3A_345 : i32
      %dma_wait3A_347 = arith.constant 0 : i32
      %dma_wait3A_348 = tpu.memref_slice %arg6[%add3A_346, %dma_wait3A_347] : memref<16x128xi32, #tpu.memory_space<vmem>> -> memref<1x128xi32, #tpu.memory_space<vmem>>
      %dma_wait3A_349 = tpu.memref_squeeze %dma_wait3A_348 : memref<1x128xi32, #tpu.memory_space<vmem>> -> memref<128xi32, #tpu.memory_space<vmem>>
      %dma_wait3A_350 = arith.constant 0 : i32
      %dma_wait3A_351 = arith.constant 0 : i32
      %dma_wait3A_352 = tpu.memref_slice %arg2[%dma_wait3A_350, %dma_wait3A_351] : memref<10000x128xf32, #tpu.memory_space<hbm>> -> memref<10000x128xf32, #tpu.memory_space<hbm>>
      tpu.wait_indirect_dma semaphore(%arg15 : memref<!tpu.dma_semaphore, #tpu.memory_space<semaphore_mem>>) src(%dma_wait3A_352 : memref<10000x128xf32, #tpu.memory_space<hbm>>) dst(%arg11 : memref<128x128xf32, #tpu.memory_space<vmem>>)
      %add3A_353 = arith.constant 1 : i32
      %add3A_354 = arith.addi %mul3A_322, %add3A_353 : i32
      "tpu.region"() ({
        %run_scoped3A_356 = tpu.sem_alloc : memref<!tpu.dma_semaphore, #tpu.memory_space<semaphore_mem>>
        %dma_start3A_357 = arith.constant 0 : i32
        %dma_start3A_358 = tpu.memref_slice %arg7[%add3A_354, %dma_start3A_357] : memref<16x128xi32, #tpu.memory_space<vmem>> -> memref<1x128xi32, #tpu.memory_space<vmem>>
        %dma_start3A_359 = tpu.memref_squeeze %dma_start3A_358 : memref<1x128xi32, #tpu.memory_space<vmem>> -> memref<128xi32, #tpu.memory_space<vmem>>
        %dma_start3A_360 = arith.constant 0 : i32
        %dma_start3A_361 = arith.constant 0 : i32
        %dma_start3A_362 = tpu.memref_slice %arg12[%dma_start3A_360, %dma_start3A_361] : memref<10240x128xf32, #tpu.memory_space<vmem_shared>> -> memref<10240x128xf32, #tpu.memory_space<vmem_shared>>
        tpu.enqueue_indirect_dma source(%arg11 : memref<128x128xf32, #tpu.memory_space<vmem>>) target(%dma_start3A_362 : memref<10240x128xf32, #tpu.memory_space<vmem_shared>>) offsets(%dma_start3A_359 : memref<128xi32, #tpu.memory_space<vmem>>) semaphore(%run_scoped3A_356 : memref<!tpu.dma_semaphore, #tpu.memory_space<semaphore_mem>>) {add = true}
        %dma_wait3A_363 = arith.constant 0 : i32
        %dma_wait3A_364 = tpu.memref_slice %arg7[%add3A_354, %dma_wait3A_363] : memref<16x128xi32, #tpu.memory_space<vmem>> -> memref<1x128xi32, #tpu.memory_space<vmem>>
        %dma_wait3A_365 = tpu.memref_squeeze %dma_wait3A_364 : memref<1x128xi32, #tpu.memory_space<vmem>> -> memref<128xi32, #tpu.memory_space<vmem>>
        %dma_wait3A_366 = arith.constant 0 : i32
        %dma_wait3A_367 = arith.constant 0 : i32
        %dma_wait3A_368 = tpu.memref_slice %arg12[%dma_wait3A_366, %dma_wait3A_367] : memref<10240x128xf32, #tpu.memory_space<vmem_shared>> -> memref<10240x128xf32, #tpu.memory_space<vmem_shared>>
        tpu.wait_indirect_dma semaphore(%run_scoped3A_356 : memref<!tpu.dma_semaphore, #tpu.memory_space<semaphore_mem>>) src(%arg11 : memref<128x128xf32, #tpu.memory_space<vmem>>) dst(%dma_wait3A_368 : memref<10240x128xf32, #tpu.memory_space<vmem_shared>>)
        tpu.yield
      }) : () -> ()
      %scan3A_355 = arith.constant 0 : i32
      scf.yield %scan3A_355 : i32
    }
    %scan3A_184 = arith.constant 7 : i32
    %dma_wait3A_185 = arith.constant 14 : i32
    %dma_wait3A_186 = arith.constant 0 : i32
    %dma_wait3A_187 = tpu.memref_slice %arg6[%dma_wait3A_185, %dma_wait3A_186] : memref<16x128xi32, #tpu.memory_space<vmem>> -> memref<1x128xi32, #tpu.memory_space<vmem>>
    %dma_wait3A_188 = tpu.memref_squeeze %dma_wait3A_187 : memref<1x128xi32, #tpu.memory_space<vmem>> -> memref<128xi32, #tpu.memory_space<vmem>>
    %dma_wait3A_189 = arith.constant 0 : i32
    %dma_wait3A_190 = arith.constant 0 : i32
    %dma_wait3A_191 = tpu.memref_slice %arg2[%dma_wait3A_189, %dma_wait3A_190] : memref<10000x128xf32, #tpu.memory_space<hbm>> -> memref<10000x128xf32, #tpu.memory_space<hbm>>
    tpu.wait_indirect_dma semaphore(%arg14 : memref<!tpu.dma_semaphore, #tpu.memory_space<semaphore_mem>>) src(%dma_wait3A_191 : memref<10000x128xf32, #tpu.memory_space<hbm>>) dst(%arg10 : memref<128x128xf32, #tpu.memory_space<vmem>>)
    %dma_start3A_192 = arith.constant 15 : i32
    %dma_start3A_193 = arith.constant 0 : i32
    %dma_start3A_194 = tpu.memref_slice %arg6[%dma_start3A_192, %dma_start3A_193] : memref<16x128xi32, #tpu.memory_space<vmem>> -> memref<1x128xi32, #tpu.memory_space<vmem>>
    %dma_start3A_195 = tpu.memref_squeeze %dma_start3A_194 : memref<1x128xi32, #tpu.memory_space<vmem>> -> memref<128xi32, #tpu.memory_space<vmem>>
    %dma_start3A_196 = arith.constant 0 : i32
    %dma_start3A_197 = arith.constant 0 : i32
    %dma_start3A_198 = tpu.memref_slice %arg2[%dma_start3A_196, %dma_start3A_197] : memref<10000x128xf32, #tpu.memory_space<hbm>> -> memref<10000x128xf32, #tpu.memory_space<hbm>>
    tpu.enqueue_indirect_dma source(%dma_start3A_198 : memref<10000x128xf32, #tpu.memory_space<hbm>>) target(%arg11 : memref<128x128xf32, #tpu.memory_space<vmem>>) offsets(%dma_start3A_195 : memref<128xi32, #tpu.memory_space<vmem>>) semaphore(%arg15 : memref<!tpu.dma_semaphore, #tpu.memory_space<semaphore_mem>>)
    %run_scoped3A_199 = arith.constant 14 : i32
    "tpu.region"() ({
      %run_scoped3A_319 = tpu.sem_alloc : memref<!tpu.dma_semaphore, #tpu.memory_space<semaphore_mem>>
      %dma_start3A_320 = arith.constant 0 : i32
      %dma_start3A_321 = tpu.memref_slice %arg7[%run_scoped3A_199, %dma_start3A_320] : memref<16x128xi32, #tpu.memory_space<vmem>> -> memref<1x128xi32, #tpu.memory_space<vmem>>
      %dma_start3A_322 = tpu.memref_squeeze %dma_start3A_321 : memref<1x128xi32, #tpu.memory_space<vmem>> -> memref<128xi32, #tpu.memory_space<vmem>>
      %dma_start3A_323 = arith.constant 0 : i32
      %dma_start3A_324 = arith.constant 0 : i32
      %dma_start3A_325 = tpu.memref_slice %arg12[%dma_start3A_323, %dma_start3A_324] : memref<10240x128xf32, #tpu.memory_space<vmem_shared>> -> memref<10240x128xf32, #tpu.memory_space<vmem_shared>>
      tpu.enqueue_indirect_dma source(%arg10 : memref<128x128xf32, #tpu.memory_space<vmem>>) target(%dma_start3A_325 : memref<10240x128xf32, #tpu.memory_space<vmem_shared>>) offsets(%dma_start3A_322 : memref<128xi32, #tpu.memory_space<vmem>>) semaphore(%run_scoped3A_319 : memref<!tpu.dma_semaphore, #tpu.memory_space<semaphore_mem>>) {add = true}
      %dma_wait3A_326 = arith.constant 0 : i32
      %dma_wait3A_327 = tpu.memref_slice %arg7[%run_scoped3A_199, %dma_wait3A_326] : memref<16x128xi32, #tpu.memory_space<vmem>> -> memref<1x128xi32, #tpu.memory_space<vmem>>
      %dma_wait3A_328 = tpu.memref_squeeze %dma_wait3A_327 : memref<1x128xi32, #tpu.memory_space<vmem>> -> memref<128xi32, #tpu.memory_space<vmem>>
      %dma_wait3A_329 = arith.constant 0 : i32
      %dma_wait3A_330 = arith.constant 0 : i32
      %dma_wait3A_331 = tpu.memref_slice %arg12[%dma_wait3A_329, %dma_wait3A_330] : memref<10240x128xf32, #tpu.memory_space<vmem_shared>> -> memref<10240x128xf32, #tpu.memory_space<vmem_shared>>
      tpu.wait_indirect_dma semaphore(%run_scoped3A_319 : memref<!tpu.dma_semaphore, #tpu.memory_space<semaphore_mem>>) src(%arg10 : memref<128x128xf32, #tpu.memory_space<vmem>>) dst(%dma_wait3A_331 : memref<10240x128xf32, #tpu.memory_space<vmem_shared>>)
      tpu.yield
    }) : () -> ()
    %mul3A_200 = arith.constant 80 : i32
    %mul3A_201 = arith.muli %add3A, %mul3A_200 : i32
    %add3A_202 = arith.constant 48 : i32
    %add3A_203 = arith.addi %mul3A_201, %add3A_202 : i32
    %dma_wait3A_204 = arith.constant 0 : i32
    %dma_wait3A_205 = tpu.memref_slice %arg3[%add3A_203, %dma_wait3A_204] : memref<2560x128xi32, #tpu.memory_space<hbm>> -> memref<16x128xi32, #tpu.memory_space<hbm>>
    %dma_wait3A_206 = arith.constant 0 : i32
    %dma_wait3A_207 = tpu.memref_slice %arg3[%add3A_203, %dma_wait3A_206] : memref<2560x128xi32, #tpu.memory_space<hbm>> -> memref<16x128xi32, #tpu.memory_space<hbm>>
    tpu.wait_dma2 semaphore(%arg13 : memref<!tpu.dma_semaphore, #tpu.memory_space<semaphore_mem>>) src(%dma_wait3A_207 : memref<16x128xi32, #tpu.memory_space<hbm>>) dst(%arg8 : memref<16x128xi32, #tpu.memory_space<vmem>>)
    %dma_wait3A_208 = arith.constant 0 : i32
    %dma_wait3A_209 = tpu.memref_slice %arg4[%add3A_203, %dma_wait3A_208] : memref<2560x128xi32, #tpu.memory_space<hbm>> -> memref<16x128xi32, #tpu.memory_space<hbm>>
    %dma_wait3A_210 = arith.constant 0 : i32
    %dma_wait3A_211 = tpu.memref_slice %arg4[%add3A_203, %dma_wait3A_210] : memref<2560x128xi32, #tpu.memory_space<hbm>> -> memref<16x128xi32, #tpu.memory_space<hbm>>
    tpu.wait_dma2 semaphore(%arg13 : memref<!tpu.dma_semaphore, #tpu.memory_space<semaphore_mem>>) src(%dma_wait3A_211 : memref<16x128xi32, #tpu.memory_space<hbm>>) dst(%arg9 : memref<16x128xi32, #tpu.memory_space<vmem>>)
    %dma_start3A_212 = arith.constant 0 : i32
    %dma_start3A_213 = arith.constant 0 : i32
    %dma_start3A_214 = tpu.memref_slice %arg8[%dma_start3A_212, %dma_start3A_213] : memref<16x128xi32, #tpu.memory_space<vmem>> -> memref<1x128xi32, #tpu.memory_space<vmem>>
    %dma_start3A_215 = tpu.memref_squeeze %dma_start3A_214 : memref<1x128xi32, #tpu.memory_space<vmem>> -> memref<128xi32, #tpu.memory_space<vmem>>
    %dma_start3A_216 = arith.constant 0 : i32
    %dma_start3A_217 = arith.constant 0 : i32
    %dma_start3A_218 = tpu.memref_slice %arg2[%dma_start3A_216, %dma_start3A_217] : memref<10000x128xf32, #tpu.memory_space<hbm>> -> memref<10000x128xf32, #tpu.memory_space<hbm>>
    tpu.enqueue_indirect_dma source(%dma_start3A_218 : memref<10000x128xf32, #tpu.memory_space<hbm>>) target(%arg10 : memref<128x128xf32, #tpu.memory_space<vmem>>) offsets(%dma_start3A_215 : memref<128xi32, #tpu.memory_space<vmem>>) semaphore(%arg14 : memref<!tpu.dma_semaphore, #tpu.memory_space<semaphore_mem>>)
    %dma_wait3A_219 = arith.constant 15 : i32
    %dma_wait3A_220 = arith.constant 0 : i32
    %dma_wait3A_221 = tpu.memref_slice %arg6[%dma_wait3A_219, %dma_wait3A_220] : memref<16x128xi32, #tpu.memory_space<vmem>> -> memref<1x128xi32, #tpu.memory_space<vmem>>
    %dma_wait3A_222 = tpu.memref_squeeze %dma_wait3A_221 : memref<1x128xi32, #tpu.memory_space<vmem>> -> memref<128xi32, #tpu.memory_space<vmem>>
    %dma_wait3A_223 = arith.constant 0 : i32
    %dma_wait3A_224 = arith.constant 0 : i32
    %dma_wait3A_225 = tpu.memref_slice %arg2[%dma_wait3A_223, %dma_wait3A_224] : memref<10000x128xf32, #tpu.memory_space<hbm>> -> memref<10000x128xf32, #tpu.memory_space<hbm>>
    tpu.wait_indirect_dma semaphore(%arg15 : memref<!tpu.dma_semaphore, #tpu.memory_space<semaphore_mem>>) src(%dma_wait3A_225 : memref<10000x128xf32, #tpu.memory_space<hbm>>) dst(%arg11 : memref<128x128xf32, #tpu.memory_space<vmem>>)
    %run_scoped3A_226 = arith.constant 15 : i32
    "tpu.region"() ({
      %run_scoped3A_319 = tpu.sem_alloc : memref<!tpu.dma_semaphore, #tpu.memory_space<semaphore_mem>>
      %dma_start3A_320 = arith.constant 0 : i32
      %dma_start3A_321 = tpu.memref_slice %arg7[%run_scoped3A_226, %dma_start3A_320] : memref<16x128xi32, #tpu.memory_space<vmem>> -> memref<1x128xi32, #tpu.memory_space<vmem>>
      %dma_start3A_322 = tpu.memref_squeeze %dma_start3A_321 : memref<1x128xi32, #tpu.memory_space<vmem>> -> memref<128xi32, #tpu.memory_space<vmem>>
      %dma_start3A_323 = arith.constant 0 : i32
      %dma_start3A_324 = arith.constant 0 : i32
      %dma_start3A_325 = tpu.memref_slice %arg12[%dma_start3A_323, %dma_start3A_324] : memref<10240x128xf32, #tpu.memory_space<vmem_shared>> -> memref<10240x128xf32, #tpu.memory_space<vmem_shared>>
      tpu.enqueue_indirect_dma source(%arg11 : memref<128x128xf32, #tpu.memory_space<vmem>>) target(%dma_start3A_325 : memref<10240x128xf32, #tpu.memory_space<vmem_shared>>) offsets(%dma_start3A_322 : memref<128xi32, #tpu.memory_space<vmem>>) semaphore(%run_scoped3A_319 : memref<!tpu.dma_semaphore, #tpu.memory_space<semaphore_mem>>) {add = true}
      %dma_wait3A_326 = arith.constant 0 : i32
      %dma_wait3A_327 = tpu.memref_slice %arg7[%run_scoped3A_226, %dma_wait3A_326] : memref<16x128xi32, #tpu.memory_space<vmem>> -> memref<1x128xi32, #tpu.memory_space<vmem>>
      %dma_wait3A_328 = tpu.memref_squeeze %dma_wait3A_327 : memref<1x128xi32, #tpu.memory_space<vmem>> -> memref<128xi32, #tpu.memory_space<vmem>>
      %dma_wait3A_329 = arith.constant 0 : i32
      %dma_wait3A_330 = arith.constant 0 : i32
      %dma_wait3A_331 = tpu.memref_slice %arg12[%dma_wait3A_329, %dma_wait3A_330] : memref<10240x128xf32, #tpu.memory_space<vmem_shared>> -> memref<10240x128xf32, #tpu.memory_space<vmem_shared>>
      tpu.wait_indirect_dma semaphore(%run_scoped3A_319 : memref<!tpu.dma_semaphore, #tpu.memory_space<semaphore_mem>>) src(%arg11 : memref<128x128xf32, #tpu.memory_space<vmem>>) dst(%dma_wait3A_331 : memref<10240x128xf32, #tpu.memory_space<vmem_shared>>)
      tpu.yield
    }) : () -> ()
    %mul3A_227 = arith.constant 80 : i32
    %mul3A_228 = arith.muli %add3A, %mul3A_227 : i32
    %add3A_229 = arith.constant 64 : i32
    %add3A_230 = arith.addi %mul3A_228, %add3A_229 : i32
    %dma_start3A_231 = arith.constant 0 : i32
    %dma_start3A_232 = tpu.memref_slice %arg3[%add3A_230, %dma_start3A_231] : memref<2560x128xi32, #tpu.memory_space<hbm>> -> memref<16x128xi32, #tpu.memory_space<hbm>>
    %dma_start3A_233 = arith.constant 0 : i32
    %dma_start3A_234 = tpu.memref_slice %arg3[%add3A_230, %dma_start3A_233] : memref<2560x128xi32, #tpu.memory_space<hbm>> -> memref<16x128xi32, #tpu.memory_space<hbm>>
    tpu.enqueue_dma source(%dma_start3A_234 : memref<16x128xi32, #tpu.memory_space<hbm>>) target(%arg6 : memref<16x128xi32, #tpu.memory_space<vmem>>) target_semaphore(%arg13 : memref<!tpu.dma_semaphore, #tpu.memory_space<semaphore_mem>>)
    %dma_start3A_235 = arith.constant 0 : i32
    %dma_start3A_236 = tpu.memref_slice %arg4[%add3A_230, %dma_start3A_235] : memref<2560x128xi32, #tpu.memory_space<hbm>> -> memref<16x128xi32, #tpu.memory_space<hbm>>
    %dma_start3A_237 = arith.constant 0 : i32
    %dma_start3A_238 = tpu.memref_slice %arg4[%add3A_230, %dma_start3A_237] : memref<2560x128xi32, #tpu.memory_space<hbm>> -> memref<16x128xi32, #tpu.memory_space<hbm>>
    tpu.enqueue_dma source(%dma_start3A_238 : memref<16x128xi32, #tpu.memory_space<hbm>>) target(%arg7 : memref<16x128xi32, #tpu.memory_space<vmem>>) target_semaphore(%arg13 : memref<!tpu.dma_semaphore, #tpu.memory_space<semaphore_mem>>)
    %scan3A_239 = arith.constant 0 : i32
    %scan3A_240 = arith.constant 0 : i32
    %scan3A_241 = arith.constant 7 : i32
    %scan3A_242 = arith.addi %scan3A_240, %scan3A_241 : i32
    %scan3A_243 = arith.constant 1 : i32
    %scan3A_244 = scf.for %scan3A_319 = %scan3A_240 to %scan3A_242 step %scan3A_243 iter_args(%scan3A_320 = %scan3A_239) -> (i32)  : i32 {
      %mul3A_321 = arith.constant 2 : i32
      %mul3A_322 = arith.muli %mul3A_321, %scan3A_319 : i32
      %dma_wait3A_323 = arith.constant 0 : i32
      %dma_wait3A_324 = tpu.memref_slice %arg8[%mul3A_322, %dma_wait3A_323] : memref<16x128xi32, #tpu.memory_space<vmem>> -> memref<1x128xi32, #tpu.memory_space<vmem>>
      %dma_wait3A_325 = tpu.memref_squeeze %dma_wait3A_324 : memref<1x128xi32, #tpu.memory_space<vmem>> -> memref<128xi32, #tpu.memory_space<vmem>>
      %dma_wait3A_326 = arith.constant 0 : i32
      %dma_wait3A_327 = arith.constant 0 : i32
      %dma_wait3A_328 = tpu.memref_slice %arg2[%dma_wait3A_326, %dma_wait3A_327] : memref<10000x128xf32, #tpu.memory_space<hbm>> -> memref<10000x128xf32, #tpu.memory_space<hbm>>
      tpu.wait_indirect_dma semaphore(%arg14 : memref<!tpu.dma_semaphore, #tpu.memory_space<semaphore_mem>>) src(%dma_wait3A_328 : memref<10000x128xf32, #tpu.memory_space<hbm>>) dst(%arg10 : memref<128x128xf32, #tpu.memory_space<vmem>>)
      %add3A_329 = arith.constant 1 : i32
      %add3A_330 = arith.addi %mul3A_322, %add3A_329 : i32
      %dma_start3A_331 = arith.constant 0 : i32
      %dma_start3A_332 = tpu.memref_slice %arg8[%add3A_330, %dma_start3A_331] : memref<16x128xi32, #tpu.memory_space<vmem>> -> memref<1x128xi32, #tpu.memory_space<vmem>>
      %dma_start3A_333 = tpu.memref_squeeze %dma_start3A_332 : memref<1x128xi32, #tpu.memory_space<vmem>> -> memref<128xi32, #tpu.memory_space<vmem>>
      %dma_start3A_334 = arith.constant 0 : i32
      %dma_start3A_335 = arith.constant 0 : i32
      %dma_start3A_336 = tpu.memref_slice %arg2[%dma_start3A_334, %dma_start3A_335] : memref<10000x128xf32, #tpu.memory_space<hbm>> -> memref<10000x128xf32, #tpu.memory_space<hbm>>
      tpu.enqueue_indirect_dma source(%dma_start3A_336 : memref<10000x128xf32, #tpu.memory_space<hbm>>) target(%arg11 : memref<128x128xf32, #tpu.memory_space<vmem>>) offsets(%dma_start3A_333 : memref<128xi32, #tpu.memory_space<vmem>>) semaphore(%arg15 : memref<!tpu.dma_semaphore, #tpu.memory_space<semaphore_mem>>)
      "tpu.region"() ({
        %run_scoped3A_356 = tpu.sem_alloc : memref<!tpu.dma_semaphore, #tpu.memory_space<semaphore_mem>>
        %dma_start3A_357 = arith.constant 0 : i32
        %dma_start3A_358 = tpu.memref_slice %arg9[%mul3A_322, %dma_start3A_357] : memref<16x128xi32, #tpu.memory_space<vmem>> -> memref<1x128xi32, #tpu.memory_space<vmem>>
        %dma_start3A_359 = tpu.memref_squeeze %dma_start3A_358 : memref<1x128xi32, #tpu.memory_space<vmem>> -> memref<128xi32, #tpu.memory_space<vmem>>
        %dma_start3A_360 = arith.constant 0 : i32
        %dma_start3A_361 = arith.constant 0 : i32
        %dma_start3A_362 = tpu.memref_slice %arg12[%dma_start3A_360, %dma_start3A_361] : memref<10240x128xf32, #tpu.memory_space<vmem_shared>> -> memref<10240x128xf32, #tpu.memory_space<vmem_shared>>
        tpu.enqueue_indirect_dma source(%arg10 : memref<128x128xf32, #tpu.memory_space<vmem>>) target(%dma_start3A_362 : memref<10240x128xf32, #tpu.memory_space<vmem_shared>>) offsets(%dma_start3A_359 : memref<128xi32, #tpu.memory_space<vmem>>) semaphore(%run_scoped3A_356 : memref<!tpu.dma_semaphore, #tpu.memory_space<semaphore_mem>>) {add = true}
        %dma_wait3A_363 = arith.constant 0 : i32
        %dma_wait3A_364 = tpu.memref_slice %arg9[%mul3A_322, %dma_wait3A_363] : memref<16x128xi32, #tpu.memory_space<vmem>> -> memref<1x128xi32, #tpu.memory_space<vmem>>
        %dma_wait3A_365 = tpu.memref_squeeze %dma_wait3A_364 : memref<1x128xi32, #tpu.memory_space<vmem>> -> memref<128xi32, #tpu.memory_space<vmem>>
        %dma_wait3A_366 = arith.constant 0 : i32
        %dma_wait3A_367 = arith.constant 0 : i32
        %dma_wait3A_368 = tpu.memref_slice %arg12[%dma_wait3A_366, %dma_wait3A_367] : memref<10240x128xf32, #tpu.memory_space<vmem_shared>> -> memref<10240x128xf32, #tpu.memory_space<vmem_shared>>
        tpu.wait_indirect_dma semaphore(%run_scoped3A_356 : memref<!tpu.dma_semaphore, #tpu.memory_space<semaphore_mem>>) src(%arg10 : memref<128x128xf32, #tpu.memory_space<vmem>>) dst(%dma_wait3A_368 : memref<10240x128xf32, #tpu.memory_space<vmem_shared>>)
        tpu.yield
      }) : () -> ()
      %add3A_337 = arith.constant 2 : i32
      %add3A_338 = arith.addi %mul3A_322, %add3A_337 : i32
      %dma_start3A_339 = arith.constant 0 : i32
      %dma_start3A_340 = tpu.memref_slice %arg8[%add3A_338, %dma_start3A_339] : memref<16x128xi32, #tpu.memory_space<vmem>> -> memref<1x128xi32, #tpu.memory_space<vmem>>
      %dma_start3A_341 = tpu.memref_squeeze %dma_start3A_340 : memref<1x128xi32, #tpu.memory_space<vmem>> -> memref<128xi32, #tpu.memory_space<vmem>>
      %dma_start3A_342 = arith.constant 0 : i32
      %dma_start3A_343 = arith.constant 0 : i32
      %dma_start3A_344 = tpu.memref_slice %arg2[%dma_start3A_342, %dma_start3A_343] : memref<10000x128xf32, #tpu.memory_space<hbm>> -> memref<10000x128xf32, #tpu.memory_space<hbm>>
      tpu.enqueue_indirect_dma source(%dma_start3A_344 : memref<10000x128xf32, #tpu.memory_space<hbm>>) target(%arg10 : memref<128x128xf32, #tpu.memory_space<vmem>>) offsets(%dma_start3A_341 : memref<128xi32, #tpu.memory_space<vmem>>) semaphore(%arg14 : memref<!tpu.dma_semaphore, #tpu.memory_space<semaphore_mem>>)
      %add3A_345 = arith.constant 1 : i32
      %add3A_346 = arith.addi %mul3A_322, %add3A_345 : i32
      %dma_wait3A_347 = arith.constant 0 : i32
      %dma_wait3A_348 = tpu.memref_slice %arg8[%add3A_346, %dma_wait3A_347] : memref<16x128xi32, #tpu.memory_space<vmem>> -> memref<1x128xi32, #tpu.memory_space<vmem>>
      %dma_wait3A_349 = tpu.memref_squeeze %dma_wait3A_348 : memref<1x128xi32, #tpu.memory_space<vmem>> -> memref<128xi32, #tpu.memory_space<vmem>>
      %dma_wait3A_350 = arith.constant 0 : i32
      %dma_wait3A_351 = arith.constant 0 : i32
      %dma_wait3A_352 = tpu.memref_slice %arg2[%dma_wait3A_350, %dma_wait3A_351] : memref<10000x128xf32, #tpu.memory_space<hbm>> -> memref<10000x128xf32, #tpu.memory_space<hbm>>
      tpu.wait_indirect_dma semaphore(%arg15 : memref<!tpu.dma_semaphore, #tpu.memory_space<semaphore_mem>>) src(%dma_wait3A_352 : memref<10000x128xf32, #tpu.memory_space<hbm>>) dst(%arg11 : memref<128x128xf32, #tpu.memory_space<vmem>>)
      %add3A_353 = arith.constant 1 : i32
      %add3A_354 = arith.addi %mul3A_322, %add3A_353 : i32
      "tpu.region"() ({
        %run_scoped3A_356 = tpu.sem_alloc : memref<!tpu.dma_semaphore, #tpu.memory_space<semaphore_mem>>
        %dma_start3A_357 = arith.constant 0 : i32
        %dma_start3A_358 = tpu.memref_slice %arg9[%add3A_354, %dma_start3A_357] : memref<16x128xi32, #tpu.memory_space<vmem>> -> memref<1x128xi32, #tpu.memory_space<vmem>>
        %dma_start3A_359 = tpu.memref_squeeze %dma_start3A_358 : memref<1x128xi32, #tpu.memory_space<vmem>> -> memref<128xi32, #tpu.memory_space<vmem>>
        %dma_start3A_360 = arith.constant 0 : i32
        %dma_start3A_361 = arith.constant 0 : i32
        %dma_start3A_362 = tpu.memref_slice %arg12[%dma_start3A_360, %dma_start3A_361] : memref<10240x128xf32, #tpu.memory_space<vmem_shared>> -> memref<10240x128xf32, #tpu.memory_space<vmem_shared>>
        tpu.enqueue_indirect_dma source(%arg11 : memref<128x128xf32, #tpu.memory_space<vmem>>) target(%dma_start3A_362 : memref<10240x128xf32, #tpu.memory_space<vmem_shared>>) offsets(%dma_start3A_359 : memref<128xi32, #tpu.memory_space<vmem>>) semaphore(%run_scoped3A_356 : memref<!tpu.dma_semaphore, #tpu.memory_space<semaphore_mem>>) {add = true}
        %dma_wait3A_363 = arith.constant 0 : i32
        %dma_wait3A_364 = tpu.memref_slice %arg9[%add3A_354, %dma_wait3A_363] : memref<16x128xi32, #tpu.memory_space<vmem>> -> memref<1x128xi32, #tpu.memory_space<vmem>>
        %dma_wait3A_365 = tpu.memref_squeeze %dma_wait3A_364 : memref<1x128xi32, #tpu.memory_space<vmem>> -> memref<128xi32, #tpu.memory_space<vmem>>
        %dma_wait3A_366 = arith.constant 0 : i32
        %dma_wait3A_367 = arith.constant 0 : i32
        %dma_wait3A_368 = tpu.memref_slice %arg12[%dma_wait3A_366, %dma_wait3A_367] : memref<10240x128xf32, #tpu.memory_space<vmem_shared>> -> memref<10240x128xf32, #tpu.memory_space<vmem_shared>>
        tpu.wait_indirect_dma semaphore(%run_scoped3A_356 : memref<!tpu.dma_semaphore, #tpu.memory_space<semaphore_mem>>) src(%arg11 : memref<128x128xf32, #tpu.memory_space<vmem>>) dst(%dma_wait3A_368 : memref<10240x128xf32, #tpu.memory_space<vmem_shared>>)
        tpu.yield
      }) : () -> ()
      %scan3A_355 = arith.constant 0 : i32
      scf.yield %scan3A_355 : i32
    }
    %scan3A_245 = arith.constant 7 : i32
    %dma_wait3A_246 = arith.constant 14 : i32
    %dma_wait3A_247 = arith.constant 0 : i32
    %dma_wait3A_248 = tpu.memref_slice %arg8[%dma_wait3A_246, %dma_wait3A_247] : memref<16x128xi32, #tpu.memory_space<vmem>> -> memref<1x128xi32, #tpu.memory_space<vmem>>
    %dma_wait3A_249 = tpu.memref_squeeze %dma_wait3A_248 : memref<1x128xi32, #tpu.memory_space<vmem>> -> memref<128xi32, #tpu.memory_space<vmem>>
    %dma_wait3A_250 = arith.constant 0 : i32
    %dma_wait3A_251 = arith.constant 0 : i32
    %dma_wait3A_252 = tpu.memref_slice %arg2[%dma_wait3A_250, %dma_wait3A_251] : memref<10000x128xf32, #tpu.memory_space<hbm>> -> memref<10000x128xf32, #tpu.memory_space<hbm>>
    tpu.wait_indirect_dma semaphore(%arg14 : memref<!tpu.dma_semaphore, #tpu.memory_space<semaphore_mem>>) src(%dma_wait3A_252 : memref<10000x128xf32, #tpu.memory_space<hbm>>) dst(%arg10 : memref<128x128xf32, #tpu.memory_space<vmem>>)
    %dma_start3A_253 = arith.constant 15 : i32
    %dma_start3A_254 = arith.constant 0 : i32
    %dma_start3A_255 = tpu.memref_slice %arg8[%dma_start3A_253, %dma_start3A_254] : memref<16x128xi32, #tpu.memory_space<vmem>> -> memref<1x128xi32, #tpu.memory_space<vmem>>
    %dma_start3A_256 = tpu.memref_squeeze %dma_start3A_255 : memref<1x128xi32, #tpu.memory_space<vmem>> -> memref<128xi32, #tpu.memory_space<vmem>>
    %dma_start3A_257 = arith.constant 0 : i32
    %dma_start3A_258 = arith.constant 0 : i32
    %dma_start3A_259 = tpu.memref_slice %arg2[%dma_start3A_257, %dma_start3A_258] : memref<10000x128xf32, #tpu.memory_space<hbm>> -> memref<10000x128xf32, #tpu.memory_space<hbm>>
    tpu.enqueue_indirect_dma source(%dma_start3A_259 : memref<10000x128xf32, #tpu.memory_space<hbm>>) target(%arg11 : memref<128x128xf32, #tpu.memory_space<vmem>>) offsets(%dma_start3A_256 : memref<128xi32, #tpu.memory_space<vmem>>) semaphore(%arg15 : memref<!tpu.dma_semaphore, #tpu.memory_space<semaphore_mem>>)
    %run_scoped3A_260 = arith.constant 14 : i32
    "tpu.region"() ({
      %run_scoped3A_319 = tpu.sem_alloc : memref<!tpu.dma_semaphore, #tpu.memory_space<semaphore_mem>>
      %dma_start3A_320 = arith.constant 0 : i32
      %dma_start3A_321 = tpu.memref_slice %arg9[%run_scoped3A_260, %dma_start3A_320] : memref<16x128xi32, #tpu.memory_space<vmem>> -> memref<1x128xi32, #tpu.memory_space<vmem>>
      %dma_start3A_322 = tpu.memref_squeeze %dma_start3A_321 : memref<1x128xi32, #tpu.memory_space<vmem>> -> memref<128xi32, #tpu.memory_space<vmem>>
      %dma_start3A_323 = arith.constant 0 : i32
      %dma_start3A_324 = arith.constant 0 : i32
      %dma_start3A_325 = tpu.memref_slice %arg12[%dma_start3A_323, %dma_start3A_324] : memref<10240x128xf32, #tpu.memory_space<vmem_shared>> -> memref<10240x128xf32, #tpu.memory_space<vmem_shared>>
      tpu.enqueue_indirect_dma source(%arg10 : memref<128x128xf32, #tpu.memory_space<vmem>>) target(%dma_start3A_325 : memref<10240x128xf32, #tpu.memory_space<vmem_shared>>) offsets(%dma_start3A_322 : memref<128xi32, #tpu.memory_space<vmem>>) semaphore(%run_scoped3A_319 : memref<!tpu.dma_semaphore, #tpu.memory_space<semaphore_mem>>) {add = true}
      %dma_wait3A_326 = arith.constant 0 : i32
      %dma_wait3A_327 = tpu.memref_slice %arg9[%run_scoped3A_260, %dma_wait3A_326] : memref<16x128xi32, #tpu.memory_space<vmem>> -> memref<1x128xi32, #tpu.memory_space<vmem>>
      %dma_wait3A_328 = tpu.memref_squeeze %dma_wait3A_327 : memref<1x128xi32, #tpu.memory_space<vmem>> -> memref<128xi32, #tpu.memory_space<vmem>>
      %dma_wait3A_329 = arith.constant 0 : i32
      %dma_wait3A_330 = arith.constant 0 : i32
      %dma_wait3A_331 = tpu.memref_slice %arg12[%dma_wait3A_329, %dma_wait3A_330] : memref<10240x128xf32, #tpu.memory_space<vmem_shared>> -> memref<10240x128xf32, #tpu.memory_space<vmem_shared>>
      tpu.wait_indirect_dma semaphore(%run_scoped3A_319 : memref<!tpu.dma_semaphore, #tpu.memory_space<semaphore_mem>>) src(%arg10 : memref<128x128xf32, #tpu.memory_space<vmem>>) dst(%dma_wait3A_331 : memref<10240x128xf32, #tpu.memory_space<vmem_shared>>)
      tpu.yield
    }) : () -> ()
    %mul3A_261 = arith.constant 80 : i32
    %mul3A_262 = arith.muli %add3A, %mul3A_261 : i32
    %add3A_263 = arith.constant 64 : i32
    %add3A_264 = arith.addi %mul3A_262, %add3A_263 : i32
    %dma_wait3A_265 = arith.constant 0 : i32
    %dma_wait3A_266 = tpu.memref_slice %arg3[%add3A_264, %dma_wait3A_265] : memref<2560x128xi32, #tpu.memory_space<hbm>> -> memref<16x128xi32, #tpu.memory_space<hbm>>
    %dma_wait3A_267 = arith.constant 0 : i32
    %dma_wait3A_268 = tpu.memref_slice %arg3[%add3A_264, %dma_wait3A_267] : memref<2560x128xi32, #tpu.memory_space<hbm>> -> memref<16x128xi32, #tpu.memory_space<hbm>>
    tpu.wait_dma2 semaphore(%arg13 : memref<!tpu.dma_semaphore, #tpu.memory_space<semaphore_mem>>) src(%dma_wait3A_268 : memref<16x128xi32, #tpu.memory_space<hbm>>) dst(%arg6 : memref<16x128xi32, #tpu.memory_space<vmem>>)
    %dma_wait3A_269 = arith.constant 0 : i32
    %dma_wait3A_270 = tpu.memref_slice %arg4[%add3A_264, %dma_wait3A_269] : memref<2560x128xi32, #tpu.memory_space<hbm>> -> memref<16x128xi32, #tpu.memory_space<hbm>>
    %dma_wait3A_271 = arith.constant 0 : i32
    %dma_wait3A_272 = tpu.memref_slice %arg4[%add3A_264, %dma_wait3A_271] : memref<2560x128xi32, #tpu.memory_space<hbm>> -> memref<16x128xi32, #tpu.memory_space<hbm>>
    tpu.wait_dma2 semaphore(%arg13 : memref<!tpu.dma_semaphore, #tpu.memory_space<semaphore_mem>>) src(%dma_wait3A_272 : memref<16x128xi32, #tpu.memory_space<hbm>>) dst(%arg7 : memref<16x128xi32, #tpu.memory_space<vmem>>)
    %dma_start3A_273 = arith.constant 0 : i32
    %dma_start3A_274 = arith.constant 0 : i32
    %dma_start3A_275 = tpu.memref_slice %arg6[%dma_start3A_273, %dma_start3A_274] : memref<16x128xi32, #tpu.memory_space<vmem>> -> memref<1x128xi32, #tpu.memory_space<vmem>>
    %dma_start3A_276 = tpu.memref_squeeze %dma_start3A_275 : memref<1x128xi32, #tpu.memory_space<vmem>> -> memref<128xi32, #tpu.memory_space<vmem>>
    %dma_start3A_277 = arith.constant 0 : i32
    %dma_start3A_278 = arith.constant 0 : i32
    %dma_start3A_279 = tpu.memref_slice %arg2[%dma_start3A_277, %dma_start3A_278] : memref<10000x128xf32, #tpu.memory_space<hbm>> -> memref<10000x128xf32, #tpu.memory_space<hbm>>
    tpu.enqueue_indirect_dma source(%dma_start3A_279 : memref<10000x128xf32, #tpu.memory_space<hbm>>) target(%arg10 : memref<128x128xf32, #tpu.memory_space<vmem>>) offsets(%dma_start3A_276 : memref<128xi32, #tpu.memory_space<vmem>>) semaphore(%arg14 : memref<!tpu.dma_semaphore, #tpu.memory_space<semaphore_mem>>)
    %dma_wait3A_280 = arith.constant 15 : i32
    %dma_wait3A_281 = arith.constant 0 : i32
    %dma_wait3A_282 = tpu.memref_slice %arg8[%dma_wait3A_280, %dma_wait3A_281] : memref<16x128xi32, #tpu.memory_space<vmem>> -> memref<1x128xi32, #tpu.memory_space<vmem>>
    %dma_wait3A_283 = tpu.memref_squeeze %dma_wait3A_282 : memref<1x128xi32, #tpu.memory_space<vmem>> -> memref<128xi32, #tpu.memory_space<vmem>>
    %dma_wait3A_284 = arith.constant 0 : i32
    %dma_wait3A_285 = arith.constant 0 : i32
    %dma_wait3A_286 = tpu.memref_slice %arg2[%dma_wait3A_284, %dma_wait3A_285] : memref<10000x128xf32, #tpu.memory_space<hbm>> -> memref<10000x128xf32, #tpu.memory_space<hbm>>
    tpu.wait_indirect_dma semaphore(%arg15 : memref<!tpu.dma_semaphore, #tpu.memory_space<semaphore_mem>>) src(%dma_wait3A_286 : memref<10000x128xf32, #tpu.memory_space<hbm>>) dst(%arg11 : memref<128x128xf32, #tpu.memory_space<vmem>>)
    %run_scoped3A_287 = arith.constant 15 : i32
    "tpu.region"() ({
      %run_scoped3A_319 = tpu.sem_alloc : memref<!tpu.dma_semaphore, #tpu.memory_space<semaphore_mem>>
      %dma_start3A_320 = arith.constant 0 : i32
      %dma_start3A_321 = tpu.memref_slice %arg9[%run_scoped3A_287, %dma_start3A_320] : memref<16x128xi32, #tpu.memory_space<vmem>> -> memref<1x128xi32, #tpu.memory_space<vmem>>
      %dma_start3A_322 = tpu.memref_squeeze %dma_start3A_321 : memref<1x128xi32, #tpu.memory_space<vmem>> -> memref<128xi32, #tpu.memory_space<vmem>>
      %dma_start3A_323 = arith.constant 0 : i32
      %dma_start3A_324 = arith.constant 0 : i32
      %dma_start3A_325 = tpu.memref_slice %arg12[%dma_start3A_323, %dma_start3A_324] : memref<10240x128xf32, #tpu.memory_space<vmem_shared>> -> memref<10240x128xf32, #tpu.memory_space<vmem_shared>>
      tpu.enqueue_indirect_dma source(%arg11 : memref<128x128xf32, #tpu.memory_space<vmem>>) target(%dma_start3A_325 : memref<10240x128xf32, #tpu.memory_space<vmem_shared>>) offsets(%dma_start3A_322 : memref<128xi32, #tpu.memory_space<vmem>>) semaphore(%run_scoped3A_319 : memref<!tpu.dma_semaphore, #tpu.memory_space<semaphore_mem>>) {add = true}
      %dma_wait3A_326 = arith.constant 0 : i32
      %dma_wait3A_327 = tpu.memref_slice %arg9[%run_scoped3A_287, %dma_wait3A_326] : memref<16x128xi32, #tpu.memory_space<vmem>> -> memref<1x128xi32, #tpu.memory_space<vmem>>
      %dma_wait3A_328 = tpu.memref_squeeze %dma_wait3A_327 : memref<1x128xi32, #tpu.memory_space<vmem>> -> memref<128xi32, #tpu.memory_space<vmem>>
      %dma_wait3A_329 = arith.constant 0 : i32
      %dma_wait3A_330 = arith.constant 0 : i32
      %dma_wait3A_331 = tpu.memref_slice %arg12[%dma_wait3A_329, %dma_wait3A_330] : memref<10240x128xf32, #tpu.memory_space<vmem_shared>> -> memref<10240x128xf32, #tpu.memory_space<vmem_shared>>
      tpu.wait_indirect_dma semaphore(%run_scoped3A_319 : memref<!tpu.dma_semaphore, #tpu.memory_space<semaphore_mem>>) src(%arg11 : memref<128x128xf32, #tpu.memory_space<vmem>>) dst(%dma_wait3A_331 : memref<10240x128xf32, #tpu.memory_space<vmem_shared>>)
      tpu.yield
    }) : () -> ()
    %scan3A_288 = arith.constant 0 : i32
    %scan3A_289 = arith.constant 0 : i32
    %scan3A_290 = arith.constant 7 : i32
    %scan3A_291 = arith.addi %scan3A_289, %scan3A_290 : i32
    %scan3A_292 = arith.constant 1 : i32
    %scan3A_293 = scf.for %scan3A_319 = %scan3A_289 to %scan3A_291 step %scan3A_292 iter_args(%scan3A_320 = %scan3A_288) -> (i32)  : i32 {
      %mul3A_321 = arith.constant 2 : i32
      %mul3A_322 = arith.muli %mul3A_321, %scan3A_319 : i32
      %dma_wait3A_323 = arith.constant 0 : i32
      %dma_wait3A_324 = tpu.memref_slice %arg6[%mul3A_322, %dma_wait3A_323] : memref<16x128xi32, #tpu.memory_space<vmem>> -> memref<1x128xi32, #tpu.memory_space<vmem>>
      %dma_wait3A_325 = tpu.memref_squeeze %dma_wait3A_324 : memref<1x128xi32, #tpu.memory_space<vmem>> -> memref<128xi32, #tpu.memory_space<vmem>>
      %dma_wait3A_326 = arith.constant 0 : i32
      %dma_wait3A_327 = arith.constant 0 : i32
      %dma_wait3A_328 = tpu.memref_slice %arg2[%dma_wait3A_326, %dma_wait3A_327] : memref<10000x128xf32, #tpu.memory_space<hbm>> -> memref<10000x128xf32, #tpu.memory_space<hbm>>
      tpu.wait_indirect_dma semaphore(%arg14 : memref<!tpu.dma_semaphore, #tpu.memory_space<semaphore_mem>>) src(%dma_wait3A_328 : memref<10000x128xf32, #tpu.memory_space<hbm>>) dst(%arg10 : memref<128x128xf32, #tpu.memory_space<vmem>>)
      %add3A_329 = arith.constant 1 : i32
      %add3A_330 = arith.addi %mul3A_322, %add3A_329 : i32
      %dma_start3A_331 = arith.constant 0 : i32
      %dma_start3A_332 = tpu.memref_slice %arg6[%add3A_330, %dma_start3A_331] : memref<16x128xi32, #tpu.memory_space<vmem>> -> memref<1x128xi32, #tpu.memory_space<vmem>>
      %dma_start3A_333 = tpu.memref_squeeze %dma_start3A_332 : memref<1x128xi32, #tpu.memory_space<vmem>> -> memref<128xi32, #tpu.memory_space<vmem>>
      %dma_start3A_334 = arith.constant 0 : i32
      %dma_start3A_335 = arith.constant 0 : i32
      %dma_start3A_336 = tpu.memref_slice %arg2[%dma_start3A_334, %dma_start3A_335] : memref<10000x128xf32, #tpu.memory_space<hbm>> -> memref<10000x128xf32, #tpu.memory_space<hbm>>
      tpu.enqueue_indirect_dma source(%dma_start3A_336 : memref<10000x128xf32, #tpu.memory_space<hbm>>) target(%arg11 : memref<128x128xf32, #tpu.memory_space<vmem>>) offsets(%dma_start3A_333 : memref<128xi32, #tpu.memory_space<vmem>>) semaphore(%arg15 : memref<!tpu.dma_semaphore, #tpu.memory_space<semaphore_mem>>)
      "tpu.region"() ({
        %run_scoped3A_356 = tpu.sem_alloc : memref<!tpu.dma_semaphore, #tpu.memory_space<semaphore_mem>>
        %dma_start3A_357 = arith.constant 0 : i32
        %dma_start3A_358 = tpu.memref_slice %arg7[%mul3A_322, %dma_start3A_357] : memref<16x128xi32, #tpu.memory_space<vmem>> -> memref<1x128xi32, #tpu.memory_space<vmem>>
        %dma_start3A_359 = tpu.memref_squeeze %dma_start3A_358 : memref<1x128xi32, #tpu.memory_space<vmem>> -> memref<128xi32, #tpu.memory_space<vmem>>
        %dma_start3A_360 = arith.constant 0 : i32
        %dma_start3A_361 = arith.constant 0 : i32
        %dma_start3A_362 = tpu.memref_slice %arg12[%dma_start3A_360, %dma_start3A_361] : memref<10240x128xf32, #tpu.memory_space<vmem_shared>> -> memref<10240x128xf32, #tpu.memory_space<vmem_shared>>
        tpu.enqueue_indirect_dma source(%arg10 : memref<128x128xf32, #tpu.memory_space<vmem>>) target(%dma_start3A_362 : memref<10240x128xf32, #tpu.memory_space<vmem_shared>>) offsets(%dma_start3A_359 : memref<128xi32, #tpu.memory_space<vmem>>) semaphore(%run_scoped3A_356 : memref<!tpu.dma_semaphore, #tpu.memory_space<semaphore_mem>>) {add = true}
        %dma_wait3A_363 = arith.constant 0 : i32
        %dma_wait3A_364 = tpu.memref_slice %arg7[%mul3A_322, %dma_wait3A_363] : memref<16x128xi32, #tpu.memory_space<vmem>> -> memref<1x128xi32, #tpu.memory_space<vmem>>
        %dma_wait3A_365 = tpu.memref_squeeze %dma_wait3A_364 : memref<1x128xi32, #tpu.memory_space<vmem>> -> memref<128xi32, #tpu.memory_space<vmem>>
        %dma_wait3A_366 = arith.constant 0 : i32
        %dma_wait3A_367 = arith.constant 0 : i32
        %dma_wait3A_368 = tpu.memref_slice %arg12[%dma_wait3A_366, %dma_wait3A_367] : memref<10240x128xf32, #tpu.memory_space<vmem_shared>> -> memref<10240x128xf32, #tpu.memory_space<vmem_shared>>
        tpu.wait_indirect_dma semaphore(%run_scoped3A_356 : memref<!tpu.dma_semaphore, #tpu.memory_space<semaphore_mem>>) src(%arg10 : memref<128x128xf32, #tpu.memory_space<vmem>>) dst(%dma_wait3A_368 : memref<10240x128xf32, #tpu.memory_space<vmem_shared>>)
        tpu.yield
      }) : () -> ()
      %add3A_337 = arith.constant 2 : i32
      %add3A_338 = arith.addi %mul3A_322, %add3A_337 : i32
      %dma_start3A_339 = arith.constant 0 : i32
      %dma_start3A_340 = tpu.memref_slice %arg6[%add3A_338, %dma_start3A_339] : memref<16x128xi32, #tpu.memory_space<vmem>> -> memref<1x128xi32, #tpu.memory_space<vmem>>
      %dma_start3A_341 = tpu.memref_squeeze %dma_start3A_340 : memref<1x128xi32, #tpu.memory_space<vmem>> -> memref<128xi32, #tpu.memory_space<vmem>>
      %dma_start3A_342 = arith.constant 0 : i32
      %dma_start3A_343 = arith.constant 0 : i32
      %dma_start3A_344 = tpu.memref_slice %arg2[%dma_start3A_342, %dma_start3A_343] : memref<10000x128xf32, #tpu.memory_space<hbm>> -> memref<10000x128xf32, #tpu.memory_space<hbm>>
      tpu.enqueue_indirect_dma source(%dma_start3A_344 : memref<10000x128xf32, #tpu.memory_space<hbm>>) target(%arg10 : memref<128x128xf32, #tpu.memory_space<vmem>>) offsets(%dma_start3A_341 : memref<128xi32, #tpu.memory_space<vmem>>) semaphore(%arg14 : memref<!tpu.dma_semaphore, #tpu.memory_space<semaphore_mem>>)
      %add3A_345 = arith.constant 1 : i32
      %add3A_346 = arith.addi %mul3A_322, %add3A_345 : i32
      %dma_wait3A_347 = arith.constant 0 : i32
      %dma_wait3A_348 = tpu.memref_slice %arg6[%add3A_346, %dma_wait3A_347] : memref<16x128xi32, #tpu.memory_space<vmem>> -> memref<1x128xi32, #tpu.memory_space<vmem>>
      %dma_wait3A_349 = tpu.memref_squeeze %dma_wait3A_348 : memref<1x128xi32, #tpu.memory_space<vmem>> -> memref<128xi32, #tpu.memory_space<vmem>>
      %dma_wait3A_350 = arith.constant 0 : i32
      %dma_wait3A_351 = arith.constant 0 : i32
      %dma_wait3A_352 = tpu.memref_slice %arg2[%dma_wait3A_350, %dma_wait3A_351] : memref<10000x128xf32, #tpu.memory_space<hbm>> -> memref<10000x128xf32, #tpu.memory_space<hbm>>
      tpu.wait_indirect_dma semaphore(%arg15 : memref<!tpu.dma_semaphore, #tpu.memory_space<semaphore_mem>>) src(%dma_wait3A_352 : memref<10000x128xf32, #tpu.memory_space<hbm>>) dst(%arg11 : memref<128x128xf32, #tpu.memory_space<vmem>>)
      %add3A_353 = arith.constant 1 : i32
      %add3A_354 = arith.addi %mul3A_322, %add3A_353 : i32
      "tpu.region"() ({
        %run_scoped3A_356 = tpu.sem_alloc : memref<!tpu.dma_semaphore, #tpu.memory_space<semaphore_mem>>
        %dma_start3A_357 = arith.constant 0 : i32
        %dma_start3A_358 = tpu.memref_slice %arg7[%add3A_354, %dma_start3A_357] : memref<16x128xi32, #tpu.memory_space<vmem>> -> memref<1x128xi32, #tpu.memory_space<vmem>>
        %dma_start3A_359 = tpu.memref_squeeze %dma_start3A_358 : memref<1x128xi32, #tpu.memory_space<vmem>> -> memref<128xi32, #tpu.memory_space<vmem>>
        %dma_start3A_360 = arith.constant 0 : i32
        %dma_start3A_361 = arith.constant 0 : i32
        %dma_start3A_362 = tpu.memref_slice %arg12[%dma_start3A_360, %dma_start3A_361] : memref<10240x128xf32, #tpu.memory_space<vmem_shared>> -> memref<10240x128xf32, #tpu.memory_space<vmem_shared>>
        tpu.enqueue_indirect_dma source(%arg11 : memref<128x128xf32, #tpu.memory_space<vmem>>) target(%dma_start3A_362 : memref<10240x128xf32, #tpu.memory_space<vmem_shared>>) offsets(%dma_start3A_359 : memref<128xi32, #tpu.memory_space<vmem>>) semaphore(%run_scoped3A_356 : memref<!tpu.dma_semaphore, #tpu.memory_space<semaphore_mem>>) {add = true}
        %dma_wait3A_363 = arith.constant 0 : i32
        %dma_wait3A_364 = tpu.memref_slice %arg7[%add3A_354, %dma_wait3A_363] : memref<16x128xi32, #tpu.memory_space<vmem>> -> memref<1x128xi32, #tpu.memory_space<vmem>>
        %dma_wait3A_365 = tpu.memref_squeeze %dma_wait3A_364 : memref<1x128xi32, #tpu.memory_space<vmem>> -> memref<128xi32, #tpu.memory_space<vmem>>
        %dma_wait3A_366 = arith.constant 0 : i32
        %dma_wait3A_367 = arith.constant 0 : i32
        %dma_wait3A_368 = tpu.memref_slice %arg12[%dma_wait3A_366, %dma_wait3A_367] : memref<10240x128xf32, #tpu.memory_space<vmem_shared>> -> memref<10240x128xf32, #tpu.memory_space<vmem_shared>>
        tpu.wait_indirect_dma semaphore(%run_scoped3A_356 : memref<!tpu.dma_semaphore, #tpu.memory_space<semaphore_mem>>) src(%arg11 : memref<128x128xf32, #tpu.memory_space<vmem>>) dst(%dma_wait3A_368 : memref<10240x128xf32, #tpu.memory_space<vmem_shared>>)
        tpu.yield
      }) : () -> ()
      %scan3A_355 = arith.constant 0 : i32
      scf.yield %scan3A_355 : i32
    }
    %scan3A_294 = arith.constant 7 : i32
    %dma_wait3A_295 = arith.constant 14 : i32
    %dma_wait3A_296 = arith.constant 0 : i32
    %dma_wait3A_297 = tpu.memref_slice %arg6[%dma_wait3A_295, %dma_wait3A_296] : memref<16x128xi32, #tpu.memory_space<vmem>> -> memref<1x128xi32, #tpu.memory_space<vmem>>
    %dma_wait3A_298 = tpu.memref_squeeze %dma_wait3A_297 : memref<1x128xi32, #tpu.memory_space<vmem>> -> memref<128xi32, #tpu.memory_space<vmem>>
    %dma_wait3A_299 = arith.constant 0 : i32
    %dma_wait3A_300 = arith.constant 0 : i32
    %dma_wait3A_301 = tpu.memref_slice %arg2[%dma_wait3A_299, %dma_wait3A_300] : memref<10000x128xf32, #tpu.memory_space<hbm>> -> memref<10000x128xf32, #tpu.memory_space<hbm>>
    tpu.wait_indirect_dma semaphore(%arg14 : memref<!tpu.dma_semaphore, #tpu.memory_space<semaphore_mem>>) src(%dma_wait3A_301 : memref<10000x128xf32, #tpu.memory_space<hbm>>) dst(%arg10 : memref<128x128xf32, #tpu.memory_space<vmem>>)
    %dma_start3A_302 = arith.constant 15 : i32
    %dma_start3A_303 = arith.constant 0 : i32
    %dma_start3A_304 = tpu.memref_slice %arg6[%dma_start3A_302, %dma_start3A_303] : memref<16x128xi32, #tpu.memory_space<vmem>> -> memref<1x128xi32, #tpu.memory_space<vmem>>
    %dma_start3A_305 = tpu.memref_squeeze %dma_start3A_304 : memref<1x128xi32, #tpu.memory_space<vmem>> -> memref<128xi32, #tpu.memory_space<vmem>>
    %dma_start3A_306 = arith.constant 0 : i32
    %dma_start3A_307 = arith.constant 0 : i32
    %dma_start3A_308 = tpu.memref_slice %arg2[%dma_start3A_306, %dma_start3A_307] : memref<10000x128xf32, #tpu.memory_space<hbm>> -> memref<10000x128xf32, #tpu.memory_space<hbm>>
    tpu.enqueue_indirect_dma source(%dma_start3A_308 : memref<10000x128xf32, #tpu.memory_space<hbm>>) target(%arg11 : memref<128x128xf32, #tpu.memory_space<vmem>>) offsets(%dma_start3A_305 : memref<128xi32, #tpu.memory_space<vmem>>) semaphore(%arg15 : memref<!tpu.dma_semaphore, #tpu.memory_space<semaphore_mem>>)
    %run_scoped3A_309 = arith.constant 14 : i32
    "tpu.region"() ({
      %run_scoped3A_319 = tpu.sem_alloc : memref<!tpu.dma_semaphore, #tpu.memory_space<semaphore_mem>>
      %dma_start3A_320 = arith.constant 0 : i32
      %dma_start3A_321 = tpu.memref_slice %arg7[%run_scoped3A_309, %dma_start3A_320] : memref<16x128xi32, #tpu.memory_space<vmem>> -> memref<1x128xi32, #tpu.memory_space<vmem>>
      %dma_start3A_322 = tpu.memref_squeeze %dma_start3A_321 : memref<1x128xi32, #tpu.memory_space<vmem>> -> memref<128xi32, #tpu.memory_space<vmem>>
      %dma_start3A_323 = arith.constant 0 : i32
      %dma_start3A_324 = arith.constant 0 : i32
      %dma_start3A_325 = tpu.memref_slice %arg12[%dma_start3A_323, %dma_start3A_324] : memref<10240x128xf32, #tpu.memory_space<vmem_shared>> -> memref<10240x128xf32, #tpu.memory_space<vmem_shared>>
      tpu.enqueue_indirect_dma source(%arg10 : memref<128x128xf32, #tpu.memory_space<vmem>>) target(%dma_start3A_325 : memref<10240x128xf32, #tpu.memory_space<vmem_shared>>) offsets(%dma_start3A_322 : memref<128xi32, #tpu.memory_space<vmem>>) semaphore(%run_scoped3A_319 : memref<!tpu.dma_semaphore, #tpu.memory_space<semaphore_mem>>) {add = true}
      %dma_wait3A_326 = arith.constant 0 : i32
      %dma_wait3A_327 = tpu.memref_slice %arg7[%run_scoped3A_309, %dma_wait3A_326] : memref<16x128xi32, #tpu.memory_space<vmem>> -> memref<1x128xi32, #tpu.memory_space<vmem>>
      %dma_wait3A_328 = tpu.memref_squeeze %dma_wait3A_327 : memref<1x128xi32, #tpu.memory_space<vmem>> -> memref<128xi32, #tpu.memory_space<vmem>>
      %dma_wait3A_329 = arith.constant 0 : i32
      %dma_wait3A_330 = arith.constant 0 : i32
      %dma_wait3A_331 = tpu.memref_slice %arg12[%dma_wait3A_329, %dma_wait3A_330] : memref<10240x128xf32, #tpu.memory_space<vmem_shared>> -> memref<10240x128xf32, #tpu.memory_space<vmem_shared>>
      tpu.wait_indirect_dma semaphore(%run_scoped3A_319 : memref<!tpu.dma_semaphore, #tpu.memory_space<semaphore_mem>>) src(%arg10 : memref<128x128xf32, #tpu.memory_space<vmem>>) dst(%dma_wait3A_331 : memref<10240x128xf32, #tpu.memory_space<vmem_shared>>)
      tpu.yield
    }) : () -> ()
    %dma_wait3A_310 = arith.constant 15 : i32
    %dma_wait3A_311 = arith.constant 0 : i32
    %dma_wait3A_312 = tpu.memref_slice %arg6[%dma_wait3A_310, %dma_wait3A_311] : memref<16x128xi32, #tpu.memory_space<vmem>> -> memref<1x128xi32, #tpu.memory_space<vmem>>
    %dma_wait3A_313 = tpu.memref_squeeze %dma_wait3A_312 : memref<1x128xi32, #tpu.memory_space<vmem>> -> memref<128xi32, #tpu.memory_space<vmem>>
    %dma_wait3A_314 = arith.constant 0 : i32
    %dma_wait3A_315 = arith.constant 0 : i32
    %dma_wait3A_316 = tpu.memref_slice %arg2[%dma_wait3A_314, %dma_wait3A_315] : memref<10000x128xf32, #tpu.memory_space<hbm>> -> memref<10000x128xf32, #tpu.memory_space<hbm>>
    tpu.wait_indirect_dma semaphore(%arg15 : memref<!tpu.dma_semaphore, #tpu.memory_space<semaphore_mem>>) src(%dma_wait3A_316 : memref<10000x128xf32, #tpu.memory_space<hbm>>) dst(%arg11 : memref<128x128xf32, #tpu.memory_space<vmem>>)
    %run_scoped3A_317 = arith.constant 15 : i32
    "tpu.region"() ({
      %run_scoped3A_319 = tpu.sem_alloc : memref<!tpu.dma_semaphore, #tpu.memory_space<semaphore_mem>>
      %dma_start3A_320 = arith.constant 0 : i32
      %dma_start3A_321 = tpu.memref_slice %arg7[%run_scoped3A_317, %dma_start3A_320] : memref<16x128xi32, #tpu.memory_space<vmem>> -> memref<1x128xi32, #tpu.memory_space<vmem>>
      %dma_start3A_322 = tpu.memref_squeeze %dma_start3A_321 : memref<1x128xi32, #tpu.memory_space<vmem>> -> memref<128xi32, #tpu.memory_space<vmem>>
      %dma_start3A_323 = arith.constant 0 : i32
      %dma_start3A_324 = arith.constant 0 : i32
      %dma_start3A_325 = tpu.memref_slice %arg12[%dma_start3A_323, %dma_start3A_324] : memref<10240x128xf32, #tpu.memory_space<vmem_shared>> -> memref<10240x128xf32, #tpu.memory_space<vmem_shared>>
      tpu.enqueue_indirect_dma source(%arg11 : memref<128x128xf32, #tpu.memory_space<vmem>>) target(%dma_start3A_325 : memref<10240x128xf32, #tpu.memory_space<vmem_shared>>) offsets(%dma_start3A_322 : memref<128xi32, #tpu.memory_space<vmem>>) semaphore(%run_scoped3A_319 : memref<!tpu.dma_semaphore, #tpu.memory_space<semaphore_mem>>) {add = true}
      %dma_wait3A_326 = arith.constant 0 : i32
      %dma_wait3A_327 = tpu.memref_slice %arg7[%run_scoped3A_317, %dma_wait3A_326] : memref<16x128xi32, #tpu.memory_space<vmem>> -> memref<1x128xi32, #tpu.memory_space<vmem>>
      %dma_wait3A_328 = tpu.memref_squeeze %dma_wait3A_327 : memref<1x128xi32, #tpu.memory_space<vmem>> -> memref<128xi32, #tpu.memory_space<vmem>>
      %dma_wait3A_329 = arith.constant 0 : i32
      %dma_wait3A_330 = arith.constant 0 : i32
      %dma_wait3A_331 = tpu.memref_slice %arg12[%dma_wait3A_329, %dma_wait3A_330] : memref<10240x128xf32, #tpu.memory_space<vmem_shared>> -> memref<10240x128xf32, #tpu.memory_space<vmem_shared>>
      tpu.wait_indirect_dma semaphore(%run_scoped3A_319 : memref<!tpu.dma_semaphore, #tpu.memory_space<semaphore_mem>>) src(%arg11 : memref<128x128xf32, #tpu.memory_space<vmem>>) dst(%dma_wait3A_331 : memref<10240x128xf32, #tpu.memory_space<vmem_shared>>)
      tpu.yield
    }) : () -> ()
    %barrier3A_318 = arith.constant 0 : index
    tpu.barrier barrier_id(%barrier3A_318)
    "tpu.region"() ({
      %run_scoped3A_319 = tpu.sem_alloc : memref<!tpu.dma_semaphore, #tpu.memory_space<semaphore_mem>>
      %dma_start3A_320 = arith.constant 0 : i32
      %dma_start3A_321 = tpu.memref_slice %arg5[%arg0, %mul3A_2, %dma_start3A_320] : memref<2x10240x128xf32, #tpu.memory_space<hbm>> -> memref<1x640x128xf32, #tpu.memory_space<hbm>>
      %dma_start3A_322 = tpu.memref_squeeze %dma_start3A_321 : memref<1x640x128xf32, #tpu.memory_space<hbm>> -> memref<640x128xf32, #tpu.memory_space<hbm>>
      %dma_start3A_323 = arith.constant 0 : i32
      %dma_start3A_324 = tpu.memref_slice %arg12[%mul3A_2, %dma_start3A_323] : memref<10240x128xf32, #tpu.memory_space<vmem_shared>> -> memref<640x128xf32, #tpu.memory_space<vmem_shared>>
      tpu.enqueue_dma source(%dma_start3A_324 : memref<640x128xf32, #tpu.memory_space<vmem_shared>>) target(%dma_start3A_322 : memref<640x128xf32, #tpu.memory_space<hbm>>) target_semaphore(%run_scoped3A_319 : memref<!tpu.dma_semaphore, #tpu.memory_space<semaphore_mem>>)
      %dma_wait3A_325 = arith.constant 0 : i32
      %dma_wait3A_326 = tpu.memref_slice %arg5[%arg0, %mul3A_2, %dma_wait3A_325] : memref<2x10240x128xf32, #tpu.memory_space<hbm>> -> memref<1x640x128xf32, #tpu.memory_space<hbm>>
      %dma_wait3A_327 = tpu.memref_squeeze %dma_wait3A_326 : memref<1x640x128xf32, #tpu.memory_space<hbm>> -> memref<640x128xf32, #tpu.memory_space<hbm>>
      %dma_wait3A_328 = arith.constant 0 : i32
      %dma_wait3A_329 = tpu.memref_slice %arg12[%mul3A_2, %dma_wait3A_328] : memref<10240x128xf32, #tpu.memory_space<vmem_shared>> -> memref<640x128xf32, #tpu.memory_space<vmem_shared>>
      tpu.wait_dma2 semaphore(%run_scoped3A_319 : memref<!tpu.dma_semaphore, #tpu.memory_space<semaphore_mem>>) src(%dma_wait3A_329 : memref<640x128xf32, #tpu.memory_space<vmem_shared>>) dst(%dma_wait3A_327 : memref<640x128xf32, #tpu.memory_space<hbm>>)
      tpu.yield
    }) : () -> ()
    return
  }
}

module attributes {stable_mosaic.version = 14 : i64} {
  func.func @body(%arg0: i32, %arg1: memref<1024x128xf32, #tpu.memory_space<vmem>>, %arg2: memref<2x1024x128xf32, #tpu.memory_space<vmem>>, %arg3: memref<32x1024xf32, #tpu.memory_space<vmem>>, %arg4: memref<128x128xf32, #tpu.memory_space<vmem>>, %arg5: memref<128x128xf32, #tpu.memory_space<vmem>>, %arg6: memref<1x128xf32, #tpu.memory_space<vmem>>, %arg7: memref<1024x128xf32, #tpu.memory_space<vmem>>) attributes {dimension_semantics = [#tpu.dimension_semantics<arbitrary>], iteration_bounds = array<i64: 10>, scalar_prefetch = 0 : i64, scratch_operands = 0 : i64, tpu.core_type = #tpu.core_type<tc>, window_params = [{transform_indices = @transform_0, window_bounds = array<i64: 1024, 128>}, {transform_indices = @transform_1, window_bounds = array<i64: 2, 1024, 128>}, {transform_indices = @transform_2, window_bounds = array<i64: 32, 1024>}, {pipeline_mode = #tpu.pipeline_mode<synchronous>, transform_indices = @transform_3, window_bounds = array<i64: 128, 128>}, {pipeline_mode = #tpu.pipeline_mode<synchronous>, transform_indices = @transform_4, window_bounds = array<i64: 128, 128>}, {pipeline_mode = #tpu.pipeline_mode<synchronous>, transform_indices = @transform_5, window_bounds = array<i64: 1, 128>}, {transform_indices = @transform_6, window_bounds = array<i64: 1024, 128>}]} {
    %get3A = arith.constant 0 : index
    %get3A_0 = arith.constant 0 : index
    %get3A_1 = arith.constant 0 : index
    %get3A_2 = vector.load %arg2[%get3A, %get3A_0, %get3A_1] : memref<2x1024x128xf32, #tpu.memory_space<vmem>>, vector<1x1024x128xf32>
    %get3A_3 = vector.shape_cast %get3A_2 : vector<1x1024x128xf32> to vector<1024x128xf32>
    %get3A_4 = arith.constant 1 : index
    %get3A_5 = arith.constant 0 : index
    %get3A_6 = arith.constant 0 : index
    %get3A_7 = vector.load %arg2[%get3A_4, %get3A_5, %get3A_6] : memref<2x1024x128xf32, #tpu.memory_space<vmem>>, vector<1x1024x128xf32>
    %get3A_8 = vector.shape_cast %get3A_7 : vector<1x1024x128xf32> to vector<1024x128xf32>
    %add3A = arith.addf %get3A_3, %get3A_8 : vector<1024x128xf32>
    %get3A_9 = arith.constant 0 : index
    %get3A_10 = arith.constant 0 : index
    %get3A_11 = vector.load %arg3[%get3A_9, %get3A_10] : memref<32x1024xf32, #tpu.memory_space<vmem>>, vector<32x1024xf32>
    %transpose3A = tpu.transpose %get3A_11, [1, 0] : vector<32x1024xf32> -> vector<1024x32xf32>
    %reduce_sum3A = arith.constant dense<0.000000e+00> : vector<1024xf32>
    %reduce_sum3A_12 = vector.multi_reduction <add>, %transpose3A, %reduce_sum3A [1] : vector<1024x32xf32> to vector<1024xf32>
    %broadcast_in_dim3A = vector.shape_cast %reduce_sum3A_12 : vector<1024xf32> to vector<1024x1xf32>
    %max3A = arith.constant 1.000000e+00 : f32
    %max3A_13 = vector.broadcast %max3A : f32 to vector<1024x1xf32>
    %max3A_14 = arith.maximumf %broadcast_in_dim3A, %max3A_13 : vector<1024x1xf32>
    %div3A = arith.constant 1.000000e+00 : f32
    %div3A_15 = vector.broadcast %div3A : f32 to vector<1024x1xf32>
    %div3A_16 = arith.divf %div3A_15, %max3A_14 : vector<1024x1xf32>
    %mul3A = vector.broadcast %div3A_16 : vector<1024x1xf32> to vector<1024x128xf32>
    %mul3A_17 = arith.mulf %add3A, %mul3A : vector<1024x128xf32>
    %get3A_18 = arith.constant 0 : index
    %get3A_19 = arith.constant 0 : index
    %get3A_20 = vector.load %arg1[%get3A_18, %get3A_19] : memref<1024x128xf32, #tpu.memory_space<vmem>>, vector<1024x128xf32>
    %get3A_21 = arith.constant 0 : index
    %get3A_22 = arith.constant 0 : index
    %get3A_23 = vector.load %arg4[%get3A_21, %get3A_22] : memref<128x128xf32, #tpu.memory_space<vmem>>, vector<128x128xf32>
    %dot_general3A = arith.constant dense<0.000000e+00> : vector<1024x128xf32>
    %dot_general3A_24 = tpu.matmul %get3A_20, %get3A_23, %dot_general3A {dimension_numbers = #tpu.dot_dimension_numbers<[1], [0], [0], [1], [0, 0, 1, 1], [], []>, transpose_lhs_hint = false} : vector<1024x128xf32>, vector<128x128xf32>, vector<1024x128xf32> -> vector<1024x128xf32>
    %get3A_25 = arith.constant 0 : index
    %get3A_26 = arith.constant 0 : index
    %get3A_27 = vector.load %arg5[%get3A_25, %get3A_26] : memref<128x128xf32, #tpu.memory_space<vmem>>, vector<128x128xf32>
    %dot_general3A_28 = arith.constant dense<0.000000e+00> : vector<1024x128xf32>
    %dot_general3A_29 = tpu.matmul %mul3A_17, %get3A_27, %dot_general3A_28 {dimension_numbers = #tpu.dot_dimension_numbers<[1], [0], [0], [1], [0, 0, 1, 1], [], []>, transpose_lhs_hint = false} : vector<1024x128xf32>, vector<128x128xf32>, vector<1024x128xf32> -> vector<1024x128xf32>
    %add3A_30 = arith.addf %dot_general3A_24, %dot_general3A_29 : vector<1024x128xf32>
    %get3A_31 = arith.constant 0 : index
    %get3A_32 = arith.constant 0 : index
    %get3A_33 = vector.load %arg6[%get3A_31, %get3A_32] : memref<1x128xf32, #tpu.memory_space<vmem>>, vector<1x128xf32>
    %add3A_34 = vector.broadcast %get3A_33 : vector<1x128xf32> to vector<1024x128xf32>
    %add3A_35 = arith.addf %add3A_30, %add3A_34 : vector<1024x128xf32>
    %max3A_36 = arith.constant 0.000000e+00 : f32
    %max3A_37 = vector.broadcast %max3A_36 : f32 to vector<1024x128xf32>
    %max3A_38 = arith.maximumf %add3A_35, %max3A_37 : vector<1024x128xf32>
    %swap3A = arith.constant 0 : index
    %swap3A_39 = arith.constant 0 : index
    %swap3A_40 = vector.load %arg7[%swap3A, %swap3A_39] : memref<1024x128xf32, #tpu.memory_space<vmem>>, vector<1024x128xf32>
    tpu.vector_store %arg7[%swap3A, %swap3A_39], %max3A_38 {strides = array<i32>} : memref<1024x128xf32, #tpu.memory_space<vmem>>, vector<1024x128xf32>,
    return
  }
  func.func @transform_0(%arg0: i32) -> (i32, i32) {
    %c0_i32 = arith.constant 0 : i32
    %c0_i32_0 = arith.constant 0 : i32
    return %arg0, %c0_i32 : i32, i32
  }
  func.func @transform_1(%arg0: i32) -> (i32, i32, i32) {
    %c0_i32 = arith.constant 0 : i32
    %c0_i32_0 = arith.constant 0 : i32
    %c0_i32_1 = arith.constant 0 : i32
    return %c0_i32, %arg0, %c0_i32_0 : i32, i32, i32
  }
  func.func @transform_2(%arg0: i32) -> (i32, i32) {
    %c0_i32 = arith.constant 0 : i32
    %c0_i32_0 = arith.constant 0 : i32
    return %c0_i32, %arg0 : i32, i32
  }
  func.func @transform_3(%arg0: i32) -> (i32, i32) {
    %c0_i32 = arith.constant 0 : i32
    %c0_i32_0 = arith.constant 0 : i32
    %c0_i32_1 = arith.constant 0 : i32
    return %c0_i32, %c0_i32_0 : i32, i32
  }
  func.func @transform_4(%arg0: i32) -> (i32, i32) {
    %c0_i32 = arith.constant 0 : i32
    %c0_i32_0 = arith.constant 0 : i32
    %c0_i32_1 = arith.constant 0 : i32
    return %c0_i32, %c0_i32_0 : i32, i32
  }
  func.func @transform_5(%arg0: i32) -> (i32, i32) {
    %c0_i32 = arith.constant 0 : i32
    %c0_i32_0 = arith.constant 0 : i32
    %c0_i32_1 = arith.constant 0 : i32
    return %c0_i32, %c0_i32_0 : i32, i32
  }
  func.func @transform_6(%arg0: i32) -> (i32, i32) {
    %c0_i32 = arith.constant 0 : i32
    %c0_i32_0 = arith.constant 0 : i32
    return %arg0, %c0_i32 : i32, i32
  }
}

module attributes {stable_mosaic.version = 14 : i64} {
  func.func @body(%arg0: i32, %arg1: memref<1024x128xf32, #tpu.memory_space<vmem>>, %arg2: memref<2x1024x128xf32, #tpu.memory_space<vmem>>, %arg3: memref<32x1024xf32, #tpu.memory_space<vmem>>, %arg4: memref<128x128xf32, #tpu.memory_space<vmem>>, %arg5: memref<128x128xf32, #tpu.memory_space<vmem>>, %arg6: memref<1x128xf32, #tpu.memory_space<vmem>>, %arg7: memref<1024x128xf32, #tpu.memory_space<vmem>>) attributes {dimension_semantics = [#tpu.dimension_semantics<arbitrary>], iteration_bounds = array<i64: 10>, scalar_prefetch = 0 : i64, scratch_operands = 0 : i64, tpu.core_type = #tpu.core_type<tc>, window_params = [{transform_indices = @transform_0, window_bounds = array<i64: 1024, 128>}, {transform_indices = @transform_1, window_bounds = array<i64: 2, 1024, 128>}, {transform_indices = @transform_2, window_bounds = array<i64: 32, 1024>}, {pipeline_mode = #tpu.pipeline_mode<synchronous>, transform_indices = @transform_3, window_bounds = array<i64: 128, 128>}, {pipeline_mode = #tpu.pipeline_mode<synchronous>, transform_indices = @transform_4, window_bounds = array<i64: 128, 128>}, {pipeline_mode = #tpu.pipeline_mode<synchronous>, transform_indices = @transform_5, window_bounds = array<i64: 1, 128>}, {transform_indices = @transform_6, window_bounds = array<i64: 1024, 128>}]} {
    %get3A = arith.constant 0 : index
    %get3A_0 = arith.constant 0 : index
    %get3A_1 = arith.constant 0 : index
    %get3A_2 = vector.load %arg2[%get3A, %get3A_0, %get3A_1] : memref<2x1024x128xf32, #tpu.memory_space<vmem>>, vector<1x1024x128xf32>
    %get3A_3 = vector.shape_cast %get3A_2 : vector<1x1024x128xf32> to vector<1024x128xf32>
    %get3A_4 = arith.constant 1 : index
    %get3A_5 = arith.constant 0 : index
    %get3A_6 = arith.constant 0 : index
    %get3A_7 = vector.load %arg2[%get3A_4, %get3A_5, %get3A_6] : memref<2x1024x128xf32, #tpu.memory_space<vmem>>, vector<1x1024x128xf32>
    %get3A_8 = vector.shape_cast %get3A_7 : vector<1x1024x128xf32> to vector<1024x128xf32>
    %add3A = arith.addf %get3A_3, %get3A_8 : vector<1024x128xf32>
    %get3A_9 = arith.constant 0 : index
    %get3A_10 = arith.constant 0 : index
    %get3A_11 = vector.load %arg3[%get3A_9, %get3A_10] : memref<32x1024xf32, #tpu.memory_space<vmem>>, vector<32x1024xf32>
    %transpose3A = tpu.transpose %get3A_11, [1, 0] : vector<32x1024xf32> -> vector<1024x32xf32>
    %reduce_sum3A = arith.constant dense<0.000000e+00> : vector<1024xf32>
    %reduce_sum3A_12 = vector.multi_reduction <add>, %transpose3A, %reduce_sum3A [1] : vector<1024x32xf32> to vector<1024xf32>
    %broadcast_in_dim3A = vector.shape_cast %reduce_sum3A_12 : vector<1024xf32> to vector<1024x1xf32>
    %max3A = arith.constant 1.000000e+00 : f32
    %max3A_13 = vector.broadcast %max3A : f32 to vector<1024x1xf32>
    %max3A_14 = arith.maximumf %broadcast_in_dim3A, %max3A_13 : vector<1024x1xf32>
    %div3A = arith.constant 1.000000e+00 : f32
    %div3A_15 = vector.broadcast %div3A : f32 to vector<1024x1xf32>
    %div3A_16 = arith.divf %div3A_15, %max3A_14 : vector<1024x1xf32>
    %mul3A = vector.broadcast %div3A_16 : vector<1024x1xf32> to vector<1024x128xf32>
    %mul3A_17 = arith.mulf %add3A, %mul3A : vector<1024x128xf32>
    %get3A_18 = arith.constant 0 : index
    %get3A_19 = arith.constant 0 : index
    %get3A_20 = vector.load %arg1[%get3A_18, %get3A_19] : memref<1024x128xf32, #tpu.memory_space<vmem>>, vector<1024x128xf32>
    %get3A_21 = arith.constant 0 : index
    %get3A_22 = arith.constant 0 : index
    %get3A_23 = vector.load %arg4[%get3A_21, %get3A_22] : memref<128x128xf32, #tpu.memory_space<vmem>>, vector<128x128xf32>
    %dot_general3A = arith.constant dense<0.000000e+00> : vector<1024x128xf32>
    %dot_general3A_24 = tpu.matmul %get3A_20, %get3A_23, %dot_general3A {dimension_numbers = #tpu.dot_dimension_numbers<[1], [0], [0], [1], [0, 0, 1, 1], [], []>, transpose_lhs_hint = false} : vector<1024x128xf32>, vector<128x128xf32>, vector<1024x128xf32> -> vector<1024x128xf32>
    %get3A_25 = arith.constant 0 : index
    %get3A_26 = arith.constant 0 : index
    %get3A_27 = vector.load %arg5[%get3A_25, %get3A_26] : memref<128x128xf32, #tpu.memory_space<vmem>>, vector<128x128xf32>
    %dot_general3A_28 = arith.constant dense<0.000000e+00> : vector<1024x128xf32>
    %dot_general3A_29 = tpu.matmul %mul3A_17, %get3A_27, %dot_general3A_28 {dimension_numbers = #tpu.dot_dimension_numbers<[1], [0], [0], [1], [0, 0, 1, 1], [], []>, transpose_lhs_hint = false} : vector<1024x128xf32>, vector<128x128xf32>, vector<1024x128xf32> -> vector<1024x128xf32>
    %add3A_30 = arith.addf %dot_general3A_24, %dot_general3A_29 : vector<1024x128xf32>
    %get3A_31 = arith.constant 0 : index
    %get3A_32 = arith.constant 0 : index
    %get3A_33 = vector.load %arg6[%get3A_31, %get3A_32] : memref<1x128xf32, #tpu.memory_space<vmem>>, vector<1x128xf32>
    %add3A_34 = vector.broadcast %get3A_33 : vector<1x128xf32> to vector<1024x128xf32>
    %add3A_35 = arith.addf %add3A_30, %add3A_34 : vector<1024x128xf32>
    %swap3A = arith.constant 0 : index
    %swap3A_36 = arith.constant 0 : index
    %swap3A_37 = vector.load %arg7[%swap3A, %swap3A_36] : memref<1024x128xf32, #tpu.memory_space<vmem>>, vector<1024x128xf32>
    tpu.vector_store %arg7[%swap3A, %swap3A_36], %add3A_35 {strides = array<i32>} : memref<1024x128xf32, #tpu.memory_space<vmem>>, vector<1024x128xf32>,
    return
  }
  func.func @transform_0(%arg0: i32) -> (i32, i32) {
    %c0_i32 = arith.constant 0 : i32
    %c0_i32_0 = arith.constant 0 : i32
    return %arg0, %c0_i32 : i32, i32
  }
  func.func @transform_1(%arg0: i32) -> (i32, i32, i32) {
    %c0_i32 = arith.constant 0 : i32
    %c0_i32_0 = arith.constant 0 : i32
    %c0_i32_1 = arith.constant 0 : i32
    return %c0_i32, %arg0, %c0_i32_0 : i32, i32, i32
  }
  func.func @transform_2(%arg0: i32) -> (i32, i32) {
    %c0_i32 = arith.constant 0 : i32
    %c0_i32_0 = arith.constant 0 : i32
    return %c0_i32, %arg0 : i32, i32
  }
  func.func @transform_3(%arg0: i32) -> (i32, i32) {
    %c0_i32 = arith.constant 0 : i32
    %c0_i32_0 = arith.constant 0 : i32
    %c0_i32_1 = arith.constant 0 : i32
    return %c0_i32, %c0_i32_0 : i32, i32
  }
  func.func @transform_4(%arg0: i32) -> (i32, i32) {
    %c0_i32 = arith.constant 0 : i32
    %c0_i32_0 = arith.constant 0 : i32
    %c0_i32_1 = arith.constant 0 : i32
    return %c0_i32, %c0_i32_0 : i32, i32
  }
  func.func @transform_5(%arg0: i32) -> (i32, i32) {
    %c0_i32 = arith.constant 0 : i32
    %c0_i32_0 = arith.constant 0 : i32
    %c0_i32_1 = arith.constant 0 : i32
    return %c0_i32, %c0_i32_0 : i32, i32
  }
  func.func @transform_6(%arg0: i32) -> (i32, i32) {
    %c0_i32 = arith.constant 0 : i32
    %c0_i32_0 = arith.constant 0 : i32
    return %arg0, %c0_i32 : i32, i32
  }
}

</mosaic_0001>

<sc_bundles>
// kernel: kernel.10.cloned.1.call-start
scs
__scs_entry_jumppad:
0x0: {  	(pc) =	sbr.rel $0x88, $3  }
0x1: {  	(tag) =	ssettag $0x0;
	lr =	simm.s32 $0x1  }
0x2: {  	[smem:$0x3F99] =	sst lr;
	_ =	strace $0xD0000000  }
0x3: {  	_ = 	snop  }
0x4: {  	_ = 	snop  }
0x5: {  	_ = 	snop  }
0x6: {  	_ = 	snop  }
0x7: {  	_ = 	snop  }
__scs_overlays_trampoline_lowered:
0x8: {  	[smem:$0x3FA8] =	sst s0  }
0x9: {  	[smem:$0x3FA9] =	sst s1  }
0xa: {  	[smem:$0x3FAA] =	sst s2  }
0xb: {  	[smem:$0x3FAB] =	sst s3  }
0xc: {  	[smem:$0x3FAC] =	sst s4  }
0xd: {  	[smem:$0x3FAD] =	sst s5  }
0xe: {  	[smem:$0x3FAE] =	sst s6  }
0xf: {  	[smem:$0x3FAF] =	sst s7  }
0x10: {  	[smem:$0x3FB0] =	sst s8  }
0x11: {  	[smem:$0x3FB1] =	sst s9;
	s0 =	simm.s32 @!p0 $0x0  }
0x12: {  	s1 =	sld [smem:$0x3F97];
	s0 =	simm.s32 @p0 $0x1  }
0x13: {  	[smem:$0x3FB2] =	sst s0;
	s0 =	simm.s32 @!p1 $0x0  }
0x14: {  	s2 =	sld [smem:$0x3F96];
	s0 =	simm.s32 @p1 $0x1  }
0x15: {  	[smem:$0x3FB3] =	sst s0;
	s0 =	simm.s32 @!p2 $0x0  }
0x16: {  	s3 =	sld [smem:$0x3FDB];
	s0 =	simm.s32 @p2 $0x1  }
0x17: {  	s4 =	simm.s32 $0x1BF5;
	[smem:$0x3FB5] =	sst s0  }
0x18: {  	s0 =	sld [smem:$0x3F98];
	_ =	swait.ge [sflag:s4], $0x0  }
0x19: {  	s7 =	sld [smem:$0x3F99]  }
0x1a: {  	s8 =	sadd.s32 $0xFFFFE003, lr  }
0x1b: {  	s9 =	sadd.s32 $0xFFFFFEF7, lr;
	s5 =	simm.s32 $0xFFFFFFFF;
	p2 =	slt.u32 s8, $0xFFFFF086  }
0x1c: {  	p1 =	slt.u32 s9, $0xF7A;
	s5 =	simm.s32 @!p2 $0x0  }
0x1d: {  	s5 =	simm.s32 @p1 $0x1;
	p0 =	seq.s32 s7, s2  }
0x1e: {  	s7 =	smul.u32 @!p0 $0xF7A, s2;
	p2 =	seq.s32 @!p0 s5, $0x0  }
0x1f: {  	s9 =	smul.u32 $0xF7A, s1;
	s8 =	simm.s32 @!p0 $0x1BF5;
	p2 =	por !p2, p0  }
0x20: {  	[sflag:s8] =	ssyncset.s32 @!p0 $0xFFFFF086;
	s6 =	sadd.s32 @!p0 s3, s7;
	s7 =	simm.s32 @!p0 $0x108  }
0x21: {  	s3 =	sadd.s32 s3, s9;
	s6 =	sadd.s32 @!p0 $0x88, s6;
	s7 =	simm.s32 @p2 $0x1082  }
0x22: {  	[simem:s7], [sflag:s8] =	dma.local @!p0 [hbm:s6], $0xF7A  }
0x23: {  	s9 =	sor.u32 $0xD0000000, s2;
	s6 =	simm.s32 $0x108;
	_ =	swait.ge @!p0 [sflag:s8], $0x0  }
0x24: {  	s3 =	sadd.s32 $0x88, s3;
	s6 =	simm.s32 @!p1 $0x1082;
	[sflag:s4] =	ssyncset.s32 $0xFFFFF086  }
0x25: {  	[simem:s6], [sflag:s4] =	dma.local [hbm:s3], $0xF7A  }
0x26: {  	[smem:$0x3F99] =	sst s1;
	(tag) =	ssettag s2;
	_ =	strace s9  }
0x27: {  	s1 =	sld [smem:$0x3FA9]  }
0x28: {  	s2 =	sld [smem:$0x3FAA]  }
0x29: {  	s4 =	sld [smem:$0x3FAC]  }
0x2a: {  	p0 =	seq.s32 s5, $0x0;
	s5 =	sld [smem:$0x3FAD]  }
0x2b: {  	s6 =	sld [smem:$0x3FAE]  }
0x2c: {  	s7 =	sld [smem:$0x3FAF]  }
0x2d: {  	s3 =	simm.s32 $0x108;
	s8 =	sld [smem:$0x3FB0]  }
0x2e: {  	s3 =	simm.s32 @!p0 $0x1082;
	s9 =	sld [smem:$0x3FB1]  }
0x2f: {  	lr =	sadd.s32 s0, s3;
	s0 =	sld [smem:$0x3FA8]  }
0x30: {  	s3 =	sld [smem:$0x3FAB]  }
0x31: {  	[smem:$0x3FB4] =	sst s10  }
0x32: {  	s10 =	sld [smem:$0x3FB2];
	_ =	sdelay $0x3  }
0x33: {  	p0 =	seq.s32 s10, $0x1;
	s10 =	sld [smem:$0x3FB4];
	_ =	sdelay $0x3  }
0x34: {  	[smem:$0x3FB4] =	sst s10  }
0x35: {  	s10 =	sld [smem:$0x3FB3];
	_ =	sdelay $0x3  }
0x36: {  	p1 =	seq.s32 s10, $0x1;
	s10 =	sld [smem:$0x3FB4];
	_ =	sdelay $0x3  }
0x37: {  	[smem:$0x3FB4] =	sst s10  }
0x38: {  	s10 =	sld [smem:$0x3FB5]  }
0x39: {  	_ = 	snop;
	(pc) =	sbr.ind lr, $3  }
0x3a: {  	_ = 	snop  }
0x3b: {  	_ = 	snop  }
0x3c: {  	p2 =	seq.s32 s10, $0x1;
	s10 =	sld [smem:$0x3FB4]  }
0x3d: {  	_ =	shalt  }
0x3e: {  	_ =	shalt  }
0x3f: {  	_ =	shalt  }
0x40: {  	_ =	shalt  }
0x41: {  	_ =	shalt  }
0x42: {  	_ =	shalt  }
0x43: {  	_ =	shalt  }
0x44: {  	_ =	shalt  }
0x45: {  	_ =	shalt  }
0x46: {  	_ =	shalt  }
0x47: {  	_ =	shalt  }
0x48: {  	_ =	shalt  }
0x49: {  	_ =	shalt  }
0x4a: {  	_ =	shalt  }
0x4b: {  	_ =	shalt  }
0x4c: {  	_ =	shalt  }
0x4d: {  	_ =	shalt  }
0x4e: {  	_ =	shalt  }
0x4f: {  	_ =	shalt  }
0x50: {  	_ =	shalt  }
0x51: {  	_ =	shalt  }
0x52: {  	_ =	shalt  }
0x53: {  	_ =	shalt  }
0x54: {  	_ =	shalt  }
0x55: {  	_ =	shalt  }
0x56: {  	_ =	shalt  }
0x57: {  	_ =	shalt  }
0x58: {  	_ =	shalt  }
0x59: {  	_ =	shalt  }
0x5a: {  	_ =	shalt  }
0x5b: {  	_ =	shalt  }
0x5c: {  	_ =	shalt  }
0x5d: {  	_ =	shalt  }
0x5e: {  	_ =	shalt  }
0x5f: {  	_ =	shalt  }
0x60: {  	_ =	shalt  }
0x61: {  	_ =	shalt  }
0x62: {  	_ =	shalt  }
0x63: {  	_ =	shalt  }
0x64: {  	_ =	shalt  }
0x65: {  	_ =	shalt  }
0x66: {  	_ =	shalt  }
0x67: {  	_ =	shalt  }
0x68: {  	_ =	shalt  }
0x69: {  	_ =	shalt  }
0x6a: {  	_ =	shalt  }
0x6b: {  	_ =	shalt  }
0x6c: {  	_ =	shalt  }
0x6d: {  	_ =	shalt  }
0x6e: {  	_ =	shalt  }
0x6f: {  	_ =	shalt  }
0x70: {  	_ =	shalt  }
0x71: {  	_ =	shalt  }
0x72: {  	_ =	shalt  }
0x73: {  	_ =	shalt  }
0x74: {  	_ =	shalt  }
0x75: {  	_ =	shalt  }
0x76: {  	_ =	shalt  }
0x77: {  	_ =	shalt  }
0x78: {  	_ =	shalt  }
0x79: {  	_ =	shalt  }
0x7a: {  	_ =	shalt  }
0x7b: {  	_ =	shalt  }
0x7c: {  	_ =	shalt  }
0x7d: {  	_ =	shalt  }
0x7e: {  	_ =	shalt  }
0x7f: {  	_ =	shalt  }
0x80: {  	_ =	shalt  }
0x81: {  	_ =	shalt  }
0x82: {  	_ =	shalt  }
0x83: {  	_ =	shalt  }
0x84: {  	_ =	shalt  }
0x85: {  	_ =	shalt  }
0x86: {  	_ =	shalt  }
0x87: {  	_ =	shalt  }
.Lfunc_end0:
.L_simem_size_0:
called_computation.1_lowered:
.L_overlay_start_0:
0x88: {  	s2 =	sld [smem:$0x3FD9]  }
0x89: {  	s3 =	sld [smem:$0x3FFE];
	_ =	sdelay $0x1  }
0x8a: {  	s1 =	srdreg.scid  }
0x8b: {  	s0 =	sand.u32 $0x1, s1  }
0x8c: {  	s16 =	sshll.u32 s0, $0xA;
	s2 =	sadd.s32 s3, s2  }
0x8d: {  	s2 =	sadd.s32 s2, s16  }
0x8e: {  	[smem:$0x3FC0] =	sst s2  }
0x8f: {  	_ = 	snop  }
0x90: {  	(tm) =	ssettm $0x1  }
0x91: {  	s17 =	sld [smem:$0x3FFB];
	_ =	sdelay $0x3  }
0x92: {  	_ =	strace s17  }
0x93: {  	s2 =	sld [smem:$0x3FFC];
	_ =	sdelay $0x3  }
0x94: {  	_ =	strace s2  }
0x95: {  	s2 =	sld [smem:$0x3FFD];
	_ =	sdelay $0x3  }
0x96: {  	_ =	strace s2  }
0x97: {  	_ =	strace $0x8FFFFFFF  }
0x98: {  	s18 =	sld [smem:$0x3FDB];
	_ =	sdelay $0x1  }
0x99: {  	s19 =	simm.s32 $_scs_section_size  }
0x9a: {  	s4 =	simm.s32 $_size__tile_overlayer_lowered;
	s5 =	simm.s32 $_tile_overlayer_lowered  }
0x9b: {  	s22 =	simm.s32 $0x1BFF;
	s21 =	sshll.u32 s5, $0x1;
	s2 =	sadd.s32 s19, s18  }
0x9c: {  	s6 =	simm.s32 $0x0;
	s20 =	sshll.u32 s4, $0x1;
	s4 =	sadd.s32 s21, s2  }
0x9d: {  	[timem:s6], [sflag:s22] =	dma.local [hbm:s4], s20  }
0x9e: {  	_ =	swait.ge [sflag:s22], s20  }
0x9f: {  	s3 =	ssub.s32 $0x0, s20;
	[sflag:s22] =	ssyncset.done $0x0  }
0xa0: {  	[sflag:s22] =	ssyncadd.s32 s3;
	_ =	sdelay $0x1  }
0xa1: {  	s23 =	simm.s32 $0x1B8B  }
0xa2: {  	_ =	swait.ge [sflag:s23], $0x1  }
0xa3: {  	[sflag:s23] =	ssyncset.done $0x0  }
0xa4: {  	s25 =	simm.s32 $0x1B8E;
	s24 =	sld [smem:$0x3FFE];
	[sflag:s23] =	ssyncadd.s32 $0xFFFFFFFF  }
0xa5: {  	s26 =	simm.s32 $execute0_lowered;
	[smem:$0x3FD2] =	sst s25  }
0xa6: {  	s4 =	sshll.u32 s26, $0x1;
	_ =	strace $0x80000046;
	[dreg:$0x1] =	wrdreg $0xFFFFFFFF  }
0xa7: {  	s28 =	simm.s32 $_size_execute0_lowered;
	s2 =	sadd.s32 s2, s4;
	[dreg:$0x0] =	wrdreg $0x0  }
0xa8: {  	s4 =	sshll.u32 s28, $0x1;
	[dreg:$0x2] =	wrdreg s2  }
0xa9: {  	[dreg:$0x3] =	wrdreg s4  }
0xaa: {  	[dreg:$0x4] =	wrdreg $0xC0  }
0xab: {  	_ =	task [dreg:s6], $0x5FFFF  }
0xac: {  	[dreg:$0x1] =	wrdreg $0xFFFFFFFF  }
0xad: {  	[dreg:$0x0] =	wrdreg $0x60  }
0xae: {  	[dreg:$0x2] =	wrdreg s24  }
0xaf: {  	[dreg:$0x3] =	wrdreg $0xA  }
0xb0: {  	_ =	task.clear_ibuf [dreg:s6], $0x4FFFF;
	_ =	strace $0x90000046  }
0xb1: {  	s29 =	simm.s32 $0xA;
	_ =	strace $0x80000048  }
0xb2: {  	_ =	swait.ge [sflag:s29], $0x1  }
0xb3: {  	[sflag:s29] =	ssyncadd.s32 $0xFFFFFFFF  }
0xb4: {  	_ =	strace $0x90000048  }
0xb5: {  	_ =	sfence  }
0xb6: {  	s30 =	sld [smem:$0x0];
	_ =	sdelay $0x2  }
0xb7: {  	s31 =	sshll.u32 s1, $0xD;
	s1 =	sshrl.u32 s1, $0x2  }
0xb8: {  	s3 =	sand.u32 $0x4000, s31;
	s1 =	sadd.s32 s1, s30  }
0xb9: {  	s0 =	sor.u32 s3, s0;
	s1 =	sshll.u32 s1, $0x11  }
0xba: {  	s0 =	sor.u32 s1, s0  }
0xbb: {  	s0 =	sadd.s32 $0x8F2B, s0  }
0xbc: {  	[sflag:s0] =	ssyncadd.remote.s32 $0x1  }
0xbd: {  	_ =	sfence.sel $0xFFFF  }
0xbe: {  	[dreg:$0x0] =	wrdreg $0xFFFFFFFF;
	(pc) =	sbr.abs _section_cstart, $3  }
0xbf: {  	[dreg:$0x1] =	wrdreg $0xFFFFFFFF  }
0xc0: {  	_ =	task.clear_ibuf [dreg:s6], $0x2FFFF;
	_ =	strace $0x9FFFFFFF  }
0xc1: {  	(tm) =	ssettm $0x7FFFFFFF  }
tec
execute0_lowered:
.L_overlay_start_1:
0x0: {  	(tag) =	ssettag $0x1  }
0x1: {  	s0 =	srdreg.scid  }
0x2: {  	s4 =	rddreg [dreg:$0x0];
	s2 =	simm.s32 $0x0;
	s11 =	simm.s32 $0x4000  }
0x3: {  	s12 =	simm.s32 $0x80;
	s13 =	simm.s32 $0x400;
	s3 =	sand.u32 $0x1, s0  }
0x4: {  	s14 =	simm.s32 $0x2;
	s0 =	stileid.u32;
	s1 =	sshll.u32 s3, $0x4  }
0x5: {  	[smem:$0x7FF] =	sst s2;
	s8 =	sadd.s32 $0x2400, s4;
	s5 =	sor.u32 s0, s1  }
0x6: {  	s7 =	sshll.u32 s0, $0x7;
	s3 =	ssub.s32 $0x2, s3;
	s6 =	sshrl.u32 s5, $0x3  }
0x7: {  	s1 =	rddreg [dreg:$0x1];
	s7 =	sand.u32 $0x380, s7;
	s6 =	smul.u32 $0x14000, s6  }
0x8: {  	_ =	strace $0x80000047;
	s9 =	sshrl.u32 s3, $0x1;
	s31 =	smul.u32 $0x14000, s5  }
0x9: {  	s5 =	smul.u32 $0x2800, s5;
	s9 =	ssub.s32 s3, s9;
	s6 =	sor.u32 s7, s6  }
0xa: {  	s9 =	smax.u32 s9, $0x1;
	s7 =	sshrl.u32 s31, $0x3;
	s6 =	sshrl.u32 s6, $0x3  }
0xb: {  	s3 =	sadd.s32 s8, s5;
	s7 =	sadd.s32 s8, s7;
	s10 =	sadd.s32 s6, s4  }
0xc: {  	s4 =	sadd.s32 $0x800, s7;
	s5 =	sadd.s32 $0x1000, s7;
	s6 =	sadd.s32 $0x1800, s7  }
0xd: {  	v0 =	vimm.f32 $0.0e+00;
	s7 =	sadd.s32 $0x2000, s7;
	s8 =	sadd.s32 $0x52400, s10;
	s10 =	simm.s32 $0x1  }
.LBB2_1:
0xe: {  	s15 =	simm.s32 $0x40;
	s16 =	simm.s32 $0x0  }
.LBB2_2:
0xf: {  	p0 =	sne.s32 s15, $0x9FC0;
	[tilespmem:s16+$0x4000] =	vst v0;
	s16 =	smov.u32 s15;
	s15 =	sadd.s32 $0x40, s15  }
.Ltmp0:
0x10: {  	(pc) =	sbr.rel @p0 .LBB2_2-.Ltmp0, $2  }
0x11: {  	_ =	sdelay $0x2  }
0x12: {  	s16 =	sshra.s32 s16, $0x2  }
0x13: {  	[tilespmem:s16+$0x4000] =	vst v0;
	s15 =	simm.s32 $0x0  }
0x14: {  	[tilespmem:s15], [sflag:$0x1] =	stream.linear.gather [hbm4b:s3+s15], $0x4000, $0x38;
	[tilespmem:$0x6800] =	vst v63  }
0x15: {  	_ =	swait.ge [sflag:s10], $0x4000  }
0x16: {  	[sflag:s10] =	ssyncset.done $0x0  }
0x17: {  	[sflag:s10] =	ssyncadd.s32 $0xFFFFC000  }
.LBB2_4:
0x18: {  	s16 =	sshra.s32 s15, $0x2  }
0x19: {  	v1 =	vld [tilespmem:s16+$0x0];
	_ =	sdelay $0x4  }
0x1a: {  	(xrf1) =	vunique.msk.u32 $0xffff, v1;
	_ =	sdelay $0xd  }
0x1b: {  	_, v2, vm0 =	vpop (xrf1);
	_ =	sdelay $0x3  }
0x1c: {  	v2 =	vcvt.s32.f32 v2;
	_ =	sdelay $0x1  }
0x1d: {  	[tilespmem:v1+s11+$0x0] =	vst.idx.add.f32.msk vm0, v2  }
0x1e: {  	v1 =	vld [tilespmem:s16+$0x80];
	_ =	sdelay $0x4  }
0x1f: {  	(xrf1) =	vunique.msk.u32 $0xffff, v1;
	_ =	sdelay $0xd  }
0x20: {  	_, v2, vm0 =	vpop (xrf1);
	_ =	sdelay $0x3  }
0x21: {  	v2 =	vcvt.s32.f32 v2;
	_ =	sdelay $0x1  }
0x22: {  	[tilespmem:v1+s11+$0x0] =	vst.idx.add.f32.msk vm0, v2  }
0x23: {  	v1 =	vld [tilespmem:s16+$0x100];
	_ =	sdelay $0x4  }
0x24: {  	(xrf1) =	vunique.msk.u32 $0xffff, v1;
	_ =	sdelay $0xd  }
0x25: {  	_, v2, vm0 =	vpop (xrf1);
	_ =	sdelay $0x3  }
0x26: {  	v2 =	vcvt.s32.f32 v2;
	_ =	sdelay $0x1  }
0x27: {  	[tilespmem:v1+s11+$0x0] =	vst.idx.add.f32.msk vm0, v2  }
0x28: {  	v1 =	vld [tilespmem:s16+$0x180];
	_ =	sdelay $0x4  }
0x29: {  	(xrf1) =	vunique.msk.u32 $0xffff, v1;
	_ =	sdelay $0xd  }
0x2a: {  	_, v2, vm0 =	vpop (xrf1)  }
0x2b: {  	p0 =	sne.s32 s15, $0xF800  }
.Ltmp1:
0x2c: {  	_ = 	snop;
	(pc) =	sbr.rel @p0 .LBB2_4-.Ltmp1, $3  }
0x2d: {  	_ = 	snop  }
0x2e: {  	v2 =	vcvt.s32.f32 v2;
	_ =	sdelay $0x1  }
0x2f: {  	s15 =	sadd.s32 $0x800, s15;
	[tilespmem:v1+s11+$0x0] =	vst.idx.add.f32.msk vm0, v2  }
0x30: {  	s15 =	simm.s32 $0x0  }
0x31: {  	[tilespmem:s15], [sflag:$0x1] =	stream.linear.gather [hbm4b:s4+s15], $0x4000, $0x38;
	[tilespmem:$0x6800] =	vst v63  }
0x32: {  	_ =	swait.ge [sflag:s10], $0x4000  }
0x33: {  	[sflag:s10] =	ssyncset.done $0x0  }
0x34: {  	[sflag:s10] =	ssyncadd.s32 $0xFFFFC000  }
.LBB2_6:
0x35: {  	s16 =	sshra.s32 s15, $0x2  }
0x36: {  	v1 =	vld [tilespmem:s16+$0x0];
	_ =	sdelay $0x4  }
0x37: {  	(xrf1) =	vunique.msk.u32 $0xffff, v1;
	_ =	sdelay $0xd  }
0x38: {  	_, v2, vm0 =	vpop (xrf1);
	_ =	sdelay $0x3  }
0x39: {  	v2 =	vcvt.s32.f32 v2;
	_ =	sdelay $0x1  }
0x3a: {  	[tilespmem:v1+s11+$0x0] =	vst.idx.add.f32.msk vm0, v2  }
0x3b: {  	v1 =	vld [tilespmem:s16+$0x80];
	_ =	sdelay $0x4  }
0x3c: {  	(xrf1) =	vunique.msk.u32 $0xffff, v1;
	_ =	sdelay $0xd  }
0x3d: {  	_, v2, vm0 =	vpop (xrf1);
	_ =	sdelay $0x3  }
0x3e: {  	v2 =	vcvt.s32.f32 v2;
	_ =	sdelay $0x1  }
0x3f: {  	[tilespmem:v1+s11+$0x0] =	vst.idx.add.f32.msk vm0, v2  }
0x40: {  	v1 =	vld [tilespmem:s16+$0x100];
	_ =	sdelay $0x4  }
0x41: {  	(xrf1) =	vunique.msk.u32 $0xffff, v1;
	_ =	sdelay $0xd  }
0x42: {  	_, v2, vm0 =	vpop (xrf1);
	_ =	sdelay $0x3  }
0x43: {  	v2 =	vcvt.s32.f32 v2;
	_ =	sdelay $0x1  }
0x44: {  	[tilespmem:v1+s11+$0x0] =	vst.idx.add.f32.msk vm0, v2  }
0x45: {  	v1 =	vld [tilespmem:s16+$0x180];
	_ =	sdelay $0x4  }
0x46: {  	(xrf1) =	vunique.msk.u32 $0xffff, v1;
	_ =	sdelay $0xd  }
0x47: {  	_, v2, vm0 =	vpop (xrf1)  }
0x48: {  	p0 =	sne.s32 s15, $0xF800  }
.Ltmp2:
0x49: {  	_ = 	snop;
	(pc) =	sbr.rel @p0 .LBB2_6-.Ltmp2, $3  }
0x4a: {  	_ = 	snop  }
0x4b: {  	v2 =	vcvt.s32.f32 v2;
	_ =	sdelay $0x1  }
0x4c: {  	s15 =	sadd.s32 $0x800, s15;
	[tilespmem:v1+s11+$0x0] =	vst.idx.add.f32.msk vm0, v2  }
0x4d: {  	s15 =	simm.s32 $0x0  }
0x4e: {  	[tilespmem:s15], [sflag:$0x1] =	stream.linear.gather [hbm4b:s5+s15], $0x4000, $0x38;
	[tilespmem:$0x6800] =	vst v63  }
0x4f: {  	_ =	swait.ge [sflag:s10], $0x4000  }
0x50: {  	[sflag:s10] =	ssyncset.done $0x0  }
0x51: {  	[sflag:s10] =	ssyncadd.s32 $0xFFFFC000  }
.LBB2_8:
0x52: {  	s16 =	sshra.s32 s15, $0x2  }
0x53: {  	v1 =	vld [tilespmem:s16+$0x0];
	_ =	sdelay $0x4  }
0x54: {  	(xrf1) =	vunique.msk.u32 $0xffff, v1;
	_ =	sdelay $0xd  }
0x55: {  	_, v2, vm0 =	vpop (xrf1);
	_ =	sdelay $0x3  }
0x56: {  	v2 =	vcvt.s32.f32 v2;
	_ =	sdelay $0x1  }
0x57: {  	[tilespmem:v1+s11+$0x0] =	vst.idx.add.f32.msk vm0, v2  }
0x58: {  	v1 =	vld [tilespmem:s16+$0x80];
	_ =	sdelay $0x4  }
0x59: {  	(xrf1) =	vunique.msk.u32 $0xffff, v1;
	_ =	sdelay $0xd  }
0x5a: {  	_, v2, vm0 =	vpop (xrf1);
	_ =	sdelay $0x3  }
0x5b: {  	v2 =	vcvt.s32.f32 v2;
	_ =	sdelay $0x1  }
0x5c: {  	[tilespmem:v1+s11+$0x0] =	vst.idx.add.f32.msk vm0, v2  }
0x5d: {  	v1 =	vld [tilespmem:s16+$0x100];
	_ =	sdelay $0x4  }
0x5e: {  	(xrf1) =	vunique.msk.u32 $0xffff, v1;
	_ =	sdelay $0xd  }
0x5f: {  	_, v2, vm0 =	vpop (xrf1);
	_ =	sdelay $0x3  }
0x60: {  	v2 =	vcvt.s32.f32 v2;
	_ =	sdelay $0x1  }
0x61: {  	[tilespmem:v1+s11+$0x0] =	vst.idx.add.f32.msk vm0, v2  }
0x62: {  	v1 =	vld [tilespmem:s16+$0x180];
	_ =	sdelay $0x4  }
0x63: {  	(xrf1) =	vunique.msk.u32 $0xffff, v1;
	_ =	sdelay $0xd  }
0x64: {  	_, v2, vm0 =	vpop (xrf1)  }
0x65: {  	p0 =	sne.s32 s15, $0xF800  }
.Ltmp3:
0x66: {  	_ = 	snop;
	(pc) =	sbr.rel @p0 .LBB2_8-.Ltmp3, $3  }
0x67: {  	_ = 	snop  }
0x68: {  	v2 =	vcvt.s32.f32 v2;
	_ =	sdelay $0x1  }
0x69: {  	s15 =	sadd.s32 $0x800, s15;
	[tilespmem:v1+s11+$0x0] =	vst.idx.add.f32.msk vm0, v2  }
0x6a: {  	s15 =	simm.s32 $0x0  }
0x6b: {  	[tilespmem:s15], [sflag:$0x1] =	stream.linear.gather [hbm4b:s6+s15], $0x4000, $0x38;
	[tilespmem:$0x6800] =	vst v63  }
0x6c: {  	_ =	swait.ge [sflag:s10], $0x4000  }
0x6d: {  	[sflag:s10] =	ssyncset.done $0x0  }
0x6e: {  	[sflag:s10] =	ssyncadd.s32 $0xFFFFC000  }
.LBB2_10:
0x6f: {  	s16 =	sshra.s32 s15, $0x2  }
0x70: {  	v1 =	vld [tilespmem:s16+$0x0];
	_ =	sdelay $0x4  }
0x71: {  	(xrf1) =	vunique.msk.u32 $0xffff, v1;
	_ =	sdelay $0xd  }
0x72: {  	_, v2, vm0 =	vpop (xrf1);
	_ =	sdelay $0x3  }
0x73: {  	v2 =	vcvt.s32.f32 v2;
	_ =	sdelay $0x1  }
0x74: {  	[tilespmem:v1+s11+$0x0] =	vst.idx.add.f32.msk vm0, v2  }
0x75: {  	v1 =	vld [tilespmem:s16+$0x80];
	_ =	sdelay $0x4  }
0x76: {  	(xrf1) =	vunique.msk.u32 $0xffff, v1;
	_ =	sdelay $0xd  }
0x77: {  	_, v2, vm0 =	vpop (xrf1);
	_ =	sdelay $0x3  }
0x78: {  	v2 =	vcvt.s32.f32 v2;
	_ =	sdelay $0x1  }
0x79: {  	[tilespmem:v1+s11+$0x0] =	vst.idx.add.f32.msk vm0, v2  }
0x7a: {  	v1 =	vld [tilespmem:s16+$0x100];
	_ =	sdelay $0x4  }
0x7b: {  	(xrf1) =	vunique.msk.u32 $0xffff, v1;
	_ =	sdelay $0xd  }
0x7c: {  	_, v2, vm0 =	vpop (xrf1);
	_ =	sdelay $0x3  }
0x7d: {  	v2 =	vcvt.s32.f32 v2;
	_ =	sdelay $0x1  }
0x7e: {  	[tilespmem:v1+s11+$0x0] =	vst.idx.add.f32.msk vm0, v2  }
0x7f: {  	v1 =	vld [tilespmem:s16+$0x180];
	_ =	sdelay $0x4  }
0x80: {  	(xrf1) =	vunique.msk.u32 $0xffff, v1;
	_ =	sdelay $0xd  }
0x81: {  	_, v2, vm0 =	vpop (xrf1)  }
0x82: {  	p0 =	sne.s32 s15, $0xF800  }
.Ltmp4:
0x83: {  	_ = 	snop;
	(pc) =	sbr.rel @p0 .LBB2_10-.Ltmp4, $3  }
0x84: {  	_ = 	snop  }
0x85: {  	v2 =	vcvt.s32.f32 v2;
	_ =	sdelay $0x1  }
0x86: {  	s15 =	sadd.s32 $0x800, s15;
	[tilespmem:v1+s11+$0x0] =	vst.idx.add.f32.msk vm0, v2  }
0x87: {  	s15 =	simm.s32 $0x0  }
0x88: {  	[tilespmem:s15], [sflag:$0x1] =	stream.linear.gather [hbm4b:s7+s15], $0x4000, $0x38;
	[tilespmem:$0x6800] =	vst v63  }
0x89: {  	_ =	swait.ge [sflag:s10], $0x4000  }
0x8a: {  	[sflag:s10] =	ssyncset.done $0x0  }
0x8b: {  	[sflag:s10] =	ssyncadd.s32 $0xFFFFC000  }
.LBB2_12:
0x8c: {  	s16 =	sshra.s32 s15, $0x2  }
0x8d: {  	v1 =	vld [tilespmem:s16+$0x0];
	_ =	sdelay $0x4  }
0x8e: {  	(xrf1) =	vunique.msk.u32 $0xffff, v1;
	_ =	sdelay $0xd  }
0x8f: {  	_, v2, vm0 =	vpop (xrf1);
	_ =	sdelay $0x3  }
0x90: {  	v2 =	vcvt.s32.f32 v2;
	_ =	sdelay $0x1  }
0x91: {  	[tilespmem:v1+s11+$0x0] =	vst.idx.add.f32.msk vm0, v2  }
0x92: {  	v1 =	vld [tilespmem:s16+$0x80];
	_ =	sdelay $0x4  }
0x93: {  	(xrf1) =	vunique.msk.u32 $0xffff, v1;
	_ =	sdelay $0xd  }
0x94: {  	_, v2, vm0 =	vpop (xrf1);
	_ =	sdelay $0x3  }
0x95: {  	v2 =	vcvt.s32.f32 v2;
	_ =	sdelay $0x1  }
0x96: {  	[tilespmem:v1+s11+$0x0] =	vst.idx.add.f32.msk vm0, v2  }
0x97: {  	v1 =	vld [tilespmem:s16+$0x100];
	_ =	sdelay $0x4  }
0x98: {  	(xrf1) =	vunique.msk.u32 $0xffff, v1;
	_ =	sdelay $0xd  }
0x99: {  	_, v2, vm0 =	vpop (xrf1);
	_ =	sdelay $0x3  }
0x9a: {  	v2 =	vcvt.s32.f32 v2;
	_ =	sdelay $0x1  }
0x9b: {  	[tilespmem:v1+s11+$0x0] =	vst.idx.add.f32.msk vm0, v2  }
0x9c: {  	v1 =	vld [tilespmem:s16+$0x180];
	_ =	sdelay $0x4  }
0x9d: {  	(xrf1) =	vunique.msk.u32 $0xffff, v1;
	_ =	sdelay $0xd  }
0x9e: {  	_, v2, vm0 =	vpop (xrf1)  }
0x9f: {  	p0 =	sne.s32 s15, $0xF800  }
.Ltmp5:
0xa0: {  	_ = 	snop;
	(pc) =	sbr.rel @p0 .LBB2_12-.Ltmp5, $3  }
0xa1: {  	_ = 	snop  }
0xa2: {  	v2 =	vcvt.s32.f32 v2;
	_ =	sdelay $0x1  }
0xa3: {  	s15 =	sadd.s32 $0x800, s15;
	[tilespmem:v1+s11+$0x0] =	vst.idx.add.f32.msk vm0, v2  }
0xa4: {  	s2 =	sadd.s32 $0x1, s2  }
0xa5: {  	p0 =	sne.s32 s2, s9  }
.Ltmp6:
0xa6: {  	_ = 	snop;
	(pc) =	sbr.rel @p0 .LBB2_1-.Ltmp6, $4  }
0xa7: {  	[hbm4b:s8+s12] =	stream.strided.scatter [tilespmem:s11], [sflag:$0x2], $0x2800, s13, s12, $0x38;
	[tilespmem:$0x6800] =	vst v63  }
0xa8: {  	_ =	swait.ge [sflag:s14], $0x2800  }
0xa9: {  	[sflag:s14] =	ssyncset.done $0x0  }
0xaa: {  	[sflag:s14] =	ssyncadd.s32 $0xFFFFD800  }
0xab: {  	_ =	sfence.sel $0x180000  }
0xac: {  	[bflag:$0x0] =	sbarrier.arrive $0xFFFF  }
0xad: {  	p0 =	sne.s32 s0, $0x0;
	_ =	strace $0x90000047  }
0xae: {  	s0 =	sadd.s32 @!p0 $0x100000, s1;
	[bflag:$0x2] =	sbarrier.arrive $0xFFFF  }
0xaf: {  	[sflag:s0] =	ssyncadd.tile.s32 @!p0 $0x1;
	_ =	shalt  }
.Lfunc_end2:
_tile_overlayer_lowered:
.L_overlay_start_2:
0xb0: {  	(tag) =	ssettag $0x2  }
0xb1: {  	s0 =	rddreg [dreg:$0x0];
	s2 =	stileid.u32  }
0xb2: {  	s1 =	rddreg [dreg:$0x1];
	p0 =	sne.s32 s2, $0x0  }
0xb3: {  	s3 =	rddreg [dreg:$0x2];
	[bflag:$0x3] =	sbarrier.arrive $0xFFFF;
	s2 =	simm.s32 @!p0 $0x1C02  }
0xb4: {  	[timem:s3], [sflag:s2] =	dma.local @!p0 [hbm:s0], s1  }
0xb5: {  	s0 =	simm.s32 @!p0 $0x2  }
0xb6: {  	_ =	swait.ge @!p0 [sflag:s0], s1  }
0xb7: {  	s1 =	ssub.s32 @!p0 $0x0, s1;
	[sflag:s0] =	ssyncset.done @!p0 $0x0  }
0xb8: {  	[sflag:s0] =	ssyncadd.s32 @!p0 s1  }
0xb9: {  	[bflag:$0x3] =	sbarrier.arrive $0xFFFF  }
0xba: {  	_ =	shalt  }

// kernel: kernel.13.cloned.1.call-start
scs
__scs_entry_jumppad:
0x0: {  	(pc) =	sbr.rel $0x88, $3  }
0x1: {  	(tag) =	ssettag $0x0;
	lr =	simm.s32 $0x1  }
0x2: {  	[smem:$0x3F99] =	sst lr;
	_ =	strace $0xD0000000  }
0x3: {  	_ = 	snop  }
0x4: {  	_ = 	snop  }
0x5: {  	_ = 	snop  }
0x6: {  	_ = 	snop  }
0x7: {  	_ = 	snop  }
__scs_overlays_trampoline_lowered:
0x8: {  	[smem:$0x3FA8] =	sst s0  }
0x9: {  	[smem:$0x3FA9] =	sst s1  }
0xa: {  	[smem:$0x3FAA] =	sst s2  }
0xb: {  	[smem:$0x3FAB] =	sst s3  }
0xc: {  	[smem:$0x3FAC] =	sst s4  }
0xd: {  	[smem:$0x3FAD] =	sst s5  }
0xe: {  	[smem:$0x3FAE] =	sst s6  }
0xf: {  	[smem:$0x3FAF] =	sst s7  }
0x10: {  	[smem:$0x3FB0] =	sst s8  }
0x11: {  	[smem:$0x3FB1] =	sst s9;
	s0 =	simm.s32 @!p0 $0x0  }
0x12: {  	s1 =	sld [smem:$0x3F97];
	s0 =	simm.s32 @p0 $0x1  }
0x13: {  	[smem:$0x3FB2] =	sst s0;
	s0 =	simm.s32 @!p1 $0x0  }
0x14: {  	s2 =	sld [smem:$0x3F96];
	s0 =	simm.s32 @p1 $0x1  }
0x15: {  	[smem:$0x3FB3] =	sst s0;
	s0 =	simm.s32 @!p2 $0x0  }
0x16: {  	s3 =	sld [smem:$0x3FDB];
	s0 =	simm.s32 @p2 $0x1  }
0x17: {  	s4 =	simm.s32 $0x1BF5;
	[smem:$0x3FB5] =	sst s0  }
0x18: {  	s0 =	sld [smem:$0x3F98];
	_ =	swait.ge [sflag:s4], $0x0  }
0x19: {  	s7 =	sld [smem:$0x3F99]  }
0x1a: {  	s8 =	sadd.s32 $0xFFFFE003, lr  }
0x1b: {  	s9 =	sadd.s32 $0xFFFFFEF7, lr;
	s5 =	simm.s32 $0xFFFFFFFF;
	p2 =	slt.u32 s8, $0xFFFFF086  }
0x1c: {  	p1 =	slt.u32 s9, $0xF7A;
	s5 =	simm.s32 @!p2 $0x0  }
0x1d: {  	s5 =	simm.s32 @p1 $0x1;
	p0 =	seq.s32 s7, s2  }
0x1e: {  	s7 =	smul.u32 @!p0 $0xF7A, s2;
	p2 =	seq.s32 @!p0 s5, $0x0  }
0x1f: {  	s9 =	smul.u32 $0xF7A, s1;
	s8 =	simm.s32 @!p0 $0x1BF5;
	p2 =	por !p2, p0  }
0x20: {  	[sflag:s8] =	ssyncset.s32 @!p0 $0xFFFFF086;
	s6 =	sadd.s32 @!p0 s3, s7;
	s7 =	simm.s32 @!p0 $0x108  }
0x21: {  	s3 =	sadd.s32 s3, s9;
	s6 =	sadd.s32 @!p0 $0x88, s6;
	s7 =	simm.s32 @p2 $0x1082  }
0x22: {  	[simem:s7], [sflag:s8] =	dma.local @!p0 [hbm:s6], $0xF7A  }
0x23: {  	s9 =	sor.u32 $0xD0000000, s2;
	s6 =	simm.s32 $0x108;
	_ =	swait.ge @!p0 [sflag:s8], $0x0  }
0x24: {  	s3 =	sadd.s32 $0x88, s3;
	s6 =	simm.s32 @!p1 $0x1082;
	[sflag:s4] =	ssyncset.s32 $0xFFFFF086  }
0x25: {  	[simem:s6], [sflag:s4] =	dma.local [hbm:s3], $0xF7A  }
0x26: {  	[smem:$0x3F99] =	sst s1;
	(tag) =	ssettag s2;
	_ =	strace s9  }
0x27: {  	s1 =	sld [smem:$0x3FA9]  }
0x28: {  	s2 =	sld [smem:$0x3FAA]  }
0x29: {  	s4 =	sld [smem:$0x3FAC]  }
0x2a: {  	p0 =	seq.s32 s5, $0x0;
	s5 =	sld [smem:$0x3FAD]  }
0x2b: {  	s6 =	sld [smem:$0x3FAE]  }
0x2c: {  	s7 =	sld [smem:$0x3FAF]  }
0x2d: {  	s3 =	simm.s32 $0x108;
	s8 =	sld [smem:$0x3FB0]  }
0x2e: {  	s3 =	simm.s32 @!p0 $0x1082;
	s9 =	sld [smem:$0x3FB1]  }
0x2f: {  	lr =	sadd.s32 s0, s3;
	s0 =	sld [smem:$0x3FA8]  }
0x30: {  	s3 =	sld [smem:$0x3FAB]  }
0x31: {  	[smem:$0x3FB4] =	sst s10  }
0x32: {  	s10 =	sld [smem:$0x3FB2];
	_ =	sdelay $0x3  }
0x33: {  	p0 =	seq.s32 s10, $0x1;
	s10 =	sld [smem:$0x3FB4];
	_ =	sdelay $0x3  }
0x34: {  	[smem:$0x3FB4] =	sst s10  }
0x35: {  	s10 =	sld [smem:$0x3FB3];
	_ =	sdelay $0x3  }
0x36: {  	p1 =	seq.s32 s10, $0x1;
	s10 =	sld [smem:$0x3FB4];
	_ =	sdelay $0x3  }
0x37: {  	[smem:$0x3FB4] =	sst s10  }
0x38: {  	s10 =	sld [smem:$0x3FB5]  }
0x39: {  	_ = 	snop;
	(pc) =	sbr.ind lr, $3  }
0x3a: {  	_ = 	snop  }
0x3b: {  	_ = 	snop  }
0x3c: {  	p2 =	seq.s32 s10, $0x1;
	s10 =	sld [smem:$0x3FB4]  }
0x3d: {  	_ =	shalt  }
0x3e: {  	_ =	shalt  }
0x3f: {  	_ =	shalt  }
0x40: {  	_ =	shalt  }
0x41: {  	_ =	shalt  }
0x42: {  	_ =	shalt  }
0x43: {  	_ =	shalt  }
0x44: {  	_ =	shalt  }
0x45: {  	_ =	shalt  }
0x46: {  	_ =	shalt  }
0x47: {  	_ =	shalt  }
0x48: {  	_ =	shalt  }
0x49: {  	_ =	shalt  }
0x4a: {  	_ =	shalt  }
0x4b: {  	_ =	shalt  }
0x4c: {  	_ =	shalt  }
0x4d: {  	_ =	shalt  }
0x4e: {  	_ =	shalt  }
0x4f: {  	_ =	shalt  }
0x50: {  	_ =	shalt  }
0x51: {  	_ =	shalt  }
0x52: {  	_ =	shalt  }
0x53: {  	_ =	shalt  }
0x54: {  	_ =	shalt  }
0x55: {  	_ =	shalt  }
0x56: {  	_ =	shalt  }
0x57: {  	_ =	shalt  }
0x58: {  	_ =	shalt  }
0x59: {  	_ =	shalt  }
0x5a: {  	_ =	shalt  }
0x5b: {  	_ =	shalt  }
0x5c: {  	_ =	shalt  }
0x5d: {  	_ =	shalt  }
0x5e: {  	_ =	shalt  }
0x5f: {  	_ =	shalt  }
0x60: {  	_ =	shalt  }
0x61: {  	_ =	shalt  }
0x62: {  	_ =	shalt  }
0x63: {  	_ =	shalt  }
0x64: {  	_ =	shalt  }
0x65: {  	_ =	shalt  }
0x66: {  	_ =	shalt  }
0x67: {  	_ =	shalt  }
0x68: {  	_ =	shalt  }
0x69: {  	_ =	shalt  }
0x6a: {  	_ =	shalt  }
0x6b: {  	_ =	shalt  }
0x6c: {  	_ =	shalt  }
0x6d: {  	_ =	shalt  }
0x6e: {  	_ =	shalt  }
0x6f: {  	_ =	shalt  }
0x70: {  	_ =	shalt  }
0x71: {  	_ =	shalt  }
0x72: {  	_ =	shalt  }
0x73: {  	_ =	shalt  }
0x74: {  	_ =	shalt  }
0x75: {  	_ =	shalt  }
0x76: {  	_ =	shalt  }
0x77: {  	_ =	shalt  }
0x78: {  	_ =	shalt  }
0x79: {  	_ =	shalt  }
0x7a: {  	_ =	shalt  }
0x7b: {  	_ =	shalt  }
0x7c: {  	_ =	shalt  }
0x7d: {  	_ =	shalt  }
0x7e: {  	_ =	shalt  }
0x7f: {  	_ =	shalt  }
0x80: {  	_ =	shalt  }
0x81: {  	_ =	shalt  }
0x82: {  	_ =	shalt  }
0x83: {  	_ =	shalt  }
0x84: {  	_ =	shalt  }
0x85: {  	_ =	shalt  }
0x86: {  	_ =	shalt  }
0x87: {  	_ =	shalt  }
.Lfunc_end0:
.L_simem_size_0:
called_computation.2_lowered:
.L_overlay_start_0:
0x88: {  	s2 =	sld [smem:$0x3FD9]  }
0x89: {  	s3 =	sld [smem:$0x3FFE];
	_ =	sdelay $0x1  }
0x8a: {  	s1 =	srdreg.scid  }
0x8b: {  	s0 =	sand.u32 $0x1, s1  }
0x8c: {  	s17 =	sshll.u32 s0, $0xA;
	s2 =	sadd.s32 s3, s2  }
0x8d: {  	s2 =	sadd.s32 s2, s17  }
0x8e: {  	[smem:$0x3FC0] =	sst s2  }
0x8f: {  	_ = 	snop  }
0x90: {  	s2 =	sld [smem:$0x3FD0];
	(tm) =	ssettm $0x1  }
0x91: {  	s18 =	sld [smem:$0x3FFB];
	_ =	sdelay $0x3  }
0x92: {  	_ =	strace s18  }
0x93: {  	s3 =	sld [smem:$0x3FFC];
	_ =	sdelay $0x3  }
0x94: {  	_ =	strace s3  }
0x95: {  	s3 =	sld [smem:$0x3FFD];
	_ =	sdelay $0x3  }
0x96: {  	_ =	strace s3  }
0x97: {  	_ =	strace $0x8FFFFFFF  }
0x98: {  	s19 =	sld [smem:$0x3FDB];
	_ =	sdelay $0x1  }
0x99: {  	s4 =	simm.s32 $_scs_section_size  }
0x9a: {  	s5 =	simm.s32 $_size__tile_overlayer_lowered;
	s6 =	simm.s32 $_tile_overlayer_lowered  }
0x9b: {  	s22 =	simm.s32 $0x1BFF;
	s21 =	sshll.u32 s6, $0x1;
	s3 =	sadd.s32 s4, s19  }
0x9c: {  	s7 =	simm.s32 $0x0;
	s20 =	sshll.u32 s5, $0x1;
	s5 =	sadd.s32 s21, s3  }
0x9d: {  	[timem:s7], [sflag:s22] =	dma.local [hbm:s5], s20  }
0x9e: {  	_ =	swait.ge [sflag:s22], s20  }
0x9f: {  	s4 =	ssub.s32 $0x0, s20;
	[sflag:s22] =	ssyncset.done $0x0  }
0xa0: {  	[sflag:s22] =	ssyncadd.s32 s4;
	_ =	sdelay $0x1  }
0xa1: {  	s23 =	simm.s32 $0x1B8B  }
0xa2: {  	_ =	swait.ge [sflag:s23], $0x1  }
0xa3: {  	[sflag:s23] =	ssyncset.done $0x0  }
0xa4: {  	s25 =	simm.s32 $0x1B8E;
	s24 =	sld [smem:$0x3FFE];
	[sflag:s23] =	ssyncadd.s32 $0xFFFFFFFF  }
0xa5: {  	s26 =	simm.s32 $execute0_lowered;
	[smem:$0x3FD2] =	sst s25  }
0xa6: {  	s5 =	sshll.u32 s26, $0x1;
	_ =	strace $0x8000004C;
	[dreg:$0x1] =	wrdreg $0xFFFFFFFF  }
0xa7: {  	s28 =	simm.s32 $_size_execute0_lowered;
	s3 =	sadd.s32 s3, s5;
	[dreg:$0x0] =	wrdreg $0x0  }
0xa8: {  	s5 =	sshll.u32 s28, $0x1;
	[dreg:$0x2] =	wrdreg s3  }
0xa9: {  	[dreg:$0x3] =	wrdreg s5  }
0xaa: {  	[dreg:$0x4] =	wrdreg $0xC0  }
0xab: {  	_ =	task [dreg:s7], $0x5FFFF  }
0xac: {  	[dreg:$0x1] =	wrdreg $0xFFFFFFFF  }
0xad: {  	[dreg:$0x0] =	wrdreg $0x60  }
0xae: {  	[dreg:$0x2] =	wrdreg s2  }
0xaf: {  	[dreg:$0x3] =	wrdreg s24  }
0xb0: {  	[dreg:$0x4] =	wrdreg $0xA0000  }
0xb1: {  	[dreg:$0x5] =	wrdreg $0x9  }
0xb2: {  	_ =	task.clear_ibuf [dreg:s7], $0x6FFFF;
	_ =	strace $0x9000004C  }
0xb3: {  	s29 =	simm.s32 $0x9;
	_ =	strace $0x8000004E  }
0xb4: {  	_ =	swait.ge [sflag:s29], $0x1  }
0xb5: {  	[sflag:s29] =	ssyncadd.s32 $0xFFFFFFFF  }
0xb6: {  	_ =	strace $0x9000004E  }
0xb7: {  	_ =	sfence  }
0xb8: {  	s30 =	sld [smem:$0x0];
	_ =	sdelay $0x2  }
0xb9: {  	s31 =	sshll.u32 s1, $0xD;
	s1 =	sshrl.u32 s1, $0x2  }
0xba: {  	s3 =	sand.u32 $0x4000, s31;
	s1 =	sadd.s32 s1, s30  }
0xbb: {  	s0 =	sor.u32 s3, s0;
	s1 =	sshll.u32 s1, $0x11  }
0xbc: {  	s0 =	sor.u32 s1, s0  }
0xbd: {  	s0 =	sadd.s32 $0x8F2B, s0  }
0xbe: {  	[sflag:s0] =	ssyncadd.remote.s32 $0x1  }
0xbf: {  	_ =	sfence.sel $0xFFFF  }
0xc0: {  	[dreg:$0x0] =	wrdreg $0xFFFFFFFF;
	(pc) =	sbr.abs _section_cstart, $3  }
0xc1: {  	[dreg:$0x1] =	wrdreg $0xFFFFFFFF  }
0xc2: {  	_ =	task.clear_ibuf [dreg:s7], $0x2FFFF;
	_ =	strace $0x9FFFFFFF  }
0xc3: {  	(tm) =	ssettm $0x7FFFFFFF  }
tec
execute0_lowered:
.L_overlay_start_1:
0x0: {  	(tag) =	ssettag $0x1  }
0x1: {  	s1 =	rddreg [dreg:$0x0]  }
0x2: {  	s0 =	rddreg [dreg:$0x1]  }
0x3: {  	s2 =	rddreg [dreg:$0x2]  }
0x4: {  	s3 =	srdreg.scid;
	s4 =	simm.s32 $0x0;
	s9 =	stileid.u32  }
0x5: {  	s30 =	simm.s32 $0x2;
	s31 =	simm.s32 $0x6000;
	s12 =	simm.s32 $0x1980  }
0x6: {  	s28 =	simm.s32 $0x1B00;
	s3 =	sand.u32 $0x1, s3;
	s6 =	smul.u32 $0x14000, s9  }
0x7: {  	[smem:$0x7FF] =	sst s4;
	s7 =	sadd.s32 $0x66400, s0;
	s5 =	smul.u32 $0x140000, s3  }
0x8: {  	s8 =	sadd.s32 $0x5C400, s0;
	s13 =	sshll.u32 s3, $0x4;
	s3 =	ssub.s32 $0x2, s3  }
0x9: {  	_ =	strace $0x8000004D;
	s10 =	sshrl.u32 s3, $0x1;
	s5 =	sadd.s32 s6, s5  }
0xa: {  	s6 =	sor.u32 s9, s13;
	s9 =	smul.u32 $0x50000, s9;
	s3 =	ssub.s32 s3, s10  }
0xb: {  	s13 =	simm.s32 $0x1280;
	s5 =	sshrl.u32 s5, $0x3;
	s14 =	smul.u32 $0x500, s6  }
0xc: {  	s11 =	smul.u32 $0x2800, s6;
	s29 =	smax.u32 s3, $0x1;
	s3 =	simm.s32 $0x3  }
0xd: {  	s0 =	sadd.s32 s5, s0;
	[dreg:$0x13] =	wrdreg s29;
	s15 =	sadd.s32 s7, s14  }
0xe: {  	s9 =	sshrl.u32 s9, $0x2;
	s5 =	sadd.s32 s8, s14;
	[dreg:$0x4] =	wrdreg s15  }
0xf: {  	s6 =	simm.s32 $0x1800;
	s16 =	sadd.s32 s9, s2;
	[dreg:$0x5] =	wrdreg s5  }
0x10: {  	s18 =	sshrl.u32 s11, $0x3;
	s0 =	sadd.s32 $0x2400, s0;
	[dreg:$0x14] =	wrdreg s16  }
0x11: {  	s11 =	simm.s32 $0x1200;
	s17 =	sadd.s32 $0x4000, s16;
	[dreg:$0x12] =	wrdreg s0  }
0x12: {  	s14 =	simm.s32 $0x1A00;
	s9 =	sadd.s32 $0x8000, s16;
	[dreg:$0x6] =	wrdreg s17  }
0x13: {  	s19 =	sadd.s32 $0xC000, s16;
	s20 =	sadd.s32 $0x100, s18;
	[dreg:$0x7] =	wrdreg s9  }
0x14: {  	s21 =	sadd.s32 $0x10000, s16;
	s23 =	sadd.s32 $0x200, s18;
	[dreg:$0x8] =	wrdreg s19  }
0x15: {  	s25 =	sadd.s32 $0x300, s18;
	[dreg:$0x9] =	wrdreg s21;
	s22 =	sadd.s32 s7, s20  }
0x16: {  	s5 =	sadd.s32 $0x400, s18;
	s9 =	sadd.s32 s8, s20;
	[dreg:$0xa] =	wrdreg s22  }
0x17: {  	s15 =	simm.s32 $0x1300;
	s24 =	sadd.s32 s7, s23;
	[dreg:$0xb] =	wrdreg s9  }
0x18: {  	s16 =	simm.s32 $0x1A80;
	s10 =	sadd.s32 s8, s23;
	[dreg:$0xc] =	wrdreg s24  }
0x19: {  	s26 =	sadd.s32 s7, s25;
	s7 =	sadd.s32 s7, s5;
	[dreg:$0xd] =	wrdreg s10  }
0x1a: {  	s5 =	sadd.s32 s8, s5;
	s23 =	simm.s32 $0x2000;
	[dreg:$0xe] =	wrdreg s26  }
0x1b: {  	s17 =	simm.s32 $0x0;
	s21 =	simm.s32 $0x1380;
	[dreg:$0x10] =	wrdreg s7  }
0x1c: {  	s9 =	sadd.s32 s8, s25;
	[dreg:$0x11] =	wrdreg s5;
	s5 =	simm.s32 $0x800  }
0x1d: {  	s24 =	simm.s32 $0x4;
	s25 =	simm.s32 $0x1;
	s26 =	simm.s32 $0x80  }
0x1e: {  	s22 =	simm.s32 $0x1080;
	s7 =	simm.s32 $0x1100;
	s8 =	simm.s32 $0x1880  }
0x1f: {  	v0 =	vimm.f32 $0.0e+00;
	s10 =	simm.s32 $0x1900;
	[dreg:$0xf] =	wrdreg s9;
	s9 =	simm.s32 $0x1180  }
.LBB2_1:
0x20: {  	s18 =	rddreg [dreg:$0x4]  }
0x21: {  	[tilespmem:s4], [sflag:$0x1] =	stream.linear.gather [hbm4b:s18+s4], $0x800, $0x38;
	[tilespmem:$0x1E000] =	vst v63  }
0x22: {  	s29 =	rddreg [dreg:$0x5];
	s19 =	simm.s32 $0x200;
	s18 =	simm.s32 $0x0  }
0x23: {  	[tilespmem:s5], [sflag:$0x1] =	stream.linear.gather [hbm4b:s29+s4], $0x800, $0x38;
	[tilespmem:$0x1E000] =	vst v63  }
.LBB2_2:
0x24: {  	p0 =	sne.s32 s19, $0xFE00;
	[tilespmem:s18+$0x2070] =	vst v0  }
0x25: {  	[tilespmem:s18+$0x2000] =	vst v0  }
0x26: {  	[tilespmem:s18+$0x2010] =	vst v0  }
.Ltmp0:
0x27: {  	[tilespmem:s18+$0x2020] =	vst v0;
	(pc) =	sbr.rel @p0 .LBB2_2-.Ltmp0, $4  }
0x28: {  	[tilespmem:s18+$0x2030] =	vst v0  }
0x29: {  	[tilespmem:s18+$0x2040] =	vst v0  }
0x2a: {  	[tilespmem:s18+$0x2050] =	vst v0  }
0x2b: {  	[tilespmem:s18+$0x2060] =	vst v0;
	s18 =	sshra.s32 s19, $0x2;
	s19 =	sadd.s32 $0x200, s19  }
0x2c: {  	[tilespmem:s18+$0x2070] =	vst v0  }
0x2d: {  	[tilespmem:s18+$0x2000] =	vst v0  }
0x2e: {  	[tilespmem:s18+$0x2010] =	vst v0  }
0x2f: {  	[tilespmem:s18+$0x2020] =	vst v0  }
0x30: {  	[tilespmem:s18+$0x2030] =	vst v0  }
0x31: {  	[tilespmem:s18+$0x2040] =	vst v0  }
0x32: {  	[tilespmem:s18+$0x2050] =	vst v0  }
0x33: {  	[tilespmem:s18+$0x2060] =	vst v0;
	s0 =	rddreg [dreg:$0x14]  }
0x34: {  	[spmem:s0] =	stream.linear.scatter [tilespmem:s23], [sflag:$0x4], $0x4000, $0x38;
	[tilespmem:$0x1E000] =	vst v63  }
0x35: {  	_ =	swait.ge [sflag:s24], $0x4000  }
0x36: {  	[sflag:s24] =	ssyncset.done $0x0  }
0x37: {  	s0 =	rddreg [dreg:$0x6];
	[sflag:s24] =	ssyncadd.s32 $0xFFFFC000  }
0x38: {  	[spmem:s0] =	stream.linear.scatter [tilespmem:s23], [sflag:$0x4], $0x4000, $0x38;
	[tilespmem:$0x1E000] =	vst v63  }
0x39: {  	_ =	swait.ge [sflag:s24], $0x4000  }
0x3a: {  	[sflag:s24] =	ssyncset.done $0x0  }
0x3b: {  	s19 =	rddreg [dreg:$0x7];
	[sflag:s24] =	ssyncadd.s32 $0xFFFFC000  }
0x3c: {  	[spmem:s19] =	stream.linear.scatter [tilespmem:s23], [sflag:$0x4], $0x4000, $0x38;
	[tilespmem:$0x1E000] =	vst v63  }
0x3d: {  	_ =	swait.ge [sflag:s24], $0x4000  }
0x3e: {  	[sflag:s24] =	ssyncset.done $0x0  }
0x3f: {  	s20 =	rddreg [dreg:$0x8];
	[sflag:s24] =	ssyncadd.s32 $0xFFFFC000  }
0x40: {  	[spmem:s20] =	stream.linear.scatter [tilespmem:s23], [sflag:$0x4], $0x4000, $0x38;
	[tilespmem:$0x1E000] =	vst v63  }
0x41: {  	_ =	swait.ge [sflag:s24], $0x4000  }
0x42: {  	[sflag:s24] =	ssyncset.done $0x0  }
0x43: {  	s29 =	rddreg [dreg:$0x9];
	[sflag:s24] =	ssyncadd.s32 $0xFFFFC000  }
0x44: {  	[spmem:s29] =	stream.linear.scatter [tilespmem:s23], [sflag:$0x4], $0x4000, $0x38;
	[tilespmem:$0x1E000] =	vst v63  }
0x45: {  	_ =	swait.ge [sflag:s24], $0x4000  }
0x46: {  	[sflag:s24] =	ssyncset.done $0x0  }
0x47: {  	[sflag:s24] =	ssyncadd.s32 $0xFFFFC000  }
0x48: {  	_ =	swait.ge [sflag:s25], $0x800  }
0x49: {  	[sflag:s25] =	ssyncset.done $0x0  }
0x4a: {  	[sflag:s25] =	ssyncadd.s32 $0xFFFFF800  }
0x4b: {  	_ =	swait.ge [sflag:s25], $0x800  }
0x4c: {  	[sflag:s25] =	ssyncset.done $0x0  }
0x4d: {  	[sflag:s25] =	ssyncadd.s32 $0xFFFFF800  }
0x4e: {  	[bflag:$0x0] =	sbarrier.arrive $0xFFFF  }
0x4f: {  	[tilespmem:s23], [sflag:$0x2] =	stream.indirect.gather [hbm4b:s1+s26], $0x80, s4, s26, $0xb8;
	[tilespmem:$0x1E000] =	vst v63  }
0x50: {  	s29 =	simm.s32 $0x1000;
	s0 =	rddreg [dreg:$0xa]  }
0x51: {  	[tilespmem:s29], [sflag:$0x1] =	stream.linear.gather [hbm4b:s0+s4], $0x800, $0x38;
	[tilespmem:$0x1E000] =	vst v63  }
0x52: {  	s19 =	rddreg [dreg:$0xb]  }
0x53: {  	[tilespmem:s6], [sflag:$0x1] =	stream.linear.gather [hbm4b:s19+s4], $0x800, $0x38;
	[tilespmem:$0x1E000] =	vst v63  }
0x54: {  	_ =	swait.ge [sflag:s30], $0x4000  }
0x55: {  	[sflag:s30] =	ssyncset.done $0x0  }
0x56: {  	[sflag:s30] =	ssyncadd.s32 $0xFFFFC000  }
0x57: {  	[tilespmem:s31], [sflag:$0x3] =	stream.indirect.gather [hbm4b:s1+s26], $0x80, s26, s26, $0xb8;
	[tilespmem:$0x1E000] =	vst v63  }
0x58: {  	_ = 	snop  }
0x59: {  	[spmem:s2] =	stream.indirect.scatter.add.f32 [tilespmem:s23], [sflag:$0x4], $0x80, s5, s26, $0xb8;
	[tilespmem:$0x1E000] =	vst v63  }
0x5a: {  	_ =	swait.ge [sflag:s24], $0x4000  }
0x5b: {  	[sflag:s24] =	ssyncset.done $0x0  }
0x5c: {  	s20 =	simm.s32 $0x100;
	[sflag:s24] =	ssyncadd.s32 $0xFFFFC000  }
0x5d: {  	[tilespmem:s23], [sflag:$0x2] =	stream.indirect.gather [hbm4b:s1+s26], $0x80, s20, s26, $0xb8;
	[tilespmem:$0x1E000] =	vst v63  }
0x5e: {  	_ =	swait.ge [sflag:s3], $0x4000  }
0x5f: {  	[sflag:s3] =	ssyncset.done $0x0  }
0x60: {  	s18 =	simm.s32 $0x880;
	[sflag:s3] =	ssyncadd.s32 $0xFFFFC000  }
0x61: {  	[spmem:s2] =	stream.indirect.scatter.add.f32 [tilespmem:s31], [sflag:$0x4], $0x80, s18, s26, $0xb8;
	[tilespmem:$0x1E000] =	vst v63  }
0x62: {  	_ =	swait.ge [sflag:s24], $0x4000  }
0x63: {  	[sflag:s24] =	ssyncset.done $0x0  }
0x64: {  	[sflag:s24] =	ssyncadd.s32 $0xFFFFC000  }
0x65: {  	_ =	swait.ge [sflag:s30], $0x4000  }
0x66: {  	[sflag:s30] =	ssyncset.done $0x0  }
0x67: {  	s19 =	simm.s32 $0x180;
	[sflag:s30] =	ssyncadd.s32 $0xFFFFC000  }
0x68: {  	[tilespmem:s31], [sflag:$0x3] =	stream.indirect.gather [hbm4b:s1+s26], $0x80, s19, s26, $0xb8;
	[tilespmem:$0x1E000] =	vst v63  }
0x69: {  	s20 =	simm.s32 $0x900  }
0x6a: {  	[spmem:s2] =	stream.indirect.scatter.add.f32 [tilespmem:s23], [sflag:$0x4], $0x80, s20, s26, $0xb8;
	[tilespmem:$0x1E000] =	vst v63  }
0x6b: {  	_ =	swait.ge [sflag:s24], $0x4000  }
0x6c: {  	[sflag:s24] =	ssyncset.done $0x0  }
0x6d: {  	s18 =	simm.s32 $0x200;
	[sflag:s24] =	ssyncadd.s32 $0xFFFFC000  }
0x6e: {  	[tilespmem:s23], [sflag:$0x2] =	stream.indirect.gather [hbm4b:s1+s26], $0x80, s18, s26, $0xb8;
	[tilespmem:$0x1E000] =	vst v63  }
0x6f: {  	_ =	swait.ge [sflag:s3], $0x4000  }
0x70: {  	[sflag:s3] =	ssyncset.done $0x0  }
0x71: {  	s19 =	simm.s32 $0x980;
	[sflag:s3] =	ssyncadd.s32 $0xFFFFC000  }
0x72: {  	[spmem:s2] =	stream.indirect.scatter.add.f32 [tilespmem:s31], [sflag:$0x4], $0x80, s19, s26, $0xb8;
	[tilespmem:$0x1E000] =	vst v63  }
0x73: {  	_ =	swait.ge [sflag:s24], $0x4000  }
0x74: {  	[sflag:s24] =	ssyncset.done $0x0  }
0x75: {  	[sflag:s24] =	ssyncadd.s32 $0xFFFFC000  }
0x76: {  	_ =	swait.ge [sflag:s30], $0x4000  }
0x77: {  	[sflag:s30] =	ssyncset.done $0x0  }
0x78: {  	s20 =	simm.s32 $0x280;
	[sflag:s30] =	ssyncadd.s32 $0xFFFFC000  }
0x79: {  	[tilespmem:s31], [sflag:$0x3] =	stream.indirect.gather [hbm4b:s1+s26], $0x80, s20, s26, $0xb8;
	[tilespmem:$0x1E000] =	vst v63  }
0x7a: {  	s18 =	simm.s32 $0xA00  }
0x7b: {  	[spmem:s2] =	stream.indirect.scatter.add.f32 [tilespmem:s23], [sflag:$0x4], $0x80, s18, s26, $0xb8;
	[tilespmem:$0x1E000] =	vst v63  }
0x7c: {  	_ =	swait.ge [sflag:s24], $0x4000  }
0x7d: {  	[sflag:s24] =	ssyncset.done $0x0  }
0x7e: {  	s19 =	simm.s32 $0x300;
	[sflag:s24] =	ssyncadd.s32 $0xFFFFC000  }
0x7f: {  	[tilespmem:s23], [sflag:$0x2] =	stream.indirect.gather [hbm4b:s1+s26], $0x80, s19, s26, $0xb8;
	[tilespmem:$0x1E000] =	vst v63  }
0x80: {  	_ =	swait.ge [sflag:s3], $0x4000  }
0x81: {  	[sflag:s3] =	ssyncset.done $0x0  }
0x82: {  	s20 =	simm.s32 $0xA80;
	[sflag:s3] =	ssyncadd.s32 $0xFFFFC000  }
0x83: {  	[spmem:s2] =	stream.indirect.scatter.add.f32 [tilespmem:s31], [sflag:$0x4], $0x80, s20, s26, $0xb8;
	[tilespmem:$0x1E000] =	vst v63  }
0x84: {  	_ =	swait.ge [sflag:s24], $0x4000  }
0x85: {  	[sflag:s24] =	ssyncset.done $0x0  }
0x86: {  	[sflag:s24] =	ssyncadd.s32 $0xFFFFC000  }
0x87: {  	_ =	swait.ge [sflag:s30], $0x4000  }
0x88: {  	[sflag:s30] =	ssyncset.done $0x0  }
0x89: {  	s18 =	simm.s32 $0x380;
	[sflag:s30] =	ssyncadd.s32 $0xFFFFC000  }
0x8a: {  	[tilespmem:s31], [sflag:$0x3] =	stream.indirect.gather [hbm4b:s1+s26], $0x80, s18, s26, $0xb8;
	[tilespmem:$0x1E000] =	vst v63  }
0x8b: {  	s19 =	simm.s32 $0xB00  }
0x8c: {  	[spmem:s2] =	stream.indirect.scatter.add.f32 [tilespmem:s23], [sflag:$0x4], $0x80, s19, s26, $0xb8;
	[tilespmem:$0x1E000] =	vst v63  }
0x8d: {  	_ =	swait.ge [sflag:s24], $0x4000  }
0x8e: {  	[sflag:s24] =	ssyncset.done $0x0  }
0x8f: {  	s20 =	simm.s32 $0x400;
	[sflag:s24] =	ssyncadd.s32 $0xFFFFC000  }
0x90: {  	[tilespmem:s23], [sflag:$0x2] =	stream.indirect.gather [hbm4b:s1+s26], $0x80, s20, s26, $0xb8;
	[tilespmem:$0x1E000] =	vst v63  }
0x91: {  	_ =	swait.ge [sflag:s3], $0x4000  }
0x92: {  	[sflag:s3] =	ssyncset.done $0x0  }
0x93: {  	s18 =	simm.s32 $0xB80;
	[sflag:s3] =	ssyncadd.s32 $0xFFFFC000  }
0x94: {  	[spmem:s2] =	stream.indirect.scatter.add.f32 [tilespmem:s31], [sflag:$0x4], $0x80, s18, s26, $0xb8;
	[tilespmem:$0x1E000] =	vst v63  }
0x95: {  	_ =	swait.ge [sflag:s24], $0x4000  }
0x96: {  	[sflag:s24] =	ssyncset.done $0x0  }
0x97: {  	[sflag:s24] =	ssyncadd.s32 $0xFFFFC000  }
0x98: {  	_ =	swait.ge [sflag:s30], $0x4000  }
0x99: {  	[sflag:s30] =	ssyncset.done $0x0  }
0x9a: {  	s19 =	simm.s32 $0x480;
	[sflag:s30] =	ssyncadd.s32 $0xFFFFC000  }
0x9b: {  	[tilespmem:s31], [sflag:$0x3] =	stream.indirect.gather [hbm4b:s1+s26], $0x80, s19, s26, $0xb8;
	[tilespmem:$0x1E000] =	vst v63  }
0x9c: {  	s20 =	simm.s32 $0xC00  }
0x9d: {  	[spmem:s2] =	stream.indirect.scatter.add.f32 [tilespmem:s23], [sflag:$0x4], $0x80, s20, s26, $0xb8;
	[tilespmem:$0x1E000] =	vst v63  }
0x9e: {  	_ =	swait.ge [sflag:s24], $0x4000  }
0x9f: {  	[sflag:s24] =	ssyncset.done $0x0  }
0xa0: {  	s18 =	simm.s32 $0x500;
	[sflag:s24] =	ssyncadd.s32 $0xFFFFC000  }
0xa1: {  	[tilespmem:s23], [sflag:$0x2] =	stream.indirect.gather [hbm4b:s1+s26], $0x80, s18, s26, $0xb8;
	[tilespmem:$0x1E000] =	vst v63  }
0xa2: {  	_ =	swait.ge [sflag:s3], $0x4000  }
0xa3: {  	[sflag:s3] =	ssyncset.done $0x0  }
0xa4: {  	s19 =	simm.s32 $0xC80;
	[sflag:s3] =	ssyncadd.s32 $0xFFFFC000  }
0xa5: {  	[spmem:s2] =	stream.indirect.scatter.add.f32 [tilespmem:s31], [sflag:$0x4], $0x80, s19, s26, $0xb8;
	[tilespmem:$0x1E000] =	vst v63  }
0xa6: {  	_ =	swait.ge [sflag:s24], $0x4000  }
0xa7: {  	[sflag:s24] =	ssyncset.done $0x0  }
0xa8: {  	[sflag:s24] =	ssyncadd.s32 $0xFFFFC000  }
0xa9: {  	_ =	swait.ge [sflag:s30], $0x4000  }
0xaa: {  	[sflag:s30] =	ssyncset.done $0x0  }
0xab: {  	s20 =	simm.s32 $0x580;
	[sflag:s30] =	ssyncadd.s32 $0xFFFFC000  }
0xac: {  	[tilespmem:s31], [sflag:$0x3] =	stream.indirect.gather [hbm4b:s1+s26], $0x80, s20, s26, $0xb8;
	[tilespmem:$0x1E000] =	vst v63  }
0xad: {  	s18 =	simm.s32 $0xD00  }
0xae: {  	[spmem:s2] =	stream.indirect.scatter.add.f32 [tilespmem:s23], [sflag:$0x4], $0x80, s18, s26, $0xb8;
	[tilespmem:$0x1E000] =	vst v63  }
0xaf: {  	_ =	swait.ge [sflag:s24], $0x4000  }
0xb0: {  	[sflag:s24] =	ssyncset.done $0x0  }
0xb1: {  	s19 =	simm.s32 $0x600;
	[sflag:s24] =	ssyncadd.s32 $0xFFFFC000  }
0xb2: {  	[tilespmem:s23], [sflag:$0x2] =	stream.indirect.gather [hbm4b:s1+s26], $0x80, s19, s26, $0xb8;
	[tilespmem:$0x1E000] =	vst v63  }
0xb3: {  	_ =	swait.ge [sflag:s3], $0x4000  }
0xb4: {  	[sflag:s3] =	ssyncset.done $0x0  }
0xb5: {  	s20 =	simm.s32 $0xD80;
	[sflag:s3] =	ssyncadd.s32 $0xFFFFC000  }
0xb6: {  	[spmem:s2] =	stream.indirect.scatter.add.f32 [tilespmem:s31], [sflag:$0x4], $0x80, s20, s26, $0xb8;
	[tilespmem:$0x1E000] =	vst v63  }
0xb7: {  	_ =	swait.ge [sflag:s24], $0x4000  }
0xb8: {  	[sflag:s24] =	ssyncset.done $0x0  }
0xb9: {  	[sflag:s24] =	ssyncadd.s32 $0xFFFFC000  }
0xba: {  	_ =	swait.ge [sflag:s30], $0x4000  }
0xbb: {  	[sflag:s30] =	ssyncset.done $0x0  }
0xbc: {  	s18 =	simm.s32 $0x680;
	[sflag:s30] =	ssyncadd.s32 $0xFFFFC000  }
0xbd: {  	[tilespmem:s31], [sflag:$0x3] =	stream.indirect.gather [hbm4b:s1+s26], $0x80, s18, s26, $0xb8;
	[tilespmem:$0x1E000] =	vst v63  }
0xbe: {  	s19 =	simm.s32 $0xE00  }
0xbf: {  	[spmem:s2] =	stream.indirect.scatter.add.f32 [tilespmem:s23], [sflag:$0x4], $0x80, s19, s26, $0xb8;
	[tilespmem:$0x1E000] =	vst v63  }
0xc0: {  	_ =	swait.ge [sflag:s24], $0x4000  }
0xc1: {  	[sflag:s24] =	ssyncset.done $0x0  }
0xc2: {  	s20 =	simm.s32 $0x700;
	[sflag:s24] =	ssyncadd.s32 $0xFFFFC000  }
0xc3: {  	[tilespmem:s23], [sflag:$0x2] =	stream.indirect.gather [hbm4b:s1+s26], $0x80, s20, s26, $0xb8;
	[tilespmem:$0x1E000] =	vst v63  }
0xc4: {  	_ =	swait.ge [sflag:s3], $0x4000  }
0xc5: {  	[sflag:s3] =	ssyncset.done $0x0  }
0xc6: {  	s18 =	simm.s32 $0xE80;
	[sflag:s3] =	ssyncadd.s32 $0xFFFFC000  }
0xc7: {  	[spmem:s2] =	stream.indirect.scatter.add.f32 [tilespmem:s31], [sflag:$0x4], $0x80, s18, s26, $0xb8;
	[tilespmem:$0x1E000] =	vst v63  }
0xc8: {  	_ =	swait.ge [sflag:s24], $0x4000  }
0xc9: {  	[sflag:s24] =	ssyncset.done $0x0  }
0xca: {  	[sflag:s24] =	ssyncadd.s32 $0xFFFFC000  }
0xcb: {  	_ =	swait.ge [sflag:s30], $0x4000  }
0xcc: {  	[sflag:s30] =	ssyncset.done $0x0  }
0xcd: {  	s19 =	simm.s32 $0x780;
	[sflag:s30] =	ssyncadd.s32 $0xFFFFC000  }
0xce: {  	[tilespmem:s31], [sflag:$0x3] =	stream.indirect.gather [hbm4b:s1+s26], $0x80, s19, s26, $0xb8;
	[tilespmem:$0x1E000] =	vst v63  }
0xcf: {  	s20 =	simm.s32 $0xF00  }
0xd0: {  	[spmem:s2] =	stream.indirect.scatter.add.f32 [tilespmem:s23], [sflag:$0x4], $0x80, s20, s26, $0xb8;
	[tilespmem:$0x1E000] =	vst v63  }
0xd1: {  	_ =	swait.ge [sflag:s24], $0x4000  }
0xd2: {  	[sflag:s24] =	ssyncset.done $0x0  }
0xd3: {  	[sflag:s24] =	ssyncadd.s32 $0xFFFFC000  }
0xd4: {  	_ =	swait.ge [sflag:s25], $0x800  }
0xd5: {  	[sflag:s25] =	ssyncset.done $0x0  }
0xd6: {  	[sflag:s25] =	ssyncadd.s32 $0xFFFFF800  }
0xd7: {  	_ =	swait.ge [sflag:s25], $0x800  }
0xd8: {  	[sflag:s25] =	ssyncset.done $0x0  }
0xd9: {  	[sflag:s25] =	ssyncadd.s32 $0xFFFFF800  }
0xda: {  	[tilespmem:s23], [sflag:$0x2] =	stream.indirect.gather [hbm4b:s1+s26], $0x80, s29, s26, $0xb8;
	[tilespmem:$0x1E000] =	vst v63  }
0xdb: {  	_ =	swait.ge [sflag:s3], $0x4000  }
0xdc: {  	[sflag:s3] =	ssyncset.done $0x0  }
0xdd: {  	s18 =	simm.s32 $0xF80;
	[sflag:s3] =	ssyncadd.s32 $0xFFFFC000  }
0xde: {  	[spmem:s2] =	stream.indirect.scatter.add.f32 [tilespmem:s31], [sflag:$0x4], $0x80, s18, s26, $0xb8;
	[tilespmem:$0x1E000] =	vst v63  }
0xdf: {  	_ =	swait.ge [sflag:s24], $0x4000  }
0xe0: {  	[sflag:s24] =	ssyncset.done $0x0  }
0xe1: {  	s19 =	rddreg [dreg:$0xc];
	[sflag:s24] =	ssyncadd.s32 $0xFFFFC000  }
0xe2: {  	[tilespmem:s4], [sflag:$0x1] =	stream.linear.gather [hbm4b:s19+s4], $0x800, $0x38;
	[tilespmem:$0x1E000] =	vst v63  }
0xe3: {  	s20 =	rddreg [dreg:$0xd]  }
0xe4: {  	[tilespmem:s5], [sflag:$0x1] =	stream.linear.gather [hbm4b:s20+s4], $0x800, $0x38;
	[tilespmem:$0x1E000] =	vst v63  }
0xe5: {  	_ =	swait.ge [sflag:s30], $0x4000  }
0xe6: {  	[sflag:s30] =	ssyncset.done $0x0  }
0xe7: {  	[sflag:s30] =	ssyncadd.s32 $0xFFFFC000  }
0xe8: {  	[tilespmem:s31], [sflag:$0x3] =	stream.indirect.gather [hbm4b:s1+s26], $0x80, s22, s26, $0xb8;
	[tilespmem:$0x1E000] =	vst v63  }
0xe9: {  	_ = 	snop  }
0xea: {  	[spmem:s2] =	stream.indirect.scatter.add.f32 [tilespmem:s23], [sflag:$0x4], $0x80, s6, s26, $0xb8;
	[tilespmem:$0x1E000] =	vst v63  }
0xeb: {  	_ =	swait.ge [sflag:s24], $0x4000  }
0xec: {  	[sflag:s24] =	ssyncset.done $0x0  }
0xed: {  	[sflag:s24] =	ssyncadd.s32 $0xFFFFC000  }
0xee: {  	[tilespmem:s23], [sflag:$0x2] =	stream.indirect.gather [hbm4b:s1+s26], $0x80, s7, s26, $0xb8;
	[tilespmem:$0x1E000] =	vst v63  }
0xef: {  	_ =	swait.ge [sflag:s3], $0x4000  }
0xf0: {  	[sflag:s3] =	ssyncset.done $0x0  }
0xf1: {  	[sflag:s3] =	ssyncadd.s32 $0xFFFFC000  }
0xf2: {  	[spmem:s2] =	stream.indirect.scatter.add.f32 [tilespmem:s31], [sflag:$0x4], $0x80, s8, s26, $0xb8;
	[tilespmem:$0x1E000] =	vst v63  }
0xf3: {  	_ =	swait.ge [sflag:s24], $0x4000  }
0xf4: {  	[sflag:s24] =	ssyncset.done $0x0  }
0xf5: {  	[sflag:s24] =	ssyncadd.s32 $0xFFFFC000  }
0xf6: {  	_ =	swait.ge [sflag:s30], $0x4000  }
0xf7: {  	[sflag:s30] =	ssyncset.done $0x0  }
0xf8: {  	[sflag:s30] =	ssyncadd.s32 $0xFFFFC000  }
0xf9: {  	[tilespmem:s31], [sflag:$0x3] =	stream.indirect.gather [hbm4b:s1+s26], $0x80, s9, s26, $0xb8;
	[tilespmem:$0x1E000] =	vst v63  }
0xfa: {  	_ = 	snop  }
0xfb: {  	[spmem:s2] =	stream.indirect.scatter.add.f32 [tilespmem:s23], [sflag:$0x4], $0x80, s10, s26, $0xb8;
	[tilespmem:$0x1E000] =	vst v63  }
0xfc: {  	_ =	swait.ge [sflag:s24], $0x4000  }
0xfd: {  	[sflag:s24] =	ssyncset.done $0x0  }
0xfe: {  	[sflag:s24] =	ssyncadd.s32 $0xFFFFC000  }
0xff: {  	[tilespmem:s23], [sflag:$0x2] =	stream.indirect.gather [hbm4b:s1+s26], $0x80, s11, s26, $0xb8;
	[tilespmem:$0x1E000] =	vst v63  }
0x100: {  	_ =	swait.ge [sflag:s3], $0x4000  }
0x101: {  	[sflag:s3] =	ssyncset.done $0x0  }
0x102: {  	[sflag:s3] =	ssyncadd.s32 $0xFFFFC000  }
0x103: {  	[spmem:s2] =	stream.indirect.scatter.add.f32 [tilespmem:s31], [sflag:$0x4], $0x80, s12, s26, $0xb8;
	[tilespmem:$0x1E000] =	vst v63  }
0x104: {  	_ =	swait.ge [sflag:s24], $0x4000  }
0x105: {  	[sflag:s24] =	ssyncset.done $0x0  }
0x106: {  	[sflag:s24] =	ssyncadd.s32 $0xFFFFC000  }
0x107: {  	_ =	swait.ge [sflag:s30], $0x4000  }
0x108: {  	[sflag:s30] =	ssyncset.done $0x0  }
0x109: {  	[sflag:s30] =	ssyncadd.s32 $0xFFFFC000  }
0x10a: {  	[tilespmem:s31], [sflag:$0x3] =	stream.indirect.gather [hbm4b:s1+s26], $0x80, s13, s26, $0xb8;
	[tilespmem:$0x1E000] =	vst v63  }
0x10b: {  	_ = 	snop  }
0x10c: {  	[spmem:s2] =	stream.indirect.scatter.add.f32 [tilespmem:s23], [sflag:$0x4], $0x80, s14, s26, $0xb8;
	[tilespmem:$0x1E000] =	vst v63  }
0x10d: {  	_ =	swait.ge [sflag:s24], $0x4000  }
0x10e: {  	[sflag:s24] =	ssyncset.done $0x0  }
0x10f: {  	[sflag:s24] =	ssyncadd.s32 $0xFFFFC000  }
0x110: {  	[tilespmem:s23], [sflag:$0x2] =	stream.indirect.gather [hbm4b:s1+s26], $0x80, s15, s26, $0xb8;
	[tilespmem:$0x1E000] =	vst v63  }
0x111: {  	_ =	swait.ge [sflag:s3], $0x4000  }
0x112: {  	[sflag:s3] =	ssyncset.done $0x0  }
0x113: {  	[sflag:s3] =	ssyncadd.s32 $0xFFFFC000  }
0x114: {  	[spmem:s2] =	stream.indirect.scatter.add.f32 [tilespmem:s31], [sflag:$0x4], $0x80, s16, s26, $0xb8;
	[tilespmem:$0x1E000] =	vst v63  }
0x115: {  	_ =	swait.ge [sflag:s24], $0x4000  }
0x116: {  	[sflag:s24] =	ssyncset.done $0x0  }
0x117: {  	[sflag:s24] =	ssyncadd.s32 $0xFFFFC000  }
0x118: {  	_ =	swait.ge [sflag:s30], $0x4000  }
0x119: {  	[sflag:s30] =	ssyncset.done $0x0  }
0x11a: {  	[sflag:s30] =	ssyncadd.s32 $0xFFFFC000  }
0x11b: {  	[tilespmem:s31], [sflag:$0x3] =	stream.indirect.gather [hbm4b:s1+s26], $0x80, s21, s26, $0xb8;
	[tilespmem:$0x1E000] =	vst v63  }
0x11c: {  	_ = 	snop  }
0x11d: {  	[spmem:s2] =	stream.indirect.scatter.add.f32 [tilespmem:s23], [sflag:$0x4], $0x80, s28, s26, $0xb8;
	[tilespmem:$0x1E000] =	vst v63  }
0x11e: {  	_ =	swait.ge [sflag:s24], $0x4000  }
0x11f: {  	[sflag:s24] =	ssyncset.done $0x0  }
0x120: {  	s5 =	simm.s32 $0x1400;
	[sflag:s24] =	ssyncadd.s32 $0xFFFFC000  }
0x121: {  	[tilespmem:s23], [sflag:$0x2] =	stream.indirect.gather [hbm4b:s1+s26], $0x80, s5, s26, $0xb8;
	[tilespmem:$0x1E000] =	vst v63  }
0x122: {  	_ =	swait.ge [sflag:s3], $0x4000  }
0x123: {  	[sflag:s3] =	ssyncset.done $0x0  }
0x124: {  	s19 =	simm.s32 $0x1B80;
	[sflag:s3] =	ssyncadd.s32 $0xFFFFC000  }
0x125: {  	[spmem:s2] =	stream.indirect.scatter.add.f32 [tilespmem:s31], [sflag:$0x4], $0x80, s19, s26, $0xb8;
	[tilespmem:$0x1E000] =	vst v63  }
0x126: {  	_ =	swait.ge [sflag:s24], $0x4000  }
0x127: {  	[sflag:s24] =	ssyncset.done $0x0  }
0x128: {  	[sflag:s24] =	ssyncadd.s32 $0xFFFFC000  }
0x129: {  	_ =	swait.ge [sflag:s30], $0x4000  }
0x12a: {  	[sflag:s30] =	ssyncset.done $0x0  }
0x12b: {  	s20 =	simm.s32 $0x1480;
	[sflag:s30] =	ssyncadd.s32 $0xFFFFC000  }
0x12c: {  	[tilespmem:s31], [sflag:$0x3] =	stream.indirect.gather [hbm4b:s1+s26], $0x80, s20, s26, $0xb8;
	[tilespmem:$0x1E000] =	vst v63  }
0x12d: {  	s18 =	simm.s32 $0x1C00  }
0x12e: {  	[spmem:s2] =	stream.indirect.scatter.add.f32 [tilespmem:s23], [sflag:$0x4], $0x80, s18, s26, $0xb8;
	[tilespmem:$0x1E000] =	vst v63  }
0x12f: {  	_ =	swait.ge [sflag:s24], $0x4000  }
0x130: {  	[sflag:s24] =	ssyncset.done $0x0  }
0x131: {  	s18 =	simm.s32 $0x1500;
	[sflag:s24] =	ssyncadd.s32 $0xFFFFC000  }
0x132: {  	[tilespmem:s23], [sflag:$0x2] =	stream.indirect.gather [hbm4b:s1+s26], $0x80, s18, s26, $0xb8;
	[tilespmem:$0x1E000] =	vst v63  }
0x133: {  	_ =	swait.ge [sflag:s3], $0x4000  }
0x134: {  	[sflag:s3] =	ssyncset.done $0x0  }
0x135: {  	s18 =	simm.s32 $0x1C80;
	[sflag:s3] =	ssyncadd.s32 $0xFFFFC000  }
0x136: {  	[spmem:s2] =	stream.indirect.scatter.add.f32 [tilespmem:s31], [sflag:$0x4], $0x80, s18, s26, $0xb8;
	[tilespmem:$0x1E000] =	vst v63  }
0x137: {  	_ =	swait.ge [sflag:s24], $0x4000  }
0x138: {  	[sflag:s24] =	ssyncset.done $0x0  }
0x139: {  	[sflag:s24] =	ssyncadd.s32 $0xFFFFC000  }
0x13a: {  	_ =	swait.ge [sflag:s30], $0x4000  }
0x13b: {  	[sflag:s30] =	ssyncset.done $0x0  }
0x13c: {  	s18 =	simm.s32 $0x1580;
	[sflag:s30] =	ssyncadd.s32 $0xFFFFC000  }
0x13d: {  	[tilespmem:s31], [sflag:$0x3] =	stream.indirect.gather [hbm4b:s1+s26], $0x80, s18, s26, $0xb8;
	[tilespmem:$0x1E000] =	vst v63  }
0x13e: {  	s18 =	simm.s32 $0x1D00  }
0x13f: {  	[spmem:s2] =	stream.indirect.scatter.add.f32 [tilespmem:s23], [sflag:$0x4], $0x80, s18, s26, $0xb8;
	[tilespmem:$0x1E000] =	vst v63  }
0x140: {  	_ =	swait.ge [sflag:s24], $0x4000  }
0x141: {  	[sflag:s24] =	ssyncset.done $0x0  }
0x142: {  	s18 =	simm.s32 $0x1600;
	[sflag:s24] =	ssyncadd.s32 $0xFFFFC000  }
0x143: {  	[tilespmem:s23], [sflag:$0x2] =	stream.indirect.gather [hbm4b:s1+s26], $0x80, s18, s26, $0xb8;
	[tilespmem:$0x1E000] =	vst v63  }
0x144: {  	_ =	swait.ge [sflag:s3], $0x4000  }
0x145: {  	[sflag:s3] =	ssyncset.done $0x0  }
0x146: {  	s18 =	simm.s32 $0x1D80;
	[sflag:s3] =	ssyncadd.s32 $0xFFFFC000  }
0x147: {  	[spmem:s2] =	stream.indirect.scatter.add.f32 [tilespmem:s31], [sflag:$0x4], $0x80, s18, s26, $0xb8;
	[tilespmem:$0x1E000] =	vst v63  }
0x148: {  	_ =	swait.ge [sflag:s24], $0x4000  }
0x149: {  	[sflag:s24] =	ssyncset.done $0x0  }
0x14a: {  	[sflag:s24] =	ssyncadd.s32 $0xFFFFC000  }
0x14b: {  	_ =	swait.ge [sflag:s30], $0x4000  }
0x14c: {  	[sflag:s30] =	ssyncset.done $0x0  }
0x14d: {  	s18 =	simm.s32 $0x1680;
	[sflag:s30] =	ssyncadd.s32 $0xFFFFC000  }
0x14e: {  	[tilespmem:s31], [sflag:$0x3] =	stream.indirect.gather [hbm4b:s1+s26], $0x80, s18, s26, $0xb8;
	[tilespmem:$0x1E000] =	vst v63  }
0x14f: {  	s18 =	simm.s32 $0x1E00  }
0x150: {  	[spmem:s2] =	stream.indirect.scatter.add.f32 [tilespmem:s23], [sflag:$0x4], $0x80, s18, s26, $0xb8;
	[tilespmem:$0x1E000] =	vst v63  }
0x151: {  	_ =	swait.ge [sflag:s24], $0x4000  }
0x152: {  	[sflag:s24] =	ssyncset.done $0x0  }
0x153: {  	s18 =	simm.s32 $0x1700;
	[sflag:s24] =	ssyncadd.s32 $0xFFFFC000  }
0x154: {  	[tilespmem:s23], [sflag:$0x2] =	stream.indirect.gather [hbm4b:s1+s26], $0x80, s18, s26, $0xb8;
	[tilespmem:$0x1E000] =	vst v63  }
0x155: {  	_ =	swait.ge [sflag:s3], $0x4000  }
0x156: {  	[sflag:s3] =	ssyncset.done $0x0  }
0x157: {  	s18 =	simm.s32 $0x1E80;
	[sflag:s3] =	ssyncadd.s32 $0xFFFFC000  }
0x158: {  	[spmem:s2] =	stream.indirect.scatter.add.f32 [tilespmem:s31], [sflag:$0x4], $0x80, s18, s26, $0xb8;
	[tilespmem:$0x1E000] =	vst v63  }
0x159: {  	_ =	swait.ge [sflag:s24], $0x4000  }
0x15a: {  	[sflag:s24] =	ssyncset.done $0x0  }
0x15b: {  	[sflag:s24] =	ssyncadd.s32 $0xFFFFC000  }
0x15c: {  	_ =	swait.ge [sflag:s30], $0x4000  }
0x15d: {  	[sflag:s30] =	ssyncset.done $0x0  }
0x15e: {  	s18 =	simm.s32 $0x1780;
	[sflag:s30] =	ssyncadd.s32 $0xFFFFC000  }
0x15f: {  	[tilespmem:s31], [sflag:$0x3] =	stream.indirect.gather [hbm4b:s1+s26], $0x80, s18, s26, $0xb8;
	[tilespmem:$0x1E000] =	vst v63  }
0x160: {  	s18 =	simm.s32 $0x1F00  }
0x161: {  	[spmem:s2] =	stream.indirect.scatter.add.f32 [tilespmem:s23], [sflag:$0x4], $0x80, s18, s26, $0xb8;
	[tilespmem:$0x1E000] =	vst v63  }
0x162: {  	_ =	swait.ge [sflag:s24], $0x4000  }
0x163: {  	[sflag:s24] =	ssyncset.done $0x0  }
0x164: {  	[sflag:s24] =	ssyncadd.s32 $0xFFFFC000  }
0x165: {  	_ =	swait.ge [sflag:s25], $0x800  }
0x166: {  	[sflag:s25] =	ssyncset.done $0x0  }
0x167: {  	[sflag:s25] =	ssyncadd.s32 $0xFFFFF800  }
0x168: {  	_ =	swait.ge [sflag:s25], $0x800  }
0x169: {  	[sflag:s25] =	ssyncset.done $0x0  }
0x16a: {  	[sflag:s25] =	ssyncadd.s32 $0xFFFFF800  }
0x16b: {  	[tilespmem:s23], [sflag:$0x2] =	stream.indirect.gather [hbm4b:s1+s26], $0x80, s4, s26, $0xb8;
	[tilespmem:$0x1E000] =	vst v63  }
0x16c: {  	_ =	swait.ge [sflag:s3], $0x4000  }
0x16d: {  	[sflag:s3] =	ssyncset.done $0x0  }
0x16e: {  	s18 =	simm.s32 $0x1F80;
	[sflag:s3] =	ssyncadd.s32 $0xFFFFC000  }
0x16f: {  	[spmem:s2] =	stream.indirect.scatter.add.f32 [tilespmem:s31], [sflag:$0x4], $0x80, s18, s26, $0xb8;
	[tilespmem:$0x1E000] =	vst v63  }
0x170: {  	_ =	swait.ge [sflag:s24], $0x4000  }
0x171: {  	[sflag:s24] =	ssyncset.done $0x0  }
0x172: {  	s18 =	rddreg [dreg:$0xe];
	[sflag:s24] =	ssyncadd.s32 $0xFFFFC000  }
0x173: {  	[tilespmem:s29], [sflag:$0x1] =	stream.linear.gather [hbm4b:s18+s4], $0x800, $0x38;
	[tilespmem:$0x1E000] =	vst v63  }
0x174: {  	s18 =	rddreg [dreg:$0xf]  }
0x175: {  	[tilespmem:s6], [sflag:$0x1] =	stream.linear.gather [hbm4b:s18+s4], $0x800, $0x38;
	[tilespmem:$0x1E000] =	vst v63  }
0x176: {  	_ =	swait.ge [sflag:s30], $0x4000  }
0x177: {  	[sflag:s30] =	ssyncset.done $0x0  }
0x178: {  	[sflag:s30] =	ssyncadd.s32 $0xFFFFC000  }
0x179: {  	[tilespmem:s31], [sflag:$0x3] =	stream.indirect.gather [hbm4b:s1+s26], $0x80, s26, s26, $0xb8;
	[tilespmem:$0x1E000] =	vst v63  }
0x17a: {  	s0 =	simm.s32 $0x800  }
0x17b: {  	[spmem:s2] =	stream.indirect.scatter.add.f32 [tilespmem:s23], [sflag:$0x4], $0x80, s0, s26, $0xb8;
	[tilespmem:$0x1E000] =	vst v63  }
0x17c: {  	_ =	swait.ge [sflag:s24], $0x4000  }
0x17d: {  	[sflag:s24] =	ssyncset.done $0x0  }
0x17e: {  	s18 =	simm.s32 $0x100;
	[sflag:s24] =	ssyncadd.s32 $0xFFFFC000  }
0x17f: {  	[tilespmem:s23], [sflag:$0x2] =	stream.indirect.gather [hbm4b:s1+s26], $0x80, s18, s26, $0xb8;
	[tilespmem:$0x1E000] =	vst v63  }
0x180: {  	_ =	swait.ge [sflag:s3], $0x4000  }
0x181: {  	[sflag:s3] =	ssyncset.done $0x0  }
0x182: {  	s18 =	simm.s32 $0x880;
	[sflag:s3] =	ssyncadd.s32 $0xFFFFC000  }
0x183: {  	[spmem:s2] =	stream.indirect.scatter.add.f32 [tilespmem:s31], [sflag:$0x4], $0x80, s18, s26, $0xb8;
	[tilespmem:$0x1E000] =	vst v63  }
0x184: {  	_ =	swait.ge [sflag:s24], $0x4000  }
0x185: {  	[sflag:s24] =	ssyncset.done $0x0  }
0x186: {  	[sflag:s24] =	ssyncadd.s32 $0xFFFFC000  }
0x187: {  	_ =	swait.ge [sflag:s30], $0x4000  }
0x188: {  	[sflag:s30] =	ssyncset.done $0x0  }
0x189: {  	s18 =	simm.s32 $0x180;
	[sflag:s30] =	ssyncadd.s32 $0xFFFFC000  }
0x18a: {  	[tilespmem:s31], [sflag:$0x3] =	stream.indirect.gather [hbm4b:s1+s26], $0x80, s18, s26, $0xb8;
	[tilespmem:$0x1E000] =	vst v63  }
0x18b: {  	s18 =	simm.s32 $0x900  }
0x18c: {  	[spmem:s2] =	stream.indirect.scatter.add.f32 [tilespmem:s23], [sflag:$0x4], $0x80, s18, s26, $0xb8;
	[tilespmem:$0x1E000] =	vst v63  }
0x18d: {  	_ =	swait.ge [sflag:s24], $0x4000  }
0x18e: {  	[sflag:s24] =	ssyncset.done $0x0  }
0x18f: {  	s18 =	simm.s32 $0x200;
	[sflag:s24] =	ssyncadd.s32 $0xFFFFC000  }
0x190: {  	[tilespmem:s23], [sflag:$0x2] =	stream.indirect.gather [hbm4b:s1+s26], $0x80, s18, s26, $0xb8;
	[tilespmem:$0x1E000] =	vst v63  }
0x191: {  	_ =	swait.ge [sflag:s3], $0x4000  }
0x192: {  	[sflag:s3] =	ssyncset.done $0x0  }
0x193: {  	s18 =	simm.s32 $0x980;
	[sflag:s3] =	ssyncadd.s32 $0xFFFFC000  }
0x194: {  	[spmem:s2] =	stream.indirect.scatter.add.f32 [tilespmem:s31], [sflag:$0x4], $0x80, s18, s26, $0xb8;
	[tilespmem:$0x1E000] =	vst v63  }
0x195: {  	_ =	swait.ge [sflag:s24], $0x4000  }
0x196: {  	[sflag:s24] =	ssyncset.done $0x0  }
0x197: {  	[sflag:s24] =	ssyncadd.s32 $0xFFFFC000  }
0x198: {  	_ =	swait.ge [sflag:s30], $0x4000  }
0x199: {  	[sflag:s30] =	ssyncset.done $0x0  }
0x19a: {  	s18 =	simm.s32 $0x280;
	[sflag:s30] =	ssyncadd.s32 $0xFFFFC000  }
0x19b: {  	[tilespmem:s31], [sflag:$0x3] =	stream.indirect.gather [hbm4b:s1+s26], $0x80, s18, s26, $0xb8;
	[tilespmem:$0x1E000] =	vst v63  }
0x19c: {  	s18 =	simm.s32 $0xA00  }
0x19d: {  	[spmem:s2] =	stream.indirect.scatter.add.f32 [tilespmem:s23], [sflag:$0x4], $0x80, s18, s26, $0xb8;
	[tilespmem:$0x1E000] =	vst v63  }
0x19e: {  	_ =	swait.ge [sflag:s24], $0x4000  }
0x19f: {  	[sflag:s24] =	ssyncset.done $0x0  }
0x1a0: {  	s18 =	simm.s32 $0x300;
	[sflag:s24] =	ssyncadd.s32 $0xFFFFC000  }
0x1a1: {  	[tilespmem:s23], [sflag:$0x2] =	stream.indirect.gather [hbm4b:s1+s26], $0x80, s18, s26, $0xb8;
	[tilespmem:$0x1E000] =	vst v63  }
0x1a2: {  	_ =	swait.ge [sflag:s3], $0x4000  }
0x1a3: {  	[sflag:s3] =	ssyncset.done $0x0  }
0x1a4: {  	s18 =	simm.s32 $0xA80;
	[sflag:s3] =	ssyncadd.s32 $0xFFFFC000  }
0x1a5: {  	[spmem:s2] =	stream.indirect.scatter.add.f32 [tilespmem:s31], [sflag:$0x4], $0x80, s18, s26, $0xb8;
	[tilespmem:$0x1E000] =	vst v63  }
0x1a6: {  	_ =	swait.ge [sflag:s24], $0x4000  }
0x1a7: {  	[sflag:s24] =	ssyncset.done $0x0  }
0x1a8: {  	[sflag:s24] =	ssyncadd.s32 $0xFFFFC000  }
0x1a9: {  	_ =	swait.ge [sflag:s30], $0x4000  }
0x1aa: {  	[sflag:s30] =	ssyncset.done $0x0  }
0x1ab: {  	s18 =	simm.s32 $0x380;
	[sflag:s30] =	ssyncadd.s32 $0xFFFFC000  }
0x1ac: {  	[tilespmem:s31], [sflag:$0x3] =	stream.indirect.gather [hbm4b:s1+s26], $0x80, s18, s26, $0xb8;
	[tilespmem:$0x1E000] =	vst v63  }
0x1ad: {  	s18 =	simm.s32 $0xB00  }
0x1ae: {  	[spmem:s2] =	stream.indirect.scatter.add.f32 [tilespmem:s23], [sflag:$0x4], $0x80, s18, s26, $0xb8;
	[tilespmem:$0x1E000] =	vst v63  }
0x1af: {  	_ =	swait.ge [sflag:s24], $0x4000  }
0x1b0: {  	[sflag:s24] =	ssyncset.done $0x0  }
0x1b1: {  	s18 =	simm.s32 $0x400;
	[sflag:s24] =	ssyncadd.s32 $0xFFFFC000  }
0x1b2: {  	[tilespmem:s23], [sflag:$0x2] =	stream.indirect.gather [hbm4b:s1+s26], $0x80, s18, s26, $0xb8;
	[tilespmem:$0x1E000] =	vst v63  }
0x1b3: {  	_ =	swait.ge [sflag:s3], $0x4000  }
0x1b4: {  	[sflag:s3] =	ssyncset.done $0x0  }
0x1b5: {  	s18 =	simm.s32 $0xB80;
	[sflag:s3] =	ssyncadd.s32 $0xFFFFC000  }
0x1b6: {  	[spmem:s2] =	stream.indirect.scatter.add.f32 [tilespmem:s31], [sflag:$0x4], $0x80, s18, s26, $0xb8;
	[tilespmem:$0x1E000] =	vst v63  }
0x1b7: {  	_ =	swait.ge [sflag:s24], $0x4000  }
0x1b8: {  	[sflag:s24] =	ssyncset.done $0x0  }
0x1b9: {  	[sflag:s24] =	ssyncadd.s32 $0xFFFFC000  }
0x1ba: {  	_ =	swait.ge [sflag:s30], $0x4000  }
0x1bb: {  	[sflag:s30] =	ssyncset.done $0x0  }
0x1bc: {  	s18 =	simm.s32 $0x480;
	[sflag:s30] =	ssyncadd.s32 $0xFFFFC000  }
0x1bd: {  	[tilespmem:s31], [sflag:$0x3] =	stream.indirect.gather [hbm4b:s1+s26], $0x80, s18, s26, $0xb8;
	[tilespmem:$0x1E000] =	vst v63  }
0x1be: {  	s18 =	simm.s32 $0xC00  }
0x1bf: {  	[spmem:s2] =	stream.indirect.scatter.add.f32 [tilespmem:s23], [sflag:$0x4], $0x80, s18, s26, $0xb8;
	[tilespmem:$0x1E000] =	vst v63  }
0x1c0: {  	_ =	swait.ge [sflag:s24], $0x4000  }
0x1c1: {  	[sflag:s24] =	ssyncset.done $0x0  }
0x1c2: {  	s18 =	simm.s32 $0x500;
	[sflag:s24] =	ssyncadd.s32 $0xFFFFC000  }
0x1c3: {  	[tilespmem:s23], [sflag:$0x2] =	stream.indirect.gather [hbm4b:s1+s26], $0x80, s18, s26, $0xb8;
	[tilespmem:$0x1E000] =	vst v63  }
0x1c4: {  	_ =	swait.ge [sflag:s3], $0x4000  }
0x1c5: {  	[sflag:s3] =	ssyncset.done $0x0  }
0x1c6: {  	s18 =	simm.s32 $0xC80;
	[sflag:s3] =	ssyncadd.s32 $0xFFFFC000  }
0x1c7: {  	[spmem:s2] =	stream.indirect.scatter.add.f32 [tilespmem:s31], [sflag:$0x4], $0x80, s18, s26, $0xb8;
	[tilespmem:$0x1E000] =	vst v63  }
0x1c8: {  	_ =	swait.ge [sflag:s24], $0x4000  }
0x1c9: {  	[sflag:s24] =	ssyncset.done $0x0  }
0x1ca: {  	[sflag:s24] =	ssyncadd.s32 $0xFFFFC000  }
0x1cb: {  	_ =	swait.ge [sflag:s30], $0x4000  }
0x1cc: {  	[sflag:s30] =	ssyncset.done $0x0  }
0x1cd: {  	s18 =	simm.s32 $0x580;
	[sflag:s30] =	ssyncadd.s32 $0xFFFFC000  }
0x1ce: {  	[tilespmem:s31], [sflag:$0x3] =	stream.indirect.gather [hbm4b:s1+s26], $0x80, s18, s26, $0xb8;
	[tilespmem:$0x1E000] =	vst v63  }
0x1cf: {  	s18 =	simm.s32 $0xD00  }
0x1d0: {  	[spmem:s2] =	stream.indirect.scatter.add.f32 [tilespmem:s23], [sflag:$0x4], $0x80, s18, s26, $0xb8;
	[tilespmem:$0x1E000] =	vst v63  }
0x1d1: {  	_ =	swait.ge [sflag:s24], $0x4000  }
0x1d2: {  	[sflag:s24] =	ssyncset.done $0x0  }
0x1d3: {  	s18 =	simm.s32 $0x600;
	[sflag:s24] =	ssyncadd.s32 $0xFFFFC000  }
0x1d4: {  	[tilespmem:s23], [sflag:$0x2] =	stream.indirect.gather [hbm4b:s1+s26], $0x80, s18, s26, $0xb8;
	[tilespmem:$0x1E000] =	vst v63  }
0x1d5: {  	_ =	swait.ge [sflag:s3], $0x4000  }
0x1d6: {  	[sflag:s3] =	ssyncset.done $0x0  }
0x1d7: {  	s18 =	simm.s32 $0xD80;
	[sflag:s3] =	ssyncadd.s32 $0xFFFFC000  }
0x1d8: {  	[spmem:s2] =	stream.indirect.scatter.add.f32 [tilespmem:s31], [sflag:$0x4], $0x80, s18, s26, $0xb8;
	[tilespmem:$0x1E000] =	vst v63  }
0x1d9: {  	_ =	swait.ge [sflag:s24], $0x4000  }
0x1da: {  	[sflag:s24] =	ssyncset.done $0x0  }
0x1db: {  	[sflag:s24] =	ssyncadd.s32 $0xFFFFC000  }
0x1dc: {  	_ =	swait.ge [sflag:s30], $0x4000  }
0x1dd: {  	[sflag:s30] =	ssyncset.done $0x0  }
0x1de: {  	s18 =	simm.s32 $0x680;
	[sflag:s30] =	ssyncadd.s32 $0xFFFFC000  }
0x1df: {  	[tilespmem:s31], [sflag:$0x3] =	stream.indirect.gather [hbm4b:s1+s26], $0x80, s18, s26, $0xb8;
	[tilespmem:$0x1E000] =	vst v63  }
0x1e0: {  	s18 =	simm.s32 $0xE00  }
0x1e1: {  	[spmem:s2] =	stream.indirect.scatter.add.f32 [tilespmem:s23], [sflag:$0x4], $0x80, s18, s26, $0xb8;
	[tilespmem:$0x1E000] =	vst v63  }
0x1e2: {  	_ =	swait.ge [sflag:s24], $0x4000  }
0x1e3: {  	[sflag:s24] =	ssyncset.done $0x0  }
0x1e4: {  	s18 =	simm.s32 $0x700;
	[sflag:s24] =	ssyncadd.s32 $0xFFFFC000  }
0x1e5: {  	[tilespmem:s23], [sflag:$0x2] =	stream.indirect.gather [hbm4b:s1+s26], $0x80, s18, s26, $0xb8;
	[tilespmem:$0x1E000] =	vst v63  }
0x1e6: {  	_ =	swait.ge [sflag:s3], $0x4000  }
0x1e7: {  	[sflag:s3] =	ssyncset.done $0x0  }
0x1e8: {  	s18 =	simm.s32 $0xE80;
	[sflag:s3] =	ssyncadd.s32 $0xFFFFC000  }
0x1e9: {  	[spmem:s2] =	stream.indirect.scatter.add.f32 [tilespmem:s31], [sflag:$0x4], $0x80, s18, s26, $0xb8;
	[tilespmem:$0x1E000] =	vst v63  }
0x1ea: {  	_ =	swait.ge [sflag:s24], $0x4000  }
0x1eb: {  	[sflag:s24] =	ssyncset.done $0x0  }
0x1ec: {  	[sflag:s24] =	ssyncadd.s32 $0xFFFFC000  }
0x1ed: {  	_ =	swait.ge [sflag:s30], $0x4000  }
0x1ee: {  	[sflag:s30] =	ssyncset.done $0x0  }
0x1ef: {  	s18 =	simm.s32 $0x780;
	[sflag:s30] =	ssyncadd.s32 $0xFFFFC000  }
0x1f0: {  	[tilespmem:s31], [sflag:$0x3] =	stream.indirect.gather [hbm4b:s1+s26], $0x80, s18, s26, $0xb8;
	[tilespmem:$0x1E000] =	vst v63  }
0x1f1: {  	s18 =	simm.s32 $0xF00  }
0x1f2: {  	[spmem:s2] =	stream.indirect.scatter.add.f32 [tilespmem:s23], [sflag:$0x4], $0x80, s18, s26, $0xb8;
	[tilespmem:$0x1E000] =	vst v63  }
0x1f3: {  	_ =	swait.ge [sflag:s24], $0x4000  }
0x1f4: {  	[sflag:s24] =	ssyncset.done $0x0  }
0x1f5: {  	[sflag:s24] =	ssyncadd.s32 $0xFFFFC000  }
0x1f6: {  	_ =	swait.ge [sflag:s25], $0x800  }
0x1f7: {  	[sflag:s25] =	ssyncset.done $0x0  }
0x1f8: {  	[sflag:s25] =	ssyncadd.s32 $0xFFFFF800  }
0x1f9: {  	_ =	swait.ge [sflag:s25], $0x800  }
0x1fa: {  	[sflag:s25] =	ssyncset.done $0x0  }
0x1fb: {  	[sflag:s25] =	ssyncadd.s32 $0xFFFFF800  }
0x1fc: {  	[tilespmem:s23], [sflag:$0x2] =	stream.indirect.gather [hbm4b:s1+s26], $0x80, s29, s26, $0xb8;
	[tilespmem:$0x1E000] =	vst v63  }
0x1fd: {  	_ =	swait.ge [sflag:s3], $0x4000  }
0x1fe: {  	[sflag:s3] =	ssyncset.done $0x0  }
0x1ff: {  	s29 =	simm.s32 $0xF80;
	[sflag:s3] =	ssyncadd.s32 $0xFFFFC000  }
0x200: {  	[spmem:s2] =	stream.indirect.scatter.add.f32 [tilespmem:s31], [sflag:$0x4], $0x80, s29, s26, $0xb8;
	[tilespmem:$0x1E000] =	vst v63  }
0x201: {  	_ =	swait.ge [sflag:s24], $0x4000  }
0x202: {  	[sflag:s24] =	ssyncset.done $0x0  }
0x203: {  	s18 =	rddreg [dreg:$0x10];
	[sflag:s24] =	ssyncadd.s32 $0xFFFFC000  }
0x204: {  	[tilespmem:s4], [sflag:$0x1] =	stream.linear.gather [hbm4b:s18+s4], $0x800, $0x38;
	[tilespmem:$0x1E000] =	vst v63  }
0x205: {  	s18 =	rddreg [dreg:$0x11]  }
0x206: {  	[tilespmem:s0], [sflag:$0x1] =	stream.linear.gather [hbm4b:s18+s4], $0x800, $0x38;
	[tilespmem:$0x1E000] =	vst v63  }
0x207: {  	_ =	swait.ge [sflag:s30], $0x4000  }
0x208: {  	[sflag:s30] =	ssyncset.done $0x0  }
0x209: {  	[sflag:s30] =	ssyncadd.s32 $0xFFFFC000  }
0x20a: {  	[tilespmem:s31], [sflag:$0x3] =	stream.indirect.gather [hbm4b:s1+s26], $0x80, s22, s26, $0xb8;
	[tilespmem:$0x1E000] =	vst v63  }
0x20b: {  	_ = 	snop  }
0x20c: {  	[spmem:s2] =	stream.indirect.scatter.add.f32 [tilespmem:s23], [sflag:$0x4], $0x80, s6, s26, $0xb8;
	[tilespmem:$0x1E000] =	vst v63  }
0x20d: {  	_ =	swait.ge [sflag:s24], $0x4000  }
0x20e: {  	[sflag:s24] =	ssyncset.done $0x0  }
0x20f: {  	[sflag:s24] =	ssyncadd.s32 $0xFFFFC000  }
0x210: {  	[tilespmem:s23], [sflag:$0x2] =	stream.indirect.gather [hbm4b:s1+s26], $0x80, s7, s26, $0xb8;
	[tilespmem:$0x1E000] =	vst v63  }
0x211: {  	_ =	swait.ge [sflag:s3], $0x4000  }
0x212: {  	[sflag:s3] =	ssyncset.done $0x0  }
0x213: {  	[sflag:s3] =	ssyncadd.s32 $0xFFFFC000  }
0x214: {  	[spmem:s2] =	stream.indirect.scatter.add.f32 [tilespmem:s31], [sflag:$0x4], $0x80, s8, s26, $0xb8;
	[tilespmem:$0x1E000] =	vst v63  }
0x215: {  	_ =	swait.ge [sflag:s24], $0x4000  }
0x216: {  	[sflag:s24] =	ssyncset.done $0x0  }
0x217: {  	[sflag:s24] =	ssyncadd.s32 $0xFFFFC000  }
0x218: {  	_ =	swait.ge [sflag:s30], $0x4000  }
0x219: {  	[sflag:s30] =	ssyncset.done $0x0  }
0x21a: {  	[sflag:s30] =	ssyncadd.s32 $0xFFFFC000  }
0x21b: {  	[tilespmem:s31], [sflag:$0x3] =	stream.indirect.gather [hbm4b:s1+s26], $0x80, s9, s26, $0xb8;
	[tilespmem:$0x1E000] =	vst v63  }
0x21c: {  	_ = 	snop  }
0x21d: {  	[spmem:s2] =	stream.indirect.scatter.add.f32 [tilespmem:s23], [sflag:$0x4], $0x80, s10, s26, $0xb8;
	[tilespmem:$0x1E000] =	vst v63  }
0x21e: {  	_ =	swait.ge [sflag:s24], $0x4000  }
0x21f: {  	[sflag:s24] =	ssyncset.done $0x0  }
0x220: {  	[sflag:s24] =	ssyncadd.s32 $0xFFFFC000  }
0x221: {  	[tilespmem:s23], [sflag:$0x2] =	stream.indirect.gather [hbm4b:s1+s26], $0x80, s11, s26, $0xb8;
	[tilespmem:$0x1E000] =	vst v63  }
0x222: {  	_ =	swait.ge [sflag:s3], $0x4000  }
0x223: {  	[sflag:s3] =	ssyncset.done $0x0  }
0x224: {  	[sflag:s3] =	ssyncadd.s32 $0xFFFFC000  }
0x225: {  	[spmem:s2] =	stream.indirect.scatter.add.f32 [tilespmem:s31], [sflag:$0x4], $0x80, s12, s26, $0xb8;
	[tilespmem:$0x1E000] =	vst v63  }
0x226: {  	_ =	swait.ge [sflag:s24], $0x4000  }
0x227: {  	[sflag:s24] =	ssyncset.done $0x0  }
0x228: {  	[sflag:s24] =	ssyncadd.s32 $0xFFFFC000  }
0x229: {  	_ =	swait.ge [sflag:s30], $0x4000  }
0x22a: {  	[sflag:s30] =	ssyncset.done $0x0  }
0x22b: {  	[sflag:s30] =	ssyncadd.s32 $0xFFFFC000  }
0x22c: {  	[tilespmem:s31], [sflag:$0x3] =	stream.indirect.gather [hbm4b:s1+s26], $0x80, s13, s26, $0xb8;
	[tilespmem:$0x1E000] =	vst v63  }
0x22d: {  	_ = 	snop  }
0x22e: {  	[spmem:s2] =	stream.indirect.scatter.add.f32 [tilespmem:s23], [sflag:$0x4], $0x80, s14, s26, $0xb8;
	[tilespmem:$0x1E000] =	vst v63  }
0x22f: {  	_ =	swait.ge [sflag:s24], $0x4000  }
0x230: {  	[sflag:s24] =	ssyncset.done $0x0  }
0x231: {  	[sflag:s24] =	ssyncadd.s32 $0xFFFFC000  }
0x232: {  	[tilespmem:s23], [sflag:$0x2] =	stream.indirect.gather [hbm4b:s1+s26], $0x80, s15, s26, $0xb8;
	[tilespmem:$0x1E000] =	vst v63  }
0x233: {  	_ =	swait.ge [sflag:s3], $0x4000  }
0x234: {  	[sflag:s3] =	ssyncset.done $0x0  }
0x235: {  	[sflag:s3] =	ssyncadd.s32 $0xFFFFC000  }
0x236: {  	[spmem:s2] =	stream.indirect.scatter.add.f32 [tilespmem:s31], [sflag:$0x4], $0x80, s16, s26, $0xb8;
	[tilespmem:$0x1E000] =	vst v63  }
0x237: {  	_ =	swait.ge [sflag:s24], $0x4000  }
0x238: {  	[sflag:s24] =	ssyncset.done $0x0  }
0x239: {  	[sflag:s24] =	ssyncadd.s32 $0xFFFFC000  }
0x23a: {  	_ =	swait.ge [sflag:s30], $0x4000  }
0x23b: {  	[sflag:s30] =	ssyncset.done $0x0  }
0x23c: {  	[sflag:s30] =	ssyncadd.s32 $0xFFFFC000  }
0x23d: {  	[tilespmem:s31], [sflag:$0x3] =	stream.indirect.gather [hbm4b:s1+s26], $0x80, s21, s26, $0xb8;
	[tilespmem:$0x1E000] =	vst v63  }
0x23e: {  	_ = 	snop  }
0x23f: {  	[spmem:s2] =	stream.indirect.scatter.add.f32 [tilespmem:s23], [sflag:$0x4], $0x80, s28, s26, $0xb8;
	[tilespmem:$0x1E000] =	vst v63  }
0x240: {  	_ =	swait.ge [sflag:s24], $0x4000  }
0x241: {  	[sflag:s24] =	ssyncset.done $0x0  }
0x242: {  	[sflag:s24] =	ssyncadd.s32 $0xFFFFC000  }
0x243: {  	[tilespmem:s23], [sflag:$0x2] =	stream.indirect.gather [hbm4b:s1+s26], $0x80, s5, s26, $0xb8;
	[tilespmem:$0x1E000] =	vst v63  }
0x244: {  	_ =	swait.ge [sflag:s3], $0x4000  }
0x245: {  	[sflag:s3] =	ssyncset.done $0x0  }
0x246: {  	[sflag:s3] =	ssyncadd.s32 $0xFFFFC000  }
0x247: {  	[spmem:s2] =	stream.indirect.scatter.add.f32 [tilespmem:s31], [sflag:$0x4], $0x80, s19, s26, $0xb8;
	[tilespmem:$0x1E000] =	vst v63  }
0x248: {  	_ =	swait.ge [sflag:s24], $0x4000  }
0x249: {  	[sflag:s24] =	ssyncset.done $0x0  }
0x24a: {  	[sflag:s24] =	ssyncadd.s32 $0xFFFFC000  }
0x24b: {  	_ =	swait.ge [sflag:s30], $0x4000  }
0x24c: {  	[sflag:s30] =	ssyncset.done $0x0  }
0x24d: {  	[sflag:s30] =	ssyncadd.s32 $0xFFFFC000  }
0x24e: {  	[tilespmem:s31], [sflag:$0x3] =	stream.indirect.gather [hbm4b:s1+s26], $0x80, s20, s26, $0xb8;
	[tilespmem:$0x1E000] =	vst v63  }
0x24f: {  	s19 =	simm.s32 $0x1C00  }
0x250: {  	[spmem:s2] =	stream.indirect.scatter.add.f32 [tilespmem:s23], [sflag:$0x4], $0x80, s19, s26, $0xb8;
	[tilespmem:$0x1E000] =	vst v63  }
0x251: {  	_ =	swait.ge [sflag:s24], $0x4000  }
0x252: {  	[sflag:s24] =	ssyncset.done $0x0  }
0x253: {  	s20 =	simm.s32 $0x1500;
	[sflag:s24] =	ssyncadd.s32 $0xFFFFC000  }
0x254: {  	[tilespmem:s23], [sflag:$0x2] =	stream.indirect.gather [hbm4b:s1+s26], $0x80, s20, s26, $0xb8;
	[tilespmem:$0x1E000] =	vst v63  }
0x255: {  	_ =	swait.ge [sflag:s3], $0x4000  }
0x256: {  	[sflag:s3] =	ssyncset.done $0x0  }
0x257: {  	s18 =	simm.s32 $0x1C80;
	[sflag:s3] =	ssyncadd.s32 $0xFFFFC000  }
0x258: {  	[spmem:s2] =	stream.indirect.scatter.add.f32 [tilespmem:s31], [sflag:$0x4], $0x80, s18, s26, $0xb8;
	[tilespmem:$0x1E000] =	vst v63  }
0x259: {  	_ =	swait.ge [sflag:s24], $0x4000  }
0x25a: {  	[sflag:s24] =	ssyncset.done $0x0  }
0x25b: {  	[sflag:s24] =	ssyncadd.s32 $0xFFFFC000  }
0x25c: {  	_ =	swait.ge [sflag:s30], $0x4000  }
0x25d: {  	[sflag:s30] =	ssyncset.done $0x0  }
0x25e: {  	s19 =	simm.s32 $0x1580;
	[sflag:s30] =	ssyncadd.s32 $0xFFFFC000  }
0x25f: {  	[tilespmem:s31], [sflag:$0x3] =	stream.indirect.gather [hbm4b:s1+s26], $0x80, s19, s26, $0xb8;
	[tilespmem:$0x1E000] =	vst v63  }
0x260: {  	s20 =	simm.s32 $0x1D00  }
0x261: {  	[spmem:s2] =	stream.indirect.scatter.add.f32 [tilespmem:s23], [sflag:$0x4], $0x80, s20, s26, $0xb8;
	[tilespmem:$0x1E000] =	vst v63  }
0x262: {  	_ =	swait.ge [sflag:s24], $0x4000  }
0x263: {  	[sflag:s24] =	ssyncset.done $0x0  }
0x264: {  	s18 =	simm.s32 $0x1600;
	[sflag:s24] =	ssyncadd.s32 $0xFFFFC000  }
0x265: {  	[tilespmem:s23], [sflag:$0x2] =	stream.indirect.gather [hbm4b:s1+s26], $0x80, s18, s26, $0xb8;
	[tilespmem:$0x1E000] =	vst v63  }
0x266: {  	_ =	swait.ge [sflag:s3], $0x4000  }
0x267: {  	[sflag:s3] =	ssyncset.done $0x0  }
0x268: {  	s19 =	simm.s32 $0x1D80;
	[sflag:s3] =	ssyncadd.s32 $0xFFFFC000  }
0x269: {  	[spmem:s2] =	stream.indirect.scatter.add.f32 [tilespmem:s31], [sflag:$0x4], $0x80, s19, s26, $0xb8;
	[tilespmem:$0x1E000] =	vst v63  }
0x26a: {  	_ =	swait.ge [sflag:s24], $0x4000  }
0x26b: {  	[sflag:s24] =	ssyncset.done $0x0  }
0x26c: {  	[sflag:s24] =	ssyncadd.s32 $0xFFFFC000  }
0x26d: {  	_ =	swait.ge [sflag:s30], $0x4000  }
0x26e: {  	[sflag:s30] =	ssyncset.done $0x0  }
0x26f: {  	s20 =	simm.s32 $0x1680;
	[sflag:s30] =	ssyncadd.s32 $0xFFFFC000  }
0x270: {  	[tilespmem:s31], [sflag:$0x3] =	stream.indirect.gather [hbm4b:s1+s26], $0x80, s20, s26, $0xb8;
	[tilespmem:$0x1E000] =	vst v63  }
0x271: {  	s18 =	simm.s32 $0x1E00  }
0x272: {  	[spmem:s2] =	stream.indirect.scatter.add.f32 [tilespmem:s23], [sflag:$0x4], $0x80, s18, s26, $0xb8;
	[tilespmem:$0x1E000] =	vst v63  }
0x273: {  	_ =	swait.ge [sflag:s24], $0x4000  }
0x274: {  	[sflag:s24] =	ssyncset.done $0x0  }
0x275: {  	s19 =	simm.s32 $0x1700;
	[sflag:s24] =	ssyncadd.s32 $0xFFFFC000  }
0x276: {  	[tilespmem:s23], [sflag:$0x2] =	stream.indirect.gather [hbm4b:s1+s26], $0x80, s19, s26, $0xb8;
	[tilespmem:$0x1E000] =	vst v63  }
0x277: {  	_ =	swait.ge [sflag:s3], $0x4000  }
0x278: {  	[sflag:s3] =	ssyncset.done $0x0  }
0x279: {  	s20 =	simm.s32 $0x1E80;
	[sflag:s3] =	ssyncadd.s32 $0xFFFFC000  }
0x27a: {  	[spmem:s2] =	stream.indirect.scatter.add.f32 [tilespmem:s31], [sflag:$0x4], $0x80, s20, s26, $0xb8;
	[tilespmem:$0x1E000] =	vst v63  }
0x27b: {  	_ =	swait.ge [sflag:s24], $0x4000  }
0x27c: {  	[sflag:s24] =	ssyncset.done $0x0  }
0x27d: {  	[sflag:s24] =	ssyncadd.s32 $0xFFFFC000  }
0x27e: {  	_ =	swait.ge [sflag:s30], $0x4000  }
0x27f: {  	[sflag:s30] =	ssyncset.done $0x0  }
0x280: {  	s18 =	simm.s32 $0x1780;
	[sflag:s30] =	ssyncadd.s32 $0xFFFFC000  }
0x281: {  	[tilespmem:s31], [sflag:$0x3] =	stream.indirect.gather [hbm4b:s1+s26], $0x80, s18, s26, $0xb8;
	[tilespmem:$0x1E000] =	vst v63  }
0x282: {  	s19 =	simm.s32 $0x1F00  }
0x283: {  	[spmem:s2] =	stream.indirect.scatter.add.f32 [tilespmem:s23], [sflag:$0x4], $0x80, s19, s26, $0xb8;
	[tilespmem:$0x1E000] =	vst v63  }
0x284: {  	_ =	swait.ge [sflag:s24], $0x4000  }
0x285: {  	[sflag:s24] =	ssyncset.done $0x0  }
0x286: {  	[sflag:s24] =	ssyncadd.s32 $0xFFFFC000  }
0x287: {  	_ =	swait.ge [sflag:s25], $0x800  }
0x288: {  	[sflag:s25] =	ssyncset.done $0x0  }
0x289: {  	[sflag:s25] =	ssyncadd.s32 $0xFFFFF800  }
0x28a: {  	_ =	swait.ge [sflag:s25], $0x800  }
0x28b: {  	[sflag:s25] =	ssyncset.done $0x0  }
0x28c: {  	[sflag:s25] =	ssyncadd.s32 $0xFFFFF800  }
0x28d: {  	[tilespmem:s23], [sflag:$0x2] =	stream.indirect.gather [hbm4b:s1+s26], $0x80, s4, s26, $0xb8;
	[tilespmem:$0x1E000] =	vst v63  }
0x28e: {  	_ =	swait.ge [sflag:s3], $0x4000  }
0x28f: {  	[sflag:s3] =	ssyncset.done $0x0  }
0x290: {  	s20 =	simm.s32 $0x1F80;
	[sflag:s3] =	ssyncadd.s32 $0xFFFFC000  }
0x291: {  	[spmem:s2] =	stream.indirect.scatter.add.f32 [tilespmem:s31], [sflag:$0x4], $0x80, s20, s26, $0xb8;
	[tilespmem:$0x1E000] =	vst v63  }
0x292: {  	_ =	swait.ge [sflag:s24], $0x4000  }
0x293: {  	[sflag:s24] =	ssyncset.done $0x0  }
0x294: {  	[sflag:s24] =	ssyncadd.s32 $0xFFFFC000  }
0x295: {  	_ =	swait.ge [sflag:s30], $0x4000  }
0x296: {  	[sflag:s30] =	ssyncset.done $0x0  }
0x297: {  	[sflag:s30] =	ssyncadd.s32 $0xFFFFC000  }
0x298: {  	[tilespmem:s31], [sflag:$0x3] =	stream.indirect.gather [hbm4b:s1+s26], $0x80, s26, s26, $0xb8;
	[tilespmem:$0x1E000] =	vst v63  }
0x299: {  	s5 =	simm.s32 $0x800  }
0x29a: {  	[spmem:s2] =	stream.indirect.scatter.add.f32 [tilespmem:s23], [sflag:$0x4], $0x80, s5, s26, $0xb8;
	[tilespmem:$0x1E000] =	vst v63  }
0x29b: {  	_ =	swait.ge [sflag:s24], $0x4000  }
0x29c: {  	[sflag:s24] =	ssyncset.done $0x0  }
0x29d: {  	s18 =	simm.s32 $0x100;
	[sflag:s24] =	ssyncadd.s32 $0xFFFFC000  }
0x29e: {  	[tilespmem:s23], [sflag:$0x2] =	stream.indirect.gather [hbm4b:s1+s26], $0x80, s18, s26, $0xb8;
	[tilespmem:$0x1E000] =	vst v63  }
0x29f: {  	_ =	swait.ge [sflag:s3], $0x4000  }
0x2a0: {  	[sflag:s3] =	ssyncset.done $0x0  }
0x2a1: {  	s19 =	simm.s32 $0x880;
	[sflag:s3] =	ssyncadd.s32 $0xFFFFC000  }
0x2a2: {  	[spmem:s2] =	stream.indirect.scatter.add.f32 [tilespmem:s31], [sflag:$0x4], $0x80, s19, s26, $0xb8;
	[tilespmem:$0x1E000] =	vst v63  }
0x2a3: {  	_ =	swait.ge [sflag:s24], $0x4000  }
0x2a4: {  	[sflag:s24] =	ssyncset.done $0x0  }
0x2a5: {  	[sflag:s24] =	ssyncadd.s32 $0xFFFFC000  }
0x2a6: {  	_ =	swait.ge [sflag:s30], $0x4000  }
0x2a7: {  	[sflag:s30] =	ssyncset.done $0x0  }
0x2a8: {  	s20 =	simm.s32 $0x180;
	[sflag:s30] =	ssyncadd.s32 $0xFFFFC000  }
0x2a9: {  	[tilespmem:s31], [sflag:$0x3] =	stream.indirect.gather [hbm4b:s1+s26], $0x80, s20, s26, $0xb8;
	[tilespmem:$0x1E000] =	vst v63  }
0x2aa: {  	s18 =	simm.s32 $0x900  }
0x2ab: {  	[spmem:s2] =	stream.indirect.scatter.add.f32 [tilespmem:s23], [sflag:$0x4], $0x80, s18, s26, $0xb8;
	[tilespmem:$0x1E000] =	vst v63  }
0x2ac: {  	_ =	swait.ge [sflag:s24], $0x4000  }
0x2ad: {  	[sflag:s24] =	ssyncset.done $0x0  }
0x2ae: {  	s19 =	simm.s32 $0x200;
	[sflag:s24] =	ssyncadd.s32 $0xFFFFC000  }
0x2af: {  	[tilespmem:s23], [sflag:$0x2] =	stream.indirect.gather [hbm4b:s1+s26], $0x80, s19, s26, $0xb8;
	[tilespmem:$0x1E000] =	vst v63  }
0x2b0: {  	_ =	swait.ge [sflag:s3], $0x4000  }
0x2b1: {  	[sflag:s3] =	ssyncset.done $0x0  }
0x2b2: {  	s20 =	simm.s32 $0x980;
	[sflag:s3] =	ssyncadd.s32 $0xFFFFC000  }
0x2b3: {  	[spmem:s2] =	stream.indirect.scatter.add.f32 [tilespmem:s31], [sflag:$0x4], $0x80, s20, s26, $0xb8;
	[tilespmem:$0x1E000] =	vst v63  }
0x2b4: {  	_ =	swait.ge [sflag:s24], $0x4000  }
0x2b5: {  	[sflag:s24] =	ssyncset.done $0x0  }
0x2b6: {  	[sflag:s24] =	ssyncadd.s32 $0xFFFFC000  }
0x2b7: {  	_ =	swait.ge [sflag:s30], $0x4000  }
0x2b8: {  	[sflag:s30] =	ssyncset.done $0x0  }
0x2b9: {  	s18 =	simm.s32 $0x280;
	[sflag:s30] =	ssyncadd.s32 $0xFFFFC000  }
0x2ba: {  	[tilespmem:s31], [sflag:$0x3] =	stream.indirect.gather [hbm4b:s1+s26], $0x80, s18, s26, $0xb8;
	[tilespmem:$0x1E000] =	vst v63  }
0x2bb: {  	s19 =	simm.s32 $0xA00  }
0x2bc: {  	[spmem:s2] =	stream.indirect.scatter.add.f32 [tilespmem:s23], [sflag:$0x4], $0x80, s19, s26, $0xb8;
	[tilespmem:$0x1E000] =	vst v63  }
0x2bd: {  	_ =	swait.ge [sflag:s24], $0x4000  }
0x2be: {  	[sflag:s24] =	ssyncset.done $0x0  }
0x2bf: {  	s20 =	simm.s32 $0x300;
	[sflag:s24] =	ssyncadd.s32 $0xFFFFC000  }
0x2c0: {  	[tilespmem:s23], [sflag:$0x2] =	stream.indirect.gather [hbm4b:s1+s26], $0x80, s20, s26, $0xb8;
	[tilespmem:$0x1E000] =	vst v63  }
0x2c1: {  	_ =	swait.ge [sflag:s3], $0x4000  }
0x2c2: {  	[sflag:s3] =	ssyncset.done $0x0  }
0x2c3: {  	s18 =	simm.s32 $0xA80;
	[sflag:s3] =	ssyncadd.s32 $0xFFFFC000  }
0x2c4: {  	[spmem:s2] =	stream.indirect.scatter.add.f32 [tilespmem:s31], [sflag:$0x4], $0x80, s18, s26, $0xb8;
	[tilespmem:$0x1E000] =	vst v63  }
0x2c5: {  	_ =	swait.ge [sflag:s24], $0x4000  }
0x2c6: {  	[sflag:s24] =	ssyncset.done $0x0  }
0x2c7: {  	[sflag:s24] =	ssyncadd.s32 $0xFFFFC000  }
0x2c8: {  	_ =	swait.ge [sflag:s30], $0x4000  }
0x2c9: {  	[sflag:s30] =	ssyncset.done $0x0  }
0x2ca: {  	s19 =	simm.s32 $0x380;
	[sflag:s30] =	ssyncadd.s32 $0xFFFFC000  }
0x2cb: {  	[tilespmem:s31], [sflag:$0x3] =	stream.indirect.gather [hbm4b:s1+s26], $0x80, s19, s26, $0xb8;
	[tilespmem:$0x1E000] =	vst v63  }
0x2cc: {  	s20 =	simm.s32 $0xB00  }
0x2cd: {  	[spmem:s2] =	stream.indirect.scatter.add.f32 [tilespmem:s23], [sflag:$0x4], $0x80, s20, s26, $0xb8;
	[tilespmem:$0x1E000] =	vst v63  }
0x2ce: {  	_ =	swait.ge [sflag:s24], $0x4000  }
0x2cf: {  	[sflag:s24] =	ssyncset.done $0x0  }
0x2d0: {  	s18 =	simm.s32 $0x400;
	[sflag:s24] =	ssyncadd.s32 $0xFFFFC000  }
0x2d1: {  	[tilespmem:s23], [sflag:$0x2] =	stream.indirect.gather [hbm4b:s1+s26], $0x80, s18, s26, $0xb8;
	[tilespmem:$0x1E000] =	vst v63  }
0x2d2: {  	_ =	swait.ge [sflag:s3], $0x4000  }
0x2d3: {  	[sflag:s3] =	ssyncset.done $0x0  }
0x2d4: {  	s19 =	simm.s32 $0xB80;
	[sflag:s3] =	ssyncadd.s32 $0xFFFFC000  }
0x2d5: {  	[spmem:s2] =	stream.indirect.scatter.add.f32 [tilespmem:s31], [sflag:$0x4], $0x80, s19, s26, $0xb8;
	[tilespmem:$0x1E000] =	vst v63  }
0x2d6: {  	_ =	swait.ge [sflag:s24], $0x4000  }
0x2d7: {  	[sflag:s24] =	ssyncset.done $0x0  }
0x2d8: {  	[sflag:s24] =	ssyncadd.s32 $0xFFFFC000  }
0x2d9: {  	_ =	swait.ge [sflag:s30], $0x4000  }
0x2da: {  	[sflag:s30] =	ssyncset.done $0x0  }
0x2db: {  	s20 =	simm.s32 $0x480;
	[sflag:s30] =	ssyncadd.s32 $0xFFFFC000  }
0x2dc: {  	[tilespmem:s31], [sflag:$0x3] =	stream.indirect.gather [hbm4b:s1+s26], $0x80, s20, s26, $0xb8;
	[tilespmem:$0x1E000] =	vst v63  }
0x2dd: {  	s18 =	simm.s32 $0xC00  }
0x2de: {  	[spmem:s2] =	stream.indirect.scatter.add.f32 [tilespmem:s23], [sflag:$0x4], $0x80, s18, s26, $0xb8;
	[tilespmem:$0x1E000] =	vst v63  }
0x2df: {  	_ =	swait.ge [sflag:s24], $0x4000  }
0x2e0: {  	[sflag:s24] =	ssyncset.done $0x0  }
0x2e1: {  	s19 =	simm.s32 $0x500;
	[sflag:s24] =	ssyncadd.s32 $0xFFFFC000  }
0x2e2: {  	[tilespmem:s23], [sflag:$0x2] =	stream.indirect.gather [hbm4b:s1+s26], $0x80, s19, s26, $0xb8;
	[tilespmem:$0x1E000] =	vst v63  }
0x2e3: {  	_ =	swait.ge [sflag:s3], $0x4000  }
0x2e4: {  	[sflag:s3] =	ssyncset.done $0x0  }
0x2e5: {  	s20 =	simm.s32 $0xC80;
	[sflag:s3] =	ssyncadd.s32 $0xFFFFC000  }
0x2e6: {  	[spmem:s2] =	stream.indirect.scatter.add.f32 [tilespmem:s31], [sflag:$0x4], $0x80, s20, s26, $0xb8;
	[tilespmem:$0x1E000] =	vst v63  }
0x2e7: {  	_ =	swait.ge [sflag:s24], $0x4000  }
0x2e8: {  	[sflag:s24] =	ssyncset.done $0x0  }
0x2e9: {  	[sflag:s24] =	ssyncadd.s32 $0xFFFFC000  }
0x2ea: {  	_ =	swait.ge [sflag:s30], $0x4000  }
0x2eb: {  	[sflag:s30] =	ssyncset.done $0x0  }
0x2ec: {  	s18 =	simm.s32 $0x580;
	[sflag:s30] =	ssyncadd.s32 $0xFFFFC000  }
0x2ed: {  	[tilespmem:s31], [sflag:$0x3] =	stream.indirect.gather [hbm4b:s1+s26], $0x80, s18, s26, $0xb8;
	[tilespmem:$0x1E000] =	vst v63  }
0x2ee: {  	s19 =	simm.s32 $0xD00  }
0x2ef: {  	[spmem:s2] =	stream.indirect.scatter.add.f32 [tilespmem:s23], [sflag:$0x4], $0x80, s19, s26, $0xb8;
	[tilespmem:$0x1E000] =	vst v63  }
0x2f0: {  	_ =	swait.ge [sflag:s24], $0x4000  }
0x2f1: {  	[sflag:s24] =	ssyncset.done $0x0  }
0x2f2: {  	s20 =	simm.s32 $0x600;
	[sflag:s24] =	ssyncadd.s32 $0xFFFFC000  }
0x2f3: {  	[tilespmem:s23], [sflag:$0x2] =	stream.indirect.gather [hbm4b:s1+s26], $0x80, s20, s26, $0xb8;
	[tilespmem:$0x1E000] =	vst v63  }
0x2f4: {  	_ =	swait.ge [sflag:s3], $0x4000  }
0x2f5: {  	[sflag:s3] =	ssyncset.done $0x0  }
0x2f6: {  	s18 =	simm.s32 $0xD80;
	[sflag:s3] =	ssyncadd.s32 $0xFFFFC000  }
0x2f7: {  	[spmem:s2] =	stream.indirect.scatter.add.f32 [tilespmem:s31], [sflag:$0x4], $0x80, s18, s26, $0xb8;
	[tilespmem:$0x1E000] =	vst v63  }
0x2f8: {  	_ =	swait.ge [sflag:s24], $0x4000  }
0x2f9: {  	[sflag:s24] =	ssyncset.done $0x0  }
0x2fa: {  	[sflag:s24] =	ssyncadd.s32 $0xFFFFC000  }
0x2fb: {  	_ =	swait.ge [sflag:s30], $0x4000  }
0x2fc: {  	[sflag:s30] =	ssyncset.done $0x0  }
0x2fd: {  	s19 =	simm.s32 $0x680;
	[sflag:s30] =	ssyncadd.s32 $0xFFFFC000  }
0x2fe: {  	[tilespmem:s31], [sflag:$0x3] =	stream.indirect.gather [hbm4b:s1+s26], $0x80, s19, s26, $0xb8;
	[tilespmem:$0x1E000] =	vst v63  }
0x2ff: {  	s20 =	simm.s32 $0xE00  }
0x300: {  	[spmem:s2] =	stream.indirect.scatter.add.f32 [tilespmem:s23], [sflag:$0x4], $0x80, s20, s26, $0xb8;
	[tilespmem:$0x1E000] =	vst v63  }
0x301: {  	_ =	swait.ge [sflag:s24], $0x4000  }
0x302: {  	[sflag:s24] =	ssyncset.done $0x0  }
0x303: {  	s18 =	simm.s32 $0x700;
	[sflag:s24] =	ssyncadd.s32 $0xFFFFC000  }
0x304: {  	[tilespmem:s23], [sflag:$0x2] =	stream.indirect.gather [hbm4b:s1+s26], $0x80, s18, s26, $0xb8;
	[tilespmem:$0x1E000] =	vst v63  }
0x305: {  	_ =	swait.ge [sflag:s3], $0x4000  }
0x306: {  	[sflag:s3] =	ssyncset.done $0x0  }
0x307: {  	s19 =	simm.s32 $0xE80;
	[sflag:s3] =	ssyncadd.s32 $0xFFFFC000  }
0x308: {  	[spmem:s2] =	stream.indirect.scatter.add.f32 [tilespmem:s31], [sflag:$0x4], $0x80, s19, s26, $0xb8;
	[tilespmem:$0x1E000] =	vst v63  }
0x309: {  	_ =	swait.ge [sflag:s24], $0x4000  }
0x30a: {  	[sflag:s24] =	ssyncset.done $0x0  }
0x30b: {  	[sflag:s24] =	ssyncadd.s32 $0xFFFFC000  }
0x30c: {  	_ =	swait.ge [sflag:s30], $0x4000  }
0x30d: {  	[sflag:s30] =	ssyncset.done $0x0  }
0x30e: {  	s20 =	simm.s32 $0x780;
	[sflag:s30] =	ssyncadd.s32 $0xFFFFC000  }
0x30f: {  	[tilespmem:s31], [sflag:$0x3] =	stream.indirect.gather [hbm4b:s1+s26], $0x80, s20, s26, $0xb8;
	[tilespmem:$0x1E000] =	vst v63  }
0x310: {  	s18 =	simm.s32 $0xF00  }
0x311: {  	[spmem:s2] =	stream.indirect.scatter.add.f32 [tilespmem:s23], [sflag:$0x4], $0x80, s18, s26, $0xb8;
	[tilespmem:$0x1E000] =	vst v63  }
0x312: {  	_ =	swait.ge [sflag:s24], $0x4000  }
0x313: {  	[sflag:s24] =	ssyncset.done $0x0  }
0x314: {  	[sflag:s24] =	ssyncadd.s32 $0xFFFFC000  }
0x315: {  	_ =	swait.ge [sflag:s3], $0x4000  }
0x316: {  	[sflag:s3] =	ssyncset.done $0x0  }
0x317: {  	s29 =	simm.s32 $0xF80;
	[sflag:s3] =	ssyncadd.s32 $0xFFFFC000  }
0x318: {  	[spmem:s2] =	stream.indirect.scatter.add.f32 [tilespmem:s31], [sflag:$0x4], $0x80, s29, s26, $0xb8;
	[tilespmem:$0x1E000] =	vst v63  }
0x319: {  	_ =	swait.ge [sflag:s24], $0x4000  }
0x31a: {  	[sflag:s24] =	ssyncset.done $0x0  }
0x31b: {  	[sflag:s24] =	ssyncadd.s32 $0xFFFFC000  }
0x31c: {  	s19 =	stileid.u32;
	[bflag:$0x0] =	sbarrier.arrive $0xFFFF  }
0x31d: {  	s18 =	sshll.u32 s19, $0x6;
	s20 =	rddreg [dreg:$0x14]  }
0x31e: {  	s18 =	sor.u32 $0x1C04, s18;
	s0 =	rddreg [dreg:$0x12];
	s29 =	sshrl.u32 s20, $0x3  }
0x31f: {  	[hbm:s0], [sflag:s18] =	dma.local [spmem:s29], $0x2800  }
0x320: {  	_ =	swait.ge [sflag:s24], $0x2800  }
0x321: {  	s17 =	sadd.s32 $0x1, s17;
	s29 =	rddreg [dreg:$0x13]  }
0x322: {  	p0 =	sne.s32 s17, s29  }
.Ltmp1:
0x323: {  	_ = 	snop;
	(pc) =	sbr.rel @p0 .LBB2_1-.Ltmp1, $3  }
0x324: {  	_ =	sdelay $0x1  }
0x325: {  	[sflag:s24] =	ssyncset.done $0x0  }
0x326: {  	[sflag:s24] =	ssyncadd.s32 $0xFFFFD800  }
0x327: {  	_ =	sfence.sel $0x180000  }
0x328: {  	[bflag:$0x0] =	sbarrier.arrive $0xFFFF  }
0x329: {  	_ =	strace $0x9000004D  }
0x32a: {  	s0 =	stileid.u32;
	[bflag:$0x2] =	sbarrier.arrive $0xFFFF  }
0x32b: {  	p0 =	sne.s32 s0, $0x0;
	s0 =	rddreg [dreg:$0x3]  }
0x32c: {  	s0 =	sadd.s32 @!p0 $0x100000, s0  }
0x32d: {  	[sflag:s0] =	ssyncadd.tile.s32 @!p0 $0x1;
	_ =	shalt  }
.Lfunc_end2:
_tile_overlayer_lowered:
.L_overlay_start_2:
0x32e: {  	(tag) =	ssettag $0x2  }
0x32f: {  	s0 =	rddreg [dreg:$0x0];
	s2 =	stileid.u32  }
0x330: {  	s1 =	rddreg [dreg:$0x1];
	p0 =	sne.s32 s2, $0x0  }
0x331: {  	s3 =	rddreg [dreg:$0x2];
	[bflag:$0x3] =	sbarrier.arrive $0xFFFF;
	s2 =	simm.s32 @!p0 $0x1C04  }
0x332: {  	[timem:s3], [sflag:s2] =	dma.local @!p0 [hbm:s0], s1  }
0x333: {  	s0 =	simm.s32 @!p0 $0x4  }
0x334: {  	_ =	swait.ge @!p0 [sflag:s0], s1  }
0x335: {  	s1 =	ssub.s32 @!p0 $0x0, s1;
	[sflag:s0] =	ssyncset.done @!p0 $0x0  }
0x336: {  	[sflag:s0] =	ssyncadd.s32 @!p0 s1  }
0x337: {  	[bflag:$0x3] =	sbarrier.arrive $0xFFFF  }
0x338: {  	_ =	shalt  }

// kernel: kernel.7.cloned.1.call-start
scs
__scs_entry_jumppad:
0x0: {  	(pc) =	sbr.rel $0x88, $3  }
0x1: {  	(tag) =	ssettag $0x0;
	lr =	simm.s32 $0x1  }
0x2: {  	[smem:$0x3F99] =	sst lr;
	_ =	strace $0xD0000000  }
0x3: {  	_ = 	snop  }
0x4: {  	_ = 	snop  }
0x5: {  	_ = 	snop  }
0x6: {  	_ = 	snop  }
0x7: {  	_ = 	snop  }
__scs_overlays_trampoline_lowered:
0x8: {  	[smem:$0x3FA8] =	sst s0  }
0x9: {  	[smem:$0x3FA9] =	sst s1  }
0xa: {  	[smem:$0x3FAA] =	sst s2  }
0xb: {  	[smem:$0x3FAB] =	sst s3  }
0xc: {  	[smem:$0x3FAC] =	sst s4  }
0xd: {  	[smem:$0x3FAD] =	sst s5  }
0xe: {  	[smem:$0x3FAE] =	sst s6  }
0xf: {  	[smem:$0x3FAF] =	sst s7  }
0x10: {  	[smem:$0x3FB0] =	sst s8  }
0x11: {  	[smem:$0x3FB1] =	sst s9;
	s0 =	simm.s32 @!p0 $0x0  }
0x12: {  	s1 =	sld [smem:$0x3F97];
	s0 =	simm.s32 @p0 $0x1  }
0x13: {  	[smem:$0x3FB2] =	sst s0;
	s0 =	simm.s32 @!p1 $0x0  }
0x14: {  	s2 =	sld [smem:$0x3F96];
	s0 =	simm.s32 @p1 $0x1  }
0x15: {  	[smem:$0x3FB3] =	sst s0;
	s0 =	simm.s32 @!p2 $0x0  }
0x16: {  	s3 =	sld [smem:$0x3FDB];
	s0 =	simm.s32 @p2 $0x1  }
0x17: {  	s4 =	simm.s32 $0x1BF5;
	[smem:$0x3FB5] =	sst s0  }
0x18: {  	s0 =	sld [smem:$0x3F98];
	_ =	swait.ge [sflag:s4], $0x0  }
0x19: {  	s7 =	sld [smem:$0x3F99]  }
0x1a: {  	s8 =	sadd.s32 $0xFFFFE003, lr  }
0x1b: {  	s9 =	sadd.s32 $0xFFFFFEF7, lr;
	s5 =	simm.s32 $0xFFFFFFFF;
	p2 =	slt.u32 s8, $0xFFFFF086  }
0x1c: {  	p1 =	slt.u32 s9, $0xF7A;
	s5 =	simm.s32 @!p2 $0x0  }
0x1d: {  	s5 =	simm.s32 @p1 $0x1;
	p0 =	seq.s32 s7, s2  }
0x1e: {  	s7 =	smul.u32 @!p0 $0xF7A, s2;
	p2 =	seq.s32 @!p0 s5, $0x0  }
0x1f: {  	s9 =	smul.u32 $0xF7A, s1;
	s8 =	simm.s32 @!p0 $0x1BF5;
	p2 =	por !p2, p0  }
0x20: {  	[sflag:s8] =	ssyncset.s32 @!p0 $0xFFFFF086;
	s6 =	sadd.s32 @!p0 s3, s7;
	s7 =	simm.s32 @!p0 $0x108  }
0x21: {  	s3 =	sadd.s32 s3, s9;
	s6 =	sadd.s32 @!p0 $0x88, s6;
	s7 =	simm.s32 @p2 $0x1082  }
0x22: {  	[simem:s7], [sflag:s8] =	dma.local @!p0 [hbm:s6], $0xF7A  }
0x23: {  	s9 =	sor.u32 $0xD0000000, s2;
	s6 =	simm.s32 $0x108;
	_ =	swait.ge @!p0 [sflag:s8], $0x0  }
0x24: {  	s3 =	sadd.s32 $0x88, s3;
	s6 =	simm.s32 @!p1 $0x1082;
	[sflag:s4] =	ssyncset.s32 $0xFFFFF086  }
0x25: {  	[simem:s6], [sflag:s4] =	dma.local [hbm:s3], $0xF7A  }
0x26: {  	[smem:$0x3F99] =	sst s1;
	(tag) =	ssettag s2;
	_ =	strace s9  }
0x27: {  	s1 =	sld [smem:$0x3FA9]  }
0x28: {  	s2 =	sld [smem:$0x3FAA]  }
0x29: {  	s4 =	sld [smem:$0x3FAC]  }
0x2a: {  	p0 =	seq.s32 s5, $0x0;
	s5 =	sld [smem:$0x3FAD]  }
0x2b: {  	s6 =	sld [smem:$0x3FAE]  }
0x2c: {  	s7 =	sld [smem:$0x3FAF]  }
0x2d: {  	s3 =	simm.s32 $0x108;
	s8 =	sld [smem:$0x3FB0]  }
0x2e: {  	s3 =	simm.s32 @!p0 $0x1082;
	s9 =	sld [smem:$0x3FB1]  }
0x2f: {  	lr =	sadd.s32 s0, s3;
	s0 =	sld [smem:$0x3FA8]  }
0x30: {  	s3 =	sld [smem:$0x3FAB]  }
0x31: {  	[smem:$0x3FB4] =	sst s10  }
0x32: {  	s10 =	sld [smem:$0x3FB2];
	_ =	sdelay $0x3  }
0x33: {  	p0 =	seq.s32 s10, $0x1;
	s10 =	sld [smem:$0x3FB4];
	_ =	sdelay $0x3  }
0x34: {  	[smem:$0x3FB4] =	sst s10  }
0x35: {  	s10 =	sld [smem:$0x3FB3];
	_ =	sdelay $0x3  }
0x36: {  	p1 =	seq.s32 s10, $0x1;
	s10 =	sld [smem:$0x3FB4];
	_ =	sdelay $0x3  }
0x37: {  	[smem:$0x3FB4] =	sst s10  }
0x38: {  	s10 =	sld [smem:$0x3FB5]  }
0x39: {  	_ = 	snop;
	(pc) =	sbr.ind lr, $3  }
0x3a: {  	_ = 	snop  }
0x3b: {  	_ = 	snop  }
0x3c: {  	p2 =	seq.s32 s10, $0x1;
	s10 =	sld [smem:$0x3FB4]  }
0x3d: {  	_ =	shalt  }
0x3e: {  	_ =	shalt  }
0x3f: {  	_ =	shalt  }
0x40: {  	_ =	shalt  }
0x41: {  	_ =	shalt  }
0x42: {  	_ =	shalt  }
0x43: {  	_ =	shalt  }
0x44: {  	_ =	shalt  }
0x45: {  	_ =	shalt  }
0x46: {  	_ =	shalt  }
0x47: {  	_ =	shalt  }
0x48: {  	_ =	shalt  }
0x49: {  	_ =	shalt  }
0x4a: {  	_ =	shalt  }
0x4b: {  	_ =	shalt  }
0x4c: {  	_ =	shalt  }
0x4d: {  	_ =	shalt  }
0x4e: {  	_ =	shalt  }
0x4f: {  	_ =	shalt  }
0x50: {  	_ =	shalt  }
0x51: {  	_ =	shalt  }
0x52: {  	_ =	shalt  }
0x53: {  	_ =	shalt  }
0x54: {  	_ =	shalt  }
0x55: {  	_ =	shalt  }
0x56: {  	_ =	shalt  }
0x57: {  	_ =	shalt  }
0x58: {  	_ =	shalt  }
0x59: {  	_ =	shalt  }
0x5a: {  	_ =	shalt  }
0x5b: {  	_ =	shalt  }
0x5c: {  	_ =	shalt  }
0x5d: {  	_ =	shalt  }
0x5e: {  	_ =	shalt  }
0x5f: {  	_ =	shalt  }
0x60: {  	_ =	shalt  }
0x61: {  	_ =	shalt  }
0x62: {  	_ =	shalt  }
0x63: {  	_ =	shalt  }
0x64: {  	_ =	shalt  }
0x65: {  	_ =	shalt  }
0x66: {  	_ =	shalt  }
0x67: {  	_ =	shalt  }
0x68: {  	_ =	shalt  }
0x69: {  	_ =	shalt  }
0x6a: {  	_ =	shalt  }
0x6b: {  	_ =	shalt  }
0x6c: {  	_ =	shalt  }
0x6d: {  	_ =	shalt  }
0x6e: {  	_ =	shalt  }
0x6f: {  	_ =	shalt  }
0x70: {  	_ =	shalt  }
0x71: {  	_ =	shalt  }
0x72: {  	_ =	shalt  }
0x73: {  	_ =	shalt  }
0x74: {  	_ =	shalt  }
0x75: {  	_ =	shalt  }
0x76: {  	_ =	shalt  }
0x77: {  	_ =	shalt  }
0x78: {  	_ =	shalt  }
0x79: {  	_ =	shalt  }
0x7a: {  	_ =	shalt  }
0x7b: {  	_ =	shalt  }
0x7c: {  	_ =	shalt  }
0x7d: {  	_ =	shalt  }
0x7e: {  	_ =	shalt  }
0x7f: {  	_ =	shalt  }
0x80: {  	_ =	shalt  }
0x81: {  	_ =	shalt  }
0x82: {  	_ =	shalt  }
0x83: {  	_ =	shalt  }
0x84: {  	_ =	shalt  }
0x85: {  	_ =	shalt  }
0x86: {  	_ =	shalt  }
0x87: {  	_ =	shalt  }
.Lfunc_end0:
.L_simem_size_0:
called_computation_lowered:
.L_overlay_start_0:
0x88: {  	s2 =	sld [smem:$0x3FD9]  }
0x89: {  	s3 =	sld [smem:$0x3FFE];
	_ =	sdelay $0x1  }
0x8a: {  	s1 =	srdreg.scid  }
0x8b: {  	s0 =	sand.u32 $0x1, s1  }
0x8c: {  	s17 =	sshll.u32 s0, $0xA;
	s2 =	sadd.s32 s3, s2  }
0x8d: {  	s2 =	sadd.s32 s2, s17  }
0x8e: {  	[smem:$0x3FC0] =	sst s2  }
0x8f: {  	_ = 	snop  }
0x90: {  	s18 =	sld [smem:$0x3FC9];
	(tm) =	ssettm $0x1  }
0x91: {  	s19 =	sld [smem:$0x3FFB];
	_ =	sdelay $0x3  }
0x92: {  	_ =	strace s19  }
0x93: {  	s2 =	sld [smem:$0x3FFC];
	_ =	sdelay $0x3  }
0x94: {  	_ =	strace s2  }
0x95: {  	s2 =	sld [smem:$0x3FFD];
	_ =	sdelay $0x3  }
0x96: {  	_ =	strace s2  }
0x97: {  	_ =	strace $0x8FFFFFFF  }
0x98: {  	s20 =	sld [smem:$0x3FDB];
	_ =	sdelay $0x1  }
0x99: {  	s4 =	simm.s32 $_scs_section_size  }
0x9a: {  	s5 =	simm.s32 $_size__tile_overlayer_lowered;
	s6 =	simm.s32 $_tile_overlayer_lowered  }
0x9b: {  	s7 =	simm.s32 $0x1BFF;
	s21 =	sshll.u32 s6, $0x1;
	s4 =	sadd.s32 s4, s20  }
0x9c: {  	s22 =	simm.s32 $0x0;
	s5 =	sshll.u32 s5, $0x1;
	s6 =	sadd.s32 s21, s4  }
0x9d: {  	[timem:s22], [sflag:s7] =	dma.local [hbm:s6], s5  }
0x9e: {  	_ =	swait.ge [sflag:s7], s5  }
0x9f: {  	s5 =	ssub.s32 $0x0, s5;
	[sflag:s7] =	ssyncset.done $0x0  }
0xa0: {  	[sflag:s7] =	ssyncadd.s32 s5;
	_ =	sdelay $0x1  }
0xa1: {  	s23 =	simm.s32 $0x1B8B  }
0xa2: {  	_ =	swait.ge [sflag:s23], $0x1  }
0xa3: {  	[sflag:s23] =	ssyncset.done $0x0  }
0xa4: {  	[sflag:s23] =	ssyncadd.s32 $0xFFFFFFFF  }
0xa5: {  	s5 =	sld [smem:$0x0]  }
0xa6: {  	s6 =	sand.u32 $0xFFFFFFFE, s1  }
0xa7: {  	p0 =	sne.s32 s1, s6  }
0xa8: {  	s6 =	sshll.u32 @p0 s6, $0xE  }
0xa9: {  	s6 =	sadd.s32 @p0 $0x11B8D, s6;
	s7 =	sshll.u32 @p0 s5, $0x11  }
0xaa: {  	s6 =	sor.u32 @p0 s7, s6  }
0xab: {  	[sflag:s6] =	ssyncadd.remote.s32 @p0 $0x1;
	_ =	sdelay $0x1  }
0xac: {  	s6 =	simm.s32 @p0 $0x1B8D  }
0xad: {  	_ =	swait.eq @p0 [sflag:s6], $0x1  }
0xae: {  	[sflag:s6] =	ssyncadd.s32 @p0 $0xFFFFFFFF  }
0xaf: {  	s7 =	sshll.u32 @!p0 s1, $0xE  }
0xb0: {  	s7 =	sor.u32 @!p0 $0x4000, s7;
	s6 =	simm.s32 @!p0 $0x1B8D  }
0xb1: {  	s5 =	sshll.u32 @!p0 s5, $0x11;
	s7 =	sadd.s32 @!p0 $0x11B8D, s7;
	_ =	swait.eq @!p0 [sflag:s6], $0x1  }
0xb2: {  	s5 =	sor.u32 @!p0 s5, s7;
	[sflag:s6] =	ssyncadd.s32 @!p0 $0xFFFFFFFF  }
0xb3: {  	s25 =	simm.s32 $0x1B8E;
	s24 =	sld [smem:$0x3FFE];
	[sflag:s5] =	ssyncadd.remote.s32 @!p0 $0x1  }
0xb4: {  	s26 =	simm.s32 $execute0_lowered;
	[smem:$0x3FD2] =	sst s25  }
0xb5: {  	s6 =	sshll.u32 s26, $0x1;
	_ =	strace $0x80000049;
	[dreg:$0x1] =	wrdreg $0xFFFFFFFF  }
0xb6: {  	s28 =	simm.s32 $_size_execute0_lowered;
	s4 =	sadd.s32 s4, s6;
	[dreg:$0x0] =	wrdreg $0x0  }
0xb7: {  	s6 =	sshll.u32 s28, $0x1;
	[dreg:$0x2] =	wrdreg s4  }
0xb8: {  	[dreg:$0x3] =	wrdreg s6  }
0xb9: {  	[dreg:$0x4] =	wrdreg $0xC0  }
0xba: {  	_ =	task [dreg:s22], $0x5FFFF  }
0xbb: {  	[dreg:$0x1] =	wrdreg $0xFFFFFFFF  }
0xbc: {  	[dreg:$0x0] =	wrdreg $0x60  }
0xbd: {  	[dreg:$0x2] =	wrdreg s18  }
0xbe: {  	[dreg:$0x3] =	wrdreg s24  }
0xbf: {  	[dreg:$0x4] =	wrdreg $0xA0000  }
0xc0: {  	[dreg:$0x5] =	wrdreg $0x9  }
0xc1: {  	_ =	task.clear_ibuf [dreg:s22], $0x6FFFF;
	_ =	strace $0x90000049  }
0xc2: {  	s29 =	simm.s32 $0x9;
	_ =	strace $0x8000004B  }
0xc3: {  	_ =	swait.ge [sflag:s29], $0x1  }
0xc4: {  	[sflag:s29] =	ssyncadd.s32 $0xFFFFFFFF  }
0xc5: {  	_ =	strace $0x9000004B  }
0xc6: {  	_ =	sfence  }
0xc7: {  	s30 =	sld [smem:$0x0];
	_ =	sdelay $0x2  }
0xc8: {  	s31 =	sshll.u32 s1, $0xD;
	s1 =	sshrl.u32 s1, $0x2  }
0xc9: {  	s4 =	sand.u32 $0x4000, s31;
	s1 =	sadd.s32 s1, s30  }
0xca: {  	s0 =	sor.u32 s4, s0;
	s1 =	sshll.u32 s1, $0x11  }
0xcb: {  	s0 =	sor.u32 s1, s0  }
0xcc: {  	s0 =	sadd.s32 $0x8F2B, s0  }
0xcd: {  	[sflag:s0] =	ssyncadd.remote.s32 $0x1  }
0xce: {  	_ =	sfence.sel $0xFFFF  }
0xcf: {  	[dreg:$0x0] =	wrdreg $0xFFFFFFFF;
	(pc) =	sbr.abs _section_cstart, $3  }
0xd0: {  	[dreg:$0x1] =	wrdreg $0xFFFFFFFF  }
0xd1: {  	_ =	task.clear_ibuf [dreg:s22], $0x2FFFF;
	_ =	strace $0x9FFFFFFF  }
0xd2: {  	(tm) =	ssettm $0x7FFFFFFF  }
0xd3: {  	_ =	shalt  }
tec
execute0_lowered:
.L_overlay_start_1:
0x0: {  	(tag) =	ssettag $0x1  }
0x1: {  	s1 =	rddreg [dreg:$0x0]  }
0x2: {  	s0 =	rddreg [dreg:$0x1]  }
0x3: {  	s2 =	rddreg [dreg:$0x2]  }
0x4: {  	s3 =	srdreg.scid;
	s4 =	simm.s32 $0x0;
	s9 =	stileid.u32  }
0x5: {  	s30 =	simm.s32 $0x2;
	s31 =	simm.s32 $0x6000;
	s12 =	simm.s32 $0x1980  }
0x6: {  	s28 =	simm.s32 $0x1B00;
	s3 =	sand.u32 $0x1, s3;
	s6 =	smul.u32 $0x14000, s9  }
0x7: {  	[smem:$0x7FF] =	sst s4;
	s7 =	sadd.s32 $0x66400, s0;
	s5 =	smul.u32 $0x140000, s3  }
0x8: {  	s8 =	sadd.s32 $0x5C400, s0;
	s13 =	sshll.u32 s3, $0x4;
	s3 =	ssub.s32 $0x2, s3  }
0x9: {  	_ =	strace $0x8000004A;
	s10 =	sshrl.u32 s3, $0x1;
	s5 =	sadd.s32 s6, s5  }
0xa: {  	s6 =	sor.u32 s9, s13;
	s9 =	smul.u32 $0x50000, s9;
	s3 =	ssub.s32 s3, s10  }
0xb: {  	s13 =	simm.s32 $0x1280;
	s5 =	sshrl.u32 s5, $0x3;
	s14 =	smul.u32 $0x500, s6  }
0xc: {  	s11 =	smul.u32 $0x2800, s6;
	s29 =	smax.u32 s3, $0x1;
	s3 =	simm.s32 $0x3  }
0xd: {  	s0 =	sadd.s32 s5, s0;
	[dreg:$0x13] =	wrdreg s29;
	s15 =	sadd.s32 s7, s14  }
0xe: {  	s9 =	sshrl.u32 s9, $0x2;
	s5 =	sadd.s32 s8, s14;
	[dreg:$0x4] =	wrdreg s15  }
0xf: {  	s6 =	simm.s32 $0x1800;
	s16 =	sadd.s32 s9, s2;
	[dreg:$0x5] =	wrdreg s5  }
0x10: {  	s18 =	sshrl.u32 s11, $0x3;
	s0 =	sadd.s32 $0x70400, s0;
	[dreg:$0x14] =	wrdreg s16  }
0x11: {  	s11 =	simm.s32 $0x1200;
	s17 =	sadd.s32 $0x4000, s16;
	[dreg:$0x12] =	wrdreg s0  }
0x12: {  	s14 =	simm.s32 $0x1A00;
	s9 =	sadd.s32 $0x8000, s16;
	[dreg:$0x6] =	wrdreg s17  }
0x13: {  	s19 =	sadd.s32 $0xC000, s16;
	s20 =	sadd.s32 $0x100, s18;
	[dreg:$0x7] =	wrdreg s9  }
0x14: {  	s21 =	sadd.s32 $0x10000, s16;
	s23 =	sadd.s32 $0x200, s18;
	[dreg:$0x8] =	wrdreg s19  }
0x15: {  	s25 =	sadd.s32 $0x300, s18;
	[dreg:$0x9] =	wrdreg s21;
	s22 =	sadd.s32 s7, s20  }
0x16: {  	s5 =	sadd.s32 $0x400, s18;
	s9 =	sadd.s32 s8, s20;
	[dreg:$0xa] =	wrdreg s22  }
0x17: {  	s15 =	simm.s32 $0x1300;
	s24 =	sadd.s32 s7, s23;
	[dreg:$0xb] =	wrdreg s9  }
0x18: {  	s16 =	simm.s32 $0x1A80;
	s10 =	sadd.s32 s8, s23;
	[dreg:$0xc] =	wrdreg s24  }
0x19: {  	s26 =	sadd.s32 s7, s25;
	s7 =	sadd.s32 s7, s5;
	[dreg:$0xd] =	wrdreg s10  }
0x1a: {  	s5 =	sadd.s32 s8, s5;
	s23 =	simm.s32 $0x2000;
	[dreg:$0xe] =	wrdreg s26  }
0x1b: {  	s17 =	simm.s32 $0x0;
	s21 =	simm.s32 $0x1380;
	[dreg:$0x10] =	wrdreg s7  }
0x1c: {  	s9 =	sadd.s32 s8, s25;
	[dreg:$0x11] =	wrdreg s5;
	s5 =	simm.s32 $0x800  }
0x1d: {  	s24 =	simm.s32 $0x4;
	s25 =	simm.s32 $0x1;
	s26 =	simm.s32 $0x80  }
0x1e: {  	s22 =	simm.s32 $0x1080;
	s7 =	simm.s32 $0x1100;
	s8 =	simm.s32 $0x1880  }
0x1f: {  	v0 =	vimm.f32 $0.0e+00;
	s10 =	simm.s32 $0x1900;
	[dreg:$0xf] =	wrdreg s9;
	s9 =	simm.s32 $0x1180  }
.LBB2_1:
0x20: {  	s18 =	rddreg [dreg:$0x4]  }
0x21: {  	[tilespmem:s4], [sflag:$0x1] =	stream.linear.gather [hbm4b:s18+s4], $0x800, $0x38;
	[tilespmem:$0x1E000] =	vst v63  }
0x22: {  	s29 =	rddreg [dreg:$0x5];
	s19 =	simm.s32 $0x200;
	s18 =	simm.s32 $0x0  }
0x23: {  	[tilespmem:s5], [sflag:$0x1] =	stream.linear.gather [hbm4b:s29+s4], $0x800, $0x38;
	[tilespmem:$0x1E000] =	vst v63  }
.LBB2_2:
0x24: {  	p0 =	sne.s32 s19, $0xFE00;
	[tilespmem:s18+$0x2070] =	vst v0  }
0x25: {  	[tilespmem:s18+$0x2000] =	vst v0  }
0x26: {  	[tilespmem:s18+$0x2010] =	vst v0  }
.Ltmp0:
0x27: {  	[tilespmem:s18+$0x2020] =	vst v0;
	(pc) =	sbr.rel @p0 .LBB2_2-.Ltmp0, $4  }
0x28: {  	[tilespmem:s18+$0x2030] =	vst v0  }
0x29: {  	[tilespmem:s18+$0x2040] =	vst v0  }
0x2a: {  	[tilespmem:s18+$0x2050] =	vst v0  }
0x2b: {  	[tilespmem:s18+$0x2060] =	vst v0;
	s18 =	sshra.s32 s19, $0x2;
	s19 =	sadd.s32 $0x200, s19  }
0x2c: {  	[tilespmem:s18+$0x2070] =	vst v0  }
0x2d: {  	[tilespmem:s18+$0x2000] =	vst v0  }
0x2e: {  	[tilespmem:s18+$0x2010] =	vst v0  }
0x2f: {  	[tilespmem:s18+$0x2020] =	vst v0  }
0x30: {  	[tilespmem:s18+$0x2030] =	vst v0  }
0x31: {  	[tilespmem:s18+$0x2040] =	vst v0  }
0x32: {  	[tilespmem:s18+$0x2050] =	vst v0  }
0x33: {  	[tilespmem:s18+$0x2060] =	vst v0;
	s0 =	rddreg [dreg:$0x14]  }
0x34: {  	[spmem:s0] =	stream.linear.scatter [tilespmem:s23], [sflag:$0x4], $0x4000, $0x38;
	[tilespmem:$0x1E000] =	vst v63  }
0x35: {  	_ =	swait.ge [sflag:s24], $0x4000  }
0x36: {  	[sflag:s24] =	ssyncset.done $0x0  }
0x37: {  	s0 =	rddreg [dreg:$0x6];
	[sflag:s24] =	ssyncadd.s32 $0xFFFFC000  }
0x38: {  	[spmem:s0] =	stream.linear.scatter [tilespmem:s23], [sflag:$0x4], $0x4000, $0x38;
	[tilespmem:$0x1E000] =	vst v63  }
0x39: {  	_ =	swait.ge [sflag:s24], $0x4000  }
0x3a: {  	[sflag:s24] =	ssyncset.done $0x0  }
0x3b: {  	s19 =	rddreg [dreg:$0x7];
	[sflag:s24] =	ssyncadd.s32 $0xFFFFC000  }
0x3c: {  	[spmem:s19] =	stream.linear.scatter [tilespmem:s23], [sflag:$0x4], $0x4000, $0x38;
	[tilespmem:$0x1E000] =	vst v63  }
0x3d: {  	_ =	swait.ge [sflag:s24], $0x4000  }
0x3e: {  	[sflag:s24] =	ssyncset.done $0x0  }
0x3f: {  	s20 =	rddreg [dreg:$0x8];
	[sflag:s24] =	ssyncadd.s32 $0xFFFFC000  }
0x40: {  	[spmem:s20] =	stream.linear.scatter [tilespmem:s23], [sflag:$0x4], $0x4000, $0x38;
	[tilespmem:$0x1E000] =	vst v63  }
0x41: {  	_ =	swait.ge [sflag:s24], $0x4000  }
0x42: {  	[sflag:s24] =	ssyncset.done $0x0  }
0x43: {  	s29 =	rddreg [dreg:$0x9];
	[sflag:s24] =	ssyncadd.s32 $0xFFFFC000  }
0x44: {  	[spmem:s29] =	stream.linear.scatter [tilespmem:s23], [sflag:$0x4], $0x4000, $0x38;
	[tilespmem:$0x1E000] =	vst v63  }
0x45: {  	_ =	swait.ge [sflag:s24], $0x4000  }
0x46: {  	[sflag:s24] =	ssyncset.done $0x0  }
0x47: {  	[sflag:s24] =	ssyncadd.s32 $0xFFFFC000  }
0x48: {  	_ =	swait.ge [sflag:s25], $0x800  }
0x49: {  	[sflag:s25] =	ssyncset.done $0x0  }
0x4a: {  	[sflag:s25] =	ssyncadd.s32 $0xFFFFF800  }
0x4b: {  	_ =	swait.ge [sflag:s25], $0x800  }
0x4c: {  	[sflag:s25] =	ssyncset.done $0x0  }
0x4d: {  	[sflag:s25] =	ssyncadd.s32 $0xFFFFF800  }
0x4e: {  	[bflag:$0x0] =	sbarrier.arrive $0xFFFF  }
0x4f: {  	[tilespmem:s23], [sflag:$0x2] =	stream.indirect.gather [hbm4b:s1+s26], $0x80, s4, s26, $0xb8;
	[tilespmem:$0x1E000] =	vst v63  }
0x50: {  	s29 =	simm.s32 $0x1000;
	s0 =	rddreg [dreg:$0xa]  }
0x51: {  	[tilespmem:s29], [sflag:$0x1] =	stream.linear.gather [hbm4b:s0+s4], $0x800, $0x38;
	[tilespmem:$0x1E000] =	vst v63  }
0x52: {  	s19 =	rddreg [dreg:$0xb]  }
0x53: {  	[tilespmem:s6], [sflag:$0x1] =	stream.linear.gather [hbm4b:s19+s4], $0x800, $0x38;
	[tilespmem:$0x1E000] =	vst v63  }
0x54: {  	_ =	swait.ge [sflag:s30], $0x4000  }
0x55: {  	[sflag:s30] =	ssyncset.done $0x0  }
0x56: {  	[sflag:s30] =	ssyncadd.s32 $0xFFFFC000  }
0x57: {  	[tilespmem:s31], [sflag:$0x3] =	stream.indirect.gather [hbm4b:s1+s26], $0x80, s26, s26, $0xb8;
	[tilespmem:$0x1E000] =	vst v63  }
0x58: {  	_ = 	snop  }
0x59: {  	[spmem:s2] =	stream.indirect.scatter.add.f32 [tilespmem:s23], [sflag:$0x4], $0x80, s5, s26, $0xb8;
	[tilespmem:$0x1E000] =	vst v63  }
0x5a: {  	_ =	swait.ge [sflag:s24], $0x4000  }
0x5b: {  	[sflag:s24] =	ssyncset.done $0x0  }
0x5c: {  	s20 =	simm.s32 $0x100;
	[sflag:s24] =	ssyncadd.s32 $0xFFFFC000  }
0x5d: {  	[tilespmem:s23], [sflag:$0x2] =	stream.indirect.gather [hbm4b:s1+s26], $0x80, s20, s26, $0xb8;
	[tilespmem:$0x1E000] =	vst v63  }
0x5e: {  	_ =	swait.ge [sflag:s3], $0x4000  }
0x5f: {  	[sflag:s3] =	ssyncset.done $0x0  }
0x60: {  	s18 =	simm.s32 $0x880;
	[sflag:s3] =	ssyncadd.s32 $0xFFFFC000  }
0x61: {  	[spmem:s2] =	stream.indirect.scatter.add.f32 [tilespmem:s31], [sflag:$0x4], $0x80, s18, s26, $0xb8;
	[tilespmem:$0x1E000] =	vst v63  }
0x62: {  	_ =	swait.ge [sflag:s24], $0x4000  }
0x63: {  	[sflag:s24] =	ssyncset.done $0x0  }
0x64: {  	[sflag:s24] =	ssyncadd.s32 $0xFFFFC000  }
0x65: {  	_ =	swait.ge [sflag:s30], $0x4000  }
0x66: {  	[sflag:s30] =	ssyncset.done $0x0  }
0x67: {  	s19 =	simm.s32 $0x180;
	[sflag:s30] =	ssyncadd.s32 $0xFFFFC000  }
0x68: {  	[tilespmem:s31], [sflag:$0x3] =	stream.indirect.gather [hbm4b:s1+s26], $0x80, s19, s26, $0xb8;
	[tilespmem:$0x1E000] =	vst v63  }
0x69: {  	s20 =	simm.s32 $0x900  }
0x6a: {  	[spmem:s2] =	stream.indirect.scatter.add.f32 [tilespmem:s23], [sflag:$0x4], $0x80, s20, s26, $0xb8;
	[tilespmem:$0x1E000] =	vst v63  }
0x6b: {  	_ =	swait.ge [sflag:s24], $0x4000  }
0x6c: {  	[sflag:s24] =	ssyncset.done $0x0  }
0x6d: {  	s18 =	simm.s32 $0x200;
	[sflag:s24] =	ssyncadd.s32 $0xFFFFC000  }
0x6e: {  	[tilespmem:s23], [sflag:$0x2] =	stream.indirect.gather [hbm4b:s1+s26], $0x80, s18, s26, $0xb8;
	[tilespmem:$0x1E000] =	vst v63  }
0x6f: {  	_ =	swait.ge [sflag:s3], $0x4000  }
0x70: {  	[sflag:s3] =	ssyncset.done $0x0  }
0x71: {  	s19 =	simm.s32 $0x980;
	[sflag:s3] =	ssyncadd.s32 $0xFFFFC000  }
0x72: {  	[spmem:s2] =	stream.indirect.scatter.add.f32 [tilespmem:s31], [sflag:$0x4], $0x80, s19, s26, $0xb8;
	[tilespmem:$0x1E000] =	vst v63  }
0x73: {  	_ =	swait.ge [sflag:s24], $0x4000  }
0x74: {  	[sflag:s24] =	ssyncset.done $0x0  }
0x75: {  	[sflag:s24] =	ssyncadd.s32 $0xFFFFC000  }
0x76: {  	_ =	swait.ge [sflag:s30], $0x4000  }
0x77: {  	[sflag:s30] =	ssyncset.done $0x0  }
0x78: {  	s20 =	simm.s32 $0x280;
	[sflag:s30] =	ssyncadd.s32 $0xFFFFC000  }
0x79: {  	[tilespmem:s31], [sflag:$0x3] =	stream.indirect.gather [hbm4b:s1+s26], $0x80, s20, s26, $0xb8;
	[tilespmem:$0x1E000] =	vst v63  }
0x7a: {  	s18 =	simm.s32 $0xA00  }
0x7b: {  	[spmem:s2] =	stream.indirect.scatter.add.f32 [tilespmem:s23], [sflag:$0x4], $0x80, s18, s26, $0xb8;
	[tilespmem:$0x1E000] =	vst v63  }
0x7c: {  	_ =	swait.ge [sflag:s24], $0x4000  }
0x7d: {  	[sflag:s24] =	ssyncset.done $0x0  }
0x7e: {  	s19 =	simm.s32 $0x300;
	[sflag:s24] =	ssyncadd.s32 $0xFFFFC000  }
0x7f: {  	[tilespmem:s23], [sflag:$0x2] =	stream.indirect.gather [hbm4b:s1+s26], $0x80, s19, s26, $0xb8;
	[tilespmem:$0x1E000] =	vst v63  }
0x80: {  	_ =	swait.ge [sflag:s3], $0x4000  }
0x81: {  	[sflag:s3] =	ssyncset.done $0x0  }
0x82: {  	s20 =	simm.s32 $0xA80;
	[sflag:s3] =	ssyncadd.s32 $0xFFFFC000  }
0x83: {  	[spmem:s2] =	stream.indirect.scatter.add.f32 [tilespmem:s31], [sflag:$0x4], $0x80, s20, s26, $0xb8;
	[tilespmem:$0x1E000] =	vst v63  }
0x84: {  	_ =	swait.ge [sflag:s24], $0x4000  }
0x85: {  	[sflag:s24] =	ssyncset.done $0x0  }
0x86: {  	[sflag:s24] =	ssyncadd.s32 $0xFFFFC000  }
0x87: {  	_ =	swait.ge [sflag:s30], $0x4000  }
0x88: {  	[sflag:s30] =	ssyncset.done $0x0  }
0x89: {  	s18 =	simm.s32 $0x380;
	[sflag:s30] =	ssyncadd.s32 $0xFFFFC000  }
0x8a: {  	[tilespmem:s31], [sflag:$0x3] =	stream.indirect.gather [hbm4b:s1+s26], $0x80, s18, s26, $0xb8;
	[tilespmem:$0x1E000] =	vst v63  }
0x8b: {  	s19 =	simm.s32 $0xB00  }
0x8c: {  	[spmem:s2] =	stream.indirect.scatter.add.f32 [tilespmem:s23], [sflag:$0x4], $0x80, s19, s26, $0xb8;
	[tilespmem:$0x1E000] =	vst v63  }
0x8d: {  	_ =	swait.ge [sflag:s24], $0x4000  }
0x8e: {  	[sflag:s24] =	ssyncset.done $0x0  }
0x8f: {  	s20 =	simm.s32 $0x400;
	[sflag:s24] =	ssyncadd.s32 $0xFFFFC000  }
0x90: {  	[tilespmem:s23], [sflag:$0x2] =	stream.indirect.gather [hbm4b:s1+s26], $0x80, s20, s26, $0xb8;
	[tilespmem:$0x1E000] =	vst v63  }
0x91: {  	_ =	swait.ge [sflag:s3], $0x4000  }
0x92: {  	[sflag:s3] =	ssyncset.done $0x0  }
0x93: {  	s18 =	simm.s32 $0xB80;
	[sflag:s3] =	ssyncadd.s32 $0xFFFFC000  }
0x94: {  	[spmem:s2] =	stream.indirect.scatter.add.f32 [tilespmem:s31], [sflag:$0x4], $0x80, s18, s26, $0xb8;
	[tilespmem:$0x1E000] =	vst v63  }
0x95: {  	_ =	swait.ge [sflag:s24], $0x4000  }
0x96: {  	[sflag:s24] =	ssyncset.done $0x0  }
0x97: {  	[sflag:s24] =	ssyncadd.s32 $0xFFFFC000  }
0x98: {  	_ =	swait.ge [sflag:s30], $0x4000  }
0x99: {  	[sflag:s30] =	ssyncset.done $0x0  }
0x9a: {  	s19 =	simm.s32 $0x480;
	[sflag:s30] =	ssyncadd.s32 $0xFFFFC000  }
0x9b: {  	[tilespmem:s31], [sflag:$0x3] =	stream.indirect.gather [hbm4b:s1+s26], $0x80, s19, s26, $0xb8;
	[tilespmem:$0x1E000] =	vst v63  }
0x9c: {  	s20 =	simm.s32 $0xC00  }
0x9d: {  	[spmem:s2] =	stream.indirect.scatter.add.f32 [tilespmem:s23], [sflag:$0x4], $0x80, s20, s26, $0xb8;
	[tilespmem:$0x1E000] =	vst v63  }
0x9e: {  	_ =	swait.ge [sflag:s24], $0x4000  }
0x9f: {  	[sflag:s24] =	ssyncset.done $0x0  }
0xa0: {  	s18 =	simm.s32 $0x500;
	[sflag:s24] =	ssyncadd.s32 $0xFFFFC000  }
0xa1: {  	[tilespmem:s23], [sflag:$0x2] =	stream.indirect.gather [hbm4b:s1+s26], $0x80, s18, s26, $0xb8;
	[tilespmem:$0x1E000] =	vst v63  }
0xa2: {  	_ =	swait.ge [sflag:s3], $0x4000  }
0xa3: {  	[sflag:s3] =	ssyncset.done $0x0  }
0xa4: {  	s19 =	simm.s32 $0xC80;
	[sflag:s3] =	ssyncadd.s32 $0xFFFFC000  }
0xa5: {  	[spmem:s2] =	stream.indirect.scatter.add.f32 [tilespmem:s31], [sflag:$0x4], $0x80, s19, s26, $0xb8;
	[tilespmem:$0x1E000] =	vst v63  }
0xa6: {  	_ =	swait.ge [sflag:s24], $0x4000  }
0xa7: {  	[sflag:s24] =	ssyncset.done $0x0  }
0xa8: {  	[sflag:s24] =	ssyncadd.s32 $0xFFFFC000  }
0xa9: {  	_ =	swait.ge [sflag:s30], $0x4000  }
0xaa: {  	[sflag:s30] =	ssyncset.done $0x0  }
0xab: {  	s20 =	simm.s32 $0x580;
	[sflag:s30] =	ssyncadd.s32 $0xFFFFC000  }
0xac: {  	[tilespmem:s31], [sflag:$0x3] =	stream.indirect.gather [hbm4b:s1+s26], $0x80, s20, s26, $0xb8;
	[tilespmem:$0x1E000] =	vst v63  }
0xad: {  	s18 =	simm.s32 $0xD00  }
0xae: {  	[spmem:s2] =	stream.indirect.scatter.add.f32 [tilespmem:s23], [sflag:$0x4], $0x80, s18, s26, $0xb8;
	[tilespmem:$0x1E000] =	vst v63  }
0xaf: {  	_ =	swait.ge [sflag:s24], $0x4000  }
0xb0: {  	[sflag:s24] =	ssyncset.done $0x0  }
0xb1: {  	s19 =	simm.s32 $0x600;
	[sflag:s24] =	ssyncadd.s32 $0xFFFFC000  }
0xb2: {  	[tilespmem:s23], [sflag:$0x2] =	stream.indirect.gather [hbm4b:s1+s26], $0x80, s19, s26, $0xb8;
	[tilespmem:$0x1E000] =	vst v63  }
0xb3: {  	_ =	swait.ge [sflag:s3], $0x4000  }
0xb4: {  	[sflag:s3] =	ssyncset.done $0x0  }
0xb5: {  	s20 =	simm.s32 $0xD80;
	[sflag:s3] =	ssyncadd.s32 $0xFFFFC000  }
0xb6: {  	[spmem:s2] =	stream.indirect.scatter.add.f32 [tilespmem:s31], [sflag:$0x4], $0x80, s20, s26, $0xb8;
	[tilespmem:$0x1E000] =	vst v63  }
0xb7: {  	_ =	swait.ge [sflag:s24], $0x4000  }
0xb8: {  	[sflag:s24] =	ssyncset.done $0x0  }
0xb9: {  	[sflag:s24] =	ssyncadd.s32 $0xFFFFC000  }
0xba: {  	_ =	swait.ge [sflag:s30], $0x4000  }
0xbb: {  	[sflag:s30] =	ssyncset.done $0x0  }
0xbc: {  	s18 =	simm.s32 $0x680;
	[sflag:s30] =	ssyncadd.s32 $0xFFFFC000  }
0xbd: {  	[tilespmem:s31], [sflag:$0x3] =	stream.indirect.gather [hbm4b:s1+s26], $0x80, s18, s26, $0xb8;
	[tilespmem:$0x1E000] =	vst v63  }
0xbe: {  	s19 =	simm.s32 $0xE00  }
0xbf: {  	[spmem:s2] =	stream.indirect.scatter.add.f32 [tilespmem:s23], [sflag:$0x4], $0x80, s19, s26, $0xb8;
	[tilespmem:$0x1E000] =	vst v63  }
0xc0: {  	_ =	swait.ge [sflag:s24], $0x4000  }
0xc1: {  	[sflag:s24] =	ssyncset.done $0x0  }
0xc2: {  	s20 =	simm.s32 $0x700;
	[sflag:s24] =	ssyncadd.s32 $0xFFFFC000  }
0xc3: {  	[tilespmem:s23], [sflag:$0x2] =	stream.indirect.gather [hbm4b:s1+s26], $0x80, s20, s26, $0xb8;
	[tilespmem:$0x1E000] =	vst v63  }
0xc4: {  	_ =	swait.ge [sflag:s3], $0x4000  }
0xc5: {  	[sflag:s3] =	ssyncset.done $0x0  }
0xc6: {  	s18 =	simm.s32 $0xE80;
	[sflag:s3] =	ssyncadd.s32 $0xFFFFC000  }
0xc7: {  	[spmem:s2] =	stream.indirect.scatter.add.f32 [tilespmem:s31], [sflag:$0x4], $0x80, s18, s26, $0xb8;
	[tilespmem:$0x1E000] =	vst v63  }
0xc8: {  	_ =	swait.ge [sflag:s24], $0x4000  }
0xc9: {  	[sflag:s24] =	ssyncset.done $0x0  }
0xca: {  	[sflag:s24] =	ssyncadd.s32 $0xFFFFC000  }
0xcb: {  	_ =	swait.ge [sflag:s30], $0x4000  }
0xcc: {  	[sflag:s30] =	ssyncset.done $0x0  }
0xcd: {  	s19 =	simm.s32 $0x780;
	[sflag:s30] =	ssyncadd.s32 $0xFFFFC000  }
0xce: {  	[tilespmem:s31], [sflag:$0x3] =	stream.indirect.gather [hbm4b:s1+s26], $0x80, s19, s26, $0xb8;
	[tilespmem:$0x1E000] =	vst v63  }
0xcf: {  	s20 =	simm.s32 $0xF00  }
0xd0: {  	[spmem:s2] =	stream.indirect.scatter.add.f32 [tilespmem:s23], [sflag:$0x4], $0x80, s20, s26, $0xb8;
	[tilespmem:$0x1E000] =	vst v63  }
0xd1: {  	_ =	swait.ge [sflag:s24], $0x4000  }
0xd2: {  	[sflag:s24] =	ssyncset.done $0x0  }
0xd3: {  	[sflag:s24] =	ssyncadd.s32 $0xFFFFC000  }
0xd4: {  	_ =	swait.ge [sflag:s25], $0x800  }
0xd5: {  	[sflag:s25] =	ssyncset.done $0x0  }
0xd6: {  	[sflag:s25] =	ssyncadd.s32 $0xFFFFF800  }
0xd7: {  	_ =	swait.ge [sflag:s25], $0x800  }
0xd8: {  	[sflag:s25] =	ssyncset.done $0x0  }
0xd9: {  	[sflag:s25] =	ssyncadd.s32 $0xFFFFF800  }
0xda: {  	[tilespmem:s23], [sflag:$0x2] =	stream.indirect.gather [hbm4b:s1+s26], $0x80, s29, s26, $0xb8;
	[tilespmem:$0x1E000] =	vst v63  }
0xdb: {  	_ =	swait.ge [sflag:s3], $0x4000  }
0xdc: {  	[sflag:s3] =	ssyncset.done $0x0  }
0xdd: {  	s18 =	simm.s32 $0xF80;
	[sflag:s3] =	ssyncadd.s32 $0xFFFFC000  }
0xde: {  	[spmem:s2] =	stream.indirect.scatter.add.f32 [tilespmem:s31], [sflag:$0x4], $0x80, s18, s26, $0xb8;
	[tilespmem:$0x1E000] =	vst v63  }
0xdf: {  	_ =	swait.ge [sflag:s24], $0x4000  }
0xe0: {  	[sflag:s24] =	ssyncset.done $0x0  }
0xe1: {  	s19 =	rddreg [dreg:$0xc];
	[sflag:s24] =	ssyncadd.s32 $0xFFFFC000  }
0xe2: {  	[tilespmem:s4], [sflag:$0x1] =	stream.linear.gather [hbm4b:s19+s4], $0x800, $0x38;
	[tilespmem:$0x1E000] =	vst v63  }
0xe3: {  	s20 =	rddreg [dreg:$0xd]  }
0xe4: {  	[tilespmem:s5], [sflag:$0x1] =	stream.linear.gather [hbm4b:s20+s4], $0x800, $0x38;
	[tilespmem:$0x1E000] =	vst v63  }
0xe5: {  	_ =	swait.ge [sflag:s30], $0x4000  }
0xe6: {  	[sflag:s30] =	ssyncset.done $0x0  }
0xe7: {  	[sflag:s30] =	ssyncadd.s32 $0xFFFFC000  }
0xe8: {  	[tilespmem:s31], [sflag:$0x3] =	stream.indirect.gather [hbm4b:s1+s26], $0x80, s22, s26, $0xb8;
	[tilespmem:$0x1E000] =	vst v63  }
0xe9: {  	_ = 	snop  }
0xea: {  	[spmem:s2] =	stream.indirect.scatter.add.f32 [tilespmem:s23], [sflag:$0x4], $0x80, s6, s26, $0xb8;
	[tilespmem:$0x1E000] =	vst v63  }
0xeb: {  	_ =	swait.ge [sflag:s24], $0x4000  }
0xec: {  	[sflag:s24] =	ssyncset.done $0x0  }
0xed: {  	[sflag:s24] =	ssyncadd.s32 $0xFFFFC000  }
0xee: {  	[tilespmem:s23], [sflag:$0x2] =	stream.indirect.gather [hbm4b:s1+s26], $0x80, s7, s26, $0xb8;
	[tilespmem:$0x1E000] =	vst v63  }
0xef: {  	_ =	swait.ge [sflag:s3], $0x4000  }
0xf0: {  	[sflag:s3] =	ssyncset.done $0x0  }
0xf1: {  	[sflag:s3] =	ssyncadd.s32 $0xFFFFC000  }
0xf2: {  	[spmem:s2] =	stream.indirect.scatter.add.f32 [tilespmem:s31], [sflag:$0x4], $0x80, s8, s26, $0xb8;
	[tilespmem:$0x1E000] =	vst v63  }
0xf3: {  	_ =	swait.ge [sflag:s24], $0x4000  }
0xf4: {  	[sflag:s24] =	ssyncset.done $0x0  }
0xf5: {  	[sflag:s24] =	ssyncadd.s32 $0xFFFFC000  }
0xf6: {  	_ =	swait.ge [sflag:s30], $0x4000  }
0xf7: {  	[sflag:s30] =	ssyncset.done $0x0  }
0xf8: {  	[sflag:s30] =	ssyncadd.s32 $0xFFFFC000  }
0xf9: {  	[tilespmem:s31], [sflag:$0x3] =	stream.indirect.gather [hbm4b:s1+s26], $0x80, s9, s26, $0xb8;
	[tilespmem:$0x1E000] =	vst v63  }
0xfa: {  	_ = 	snop  }
0xfb: {  	[spmem:s2] =	stream.indirect.scatter.add.f32 [tilespmem:s23], [sflag:$0x4], $0x80, s10, s26, $0xb8;
	[tilespmem:$0x1E000] =	vst v63  }
0xfc: {  	_ =	swait.ge [sflag:s24], $0x4000  }
0xfd: {  	[sflag:s24] =	ssyncset.done $0x0  }
0xfe: {  	[sflag:s24] =	ssyncadd.s32 $0xFFFFC000  }
0xff: {  	[tilespmem:s23], [sflag:$0x2] =	stream.indirect.gather [hbm4b:s1+s26], $0x80, s11, s26, $0xb8;
	[tilespmem:$0x1E000] =	vst v63  }
0x100: {  	_ =	swait.ge [sflag:s3], $0x4000  }
0x101: {  	[sflag:s3] =	ssyncset.done $0x0  }
0x102: {  	[sflag:s3] =	ssyncadd.s32 $0xFFFFC000  }
0x103: {  	[spmem:s2] =	stream.indirect.scatter.add.f32 [tilespmem:s31], [sflag:$0x4], $0x80, s12, s26, $0xb8;
	[tilespmem:$0x1E000] =	vst v63  }
0x104: {  	_ =	swait.ge [sflag:s24], $0x4000  }
0x105: {  	[sflag:s24] =	ssyncset.done $0x0  }
0x106: {  	[sflag:s24] =	ssyncadd.s32 $0xFFFFC000  }
0x107: {  	_ =	swait.ge [sflag:s30], $0x4000  }
0x108: {  	[sflag:s30] =	ssyncset.done $0x0  }
0x109: {  	[sflag:s30] =	ssyncadd.s32 $0xFFFFC000  }
0x10a: {  	[tilespmem:s31], [sflag:$0x3] =	stream.indirect.gather [hbm4b:s1+s26], $0x80, s13, s26, $0xb8;
	[tilespmem:$0x1E000] =	vst v63  }
0x10b: {  	_ = 	snop  }
0x10c: {  	[spmem:s2] =	stream.indirect.scatter.add.f32 [tilespmem:s23], [sflag:$0x4], $0x80, s14, s26, $0xb8;
	[tilespmem:$0x1E000] =	vst v63  }
0x10d: {  	_ =	swait.ge [sflag:s24], $0x4000  }
0x10e: {  	[sflag:s24] =	ssyncset.done $0x0  }
0x10f: {  	[sflag:s24] =	ssyncadd.s32 $0xFFFFC000  }
0x110: {  	[tilespmem:s23], [sflag:$0x2] =	stream.indirect.gather [hbm4b:s1+s26], $0x80, s15, s26, $0xb8;
	[tilespmem:$0x1E000] =	vst v63  }
0x111: {  	_ =	swait.ge [sflag:s3], $0x4000  }
0x112: {  	[sflag:s3] =	ssyncset.done $0x0  }
0x113: {  	[sflag:s3] =	ssyncadd.s32 $0xFFFFC000  }
0x114: {  	[spmem:s2] =	stream.indirect.scatter.add.f32 [tilespmem:s31], [sflag:$0x4], $0x80, s16, s26, $0xb8;
	[tilespmem:$0x1E000] =	vst v63  }
0x115: {  	_ =	swait.ge [sflag:s24], $0x4000  }
0x116: {  	[sflag:s24] =	ssyncset.done $0x0  }
0x117: {  	[sflag:s24] =	ssyncadd.s32 $0xFFFFC000  }
0x118: {  	_ =	swait.ge [sflag:s30], $0x4000  }
0x119: {  	[sflag:s30] =	ssyncset.done $0x0  }
0x11a: {  	[sflag:s30] =	ssyncadd.s32 $0xFFFFC000  }
0x11b: {  	[tilespmem:s31], [sflag:$0x3] =	stream.indirect.gather [hbm4b:s1+s26], $0x80, s21, s26, $0xb8;
	[tilespmem:$0x1E000] =	vst v63  }
0x11c: {  	_ = 	snop  }
0x11d: {  	[spmem:s2] =	stream.indirect.scatter.add.f32 [tilespmem:s23], [sflag:$0x4], $0x80, s28, s26, $0xb8;
	[tilespmem:$0x1E000] =	vst v63  }
0x11e: {  	_ =	swait.ge [sflag:s24], $0x4000  }
0x11f: {  	[sflag:s24] =	ssyncset.done $0x0  }
0x120: {  	s5 =	simm.s32 $0x1400;
	[sflag:s24] =	ssyncadd.s32 $0xFFFFC000  }
0x121: {  	[tilespmem:s23], [sflag:$0x2] =	stream.indirect.gather [hbm4b:s1+s26], $0x80, s5, s26, $0xb8;
	[tilespmem:$0x1E000] =	vst v63  }
0x122: {  	_ =	swait.ge [sflag:s3], $0x4000  }
0x123: {  	[sflag:s3] =	ssyncset.done $0x0  }
0x124: {  	s19 =	simm.s32 $0x1B80;
	[sflag:s3] =	ssyncadd.s32 $0xFFFFC000  }
0x125: {  	[spmem:s2] =	stream.indirect.scatter.add.f32 [tilespmem:s31], [sflag:$0x4], $0x80, s19, s26, $0xb8;
	[tilespmem:$0x1E000] =	vst v63  }
0x126: {  	_ =	swait.ge [sflag:s24], $0x4000  }
0x127: {  	[sflag:s24] =	ssyncset.done $0x0  }
0x128: {  	[sflag:s24] =	ssyncadd.s32 $0xFFFFC000  }
0x129: {  	_ =	swait.ge [sflag:s30], $0x4000  }
0x12a: {  	[sflag:s30] =	ssyncset.done $0x0  }
0x12b: {  	s20 =	simm.s32 $0x1480;
	[sflag:s30] =	ssyncadd.s32 $0xFFFFC000  }
0x12c: {  	[tilespmem:s31], [sflag:$0x3] =	stream.indirect.gather [hbm4b:s1+s26], $0x80, s20, s26, $0xb8;
	[tilespmem:$0x1E000] =	vst v63  }
0x12d: {  	s18 =	simm.s32 $0x1C00  }
0x12e: {  	[spmem:s2] =	stream.indirect.scatter.add.f32 [tilespmem:s23], [sflag:$0x4], $0x80, s18, s26, $0xb8;
	[tilespmem:$0x1E000] =	vst v63  }
0x12f: {  	_ =	swait.ge [sflag:s24], $0x4000  }
0x130: {  	[sflag:s24] =	ssyncset.done $0x0  }
0x131: {  	s18 =	simm.s32 $0x1500;
	[sflag:s24] =	ssyncadd.s32 $0xFFFFC000  }
0x132: {  	[tilespmem:s23], [sflag:$0x2] =	stream.indirect.gather [hbm4b:s1+s26], $0x80, s18, s26, $0xb8;
	[tilespmem:$0x1E000] =	vst v63  }
0x133: {  	_ =	swait.ge [sflag:s3], $0x4000  }
0x134: {  	[sflag:s3] =	ssyncset.done $0x0  }
0x135: {  	s18 =	simm.s32 $0x1C80;
	[sflag:s3] =	ssyncadd.s32 $0xFFFFC000  }
0x136: {  	[spmem:s2] =	stream.indirect.scatter.add.f32 [tilespmem:s31], [sflag:$0x4], $0x80, s18, s26, $0xb8;
	[tilespmem:$0x1E000] =	vst v63  }
0x137: {  	_ =	swait.ge [sflag:s24], $0x4000  }
0x138: {  	[sflag:s24] =	ssyncset.done $0x0  }
0x139: {  	[sflag:s24] =	ssyncadd.s32 $0xFFFFC000  }
0x13a: {  	_ =	swait.ge [sflag:s30], $0x4000  }
0x13b: {  	[sflag:s30] =	ssyncset.done $0x0  }
0x13c: {  	s18 =	simm.s32 $0x1580;
	[sflag:s30] =	ssyncadd.s32 $0xFFFFC000  }
0x13d: {  	[tilespmem:s31], [sflag:$0x3] =	stream.indirect.gather [hbm4b:s1+s26], $0x80, s18, s26, $0xb8;
	[tilespmem:$0x1E000] =	vst v63  }
0x13e: {  	s18 =	simm.s32 $0x1D00  }
0x13f: {  	[spmem:s2] =	stream.indirect.scatter.add.f32 [tilespmem:s23], [sflag:$0x4], $0x80, s18, s26, $0xb8;
	[tilespmem:$0x1E000] =	vst v63  }
0x140: {  	_ =	swait.ge [sflag:s24], $0x4000  }
0x141: {  	[sflag:s24] =	ssyncset.done $0x0  }
0x142: {  	s18 =	simm.s32 $0x1600;
	[sflag:s24] =	ssyncadd.s32 $0xFFFFC000  }
0x143: {  	[tilespmem:s23], [sflag:$0x2] =	stream.indirect.gather [hbm4b:s1+s26], $0x80, s18, s26, $0xb8;
	[tilespmem:$0x1E000] =	vst v63  }
0x144: {  	_ =	swait.ge [sflag:s3], $0x4000  }
0x145: {  	[sflag:s3] =	ssyncset.done $0x0  }
0x146: {  	s18 =	simm.s32 $0x1D80;
	[sflag:s3] =	ssyncadd.s32 $0xFFFFC000  }
0x147: {  	[spmem:s2] =	stream.indirect.scatter.add.f32 [tilespmem:s31], [sflag:$0x4], $0x80, s18, s26, $0xb8;
	[tilespmem:$0x1E000] =	vst v63  }
0x148: {  	_ =	swait.ge [sflag:s24], $0x4000  }
0x149: {  	[sflag:s24] =	ssyncset.done $0x0  }
0x14a: {  	[sflag:s24] =	ssyncadd.s32 $0xFFFFC000  }
0x14b: {  	_ =	swait.ge [sflag:s30], $0x4000  }
0x14c: {  	[sflag:s30] =	ssyncset.done $0x0  }
0x14d: {  	s18 =	simm.s32 $0x1680;
	[sflag:s30] =	ssyncadd.s32 $0xFFFFC000  }
0x14e: {  	[tilespmem:s31], [sflag:$0x3] =	stream.indirect.gather [hbm4b:s1+s26], $0x80, s18, s26, $0xb8;
	[tilespmem:$0x1E000] =	vst v63  }
0x14f: {  	s18 =	simm.s32 $0x1E00  }
0x150: {  	[spmem:s2] =	stream.indirect.scatter.add.f32 [tilespmem:s23], [sflag:$0x4], $0x80, s18, s26, $0xb8;
	[tilespmem:$0x1E000] =	vst v63  }
0x151: {  	_ =	swait.ge [sflag:s24], $0x4000  }
0x152: {  	[sflag:s24] =	ssyncset.done $0x0  }
0x153: {  	s18 =	simm.s32 $0x1700;
	[sflag:s24] =	ssyncadd.s32 $0xFFFFC000  }
0x154: {  	[tilespmem:s23], [sflag:$0x2] =	stream.indirect.gather [hbm4b:s1+s26], $0x80, s18, s26, $0xb8;
	[tilespmem:$0x1E000] =	vst v63  }
0x155: {  	_ =	swait.ge [sflag:s3], $0x4000  }
0x156: {  	[sflag:s3] =	ssyncset.done $0x0  }
0x157: {  	s18 =	simm.s32 $0x1E80;
	[sflag:s3] =	ssyncadd.s32 $0xFFFFC000  }
0x158: {  	[spmem:s2] =	stream.indirect.scatter.add.f32 [tilespmem:s31], [sflag:$0x4], $0x80, s18, s26, $0xb8;
	[tilespmem:$0x1E000] =	vst v63  }
0x159: {  	_ =	swait.ge [sflag:s24], $0x4000  }
0x15a: {  	[sflag:s24] =	ssyncset.done $0x0  }
0x15b: {  	[sflag:s24] =	ssyncadd.s32 $0xFFFFC000  }
0x15c: {  	_ =	swait.ge [sflag:s30], $0x4000  }
0x15d: {  	[sflag:s30] =	ssyncset.done $0x0  }
0x15e: {  	s18 =	simm.s32 $0x1780;
	[sflag:s30] =	ssyncadd.s32 $0xFFFFC000  }
0x15f: {  	[tilespmem:s31], [sflag:$0x3] =	stream.indirect.gather [hbm4b:s1+s26], $0x80, s18, s26, $0xb8;
	[tilespmem:$0x1E000] =	vst v63  }
0x160: {  	s18 =	simm.s32 $0x1F00  }
0x161: {  	[spmem:s2] =	stream.indirect.scatter.add.f32 [tilespmem:s23], [sflag:$0x4], $0x80, s18, s26, $0xb8;
	[tilespmem:$0x1E000] =	vst v63  }
0x162: {  	_ =	swait.ge [sflag:s24], $0x4000  }
0x163: {  	[sflag:s24] =	ssyncset.done $0x0  }
0x164: {  	[sflag:s24] =	ssyncadd.s32 $0xFFFFC000  }
0x165: {  	_ =	swait.ge [sflag:s25], $0x800  }
0x166: {  	[sflag:s25] =	ssyncset.done $0x0  }
0x167: {  	[sflag:s25] =	ssyncadd.s32 $0xFFFFF800  }
0x168: {  	_ =	swait.ge [sflag:s25], $0x800  }
0x169: {  	[sflag:s25] =	ssyncset.done $0x0  }
0x16a: {  	[sflag:s25] =	ssyncadd.s32 $0xFFFFF800  }
0x16b: {  	[tilespmem:s23], [sflag:$0x2] =	stream.indirect.gather [hbm4b:s1+s26], $0x80, s4, s26, $0xb8;
	[tilespmem:$0x1E000] =	vst v63  }
0x16c: {  	_ =	swait.ge [sflag:s3], $0x4000  }
0x16d: {  	[sflag:s3] =	ssyncset.done $0x0  }
0x16e: {  	s18 =	simm.s32 $0x1F80;
	[sflag:s3] =	ssyncadd.s32 $0xFFFFC000  }
0x16f: {  	[spmem:s2] =	stream.indirect.scatter.add.f32 [tilespmem:s31], [sflag:$0x4], $0x80, s18, s26, $0xb8;
	[tilespmem:$0x1E000] =	vst v63  }
0x170: {  	_ =	swait.ge [sflag:s24], $0x4000  }
0x171: {  	[sflag:s24] =	ssyncset.done $0x0  }
0x172: {  	s18 =	rddreg [dreg:$0xe];
	[sflag:s24] =	ssyncadd.s32 $0xFFFFC000  }
0x173: {  	[tilespmem:s29], [sflag:$0x1] =	stream.linear.gather [hbm4b:s18+s4], $0x800, $0x38;
	[tilespmem:$0x1E000] =	vst v63  }
0x174: {  	s18 =	rddreg [dreg:$0xf]  }
0x175: {  	[tilespmem:s6], [sflag:$0x1] =	stream.linear.gather [hbm4b:s18+s4], $0x800, $0x38;
	[tilespmem:$0x1E000] =	vst v63  }
0x176: {  	_ =	swait.ge [sflag:s30], $0x4000  }
0x177: {  	[sflag:s30] =	ssyncset.done $0x0  }
0x178: {  	[sflag:s30] =	ssyncadd.s32 $0xFFFFC000  }
0x179: {  	[tilespmem:s31], [sflag:$0x3] =	stream.indirect.gather [hbm4b:s1+s26], $0x80, s26, s26, $0xb8;
	[tilespmem:$0x1E000] =	vst v63  }
0x17a: {  	s0 =	simm.s32 $0x800  }
0x17b: {  	[spmem:s2] =	stream.indirect.scatter.add.f32 [tilespmem:s23], [sflag:$0x4], $0x80, s0, s26, $0xb8;
	[tilespmem:$0x1E000] =	vst v63  }
0x17c: {  	_ =	swait.ge [sflag:s24], $0x4000  }
0x17d: {  	[sflag:s24] =	ssyncset.done $0x0  }
0x17e: {  	s18 =	simm.s32 $0x100;
	[sflag:s24] =	ssyncadd.s32 $0xFFFFC000  }
0x17f: {  	[tilespmem:s23], [sflag:$0x2] =	stream.indirect.gather [hbm4b:s1+s26], $0x80, s18, s26, $0xb8;
	[tilespmem:$0x1E000] =	vst v63  }
0x180: {  	_ =	swait.ge [sflag:s3], $0x4000  }
0x181: {  	[sflag:s3] =	ssyncset.done $0x0  }
0x182: {  	s18 =	simm.s32 $0x880;
	[sflag:s3] =	ssyncadd.s32 $0xFFFFC000  }
0x183: {  	[spmem:s2] =	stream.indirect.scatter.add.f32 [tilespmem:s31], [sflag:$0x4], $0x80, s18, s26, $0xb8;
	[tilespmem:$0x1E000] =	vst v63  }
0x184: {  	_ =	swait.ge [sflag:s24], $0x4000  }
0x185: {  	[sflag:s24] =	ssyncset.done $0x0  }
0x186: {  	[sflag:s24] =	ssyncadd.s32 $0xFFFFC000  }
0x187: {  	_ =	swait.ge [sflag:s30], $0x4000  }
0x188: {  	[sflag:s30] =	ssyncset.done $0x0  }
0x189: {  	s18 =	simm.s32 $0x180;
	[sflag:s30] =	ssyncadd.s32 $0xFFFFC000  }
0x18a: {  	[tilespmem:s31], [sflag:$0x3] =	stream.indirect.gather [hbm4b:s1+s26], $0x80, s18, s26, $0xb8;
	[tilespmem:$0x1E000] =	vst v63  }
0x18b: {  	s18 =	simm.s32 $0x900  }
0x18c: {  	[spmem:s2] =	stream.indirect.scatter.add.f32 [tilespmem:s23], [sflag:$0x4], $0x80, s18, s26, $0xb8;
	[tilespmem:$0x1E000] =	vst v63  }
0x18d: {  	_ =	swait.ge [sflag:s24], $0x4000  }
0x18e: {  	[sflag:s24] =	ssyncset.done $0x0  }
0x18f: {  	s18 =	simm.s32 $0x200;
	[sflag:s24] =	ssyncadd.s32 $0xFFFFC000  }
0x190: {  	[tilespmem:s23], [sflag:$0x2] =	stream.indirect.gather [hbm4b:s1+s26], $0x80, s18, s26, $0xb8;
	[tilespmem:$0x1E000] =	vst v63  }
0x191: {  	_ =	swait.ge [sflag:s3], $0x4000  }
0x192: {  	[sflag:s3] =	ssyncset.done $0x0  }
0x193: {  	s18 =	simm.s32 $0x980;
	[sflag:s3] =	ssyncadd.s32 $0xFFFFC000  }
0x194: {  	[spmem:s2] =	stream.indirect.scatter.add.f32 [tilespmem:s31], [sflag:$0x4], $0x80, s18, s26, $0xb8;
	[tilespmem:$0x1E000] =	vst v63  }
0x195: {  	_ =	swait.ge [sflag:s24], $0x4000  }
0x196: {  	[sflag:s24] =	ssyncset.done $0x0  }
0x197: {  	[sflag:s24] =	ssyncadd.s32 $0xFFFFC000  }
0x198: {  	_ =	swait.ge [sflag:s30], $0x4000  }
0x199: {  	[sflag:s30] =	ssyncset.done $0x0  }
0x19a: {  	s18 =	simm.s32 $0x280;
	[sflag:s30] =	ssyncadd.s32 $0xFFFFC000  }
0x19b: {  	[tilespmem:s31], [sflag:$0x3] =	stream.indirect.gather [hbm4b:s1+s26], $0x80, s18, s26, $0xb8;
	[tilespmem:$0x1E000] =	vst v63  }
0x19c: {  	s18 =	simm.s32 $0xA00  }
0x19d: {  	[spmem:s2] =	stream.indirect.scatter.add.f32 [tilespmem:s23], [sflag:$0x4], $0x80, s18, s26, $0xb8;
	[tilespmem:$0x1E000] =	vst v63  }
0x19e: {  	_ =	swait.ge [sflag:s24], $0x4000  }
0x19f: {  	[sflag:s24] =	ssyncset.done $0x0  }
0x1a0: {  	s18 =	simm.s32 $0x300;
	[sflag:s24] =	ssyncadd.s32 $0xFFFFC000  }
0x1a1: {  	[tilespmem:s23], [sflag:$0x2] =	stream.indirect.gather [hbm4b:s1+s26], $0x80, s18, s26, $0xb8;
	[tilespmem:$0x1E000] =	vst v63  }
0x1a2: {  	_ =	swait.ge [sflag:s3], $0x4000  }
0x1a3: {  	[sflag:s3] =	ssyncset.done $0x0  }
0x1a4: {  	s18 =	simm.s32 $0xA80;
	[sflag:s3] =	ssyncadd.s32 $0xFFFFC000  }
0x1a5: {  	[spmem:s2] =	stream.indirect.scatter.add.f32 [tilespmem:s31], [sflag:$0x4], $0x80, s18, s26, $0xb8;
	[tilespmem:$0x1E000] =	vst v63  }
0x1a6: {  	_ =	swait.ge [sflag:s24], $0x4000  }
0x1a7: {  	[sflag:s24] =	ssyncset.done $0x0  }
0x1a8: {  	[sflag:s24] =	ssyncadd.s32 $0xFFFFC000  }
0x1a9: {  	_ =	swait.ge [sflag:s30], $0x4000  }
0x1aa: {  	[sflag:s30] =	ssyncset.done $0x0  }
0x1ab: {  	s18 =	simm.s32 $0x380;
	[sflag:s30] =	ssyncadd.s32 $0xFFFFC000  }
0x1ac: {  	[tilespmem:s31], [sflag:$0x3] =	stream.indirect.gather [hbm4b:s1+s26], $0x80, s18, s26, $0xb8;
	[tilespmem:$0x1E000] =	vst v63  }
0x1ad: {  	s18 =	simm.s32 $0xB00  }
0x1ae: {  	[spmem:s2] =	stream.indirect.scatter.add.f32 [tilespmem:s23], [sflag:$0x4], $0x80, s18, s26, $0xb8;
	[tilespmem:$0x1E000] =	vst v63  }
0x1af: {  	_ =	swait.ge [sflag:s24], $0x4000  }
0x1b0: {  	[sflag:s24] =	ssyncset.done $0x0  }
0x1b1: {  	s18 =	simm.s32 $0x400;
	[sflag:s24] =	ssyncadd.s32 $0xFFFFC000  }
0x1b2: {  	[tilespmem:s23], [sflag:$0x2] =	stream.indirect.gather [hbm4b:s1+s26], $0x80, s18, s26, $0xb8;
	[tilespmem:$0x1E000] =	vst v63  }
0x1b3: {  	_ =	swait.ge [sflag:s3], $0x4000  }
0x1b4: {  	[sflag:s3] =	ssyncset.done $0x0  }
0x1b5: {  	s18 =	simm.s32 $0xB80;
	[sflag:s3] =	ssyncadd.s32 $0xFFFFC000  }
0x1b6: {  	[spmem:s2] =	stream.indirect.scatter.add.f32 [tilespmem:s31], [sflag:$0x4], $0x80, s18, s26, $0xb8;
	[tilespmem:$0x1E000] =	vst v63  }
0x1b7: {  	_ =	swait.ge [sflag:s24], $0x4000  }
0x1b8: {  	[sflag:s24] =	ssyncset.done $0x0  }
0x1b9: {  	[sflag:s24] =	ssyncadd.s32 $0xFFFFC000  }
0x1ba: {  	_ =	swait.ge [sflag:s30], $0x4000  }
0x1bb: {  	[sflag:s30] =	ssyncset.done $0x0  }
0x1bc: {  	s18 =	simm.s32 $0x480;
	[sflag:s30] =	ssyncadd.s32 $0xFFFFC000  }
0x1bd: {  	[tilespmem:s31], [sflag:$0x3] =	stream.indirect.gather [hbm4b:s1+s26], $0x80, s18, s26, $0xb8;
	[tilespmem:$0x1E000] =	vst v63  }
0x1be: {  	s18 =	simm.s32 $0xC00  }
0x1bf: {  	[spmem:s2] =	stream.indirect.scatter.add.f32 [tilespmem:s23], [sflag:$0x4], $0x80, s18, s26, $0xb8;
	[tilespmem:$0x1E000] =	vst v63  }
0x1c0: {  	_ =	swait.ge [sflag:s24], $0x4000  }
0x1c1: {  	[sflag:s24] =	ssyncset.done $0x0  }
0x1c2: {  	s18 =	simm.s32 $0x500;
	[sflag:s24] =	ssyncadd.s32 $0xFFFFC000  }
0x1c3: {  	[tilespmem:s23], [sflag:$0x2] =	stream.indirect.gather [hbm4b:s1+s26], $0x80, s18, s26, $0xb8;
	[tilespmem:$0x1E000] =	vst v63  }
0x1c4: {  	_ =	swait.ge [sflag:s3], $0x4000  }
0x1c5: {  	[sflag:s3] =	ssyncset.done $0x0  }
0x1c6: {  	s18 =	simm.s32 $0xC80;
	[sflag:s3] =	ssyncadd.s32 $0xFFFFC000  }
0x1c7: {  	[spmem:s2] =	stream.indirect.scatter.add.f32 [tilespmem:s31], [sflag:$0x4], $0x80, s18, s26, $0xb8;
	[tilespmem:$0x1E000] =	vst v63  }
0x1c8: {  	_ =	swait.ge [sflag:s24], $0x4000  }
0x1c9: {  	[sflag:s24] =	ssyncset.done $0x0  }
0x1ca: {  	[sflag:s24] =	ssyncadd.s32 $0xFFFFC000  }
0x1cb: {  	_ =	swait.ge [sflag:s30], $0x4000  }
0x1cc: {  	[sflag:s30] =	ssyncset.done $0x0  }
0x1cd: {  	s18 =	simm.s32 $0x580;
	[sflag:s30] =	ssyncadd.s32 $0xFFFFC000  }
0x1ce: {  	[tilespmem:s31], [sflag:$0x3] =	stream.indirect.gather [hbm4b:s1+s26], $0x80, s18, s26, $0xb8;
	[tilespmem:$0x1E000] =	vst v63  }
0x1cf: {  	s18 =	simm.s32 $0xD00  }
0x1d0: {  	[spmem:s2] =	stream.indirect.scatter.add.f32 [tilespmem:s23], [sflag:$0x4], $0x80, s18, s26, $0xb8;
	[tilespmem:$0x1E000] =	vst v63  }
0x1d1: {  	_ =	swait.ge [sflag:s24], $0x4000  }
0x1d2: {  	[sflag:s24] =	ssyncset.done $0x0  }
0x1d3: {  	s18 =	simm.s32 $0x600;
	[sflag:s24] =	ssyncadd.s32 $0xFFFFC000  }
0x1d4: {  	[tilespmem:s23], [sflag:$0x2] =	stream.indirect.gather [hbm4b:s1+s26], $0x80, s18, s26, $0xb8;
	[tilespmem:$0x1E000] =	vst v63  }
0x1d5: {  	_ =	swait.ge [sflag:s3], $0x4000  }
0x1d6: {  	[sflag:s3] =	ssyncset.done $0x0  }
0x1d7: {  	s18 =	simm.s32 $0xD80;
	[sflag:s3] =	ssyncadd.s32 $0xFFFFC000  }
0x1d8: {  	[spmem:s2] =	stream.indirect.scatter.add.f32 [tilespmem:s31], [sflag:$0x4], $0x80, s18, s26, $0xb8;
	[tilespmem:$0x1E000] =	vst v63  }
0x1d9: {  	_ =	swait.ge [sflag:s24], $0x4000  }
0x1da: {  	[sflag:s24] =	ssyncset.done $0x0  }
0x1db: {  	[sflag:s24] =	ssyncadd.s32 $0xFFFFC000  }
0x1dc: {  	_ =	swait.ge [sflag:s30], $0x4000  }
0x1dd: {  	[sflag:s30] =	ssyncset.done $0x0  }
0x1de: {  	s18 =	simm.s32 $0x680;
	[sflag:s30] =	ssyncadd.s32 $0xFFFFC000  }
0x1df: {  	[tilespmem:s31], [sflag:$0x3] =	stream.indirect.gather [hbm4b:s1+s26], $0x80, s18, s26, $0xb8;
	[tilespmem:$0x1E000] =	vst v63  }
0x1e0: {  	s18 =	simm.s32 $0xE00  }
0x1e1: {  	[spmem:s2] =	stream.indirect.scatter.add.f32 [tilespmem:s23], [sflag:$0x4], $0x80, s18, s26, $0xb8;
	[tilespmem:$0x1E000] =	vst v63  }
0x1e2: {  	_ =	swait.ge [sflag:s24], $0x4000  }
0x1e3: {  	[sflag:s24] =	ssyncset.done $0x0  }
0x1e4: {  	s18 =	simm.s32 $0x700;
	[sflag:s24] =	ssyncadd.s32 $0xFFFFC000  }
0x1e5: {  	[tilespmem:s23], [sflag:$0x2] =	stream.indirect.gather [hbm4b:s1+s26], $0x80, s18, s26, $0xb8;
	[tilespmem:$0x1E000] =	vst v63  }
0x1e6: {  	_ =	swait.ge [sflag:s3], $0x4000  }
0x1e7: {  	[sflag:s3] =	ssyncset.done $0x0  }
0x1e8: {  	s18 =	simm.s32 $0xE80;
	[sflag:s3] =	ssyncadd.s32 $0xFFFFC000  }
0x1e9: {  	[spmem:s2] =	stream.indirect.scatter.add.f32 [tilespmem:s31], [sflag:$0x4], $0x80, s18, s26, $0xb8;
	[tilespmem:$0x1E000] =	vst v63  }
0x1ea: {  	_ =	swait.ge [sflag:s24], $0x4000  }
0x1eb: {  	[sflag:s24] =	ssyncset.done $0x0  }
0x1ec: {  	[sflag:s24] =	ssyncadd.s32 $0xFFFFC000  }
0x1ed: {  	_ =	swait.ge [sflag:s30], $0x4000  }
0x1ee: {  	[sflag:s30] =	ssyncset.done $0x0  }
0x1ef: {  	s18 =	simm.s32 $0x780;
	[sflag:s30] =	ssyncadd.s32 $0xFFFFC000  }
0x1f0: {  	[tilespmem:s31], [sflag:$0x3] =	stream.indirect.gather [hbm4b:s1+s26], $0x80, s18, s26, $0xb8;
	[tilespmem:$0x1E000] =	vst v63  }
0x1f1: {  	s18 =	simm.s32 $0xF00  }
0x1f2: {  	[spmem:s2] =	stream.indirect.scatter.add.f32 [tilespmem:s23], [sflag:$0x4], $0x80, s18, s26, $0xb8;
	[tilespmem:$0x1E000] =	vst v63  }
0x1f3: {  	_ =	swait.ge [sflag:s24], $0x4000  }
0x1f4: {  	[sflag:s24] =	ssyncset.done $0x0  }
0x1f5: {  	[sflag:s24] =	ssyncadd.s32 $0xFFFFC000  }
0x1f6: {  	_ =	swait.ge [sflag:s25], $0x800  }
0x1f7: {  	[sflag:s25] =	ssyncset.done $0x0  }
0x1f8: {  	[sflag:s25] =	ssyncadd.s32 $0xFFFFF800  }
0x1f9: {  	_ =	swait.ge [sflag:s25], $0x800  }
0x1fa: {  	[sflag:s25] =	ssyncset.done $0x0  }
0x1fb: {  	[sflag:s25] =	ssyncadd.s32 $0xFFFFF800  }
0x1fc: {  	[tilespmem:s23], [sflag:$0x2] =	stream.indirect.gather [hbm4b:s1+s26], $0x80, s29, s26, $0xb8;
	[tilespmem:$0x1E000] =	vst v63  }
0x1fd: {  	_ =	swait.ge [sflag:s3], $0x4000  }
0x1fe: {  	[sflag:s3] =	ssyncset.done $0x0  }
0x1ff: {  	s29 =	simm.s32 $0xF80;
	[sflag:s3] =	ssyncadd.s32 $0xFFFFC000  }
0x200: {  	[spmem:s2] =	stream.indirect.scatter.add.f32 [tilespmem:s31], [sflag:$0x4], $0x80, s29, s26, $0xb8;
	[tilespmem:$0x1E000] =	vst v63  }
0x201: {  	_ =	swait.ge [sflag:s24], $0x4000  }
0x202: {  	[sflag:s24] =	ssyncset.done $0x0  }
0x203: {  	s18 =	rddreg [dreg:$0x10];
	[sflag:s24] =	ssyncadd.s32 $0xFFFFC000  }
0x204: {  	[tilespmem:s4], [sflag:$0x1] =	stream.linear.gather [hbm4b:s18+s4], $0x800, $0x38;
	[tilespmem:$0x1E000] =	vst v63  }
0x205: {  	s18 =	rddreg [dreg:$0x11]  }
0x206: {  	[tilespmem:s0], [sflag:$0x1] =	stream.linear.gather [hbm4b:s18+s4], $0x800, $0x38;
	[tilespmem:$0x1E000] =	vst v63  }
0x207: {  	_ =	swait.ge [sflag:s30], $0x4000  }
0x208: {  	[sflag:s30] =	ssyncset.done $0x0  }
0x209: {  	[sflag:s30] =	ssyncadd.s32 $0xFFFFC000  }
0x20a: {  	[tilespmem:s31], [sflag:$0x3] =	stream.indirect.gather [hbm4b:s1+s26], $0x80, s22, s26, $0xb8;
	[tilespmem:$0x1E000] =	vst v63  }
0x20b: {  	_ = 	snop  }
0x20c: {  	[spmem:s2] =	stream.indirect.scatter.add.f32 [tilespmem:s23], [sflag:$0x4], $0x80, s6, s26, $0xb8;
	[tilespmem:$0x1E000] =	vst v63  }
0x20d: {  	_ =	swait.ge [sflag:s24], $0x4000  }
0x20e: {  	[sflag:s24] =	ssyncset.done $0x0  }
0x20f: {  	[sflag:s24] =	ssyncadd.s32 $0xFFFFC000  }
0x210: {  	[tilespmem:s23], [sflag:$0x2] =	stream.indirect.gather [hbm4b:s1+s26], $0x80, s7, s26, $0xb8;
	[tilespmem:$0x1E000] =	vst v63  }
0x211: {  	_ =	swait.ge [sflag:s3], $0x4000  }
0x212: {  	[sflag:s3] =	ssyncset.done $0x0  }
0x213: {  	[sflag:s3] =	ssyncadd.s32 $0xFFFFC000  }
0x214: {  	[spmem:s2] =	stream.indirect.scatter.add.f32 [tilespmem:s31], [sflag:$0x4], $0x80, s8, s26, $0xb8;
	[tilespmem:$0x1E000] =	vst v63  }
0x215: {  	_ =	swait.ge [sflag:s24], $0x4000  }
0x216: {  	[sflag:s24] =	ssyncset.done $0x0  }
0x217: {  	[sflag:s24] =	ssyncadd.s32 $0xFFFFC000  }
0x218: {  	_ =	swait.ge [sflag:s30], $0x4000  }
0x219: {  	[sflag:s30] =	ssyncset.done $0x0  }
0x21a: {  	[sflag:s30] =	ssyncadd.s32 $0xFFFFC000  }
0x21b: {  	[tilespmem:s31], [sflag:$0x3] =	stream.indirect.gather [hbm4b:s1+s26], $0x80, s9, s26, $0xb8;
	[tilespmem:$0x1E000] =	vst v63  }
0x21c: {  	_ = 	snop  }
0x21d: {  	[spmem:s2] =	stream.indirect.scatter.add.f32 [tilespmem:s23], [sflag:$0x4], $0x80, s10, s26, $0xb8;
	[tilespmem:$0x1E000] =	vst v63  }
0x21e: {  	_ =	swait.ge [sflag:s24], $0x4000  }
0x21f: {  	[sflag:s24] =	ssyncset.done $0x0  }
0x220: {  	[sflag:s24] =	ssyncadd.s32 $0xFFFFC000  }
0x221: {  	[tilespmem:s23], [sflag:$0x2] =	stream.indirect.gather [hbm4b:s1+s26], $0x80, s11, s26, $0xb8;
	[tilespmem:$0x1E000] =	vst v63  }
0x222: {  	_ =	swait.ge [sflag:s3], $0x4000  }
0x223: {  	[sflag:s3] =	ssyncset.done $0x0  }
0x224: {  	[sflag:s3] =	ssyncadd.s32 $0xFFFFC000  }
0x225: {  	[spmem:s2] =	stream.indirect.scatter.add.f32 [tilespmem:s31], [sflag:$0x4], $0x80, s12, s26, $0xb8;
	[tilespmem:$0x1E000] =	vst v63  }
0x226: {  	_ =	swait.ge [sflag:s24], $0x4000  }
0x227: {  	[sflag:s24] =	ssyncset.done $0x0  }
0x228: {  	[sflag:s24] =	ssyncadd.s32 $0xFFFFC000  }
0x229: {  	_ =	swait.ge [sflag:s30], $0x4000  }
0x22a: {  	[sflag:s30] =	ssyncset.done $0x0  }
0x22b: {  	[sflag:s30] =	ssyncadd.s32 $0xFFFFC000  }
0x22c: {  	[tilespmem:s31], [sflag:$0x3] =	stream.indirect.gather [hbm4b:s1+s26], $0x80, s13, s26, $0xb8;
	[tilespmem:$0x1E000] =	vst v63  }
0x22d: {  	_ = 	snop  }
0x22e: {  	[spmem:s2] =	stream.indirect.scatter.add.f32 [tilespmem:s23], [sflag:$0x4], $0x80, s14, s26, $0xb8;
	[tilespmem:$0x1E000] =	vst v63  }
0x22f: {  	_ =	swait.ge [sflag:s24], $0x4000  }
0x230: {  	[sflag:s24] =	ssyncset.done $0x0  }
0x231: {  	[sflag:s24] =	ssyncadd.s32 $0xFFFFC000  }
0x232: {  	[tilespmem:s23], [sflag:$0x2] =	stream.indirect.gather [hbm4b:s1+s26], $0x80, s15, s26, $0xb8;
	[tilespmem:$0x1E000] =	vst v63  }
0x233: {  	_ =	swait.ge [sflag:s3], $0x4000  }
0x234: {  	[sflag:s3] =	ssyncset.done $0x0  }
0x235: {  	[sflag:s3] =	ssyncadd.s32 $0xFFFFC000  }
0x236: {  	[spmem:s2] =	stream.indirect.scatter.add.f32 [tilespmem:s31], [sflag:$0x4], $0x80, s16, s26, $0xb8;
	[tilespmem:$0x1E000] =	vst v63  }
0x237: {  	_ =	swait.ge [sflag:s24], $0x4000  }
0x238: {  	[sflag:s24] =	ssyncset.done $0x0  }
0x239: {  	[sflag:s24] =	ssyncadd.s32 $0xFFFFC000  }
0x23a: {  	_ =	swait.ge [sflag:s30], $0x4000  }
0x23b: {  	[sflag:s30] =	ssyncset.done $0x0  }
0x23c: {  	[sflag:s30] =	ssyncadd.s32 $0xFFFFC000  }
0x23d: {  	[tilespmem:s31], [sflag:$0x3] =	stream.indirect.gather [hbm4b:s1+s26], $0x80, s21, s26, $0xb8;
	[tilespmem:$0x1E000] =	vst v63  }
0x23e: {  	_ = 	snop  }
0x23f: {  	[spmem:s2] =	stream.indirect.scatter.add.f32 [tilespmem:s23], [sflag:$0x4], $0x80, s28, s26, $0xb8;
	[tilespmem:$0x1E000] =	vst v63  }
0x240: {  	_ =	swait.ge [sflag:s24], $0x4000  }
0x241: {  	[sflag:s24] =	ssyncset.done $0x0  }
0x242: {  	[sflag:s24] =	ssyncadd.s32 $0xFFFFC000  }
0x243: {  	[tilespmem:s23], [sflag:$0x2] =	stream.indirect.gather [hbm4b:s1+s26], $0x80, s5, s26, $0xb8;
	[tilespmem:$0x1E000] =	vst v63  }
0x244: {  	_ =	swait.ge [sflag:s3], $0x4000  }
0x245: {  	[sflag:s3] =	ssyncset.done $0x0  }
0x246: {  	[sflag:s3] =	ssyncadd.s32 $0xFFFFC000  }
0x247: {  	[spmem:s2] =	stream.indirect.scatter.add.f32 [tilespmem:s31], [sflag:$0x4], $0x80, s19, s26, $0xb8;
	[tilespmem:$0x1E000] =	vst v63  }
0x248: {  	_ =	swait.ge [sflag:s24], $0x4000  }
0x249: {  	[sflag:s24] =	ssyncset.done $0x0  }
0x24a: {  	[sflag:s24] =	ssyncadd.s32 $0xFFFFC000  }
0x24b: {  	_ =	swait.ge [sflag:s30], $0x4000  }
0x24c: {  	[sflag:s30] =	ssyncset.done $0x0  }
0x24d: {  	[sflag:s30] =	ssyncadd.s32 $0xFFFFC000  }
0x24e: {  	[tilespmem:s31], [sflag:$0x3] =	stream.indirect.gather [hbm4b:s1+s26], $0x80, s20, s26, $0xb8;
	[tilespmem:$0x1E000] =	vst v63  }
0x24f: {  	s19 =	simm.s32 $0x1C00  }
0x250: {  	[spmem:s2] =	stream.indirect.scatter.add.f32 [tilespmem:s23], [sflag:$0x4], $0x80, s19, s26, $0xb8;
	[tilespmem:$0x1E000] =	vst v63  }
0x251: {  	_ =	swait.ge [sflag:s24], $0x4000  }
0x252: {  	[sflag:s24] =	ssyncset.done $0x0  }
0x253: {  	s20 =	simm.s32 $0x1500;
	[sflag:s24] =	ssyncadd.s32 $0xFFFFC000  }
0x254: {  	[tilespmem:s23], [sflag:$0x2] =	stream.indirect.gather [hbm4b:s1+s26], $0x80, s20, s26, $0xb8;
	[tilespmem:$0x1E000] =	vst v63  }
0x255: {  	_ =	swait.ge [sflag:s3], $0x4000  }
0x256: {  	[sflag:s3] =	ssyncset.done $0x0  }
0x257: {  	s18 =	simm.s32 $0x1C80;
	[sflag:s3] =	ssyncadd.s32 $0xFFFFC000  }
0x258: {  	[spmem:s2] =	stream.indirect.scatter.add.f32 [tilespmem:s31], [sflag:$0x4], $0x80, s18, s26, $0xb8;
	[tilespmem:$0x1E000] =	vst v63  }
0x259: {  	_ =	swait.ge [sflag:s24], $0x4000  }
0x25a: {  	[sflag:s24] =	ssyncset.done $0x0  }
0x25b: {  	[sflag:s24] =	ssyncadd.s32 $0xFFFFC000  }
0x25c: {  	_ =	swait.ge [sflag:s30], $0x4000  }
0x25d: {  	[sflag:s30] =	ssyncset.done $0x0  }
0x25e: {  	s19 =	simm.s32 $0x1580;
	[sflag:s30] =	ssyncadd.s32 $0xFFFFC000  }
0x25f: {  	[tilespmem:s31], [sflag:$0x3] =	stream.indirect.gather [hbm4b:s1+s26], $0x80, s19, s26, $0xb8;
	[tilespmem:$0x1E000] =	vst v63  }
0x260: {  	s20 =	simm.s32 $0x1D00  }
0x261: {  	[spmem:s2] =	stream.indirect.scatter.add.f32 [tilespmem:s23], [sflag:$0x4], $0x80, s20, s26, $0xb8;
	[tilespmem:$0x1E000] =	vst v63  }
0x262: {  	_ =	swait.ge [sflag:s24], $0x4000  }
0x263: {  	[sflag:s24] =	ssyncset.done $0x0  }
0x264: {  	s18 =	simm.s32 $0x1600;
	[sflag:s24] =	ssyncadd.s32 $0xFFFFC000  }
0x265: {  	[tilespmem:s23], [sflag:$0x2] =	stream.indirect.gather [hbm4b:s1+s26], $0x80, s18, s26, $0xb8;
	[tilespmem:$0x1E000] =	vst v63  }
0x266: {  	_ =	swait.ge [sflag:s3], $0x4000  }
0x267: {  	[sflag:s3] =	ssyncset.done $0x0  }
0x268: {  	s19 =	simm.s32 $0x1D80;
	[sflag:s3] =	ssyncadd.s32 $0xFFFFC000  }
0x269: {  	[spmem:s2] =	stream.indirect.scatter.add.f32 [tilespmem:s31], [sflag:$0x4], $0x80, s19, s26, $0xb8;
	[tilespmem:$0x1E000] =	vst v63  }
0x26a: {  	_ =	swait.ge [sflag:s24], $0x4000  }
0x26b: {  	[sflag:s24] =	ssyncset.done $0x0  }
0x26c: {  	[sflag:s24] =	ssyncadd.s32 $0xFFFFC000  }
0x26d: {  	_ =	swait.ge [sflag:s30], $0x4000  }
0x26e: {  	[sflag:s30] =	ssyncset.done $0x0  }
0x26f: {  	s20 =	simm.s32 $0x1680;
	[sflag:s30] =	ssyncadd.s32 $0xFFFFC000  }
0x270: {  	[tilespmem:s31], [sflag:$0x3] =	stream.indirect.gather [hbm4b:s1+s26], $0x80, s20, s26, $0xb8;
	[tilespmem:$0x1E000] =	vst v63  }
0x271: {  	s18 =	simm.s32 $0x1E00  }
0x272: {  	[spmem:s2] =	stream.indirect.scatter.add.f32 [tilespmem:s23], [sflag:$0x4], $0x80, s18, s26, $0xb8;
	[tilespmem:$0x1E000] =	vst v63  }
0x273: {  	_ =	swait.ge [sflag:s24], $0x4000  }
0x274: {  	[sflag:s24] =	ssyncset.done $0x0  }
0x275: {  	s19 =	simm.s32 $0x1700;
	[sflag:s24] =	ssyncadd.s32 $0xFFFFC000  }
0x276: {  	[tilespmem:s23], [sflag:$0x2] =	stream.indirect.gather [hbm4b:s1+s26], $0x80, s19, s26, $0xb8;
	[tilespmem:$0x1E000] =	vst v63  }
0x277: {  	_ =	swait.ge [sflag:s3], $0x4000  }
0x278: {  	[sflag:s3] =	ssyncset.done $0x0  }
0x279: {  	s20 =	simm.s32 $0x1E80;
	[sflag:s3] =	ssyncadd.s32 $0xFFFFC000  }
0x27a: {  	[spmem:s2] =	stream.indirect.scatter.add.f32 [tilespmem:s31], [sflag:$0x4], $0x80, s20, s26, $0xb8;
	[tilespmem:$0x1E000] =	vst v63  }
0x27b: {  	_ =	swait.ge [sflag:s24], $0x4000  }
0x27c: {  	[sflag:s24] =	ssyncset.done $0x0  }
0x27d: {  	[sflag:s24] =	ssyncadd.s32 $0xFFFFC000  }
0x27e: {  	_ =	swait.ge [sflag:s30], $0x4000  }
0x27f: {  	[sflag:s30] =	ssyncset.done $0x0  }
0x280: {  	s18 =	simm.s32 $0x1780;
	[sflag:s30] =	ssyncadd.s32 $0xFFFFC000  }
0x281: {  	[tilespmem:s31], [sflag:$0x3] =	stream.indirect.gather [hbm4b:s1+s26], $0x80, s18, s26, $0xb8;
	[tilespmem:$0x1E000] =	vst v63  }
0x282: {  	s19 =	simm.s32 $0x1F00  }
0x283: {  	[spmem:s2] =	stream.indirect.scatter.add.f32 [tilespmem:s23], [sflag:$0x4], $0x80, s19, s26, $0xb8;
	[tilespmem:$0x1E000] =	vst v63  }
0x284: {  	_ =	swait.ge [sflag:s24], $0x4000  }
0x285: {  	[sflag:s24] =	ssyncset.done $0x0  }
0x286: {  	[sflag:s24] =	ssyncadd.s32 $0xFFFFC000  }
0x287: {  	_ =	swait.ge [sflag:s25], $0x800  }
0x288: {  	[sflag:s25] =	ssyncset.done $0x0  }
0x289: {  	[sflag:s25] =	ssyncadd.s32 $0xFFFFF800  }
0x28a: {  	_ =	swait.ge [sflag:s25], $0x800  }
0x28b: {  	[sflag:s25] =	ssyncset.done $0x0  }
0x28c: {  	[sflag:s25] =	ssyncadd.s32 $0xFFFFF800  }
0x28d: {  	[tilespmem:s23], [sflag:$0x2] =	stream.indirect.gather [hbm4b:s1+s26], $0x80, s4, s26, $0xb8;
	[tilespmem:$0x1E000] =	vst v63  }
0x28e: {  	_ =	swait.ge [sflag:s3], $0x4000  }
0x28f: {  	[sflag:s3] =	ssyncset.done $0x0  }
0x290: {  	s20 =	simm.s32 $0x1F80;
	[sflag:s3] =	ssyncadd.s32 $0xFFFFC000  }
0x291: {  	[spmem:s2] =	stream.indirect.scatter.add.f32 [tilespmem:s31], [sflag:$0x4], $0x80, s20, s26, $0xb8;
	[tilespmem:$0x1E000] =	vst v63  }
0x292: {  	_ =	swait.ge [sflag:s24], $0x4000  }
0x293: {  	[sflag:s24] =	ssyncset.done $0x0  }
0x294: {  	[sflag:s24] =	ssyncadd.s32 $0xFFFFC000  }
0x295: {  	_ =	swait.ge [sflag:s30], $0x4000  }
0x296: {  	[sflag:s30] =	ssyncset.done $0x0  }
0x297: {  	[sflag:s30] =	ssyncadd.s32 $0xFFFFC000  }
0x298: {  	[tilespmem:s31], [sflag:$0x3] =	stream.indirect.gather [hbm4b:s1+s26], $0x80, s26, s26, $0xb8;
	[tilespmem:$0x1E000] =	vst v63  }
0x299: {  	s5 =	simm.s32 $0x800  }
0x29a: {  	[spmem:s2] =	stream.indirect.scatter.add.f32 [tilespmem:s23], [sflag:$0x4], $0x80, s5, s26, $0xb8;
	[tilespmem:$0x1E000] =	vst v63  }
0x29b: {  	_ =	swait.ge [sflag:s24], $0x4000  }
0x29c: {  	[sflag:s24] =	ssyncset.done $0x0  }
0x29d: {  	s18 =	simm.s32 $0x100;
	[sflag:s24] =	ssyncadd.s32 $0xFFFFC000  }
0x29e: {  	[tilespmem:s23], [sflag:$0x2] =	stream.indirect.gather [hbm4b:s1+s26], $0x80, s18, s26, $0xb8;
	[tilespmem:$0x1E000] =	vst v63  }
0x29f: {  	_ =	swait.ge [sflag:s3], $0x4000  }
0x2a0: {  	[sflag:s3] =	ssyncset.done $0x0  }
0x2a1: {  	s19 =	simm.s32 $0x880;
	[sflag:s3] =	ssyncadd.s32 $0xFFFFC000  }
0x2a2: {  	[spmem:s2] =	stream.indirect.scatter.add.f32 [tilespmem:s31], [sflag:$0x4], $0x80, s19, s26, $0xb8;
	[tilespmem:$0x1E000] =	vst v63  }
0x2a3: {  	_ =	swait.ge [sflag:s24], $0x4000  }
0x2a4: {  	[sflag:s24] =	ssyncset.done $0x0  }
0x2a5: {  	[sflag:s24] =	ssyncadd.s32 $0xFFFFC000  }
0x2a6: {  	_ =	swait.ge [sflag:s30], $0x4000  }
0x2a7: {  	[sflag:s30] =	ssyncset.done $0x0  }
0x2a8: {  	s20 =	simm.s32 $0x180;
	[sflag:s30] =	ssyncadd.s32 $0xFFFFC000  }
0x2a9: {  	[tilespmem:s31], [sflag:$0x3] =	stream.indirect.gather [hbm4b:s1+s26], $0x80, s20, s26, $0xb8;
	[tilespmem:$0x1E000] =	vst v63  }
0x2aa: {  	s18 =	simm.s32 $0x900  }
0x2ab: {  	[spmem:s2] =	stream.indirect.scatter.add.f32 [tilespmem:s23], [sflag:$0x4], $0x80, s18, s26, $0xb8;
	[tilespmem:$0x1E000] =	vst v63  }
0x2ac: {  	_ =	swait.ge [sflag:s24], $0x4000  }
0x2ad: {  	[sflag:s24] =	ssyncset.done $0x0  }
0x2ae: {  	s19 =	simm.s32 $0x200;
	[sflag:s24] =	ssyncadd.s32 $0xFFFFC000  }
0x2af: {  	[tilespmem:s23], [sflag:$0x2] =	stream.indirect.gather [hbm4b:s1+s26], $0x80, s19, s26, $0xb8;
	[tilespmem:$0x1E000] =	vst v63  }
0x2b0: {  	_ =	swait.ge [sflag:s3], $0x4000  }
0x2b1: {  	[sflag:s3] =	ssyncset.done $0x0  }
0x2b2: {  	s20 =	simm.s32 $0x980;
	[sflag:s3] =	ssyncadd.s32 $0xFFFFC000  }
0x2b3: {  	[spmem:s2] =	stream.indirect.scatter.add.f32 [tilespmem:s31], [sflag:$0x4], $0x80, s20, s26, $0xb8;
	[tilespmem:$0x1E000] =	vst v63  }
0x2b4: {  	_ =	swait.ge [sflag:s24], $0x4000  }
0x2b5: {  	[sflag:s24] =	ssyncset.done $0x0  }
0x2b6: {  	[sflag:s24] =	ssyncadd.s32 $0xFFFFC000  }
0x2b7: {  	_ =	swait.ge [sflag:s30], $0x4000  }
0x2b8: {  	[sflag:s30] =	ssyncset.done $0x0  }
0x2b9: {  	s18 =	simm.s32 $0x280;
	[sflag:s30] =	ssyncadd.s32 $0xFFFFC000  }
0x2ba: {  	[tilespmem:s31], [sflag:$0x3] =	stream.indirect.gather [hbm4b:s1+s26], $0x80, s18, s26, $0xb8;
	[tilespmem:$0x1E000] =	vst v63  }
0x2bb: {  	s19 =	simm.s32 $0xA00  }
0x2bc: {  	[spmem:s2] =	stream.indirect.scatter.add.f32 [tilespmem:s23], [sflag:$0x4], $0x80, s19, s26, $0xb8;
	[tilespmem:$0x1E000] =	vst v63  }
0x2bd: {  	_ =	swait.ge [sflag:s24], $0x4000  }
0x2be: {  	[sflag:s24] =	ssyncset.done $0x0  }
0x2bf: {  	s20 =	simm.s32 $0x300;
	[sflag:s24] =	ssyncadd.s32 $0xFFFFC000  }
0x2c0: {  	[tilespmem:s23], [sflag:$0x2] =	stream.indirect.gather [hbm4b:s1+s26], $0x80, s20, s26, $0xb8;
	[tilespmem:$0x1E000] =	vst v63  }
0x2c1: {  	_ =	swait.ge [sflag:s3], $0x4000  }
0x2c2: {  	[sflag:s3] =	ssyncset.done $0x0  }
0x2c3: {  	s18 =	simm.s32 $0xA80;
	[sflag:s3] =	ssyncadd.s32 $0xFFFFC000  }
0x2c4: {  	[spmem:s2] =	stream.indirect.scatter.add.f32 [tilespmem:s31], [sflag:$0x4], $0x80, s18, s26, $0xb8;
	[tilespmem:$0x1E000] =	vst v63  }
0x2c5: {  	_ =	swait.ge [sflag:s24], $0x4000  }
0x2c6: {  	[sflag:s24] =	ssyncset.done $0x0  }
0x2c7: {  	[sflag:s24] =	ssyncadd.s32 $0xFFFFC000  }
0x2c8: {  	_ =	swait.ge [sflag:s30], $0x4000  }
0x2c9: {  	[sflag:s30] =	ssyncset.done $0x0  }
0x2ca: {  	s19 =	simm.s32 $0x380;
	[sflag:s30] =	ssyncadd.s32 $0xFFFFC000  }
0x2cb: {  	[tilespmem:s31], [sflag:$0x3] =	stream.indirect.gather [hbm4b:s1+s26], $0x80, s19, s26, $0xb8;
	[tilespmem:$0x1E000] =	vst v63  }
0x2cc: {  	s20 =	simm.s32 $0xB00  }
0x2cd: {  	[spmem:s2] =	stream.indirect.scatter.add.f32 [tilespmem:s23], [sflag:$0x4], $0x80, s20, s26, $0xb8;
	[tilespmem:$0x1E000] =	vst v63  }
0x2ce: {  	_ =	swait.ge [sflag:s24], $0x4000  }
0x2cf: {  	[sflag:s24] =	ssyncset.done $0x0  }
0x2d0: {  	s18 =	simm.s32 $0x400;
	[sflag:s24] =	ssyncadd.s32 $0xFFFFC000  }
0x2d1: {  	[tilespmem:s23], [sflag:$0x2] =	stream.indirect.gather [hbm4b:s1+s26], $0x80, s18, s26, $0xb8;
	[tilespmem:$0x1E000] =	vst v63  }
0x2d2: {  	_ =	swait.ge [sflag:s3], $0x4000  }
0x2d3: {  	[sflag:s3] =	ssyncset.done $0x0  }
0x2d4: {  	s19 =	simm.s32 $0xB80;
	[sflag:s3] =	ssyncadd.s32 $0xFFFFC000  }
0x2d5: {  	[spmem:s2] =	stream.indirect.scatter.add.f32 [tilespmem:s31], [sflag:$0x4], $0x80, s19, s26, $0xb8;
	[tilespmem:$0x1E000] =	vst v63  }
0x2d6: {  	_ =	swait.ge [sflag:s24], $0x4000  }
0x2d7: {  	[sflag:s24] =	ssyncset.done $0x0  }
0x2d8: {  	[sflag:s24] =	ssyncadd.s32 $0xFFFFC000  }
0x2d9: {  	_ =	swait.ge [sflag:s30], $0x4000  }
0x2da: {  	[sflag:s30] =	ssyncset.done $0x0  }
0x2db: {  	s20 =	simm.s32 $0x480;
	[sflag:s30] =	ssyncadd.s32 $0xFFFFC000  }
0x2dc: {  	[tilespmem:s31], [sflag:$0x3] =	stream.indirect.gather [hbm4b:s1+s26], $0x80, s20, s26, $0xb8;
	[tilespmem:$0x1E000] =	vst v63  }
0x2dd: {  	s18 =	simm.s32 $0xC00  }
0x2de: {  	[spmem:s2] =	stream.indirect.scatter.add.f32 [tilespmem:s23], [sflag:$0x4], $0x80, s18, s26, $0xb8;
	[tilespmem:$0x1E000] =	vst v63  }
0x2df: {  	_ =	swait.ge [sflag:s24], $0x4000  }
0x2e0: {  	[sflag:s24] =	ssyncset.done $0x0  }
0x2e1: {  	s19 =	simm.s32 $0x500;
	[sflag:s24] =	ssyncadd.s32 $0xFFFFC000  }
0x2e2: {  	[tilespmem:s23], [sflag:$0x2] =	stream.indirect.gather [hbm4b:s1+s26], $0x80, s19, s26, $0xb8;
	[tilespmem:$0x1E000] =	vst v63  }
0x2e3: {  	_ =	swait.ge [sflag:s3], $0x4000  }
0x2e4: {  	[sflag:s3] =	ssyncset.done $0x0  }
0x2e5: {  	s20 =	simm.s32 $0xC80;
	[sflag:s3] =	ssyncadd.s32 $0xFFFFC000  }
0x2e6: {  	[spmem:s2] =	stream.indirect.scatter.add.f32 [tilespmem:s31], [sflag:$0x4], $0x80, s20, s26, $0xb8;
	[tilespmem:$0x1E000] =	vst v63  }
0x2e7: {  	_ =	swait.ge [sflag:s24], $0x4000  }
0x2e8: {  	[sflag:s24] =	ssyncset.done $0x0  }
0x2e9: {  	[sflag:s24] =	ssyncadd.s32 $0xFFFFC000  }
0x2ea: {  	_ =	swait.ge [sflag:s30], $0x4000  }
0x2eb: {  	[sflag:s30] =	ssyncset.done $0x0  }
0x2ec: {  	s18 =	simm.s32 $0x580;
	[sflag:s30] =	ssyncadd.s32 $0xFFFFC000  }
0x2ed: {  	[tilespmem:s31], [sflag:$0x3] =	stream.indirect.gather [hbm4b:s1+s26], $0x80, s18, s26, $0xb8;
	[tilespmem:$0x1E000] =	vst v63  }
0x2ee: {  	s19 =	simm.s32 $0xD00  }
0x2ef: {  	[spmem:s2] =	stream.indirect.scatter.add.f32 [tilespmem:s23], [sflag:$0x4], $0x80, s19, s26, $0xb8;
	[tilespmem:$0x1E000] =	vst v63  }
0x2f0: {  	_ =	swait.ge [sflag:s24], $0x4000  }
0x2f1: {  	[sflag:s24] =	ssyncset.done $0x0  }
0x2f2: {  	s20 =	simm.s32 $0x600;
	[sflag:s24] =	ssyncadd.s32 $0xFFFFC000  }
0x2f3: {  	[tilespmem:s23], [sflag:$0x2] =	stream.indirect.gather [hbm4b:s1+s26], $0x80, s20, s26, $0xb8;
	[tilespmem:$0x1E000] =	vst v63  }
0x2f4: {  	_ =	swait.ge [sflag:s3], $0x4000  }
0x2f5: {  	[sflag:s3] =	ssyncset.done $0x0  }
0x2f6: {  	s18 =	simm.s32 $0xD80;
	[sflag:s3] =	ssyncadd.s32 $0xFFFFC000  }
0x2f7: {  	[spmem:s2] =	stream.indirect.scatter.add.f32 [tilespmem:s31], [sflag:$0x4], $0x80, s18, s26, $0xb8;
	[tilespmem:$0x1E000] =	vst v63  }
0x2f8: {  	_ =	swait.ge [sflag:s24], $0x4000  }
0x2f9: {  	[sflag:s24] =	ssyncset.done $0x0  }
0x2fa: {  	[sflag:s24] =	ssyncadd.s32 $0xFFFFC000  }
0x2fb: {  	_ =	swait.ge [sflag:s30], $0x4000  }
0x2fc: {  	[sflag:s30] =	ssyncset.done $0x0  }
0x2fd: {  	s19 =	simm.s32 $0x680;
	[sflag:s30] =	ssyncadd.s32 $0xFFFFC000  }
0x2fe: {  	[tilespmem:s31], [sflag:$0x3] =	stream.indirect.gather [hbm4b:s1+s26], $0x80, s19, s26, $0xb8;
	[tilespmem:$0x1E000] =	vst v63  }
0x2ff: {  	s20 =	simm.s32 $0xE00  }
0x300: {  	[spmem:s2] =	stream.indirect.scatter.add.f32 [tilespmem:s23], [sflag:$0x4], $0x80, s20, s26, $0xb8;
	[tilespmem:$0x1E000] =	vst v63  }
0x301: {  	_ =	swait.ge [sflag:s24], $0x4000  }
0x302: {  	[sflag:s24] =	ssyncset.done $0x0  }
0x303: {  	s18 =	simm.s32 $0x700;
	[sflag:s24] =	ssyncadd.s32 $0xFFFFC000  }
0x304: {  	[tilespmem:s23], [sflag:$0x2] =	stream.indirect.gather [hbm4b:s1+s26], $0x80, s18, s26, $0xb8;
	[tilespmem:$0x1E000] =	vst v63  }
0x305: {  	_ =	swait.ge [sflag:s3], $0x4000  }
0x306: {  	[sflag:s3] =	ssyncset.done $0x0  }
0x307: {  	s19 =	simm.s32 $0xE80;
	[sflag:s3] =	ssyncadd.s32 $0xFFFFC000  }
0x308: {  	[spmem:s2] =	stream.indirect.scatter.add.f32 [tilespmem:s31], [sflag:$0x4], $0x80, s19, s26, $0xb8;
	[tilespmem:$0x1E000] =	vst v63  }
0x309: {  	_ =	swait.ge [sflag:s24], $0x4000  }
0x30a: {  	[sflag:s24] =	ssyncset.done $0x0  }
0x30b: {  	[sflag:s24] =	ssyncadd.s32 $0xFFFFC000  }
0x30c: {  	_ =	swait.ge [sflag:s30], $0x4000  }
0x30d: {  	[sflag:s30] =	ssyncset.done $0x0  }
0x30e: {  	s20 =	simm.s32 $0x780;
	[sflag:s30] =	ssyncadd.s32 $0xFFFFC000  }
0x30f: {  	[tilespmem:s31], [sflag:$0x3] =	stream.indirect.gather [hbm4b:s1+s26], $0x80, s20, s26, $0xb8;
	[tilespmem:$0x1E000] =	vst v63  }
0x310: {  	s18 =	simm.s32 $0xF00  }
0x311: {  	[spmem:s2] =	stream.indirect.scatter.add.f32 [tilespmem:s23], [sflag:$0x4], $0x80, s18, s26, $0xb8;
	[tilespmem:$0x1E000] =	vst v63  }
0x312: {  	_ =	swait.ge [sflag:s24], $0x4000  }
0x313: {  	[sflag:s24] =	ssyncset.done $0x0  }
0x314: {  	[sflag:s24] =	ssyncadd.s32 $0xFFFFC000  }
0x315: {  	_ =	swait.ge [sflag:s3], $0x4000  }
0x316: {  	[sflag:s3] =	ssyncset.done $0x0  }
0x317: {  	s29 =	simm.s32 $0xF80;
	[sflag:s3] =	ssyncadd.s32 $0xFFFFC000  }
0x318: {  	[spmem:s2] =	stream.indirect.scatter.add.f32 [tilespmem:s31], [sflag:$0x4], $0x80, s29, s26, $0xb8;
	[tilespmem:$0x1E000] =	vst v63  }
0x319: {  	_ =	swait.ge [sflag:s24], $0x4000  }
0x31a: {  	[sflag:s24] =	ssyncset.done $0x0  }
0x31b: {  	[sflag:s24] =	ssyncadd.s32 $0xFFFFC000  }
0x31c: {  	s19 =	stileid.u32;
	[bflag:$0x0] =	sbarrier.arrive $0xFFFF  }
0x31d: {  	s18 =	sshll.u32 s19, $0x6;
	s20 =	rddreg [dreg:$0x14]  }
0x31e: {  	s18 =	sor.u32 $0x1C04, s18;
	s0 =	rddreg [dreg:$0x12];
	s29 =	sshrl.u32 s20, $0x3  }
0x31f: {  	[hbm:s0], [sflag:s18] =	dma.local [spmem:s29], $0x2800  }
0x320: {  	_ =	swait.ge [sflag:s24], $0x2800  }
0x321: {  	s17 =	sadd.s32 $0x1, s17;
	s29 =	rddreg [dreg:$0x13]  }
0x322: {  	p0 =	sne.s32 s17, s29  }
.Ltmp1:
0x323: {  	_ = 	snop;
	(pc) =	sbr.rel @p0 .LBB2_1-.Ltmp1, $3  }
0x324: {  	_ =	sdelay $0x1  }
0x325: {  	[sflag:s24] =	ssyncset.done $0x0  }
0x326: {  	[sflag:s24] =	ssyncadd.s32 $0xFFFFD800  }
0x327: {  	_ =	sfence.sel $0x180000  }
0x328: {  	[bflag:$0x0] =	sbarrier.arrive $0xFFFF  }
0x329: {  	_ =	strace $0x9000004A  }
0x32a: {  	s0 =	stileid.u32;
	[bflag:$0x2] =	sbarrier.arrive $0xFFFF  }
0x32b: {  	p0 =	sne.s32 s0, $0x0;
	s0 =	rddreg [dreg:$0x3]  }
0x32c: {  	s0 =	sadd.s32 @!p0 $0x100000, s0  }
0x32d: {  	[sflag:s0] =	ssyncadd.tile.s32 @!p0 $0x1;
	_ =	shalt  }
.Lfunc_end2:
_tile_overlayer_lowered:
.L_overlay_start_2:
0x32e: {  	(tag) =	ssettag $0x2  }
0x32f: {  	s0 =	rddreg [dreg:$0x0];
	s2 =	stileid.u32  }
0x330: {  	s1 =	rddreg [dreg:$0x1];
	p0 =	sne.s32 s2, $0x0  }
0x331: {  	s3 =	rddreg [dreg:$0x2];
	[bflag:$0x3] =	sbarrier.arrive $0xFFFF;
	s2 =	simm.s32 @!p0 $0x1C04  }
0x332: {  	[timem:s3], [sflag:s2] =	dma.local @!p0 [hbm:s0], s1  }
0x333: {  	s0 =	simm.s32 @!p0 $0x4  }
0x334: {  	_ =	swait.ge @!p0 [sflag:s0], s1  }
0x335: {  	s1 =	ssub.s32 @!p0 $0x0, s1;
	[sflag:s0] =	ssyncset.done @!p0 $0x0  }
0x336: {  	[sflag:s0] =	ssyncadd.s32 @!p0 s1  }
0x337: {  	[bflag:$0x3] =	sbarrier.arrive $0xFFFF  }
0x338: {  	_ =	shalt  }

</sc_bundles>
